<compile_context>
chip_gen: v7x
topology: tpu7x:2x2x1
jax: 0.10.2.dev20260603
libtpu: 0.0.44.dev20260713+nightly
codegen_flags: <defaults>
</compile_context>

<pallas_src>
import functools

import jax
import jax.numpy as jnp
from jax import lax
from jax.experimental import pallas as pl
from jax.experimental.pallas import tpu as pltpu
from jax.experimental.pallas import tpu_sc as plsc

NC = 2
NS = 16
SB = 128
SPLIT_NUM, SPLIT_DEN = 19, 20


def _make_sc_segsum(n_pad, e_pad, d, with_deg):
    kb = e_pad // (SB * NC * NS)
    kb0 = (2 * kb * SPLIT_NUM // (8 * SPLIT_DEN)) * 8
    kb1 = 2 * kb - kb0
    rows_per_tile = n_pad // NS
    mesh = plsc.VectorSubcoreMesh(core_axis_name="c", subcore_axis_name="s")

    out_type = [jax.ShapeDtypeStruct((NC * n_pad, d), jnp.float32)]
    if with_deg:
        out_type.append(jax.ShapeDtypeStruct((NC * n_pad, d), jnp.float32))

    cb = 8
    scratch = [
        pltpu.VMEM((cb, SB), jnp.int32),
        pltpu.VMEM((cb, SB), jnp.int32),
        pltpu.VMEM((2, SB, d), jnp.float32),
        pltpu.VMEM_SHARED((n_pad, d), jnp.float32),
        pltpu.SemaphoreType.DMA,
        pltpu.SemaphoreType.DMA,
    ]
    def body(y_hbm, src_hbm, dst_hbm, zero_hbm, ones_hbm, out_hbm, *rest):
        if with_deg:
            deg_hbm = rest[0]
            src_v, dst_v, rows_v, acc, sem0, sem1 = rest[1:]
        else:
            src_v, dst_v, rows_v, acc, sem0, sem1 = rest
        sems = (sem0, sem1)
        c = lax.axis_index("c")
        s = lax.axis_index("s")
        wid = c * NS + s
        base = s * rows_per_tile
        out_base = c * n_pad + base

        def zero_my_slice():
            descs = []
            off = 0
            while off < rows_per_tile:
                sz = min(SB, rows_per_tile - off)
                descs.append(pltpu.async_copy(
                    zero_hbm.at[pl.ds(off, sz)],
                    acc.at[pl.ds(base + off, sz)], sem0))
                off += sz
            for dd in descs:
                dd.wait()

        def copy_out_my_slice(dest):
            descs = []
            off = 0
            while off < rows_per_tile:
                sz = min(SB, rows_per_tile - off)
                descs.append(pltpu.async_copy(
                    acc.at[pl.ds(base + off, sz)],
                    dest.at[pl.ds(out_base + off, sz)], sem0))
                off += sz
            for dd in descs:
                dd.wait()

        zero_my_slice()
        plsc.subcore_barrier()

        tile_blk = jnp.where(c == 0, s * kb0, NS * kb0 + s * kb1)
        nch = jnp.where(c == 0, kb0 // cb, kb1 // cb)

        def step(cc, carry):
            blk = tile_blk + cc * cb
            pltpu.sync_copy(src_hbm.at[pl.ds(blk, cb)], src_v)
            pltpu.sync_copy(dst_hbm.at[pl.ds(blk, cb)], dst_v)
            pending = pltpu.async_copy(y_hbm.at[src_v.at[0]], rows_v.at[0],
                                       sems[0])
            for j in range(cb):
                p = j % 2
                if j + 1 < cb:
                    nxt = pltpu.async_copy(y_hbm.at[src_v.at[j + 1]],
                                           rows_v.at[(j + 1) % 2],
                                           sems[(j + 1) % 2])
                else:
                    nxt = None
                pending.wait()
                pltpu.sync_copy(rows_v.at[p], acc.at[dst_v.at[j]], add=True)
                pending = nxt
            return carry

        lax.fori_loop(0, nch, step, 0)
        plsc.subcore_barrier()
        copy_out_my_slice(out_hbm)

        if with_deg:
            plsc.subcore_barrier()
            ones_v = rows_v.at[0]
            pltpu.sync_copy(ones_hbm, ones_v)
            zero_my_slice()
            plsc.subcore_barrier()

            def dstep(cc, carry):
                blk = wid * kb + cc * cb
                pltpu.sync_copy(dst_hbm.at[pl.ds(blk, cb)], dst_v)
                for j in range(cb):
                    pltpu.sync_copy(ones_v, acc.at[dst_v.at[j]], add=True)
                return carry

            lax.fori_loop(0, kb // cb, dstep, 0)
            plsc.subcore_barrier()
            copy_out_my_slice(deg_hbm)

    return pl.kernel(body, out_type=tuple(out_type), mesh=mesh,
                     scratch_types=scratch)


def _layer_body(with_w2, m_a, m_b, h_in, d_a, d_b, W, b, g, be, W2, out_ref):
    m = m_a[...] + m_b[...]
    d = d_a[...] + d_b[...]
    h = (m + h_in[...]) / (d + 1.0)
    if with_w2:
        h = lax.dot_general(h, W[...], (((1,), (1,)), ((), ())),
                            preferred_element_type=jnp.float32)
    t = h + b[...]
    mu = jnp.mean(t, axis=-1, keepdims=True)
    var = jnp.mean((t - mu) ** 2, axis=-1, keepdims=True)
    t = (t - mu) * lax.rsqrt(var + 1e-5) * g[...] + be[...]
    t = jnp.where(t > 0, t, jnp.exp(jnp.minimum(t, 0.0)) - 1.0)
    if with_w2:
        t = lax.dot_general(t, W2[...], (((1,), (1,)), ((), ())),
                            preferred_element_type=jnp.float32)
    out_ref[...] = t


def _make_tc_layer(n, d, with_w2, block_rows=1000):
    grid = n // block_rows
    row_spec = pl.BlockSpec((block_rows, d), lambda i: (i, 0))
    deg_spec = pl.BlockSpec((block_rows, 1), lambda i: (i, 0))
    full_spec = pl.BlockSpec((d, d), lambda i: (0, 0))
    vec_spec = pl.BlockSpec((1, d), lambda i: (0, 0))
    return pl.pallas_call(
        functools.partial(_layer_body, with_w2),
        grid=grid,
        in_specs=[row_spec, row_spec, row_spec, deg_spec, deg_spec,
                  full_spec, vec_spec, vec_spec, vec_spec, full_spec],
        out_specs=row_spec,
        out_shape=jax.ShapeDtypeStruct((n, d), jnp.float32),
    )


def kernel(features, edge_index, W1, b1, g1, be1, W2, b2, g2, be2):
    n, d = features.shape
    e = edge_index.shape[1]

    chunk = SB * NC * NS * 8
    e_pad = ((e + chunk - 1) // chunk) * chunk
    n_pad = ((n + 1 + NS * 8 - 1) // (NS * 8)) * (NS * 8)

    src = edge_index[0]
    dst = edge_index[1]
    pad = e_pad - e
    src2d = jnp.concatenate([src, jnp.zeros((pad,), jnp.int32)]).reshape(-1, SB)
    dst2d = jnp.concatenate([dst, jnp.full((pad,), n, jnp.int32)]).reshape(-1, SB)
    zeros = jnp.zeros((n_pad // NS, d), jnp.float32)
    ones = jnp.ones((SB, d), jnp.float32)

    segsum_deg = _make_sc_segsum(n_pad, e_pad, d, with_deg=True)
    segsum = _make_sc_segsum(n_pad, e_pad, d, with_deg=False)
    layer1 = _make_tc_layer(n, d, with_w2=True)
    layer2 = _make_tc_layer(n, d, with_w2=False)

    m1, degp = segsum_deg(features, src2d, dst2d, zeros, ones)
    d_a = degp[0:n, 0:1]
    d_b = degp[n_pad:n_pad + n, 0:1]
    W1r = W1.reshape(d, d)
    y2 = layer1(m1[0:n], m1[n_pad:n_pad + n], features, d_a, d_b,
                W1r, b1.reshape(1, d), g1.reshape(1, d), be1.reshape(1, d), W2)

    (m2,) = segsum(y2, src2d, dst2d, zeros, ones)
    out = layer2(m2[0:n], m2[n_pad:n_pad + n], y2, d_a, d_b,
                 W2, b2.reshape(1, d), g2.reshape(1, d), be2.reshape(1, d), W2)
    return out

# --- scband reference (transcript-rebuilt; emitter-appended) ---
"""Pipeline reference for scband-graph-sageconv-26800595927131 (READ-ONLY COPY).

The authoritative reference and input builder live on the scoring server;
editing this copy changes nothing except your own understanding.
"""

import jax, jax.numpy as jnp
import numpy as np

N = 10000
E = 320000
D = 128


def _layernorm(x, g, b):
    mu = jnp.mean(x, axis=-1, keepdims=True)
    var = jnp.mean((x - mu) ** 2, axis=-1, keepdims=True)
    return (x - mu) / jnp.sqrt(var + 1e-5) * g + b


def _elu(x):
    return jnp.where(x > 0, x, jnp.expm1(x))


def _sage_gcn(x, src, dst, W, b):
    # DGL SAGEConv(aggregator_type='gcn'):
    # h_neigh = (sum_{j->i} x_j + x_i) / (in_deg_i + 1); out = h_neigh @ W^T + b
    msg = jax.ops.segment_sum(jnp.take(x, src, axis=0), dst, num_segments=N)
    deg = jax.ops.segment_sum(jnp.ones((src.shape[0],), dtype=x.dtype), dst, num_segments=N)
    h = (msg + x) / (deg[:, None] + 1.0)
    return h @ W.T + b


def setup_inputs(seed: int = 0):
    key = jax.random.key(seed)
    ks = jax.random.split(key, 12)
    features = jax.random.normal(ks[0], (N, D), dtype=jnp.float32)
    edge_index = jax.random.randint(ks[1], (2, E), 0, N, dtype=jnp.int32)
    s = 1.0 / np.sqrt(D)
    W1 = jax.random.uniform(ks[2], (D, D), jnp.float32, -s, s)
    b1 = jax.random.uniform(ks[3], (D,), jnp.float32, -s, s)
    g1 = jnp.ones((D,), jnp.float32)
    be1 = jnp.zeros((D,), jnp.float32)
    W2 = jax.random.uniform(ks[4], (D, D), jnp.float32, -s, s)
    b2 = jax.random.uniform(ks[5], (D,), jnp.float32, -s, s)
    g2 = jnp.ones((D,), jnp.float32)
    be2 = jnp.zeros((D,), jnp.float32)
    return {"features": features, "edge_index": edge_index, "W1": W1, "b1": b1, "g1": g1, "be1": be1, "W2": W2, "b2": b2, "g2": g2, "be2": be2}


def reference(features, edge_index, W1, b1, g1, be1, W2, b2, g2, be2):
    src = edge_index[0]
    dst = edge_index[1]
    h = features
    for (W, b, g, be) in ((W1, b1, g1, be1), (W2, b2, g2, be2)):
        h = _sage_gcn(h, src, dst, W, b)
        h = _layernorm(h, g, be)
        h = _elu(h)
    return h

if __name__ == "__main__":
    import jax
    _d = setup_inputs()
    print(jax.jit(kernel)(*tuple(_d.values())))

</pallas_src>

<mosaic_0001>
#map = affine_map<(d0, d1) -> (0, 0)>
module attributes {stable_mosaic.version = 14 : i64} {
  func.func @body(%arg0: i32, %arg1: i32, %arg2: memref<10000x128xf32, #tpu.memory_space<hbm>>, %arg3: memref<2560x128xi32, #tpu.memory_space<hbm>>, %arg4: memref<2560x128xi32, #tpu.memory_space<hbm>>, %arg5: memref<632x128xf32, #tpu.memory_space<hbm>>, %arg6: memref<128x128xf32, #tpu.memory_space<hbm>>, %arg7: memref<20224x128xf32, #tpu.memory_space<hbm>>, %arg8: memref<8x128xi32, #tpu.memory_space<vmem>>, %arg9: memref<8x128xi32, #tpu.memory_space<vmem>>, %arg10: memref<2x128x128xf32, #tpu.memory_space<vmem>>, %arg11: memref<10112x128xf32, #tpu.memory_space<vmem_shared>>, %arg12: memref<!tpu.dma_semaphore, #tpu.memory_space<semaphore_mem>>, %arg13: memref<!tpu.dma_semaphore, #tpu.memory_space<semaphore_mem>>) attributes {dimension_semantics = [#tpu.dimension_semantics<core_parallel>, #tpu.dimension_semantics<subcore_parallel>], iteration_bounds = array<i64: 2, 16>, scalar_prefetch = 0 : i64, scratch_operands = 6 : i64, tpu.core_type = #tpu.core_type<sc_vector_subcore>, window_params = [{transform_indices = #map}, {transform_indices = #map}, {transform_indices = #map}, {transform_indices = #map}, {transform_indices = #map}, {transform_indices = #map}]} {
    %mul3A = arith.constant 16 : i32
    %mul3A_0 = arith.muli %arg0, %mul3A : i32
    %add3A = arith.addi %mul3A_0, %arg1 : i32
    %mul3A_1 = arith.constant 632 : i32
    %mul3A_2 = arith.muli %arg1, %mul3A_1 : i32
    %mul3A_3 = arith.constant 10112 : i32
    %mul3A_4 = arith.muli %arg0, %mul3A_3 : i32
    %add3A_5 = arith.addi %mul3A_4, %mul3A_2 : i32
    %add3A_6 = arith.constant 0 : i32
    %add3A_7 = arith.addi %mul3A_2, %add3A_6 : i32
    %dma_start3A = arith.constant 0 : i32
    %dma_start3A_8 = tpu.memref_slice %arg11[%add3A_7, %dma_start3A] : memref<10112x128xf32, #tpu.memory_space<vmem_shared>> -> memref<128x128xf32, #tpu.memory_space<vmem_shared>>
    %dma_start3A_9 = arith.constant 0 : i32
    %dma_start3A_10 = arith.constant 0 : i32
    %dma_start3A_11 = tpu.memref_slice %arg5[%dma_start3A_9, %dma_start3A_10] : memref<632x128xf32, #tpu.memory_space<hbm>> -> memref<128x128xf32, #tpu.memory_space<hbm>>
    tpu.enqueue_dma source(%dma_start3A_11 : memref<128x128xf32, #tpu.memory_space<hbm>>) target(%dma_start3A_8 : memref<128x128xf32, #tpu.memory_space<vmem_shared>>) target_semaphore(%arg12 : memref<!tpu.dma_semaphore, #tpu.memory_space<semaphore_mem>>)
    %add3A_12 = arith.constant 128 : i32
    %add3A_13 = arith.addi %mul3A_2, %add3A_12 : i32
    %dma_start3A_14 = arith.constant 0 : i32
    %dma_start3A_15 = tpu.memref_slice %arg11[%add3A_13, %dma_start3A_14] : memref<10112x128xf32, #tpu.memory_space<vmem_shared>> -> memref<128x128xf32, #tpu.memory_space<vmem_shared>>
    %dma_start3A_16 = arith.constant 128 : i32
    %dma_start3A_17 = arith.constant 0 : i32
    %dma_start3A_18 = tpu.memref_slice %arg5[%dma_start3A_16, %dma_start3A_17] : memref<632x128xf32, #tpu.memory_space<hbm>> -> memref<128x128xf32, #tpu.memory_space<hbm>>
    tpu.enqueue_dma source(%dma_start3A_18 : memref<128x128xf32, #tpu.memory_space<hbm>>) target(%dma_start3A_15 : memref<128x128xf32, #tpu.memory_space<vmem_shared>>) target_semaphore(%arg12 : memref<!tpu.dma_semaphore, #tpu.memory_space<semaphore_mem>>)
    %add3A_19 = arith.constant 256 : i32
    %add3A_20 = arith.addi %mul3A_2, %add3A_19 : i32
    %dma_start3A_21 = arith.constant 0 : i32
    %dma_start3A_22 = tpu.memref_slice %arg11[%add3A_20, %dma_start3A_21] : memref<10112x128xf32, #tpu.memory_space<vmem_shared>> -> memref<128x128xf32, #tpu.memory_space<vmem_shared>>
    %dma_start3A_23 = arith.constant 256 : i32
    %dma_start3A_24 = arith.constant 0 : i32
    %dma_start3A_25 = tpu.memref_slice %arg5[%dma_start3A_23, %dma_start3A_24] : memref<632x128xf32, #tpu.memory_space<hbm>> -> memref<128x128xf32, #tpu.memory_space<hbm>>
    tpu.enqueue_dma source(%dma_start3A_25 : memref<128x128xf32, #tpu.memory_space<hbm>>) target(%dma_start3A_22 : memref<128x128xf32, #tpu.memory_space<vmem_shared>>) target_semaphore(%arg12 : memref<!tpu.dma_semaphore, #tpu.memory_space<semaphore_mem>>)
    %add3A_26 = arith.constant 384 : i32
    %add3A_27 = arith.addi %mul3A_2, %add3A_26 : i32
    %dma_start3A_28 = arith.constant 0 : i32
    %dma_start3A_29 = tpu.memref_slice %arg11[%add3A_27, %dma_start3A_28] : memref<10112x128xf32, #tpu.memory_space<vmem_shared>> -> memref<128x128xf32, #tpu.memory_space<vmem_shared>>
    %dma_start3A_30 = arith.constant 384 : i32
    %dma_start3A_31 = arith.constant 0 : i32
    %dma_start3A_32 = tpu.memref_slice %arg5[%dma_start3A_30, %dma_start3A_31] : memref<632x128xf32, #tpu.memory_space<hbm>> -> memref<128x128xf32, #tpu.memory_space<hbm>>
    tpu.enqueue_dma source(%dma_start3A_32 : memref<128x128xf32, #tpu.memory_space<hbm>>) target(%dma_start3A_29 : memref<128x128xf32, #tpu.memory_space<vmem_shared>>) target_semaphore(%arg12 : memref<!tpu.dma_semaphore, #tpu.memory_space<semaphore_mem>>)
    %add3A_33 = arith.constant 512 : i32
    %add3A_34 = arith.addi %mul3A_2, %add3A_33 : i32
    %dma_start3A_35 = arith.constant 0 : i32
    %dma_start3A_36 = tpu.memref_slice %arg11[%add3A_34, %dma_start3A_35] : memref<10112x128xf32, #tpu.memory_space<vmem_shared>> -> memref<120x128xf32, #tpu.memory_space<vmem_shared>>
    %dma_start3A_37 = arith.constant 512 : i32
    %dma_start3A_38 = arith.constant 0 : i32
    %dma_start3A_39 = tpu.memref_slice %arg5[%dma_start3A_37, %dma_start3A_38] : memref<632x128xf32, #tpu.memory_space<hbm>> -> memref<120x128xf32, #tpu.memory_space<hbm>>
    tpu.enqueue_dma source(%dma_start3A_39 : memref<120x128xf32, #tpu.memory_space<hbm>>) target(%dma_start3A_36 : memref<120x128xf32, #tpu.memory_space<vmem_shared>>) target_semaphore(%arg12 : memref<!tpu.dma_semaphore, #tpu.memory_space<semaphore_mem>>)
    %dma_wait3A = arith.constant 0 : i32
    %dma_wait3A_40 = tpu.memref_slice %arg11[%add3A_7, %dma_wait3A] : memref<10112x128xf32, #tpu.memory_space<vmem_shared>> -> memref<128x128xf32, #tpu.memory_space<vmem_shared>>
    %dma_wait3A_41 = arith.constant 0 : i32
    %dma_wait3A_42 = arith.constant 0 : i32
    %dma_wait3A_43 = tpu.memref_slice %arg5[%dma_wait3A_41, %dma_wait3A_42] : memref<632x128xf32, #tpu.memory_space<hbm>> -> memref<128x128xf32, #tpu.memory_space<hbm>>
    tpu.wait_dma2 semaphore(%arg12 : memref<!tpu.dma_semaphore, #tpu.memory_space<semaphore_mem>>) src(%dma_wait3A_43 : memref<128x128xf32, #tpu.memory_space<hbm>>) dst(%dma_wait3A_40 : memref<128x128xf32, #tpu.memory_space<vmem_shared>>)
    %dma_wait3A_44 = arith.constant 0 : i32
    %dma_wait3A_45 = tpu.memref_slice %arg11[%add3A_13, %dma_wait3A_44] : memref<10112x128xf32, #tpu.memory_space<vmem_shared>> -> memref<128x128xf32, #tpu.memory_space<vmem_shared>>
    %dma_wait3A_46 = arith.constant 128 : i32
    %dma_wait3A_47 = arith.constant 0 : i32
    %dma_wait3A_48 = tpu.memref_slice %arg5[%dma_wait3A_46, %dma_wait3A_47] : memref<632x128xf32, #tpu.memory_space<hbm>> -> memref<128x128xf32, #tpu.memory_space<hbm>>
    tpu.wait_dma2 semaphore(%arg12 : memref<!tpu.dma_semaphore, #tpu.memory_space<semaphore_mem>>) src(%dma_wait3A_48 : memref<128x128xf32, #tpu.memory_space<hbm>>) dst(%dma_wait3A_45 : memref<128x128xf32, #tpu.memory_space<vmem_shared>>)
    %dma_wait3A_49 = arith.constant 0 : i32
    %dma_wait3A_50 = tpu.memref_slice %arg11[%add3A_20, %dma_wait3A_49] : memref<10112x128xf32, #tpu.memory_space<vmem_shared>> -> memref<128x128xf32, #tpu.memory_space<vmem_shared>>
    %dma_wait3A_51 = arith.constant 256 : i32
    %dma_wait3A_52 = arith.constant 0 : i32
    %dma_wait3A_53 = tpu.memref_slice %arg5[%dma_wait3A_51, %dma_wait3A_52] : memref<632x128xf32, #tpu.memory_space<hbm>> -> memref<128x128xf32, #tpu.memory_space<hbm>>
    tpu.wait_dma2 semaphore(%arg12 : memref<!tpu.dma_semaphore, #tpu.memory_space<semaphore_mem>>) src(%dma_wait3A_53 : memref<128x128xf32, #tpu.memory_space<hbm>>) dst(%dma_wait3A_50 : memref<128x128xf32, #tpu.memory_space<vmem_shared>>)
    %dma_wait3A_54 = arith.constant 0 : i32
    %dma_wait3A_55 = tpu.memref_slice %arg11[%add3A_27, %dma_wait3A_54] : memref<10112x128xf32, #tpu.memory_space<vmem_shared>> -> memref<128x128xf32, #tpu.memory_space<vmem_shared>>
    %dma_wait3A_56 = arith.constant 384 : i32
    %dma_wait3A_57 = arith.constant 0 : i32
    %dma_wait3A_58 = tpu.memref_slice %arg5[%dma_wait3A_56, %dma_wait3A_57] : memref<632x128xf32, #tpu.memory_space<hbm>> -> memref<128x128xf32, #tpu.memory_space<hbm>>
    tpu.wait_dma2 semaphore(%arg12 : memref<!tpu.dma_semaphore, #tpu.memory_space<semaphore_mem>>) src(%dma_wait3A_58 : memref<128x128xf32, #tpu.memory_space<hbm>>) dst(%dma_wait3A_55 : memref<128x128xf32, #tpu.memory_space<vmem_shared>>)
    %dma_wait3A_59 = arith.constant 0 : i32
    %dma_wait3A_60 = tpu.memref_slice %arg11[%add3A_34, %dma_wait3A_59] : memref<10112x128xf32, #tpu.memory_space<vmem_shared>> -> memref<120x128xf32, #tpu.memory_space<vmem_shared>>
    %dma_wait3A_61 = arith.constant 512 : i32
    %dma_wait3A_62 = arith.constant 0 : i32
    %dma_wait3A_63 = tpu.memref_slice %arg5[%dma_wait3A_61, %dma_wait3A_62] : memref<632x128xf32, #tpu.memory_space<hbm>> -> memref<120x128xf32, #tpu.memory_space<hbm>>
    tpu.wait_dma2 semaphore(%arg12 : memref<!tpu.dma_semaphore, #tpu.memory_space<semaphore_mem>>) src(%dma_wait3A_63 : memref<120x128xf32, #tpu.memory_space<hbm>>) dst(%dma_wait3A_60 : memref<120x128xf32, #tpu.memory_space<vmem_shared>>)
    %barrier3A = arith.constant 0 : index
    tpu.barrier barrier_id(%barrier3A)
    %eq3A = arith.constant 0 : i32
    %eq3A_64 = arith.cmpi eq, %arg0, %eq3A : i32
    %mul3A_65 = arith.constant 152 : i32
    %mul3A_66 = arith.muli %arg1, %mul3A_65 : i32
    %mul3A_67 = arith.constant 8 : i32
    %mul3A_68 = arith.muli %arg1, %mul3A_67 : i32
    %add3A_69 = arith.constant 2432 : i32
    %add3A_70 = arith.addi %add3A_69, %mul3A_68 : i32
    %select_n3A = arith.select %eq3A_64, %mul3A_66, %add3A_70 : i32
    %eq3A_71 = arith.constant 0 : i32
    %eq3A_72 = arith.cmpi eq, %arg0, %eq3A_71 : i32
    %jit3A = arith.constant 19 : i32
    %jit3A_73 = arith.constant 1 : i32
    %select_n3A_74 = arith.select %eq3A_72, %jit3A, %jit3A_73 : i32
    %while3A = arith.constant 0 : i32
    %while3A_75 = arith.constant 0 : i32
    %while3A_76 = arith.subi %select_n3A_74, %while3A_75 : i32
    %while3A_77 = arith.addi %while3A_75, %while3A_76 : i32
    %while3A_78 = arith.constant 1 : i32
    %while3A_79 = arith.divsi %while3A_76, %while3A_78 : i32
    %while3A_80 = arith.muli %while3A_79, %while3A_78 : i32
    %while3A_81 = arith.addi %while3A_75, %while3A_80 : i32
    %while3A_82 = arith.constant 1 : i32
    scf.for %while3A_145 = %while3A_75 to %while3A_81 step %while3A_82  : i32 {
      %mul3A_146 = arith.constant 8 : i32
      %mul3A_147 = arith.muli %while3A_145, %mul3A_146 : i32
      %add3A_148 = arith.addi %select_n3A, %mul3A_147 : i32
      "tpu.region"() ({
        %run_scoped3A_356 = tpu.sem_alloc : memref<!tpu.dma_semaphore, #tpu.memory_space<semaphore_mem>>
        %dma_start3A_357 = arith.constant 0 : i32
        %dma_start3A_358 = tpu.memref_slice %arg3[%add3A_148, %dma_start3A_357] : memref<2560x128xi32, #tpu.memory_space<hbm>> -> memref<8x128xi32, #tpu.memory_space<hbm>>
        %dma_start3A_359 = arith.constant 0 : i32
        %dma_start3A_360 = tpu.memref_slice %arg3[%add3A_148, %dma_start3A_359] : memref<2560x128xi32, #tpu.memory_space<hbm>> -> memref<8x128xi32, #tpu.memory_space<hbm>>
        tpu.enqueue_dma source(%dma_start3A_360 : memref<8x128xi32, #tpu.memory_space<hbm>>) target(%arg8 : memref<8x128xi32, #tpu.memory_space<vmem>>) target_semaphore(%run_scoped3A_356 : memref<!tpu.dma_semaphore, #tpu.memory_space<semaphore_mem>>)
        %dma_wait3A_361 = arith.constant 0 : i32
        %dma_wait3A_362 = tpu.memref_slice %arg3[%add3A_148, %dma_wait3A_361] : memref<2560x128xi32, #tpu.memory_space<hbm>> -> memref<8x128xi32, #tpu.memory_space<hbm>>
        %dma_wait3A_363 = arith.constant 0 : i32
        %dma_wait3A_364 = tpu.memref_slice %arg3[%add3A_148, %dma_wait3A_363] : memref<2560x128xi32, #tpu.memory_space<hbm>> -> memref<8x128xi32, #tpu.memory_space<hbm>>
        tpu.wait_dma2 semaphore(%run_scoped3A_356 : memref<!tpu.dma_semaphore, #tpu.memory_space<semaphore_mem>>) src(%dma_wait3A_364 : memref<8x128xi32, #tpu.memory_space<hbm>>) dst(%arg8 : memref<8x128xi32, #tpu.memory_space<vmem>>)
        tpu.yield
      }) : () -> ()
      "tpu.region"() ({
        %run_scoped3A_356 = tpu.sem_alloc : memref<!tpu.dma_semaphore, #tpu.memory_space<semaphore_mem>>
        %dma_start3A_357 = arith.constant 0 : i32
        %dma_start3A_358 = tpu.memref_slice %arg4[%add3A_148, %dma_start3A_357] : memref<2560x128xi32, #tpu.memory_space<hbm>> -> memref<8x128xi32, #tpu.memory_space<hbm>>
        %dma_start3A_359 = arith.constant 0 : i32
        %dma_start3A_360 = tpu.memref_slice %arg4[%add3A_148, %dma_start3A_359] : memref<2560x128xi32, #tpu.memory_space<hbm>> -> memref<8x128xi32, #tpu.memory_space<hbm>>
        tpu.enqueue_dma source(%dma_start3A_360 : memref<8x128xi32, #tpu.memory_space<hbm>>) target(%arg9 : memref<8x128xi32, #tpu.memory_space<vmem>>) target_semaphore(%run_scoped3A_356 : memref<!tpu.dma_semaphore, #tpu.memory_space<semaphore_mem>>)
        %dma_wait3A_361 = arith.constant 0 : i32
        %dma_wait3A_362 = tpu.memref_slice %arg4[%add3A_148, %dma_wait3A_361] : memref<2560x128xi32, #tpu.memory_space<hbm>> -> memref<8x128xi32, #tpu.memory_space<hbm>>
        %dma_wait3A_363 = arith.constant 0 : i32
        %dma_wait3A_364 = tpu.memref_slice %arg4[%add3A_148, %dma_wait3A_363] : memref<2560x128xi32, #tpu.memory_space<hbm>> -> memref<8x128xi32, #tpu.memory_space<hbm>>
        tpu.wait_dma2 semaphore(%run_scoped3A_356 : memref<!tpu.dma_semaphore, #tpu.memory_space<semaphore_mem>>) src(%dma_wait3A_364 : memref<8x128xi32, #tpu.memory_space<hbm>>) dst(%arg9 : memref<8x128xi32, #tpu.memory_space<vmem>>)
        tpu.yield
      }) : () -> ()
      %dma_start3A_149 = arith.constant 0 : i32
      %dma_start3A_150 = arith.constant 0 : i32
      %dma_start3A_151 = arith.constant 0 : i32
      %dma_start3A_152 = arith.constant 0 : i32
      %dma_start3A_153 = tpu.memref_slice %arg10[%dma_start3A_150, %dma_start3A_151, %dma_start3A_152] : memref<2x128x128xf32, #tpu.memory_space<vmem>> -> memref<1x128x128xf32, #tpu.memory_space<vmem>>
      %dma_start3A_154 = tpu.memref_squeeze %dma_start3A_153 : memref<1x128x128xf32, #tpu.memory_space<vmem>> -> memref<128x128xf32, #tpu.memory_space<vmem>>
      %dma_start3A_155 = arith.constant 0 : i32
      %dma_start3A_156 = tpu.memref_slice %arg8[%dma_start3A_149, %dma_start3A_155] : memref<8x128xi32, #tpu.memory_space<vmem>> -> memref<1x128xi32, #tpu.memory_space<vmem>>
      %dma_start3A_157 = tpu.memref_squeeze %dma_start3A_156 : memref<1x128xi32, #tpu.memory_space<vmem>> -> memref<128xi32, #tpu.memory_space<vmem>>
      %dma_start3A_158 = arith.constant 0 : i32
      %dma_start3A_159 = arith.constant 0 : i32
      %dma_start3A_160 = tpu.memref_slice %arg2[%dma_start3A_158, %dma_start3A_159] : memref<10000x128xf32, #tpu.memory_space<hbm>> -> memref<10000x128xf32, #tpu.memory_space<hbm>>
      tpu.enqueue_indirect_dma source(%dma_start3A_160 : memref<10000x128xf32, #tpu.memory_space<hbm>>) target(%dma_start3A_154 : memref<128x128xf32, #tpu.memory_space<vmem>>) offsets(%dma_start3A_157 : memref<128xi32, #tpu.memory_space<vmem>>) semaphore(%arg12 : memref<!tpu.dma_semaphore, #tpu.memory_space<semaphore_mem>>)
      %dma_start3A_161 = arith.constant 1 : i32
      %dma_start3A_162 = arith.constant 1 : i32
      %dma_start3A_163 = arith.constant 0 : i32
      %dma_start3A_164 = arith.constant 0 : i32
      %dma_start3A_165 = tpu.memref_slice %arg10[%dma_start3A_162, %dma_start3A_163, %dma_start3A_164] : memref<2x128x128xf32, #tpu.memory_space<vmem>> -> memref<1x128x128xf32, #tpu.memory_space<vmem>>
      %dma_start3A_166 = tpu.memref_squeeze %dma_start3A_165 : memref<1x128x128xf32, #tpu.memory_space<vmem>> -> memref<128x128xf32, #tpu.memory_space<vmem>>
      %dma_start3A_167 = arith.constant 0 : i32
      %dma_start3A_168 = tpu.memref_slice %arg8[%dma_start3A_161, %dma_start3A_167] : memref<8x128xi32, #tpu.memory_space<vmem>> -> memref<1x128xi32, #tpu.memory_space<vmem>>
      %dma_start3A_169 = tpu.memref_squeeze %dma_start3A_168 : memref<1x128xi32, #tpu.memory_space<vmem>> -> memref<128xi32, #tpu.memory_space<vmem>>
      %dma_start3A_170 = arith.constant 0 : i32
      %dma_start3A_171 = arith.constant 0 : i32
      %dma_start3A_172 = tpu.memref_slice %arg2[%dma_start3A_170, %dma_start3A_171] : memref<10000x128xf32, #tpu.memory_space<hbm>> -> memref<10000x128xf32, #tpu.memory_space<hbm>>
      tpu.enqueue_indirect_dma source(%dma_start3A_172 : memref<10000x128xf32, #tpu.memory_space<hbm>>) target(%dma_start3A_166 : memref<128x128xf32, #tpu.memory_space<vmem>>) offsets(%dma_start3A_169 : memref<128xi32, #tpu.memory_space<vmem>>) semaphore(%arg13 : memref<!tpu.dma_semaphore, #tpu.memory_space<semaphore_mem>>)
      %dma_wait3A_173 = arith.constant 0 : i32
      %dma_wait3A_174 = arith.constant 0 : i32
      %dma_wait3A_175 = arith.constant 0 : i32
      %dma_wait3A_176 = arith.constant 0 : i32
      %dma_wait3A_177 = tpu.memref_slice %arg10[%dma_wait3A_174, %dma_wait3A_175, %dma_wait3A_176] : memref<2x128x128xf32, #tpu.memory_space<vmem>> -> memref<1x128x128xf32, #tpu.memory_space<vmem>>
      %dma_wait3A_178 = tpu.memref_squeeze %dma_wait3A_177 : memref<1x128x128xf32, #tpu.memory_space<vmem>> -> memref<128x128xf32, #tpu.memory_space<vmem>>
      %dma_wait3A_179 = arith.constant 0 : i32
      %dma_wait3A_180 = tpu.memref_slice %arg8[%dma_wait3A_173, %dma_wait3A_179] : memref<8x128xi32, #tpu.memory_space<vmem>> -> memref<1x128xi32, #tpu.memory_space<vmem>>
      %dma_wait3A_181 = tpu.memref_squeeze %dma_wait3A_180 : memref<1x128xi32, #tpu.memory_space<vmem>> -> memref<128xi32, #tpu.memory_space<vmem>>
      %dma_wait3A_182 = arith.constant 0 : i32
      %dma_wait3A_183 = arith.constant 0 : i32
      %dma_wait3A_184 = tpu.memref_slice %arg2[%dma_wait3A_182, %dma_wait3A_183] : memref<10000x128xf32, #tpu.memory_space<hbm>> -> memref<10000x128xf32, #tpu.memory_space<hbm>>
      tpu.wait_indirect_dma semaphore(%arg12 : memref<!tpu.dma_semaphore, #tpu.memory_space<semaphore_mem>>) src(%dma_wait3A_184 : memref<10000x128xf32, #tpu.memory_space<hbm>>) dst(%dma_wait3A_178 : memref<128x128xf32, #tpu.memory_space<vmem>>)
      %run_scoped3A = arith.constant 0 : i32
      %run_scoped3A_185 = arith.constant 0 : i32
      "tpu.region"() ({
        %run_scoped3A_356 = tpu.sem_alloc : memref<!tpu.dma_semaphore, #tpu.memory_space<semaphore_mem>>
        %dma_start3A_357 = arith.constant 0 : i32
        %dma_start3A_358 = arith.constant 0 : i32
        %dma_start3A_359 = tpu.memref_slice %arg10[%run_scoped3A, %dma_start3A_357, %dma_start3A_358] : memref<2x128x128xf32, #tpu.memory_space<vmem>> -> memref<1x128x128xf32, #tpu.memory_space<vmem>>
        %dma_start3A_360 = tpu.memref_squeeze %dma_start3A_359 : memref<1x128x128xf32, #tpu.memory_space<vmem>> -> memref<128x128xf32, #tpu.memory_space<vmem>>
        %dma_start3A_361 = arith.constant 0 : i32
        %dma_start3A_362 = tpu.memref_slice %arg9[%run_scoped3A_185, %dma_start3A_361] : memref<8x128xi32, #tpu.memory_space<vmem>> -> memref<1x128xi32, #tpu.memory_space<vmem>>
        %dma_start3A_363 = tpu.memref_squeeze %dma_start3A_362 : memref<1x128xi32, #tpu.memory_space<vmem>> -> memref<128xi32, #tpu.memory_space<vmem>>
        %dma_start3A_364 = arith.constant 0 : i32
        %dma_start3A_365 = arith.constant 0 : i32
        %dma_start3A_366 = tpu.memref_slice %arg11[%dma_start3A_364, %dma_start3A_365] : memref<10112x128xf32, #tpu.memory_space<vmem_shared>> -> memref<10112x128xf32, #tpu.memory_space<vmem_shared>>
        tpu.enqueue_indirect_dma source(%dma_start3A_360 : memref<128x128xf32, #tpu.memory_space<vmem>>) target(%dma_start3A_366 : memref<10112x128xf32, #tpu.memory_space<vmem_shared>>) offsets(%dma_start3A_363 : memref<128xi32, #tpu.memory_space<vmem>>) semaphore(%run_scoped3A_356 : memref<!tpu.dma_semaphore, #tpu.memory_space<semaphore_mem>>) {add = true}
        %dma_wait3A_367 = arith.constant 0 : i32
        %dma_wait3A_368 = arith.constant 0 : i32
        %dma_wait3A_369 = tpu.memref_slice %arg10[%run_scoped3A, %dma_wait3A_367, %dma_wait3A_368] : memref<2x128x128xf32, #tpu.memory_space<vmem>> -> memref<1x128x128xf32, #tpu.memory_space<vmem>>
        %dma_wait3A_370 = tpu.memref_squeeze %dma_wait3A_369 : memref<1x128x128xf32, #tpu.memory_space<vmem>> -> memref<128x128xf32, #tpu.memory_space<vmem>>
        %dma_wait3A_371 = arith.constant 0 : i32
        %dma_wait3A_372 = tpu.memref_slice %arg9[%run_scoped3A_185, %dma_wait3A_371] : memref<8x128xi32, #tpu.memory_space<vmem>> -> memref<1x128xi32, #tpu.memory_space<vmem>>
        %dma_wait3A_373 = tpu.memref_squeeze %dma_wait3A_372 : memref<1x128xi32, #tpu.memory_space<vmem>> -> memref<128xi32, #tpu.memory_space<vmem>>
        %dma_wait3A_374 = arith.constant 0 : i32
        %dma_wait3A_375 = arith.constant 0 : i32
        %dma_wait3A_376 = tpu.memref_slice %arg11[%dma_wait3A_374, %dma_wait3A_375] : memref<10112x128xf32, #tpu.memory_space<vmem_shared>> -> memref<10112x128xf32, #tpu.memory_space<vmem_shared>>
        tpu.wait_indirect_dma semaphore(%run_scoped3A_356 : memref<!tpu.dma_semaphore, #tpu.memory_space<semaphore_mem>>) src(%dma_wait3A_370 : memref<128x128xf32, #tpu.memory_space<vmem>>) dst(%dma_wait3A_376 : memref<10112x128xf32, #tpu.memory_space<vmem_shared>>)
        tpu.yield
      }) : () -> ()
      %dma_start3A_186 = arith.constant 2 : i32
      %dma_start3A_187 = arith.constant 0 : i32
      %dma_start3A_188 = arith.constant 0 : i32
      %dma_start3A_189 = arith.constant 0 : i32
      %dma_start3A_190 = tpu.memref_slice %arg10[%dma_start3A_187, %dma_start3A_188, %dma_start3A_189] : memref<2x128x128xf32, #tpu.memory_space<vmem>> -> memref<1x128x128xf32, #tpu.memory_space<vmem>>
      %dma_start3A_191 = tpu.memref_squeeze %dma_start3A_190 : memref<1x128x128xf32, #tpu.memory_space<vmem>> -> memref<128x128xf32, #tpu.memory_space<vmem>>
      %dma_start3A_192 = arith.constant 0 : i32
      %dma_start3A_193 = tpu.memref_slice %arg8[%dma_start3A_186, %dma_start3A_192] : memref<8x128xi32, #tpu.memory_space<vmem>> -> memref<1x128xi32, #tpu.memory_space<vmem>>
      %dma_start3A_194 = tpu.memref_squeeze %dma_start3A_193 : memref<1x128xi32, #tpu.memory_space<vmem>> -> memref<128xi32, #tpu.memory_space<vmem>>
      %dma_start3A_195 = arith.constant 0 : i32
      %dma_start3A_196 = arith.constant 0 : i32
      %dma_start3A_197 = tpu.memref_slice %arg2[%dma_start3A_195, %dma_start3A_196] : memref<10000x128xf32, #tpu.memory_space<hbm>> -> memref<10000x128xf32, #tpu.memory_space<hbm>>
      tpu.enqueue_indirect_dma source(%dma_start3A_197 : memref<10000x128xf32, #tpu.memory_space<hbm>>) target(%dma_start3A_191 : memref<128x128xf32, #tpu.memory_space<vmem>>) offsets(%dma_start3A_194 : memref<128xi32, #tpu.memory_space<vmem>>) semaphore(%arg12 : memref<!tpu.dma_semaphore, #tpu.memory_space<semaphore_mem>>)
      %dma_wait3A_198 = arith.constant 1 : i32
      %dma_wait3A_199 = arith.constant 1 : i32
      %dma_wait3A_200 = arith.constant 0 : i32
      %dma_wait3A_201 = arith.constant 0 : i32
      %dma_wait3A_202 = tpu.memref_slice %arg10[%dma_wait3A_199, %dma_wait3A_200, %dma_wait3A_201] : memref<2x128x128xf32, #tpu.memory_space<vmem>> -> memref<1x128x128xf32, #tpu.memory_space<vmem>>
      %dma_wait3A_203 = tpu.memref_squeeze %dma_wait3A_202 : memref<1x128x128xf32, #tpu.memory_space<vmem>> -> memref<128x128xf32, #tpu.memory_space<vmem>>
      %dma_wait3A_204 = arith.constant 0 : i32
      %dma_wait3A_205 = tpu.memref_slice %arg8[%dma_wait3A_198, %dma_wait3A_204] : memref<8x128xi32, #tpu.memory_space<vmem>> -> memref<1x128xi32, #tpu.memory_space<vmem>>
      %dma_wait3A_206 = tpu.memref_squeeze %dma_wait3A_205 : memref<1x128xi32, #tpu.memory_space<vmem>> -> memref<128xi32, #tpu.memory_space<vmem>>
      %dma_wait3A_207 = arith.constant 0 : i32
      %dma_wait3A_208 = arith.constant 0 : i32
      %dma_wait3A_209 = tpu.memref_slice %arg2[%dma_wait3A_207, %dma_wait3A_208] : memref<10000x128xf32, #tpu.memory_space<hbm>> -> memref<10000x128xf32, #tpu.memory_space<hbm>>
      tpu.wait_indirect_dma semaphore(%arg13 : memref<!tpu.dma_semaphore, #tpu.memory_space<semaphore_mem>>) src(%dma_wait3A_209 : memref<10000x128xf32, #tpu.memory_space<hbm>>) dst(%dma_wait3A_203 : memref<128x128xf32, #tpu.memory_space<vmem>>)
      %run_scoped3A_210 = arith.constant 1 : i32
      %run_scoped3A_211 = arith.constant 1 : i32
      "tpu.region"() ({
        %run_scoped3A_356 = tpu.sem_alloc : memref<!tpu.dma_semaphore, #tpu.memory_space<semaphore_mem>>
        %dma_start3A_357 = arith.constant 0 : i32
        %dma_start3A_358 = arith.constant 0 : i32
        %dma_start3A_359 = tpu.memref_slice %arg10[%run_scoped3A_210, %dma_start3A_357, %dma_start3A_358] : memref<2x128x128xf32, #tpu.memory_space<vmem>> -> memref<1x128x128xf32, #tpu.memory_space<vmem>>
        %dma_start3A_360 = tpu.memref_squeeze %dma_start3A_359 : memref<1x128x128xf32, #tpu.memory_space<vmem>> -> memref<128x128xf32, #tpu.memory_space<vmem>>
        %dma_start3A_361 = arith.constant 0 : i32
        %dma_start3A_362 = tpu.memref_slice %arg9[%run_scoped3A_211, %dma_start3A_361] : memref<8x128xi32, #tpu.memory_space<vmem>> -> memref<1x128xi32, #tpu.memory_space<vmem>>
        %dma_start3A_363 = tpu.memref_squeeze %dma_start3A_362 : memref<1x128xi32, #tpu.memory_space<vmem>> -> memref<128xi32, #tpu.memory_space<vmem>>
        %dma_start3A_364 = arith.constant 0 : i32
        %dma_start3A_365 = arith.constant 0 : i32
        %dma_start3A_366 = tpu.memref_slice %arg11[%dma_start3A_364, %dma_start3A_365] : memref<10112x128xf32, #tpu.memory_space<vmem_shared>> -> memref<10112x128xf32, #tpu.memory_space<vmem_shared>>
        tpu.enqueue_indirect_dma source(%dma_start3A_360 : memref<128x128xf32, #tpu.memory_space<vmem>>) target(%dma_start3A_366 : memref<10112x128xf32, #tpu.memory_space<vmem_shared>>) offsets(%dma_start3A_363 : memref<128xi32, #tpu.memory_space<vmem>>) semaphore(%run_scoped3A_356 : memref<!tpu.dma_semaphore, #tpu.memory_space<semaphore_mem>>) {add = true}
        %dma_wait3A_367 = arith.constant 0 : i32
        %dma_wait3A_368 = arith.constant 0 : i32
        %dma_wait3A_369 = tpu.memref_slice %arg10[%run_scoped3A_210, %dma_wait3A_367, %dma_wait3A_368] : memref<2x128x128xf32, #tpu.memory_space<vmem>> -> memref<1x128x128xf32, #tpu.memory_space<vmem>>
        %dma_wait3A_370 = tpu.memref_squeeze %dma_wait3A_369 : memref<1x128x128xf32, #tpu.memory_space<vmem>> -> memref<128x128xf32, #tpu.memory_space<vmem>>
        %dma_wait3A_371 = arith.constant 0 : i32
        %dma_wait3A_372 = tpu.memref_slice %arg9[%run_scoped3A_211, %dma_wait3A_371] : memref<8x128xi32, #tpu.memory_space<vmem>> -> memref<1x128xi32, #tpu.memory_space<vmem>>
        %dma_wait3A_373 = tpu.memref_squeeze %dma_wait3A_372 : memref<1x128xi32, #tpu.memory_space<vmem>> -> memref<128xi32, #tpu.memory_space<vmem>>
        %dma_wait3A_374 = arith.constant 0 : i32
        %dma_wait3A_375 = arith.constant 0 : i32
        %dma_wait3A_376 = tpu.memref_slice %arg11[%dma_wait3A_374, %dma_wait3A_375] : memref<10112x128xf32, #tpu.memory_space<vmem_shared>> -> memref<10112x128xf32, #tpu.memory_space<vmem_shared>>
        tpu.wait_indirect_dma semaphore(%run_scoped3A_356 : memref<!tpu.dma_semaphore, #tpu.memory_space<semaphore_mem>>) src(%dma_wait3A_370 : memref<128x128xf32, #tpu.memory_space<vmem>>) dst(%dma_wait3A_376 : memref<10112x128xf32, #tpu.memory_space<vmem_shared>>)
        tpu.yield
      }) : () -> ()
      %dma_start3A_212 = arith.constant 3 : i32
      %dma_start3A_213 = arith.constant 1 : i32
      %dma_start3A_214 = arith.constant 0 : i32
      %dma_start3A_215 = arith.constant 0 : i32
      %dma_start3A_216 = tpu.memref_slice %arg10[%dma_start3A_213, %dma_start3A_214, %dma_start3A_215] : memref<2x128x128xf32, #tpu.memory_space<vmem>> -> memref<1x128x128xf32, #tpu.memory_space<vmem>>
      %dma_start3A_217 = tpu.memref_squeeze %dma_start3A_216 : memref<1x128x128xf32, #tpu.memory_space<vmem>> -> memref<128x128xf32, #tpu.memory_space<vmem>>
      %dma_start3A_218 = arith.constant 0 : i32
      %dma_start3A_219 = tpu.memref_slice %arg8[%dma_start3A_212, %dma_start3A_218] : memref<8x128xi32, #tpu.memory_space<vmem>> -> memref<1x128xi32, #tpu.memory_space<vmem>>
      %dma_start3A_220 = tpu.memref_squeeze %dma_start3A_219 : memref<1x128xi32, #tpu.memory_space<vmem>> -> memref<128xi32, #tpu.memory_space<vmem>>
      %dma_start3A_221 = arith.constant 0 : i32
      %dma_start3A_222 = arith.constant 0 : i32
      %dma_start3A_223 = tpu.memref_slice %arg2[%dma_start3A_221, %dma_start3A_222] : memref<10000x128xf32, #tpu.memory_space<hbm>> -> memref<10000x128xf32, #tpu.memory_space<hbm>>
      tpu.enqueue_indirect_dma source(%dma_start3A_223 : memref<10000x128xf32, #tpu.memory_space<hbm>>) target(%dma_start3A_217 : memref<128x128xf32, #tpu.memory_space<vmem>>) offsets(%dma_start3A_220 : memref<128xi32, #tpu.memory_space<vmem>>) semaphore(%arg13 : memref<!tpu.dma_semaphore, #tpu.memory_space<semaphore_mem>>)
      %dma_wait3A_224 = arith.constant 2 : i32
      %dma_wait3A_225 = arith.constant 0 : i32
      %dma_wait3A_226 = arith.constant 0 : i32
      %dma_wait3A_227 = arith.constant 0 : i32
      %dma_wait3A_228 = tpu.memref_slice %arg10[%dma_wait3A_225, %dma_wait3A_226, %dma_wait3A_227] : memref<2x128x128xf32, #tpu.memory_space<vmem>> -> memref<1x128x128xf32, #tpu.memory_space<vmem>>
      %dma_wait3A_229 = tpu.memref_squeeze %dma_wait3A_228 : memref<1x128x128xf32, #tpu.memory_space<vmem>> -> memref<128x128xf32, #tpu.memory_space<vmem>>
      %dma_wait3A_230 = arith.constant 0 : i32
      %dma_wait3A_231 = tpu.memref_slice %arg8[%dma_wait3A_224, %dma_wait3A_230] : memref<8x128xi32, #tpu.memory_space<vmem>> -> memref<1x128xi32, #tpu.memory_space<vmem>>
      %dma_wait3A_232 = tpu.memref_squeeze %dma_wait3A_231 : memref<1x128xi32, #tpu.memory_space<vmem>> -> memref<128xi32, #tpu.memory_space<vmem>>
      %dma_wait3A_233 = arith.constant 0 : i32
      %dma_wait3A_234 = arith.constant 0 : i32
      %dma_wait3A_235 = tpu.memref_slice %arg2[%dma_wait3A_233, %dma_wait3A_234] : memref<10000x128xf32, #tpu.memory_space<hbm>> -> memref<10000x128xf32, #tpu.memory_space<hbm>>
      tpu.wait_indirect_dma semaphore(%arg12 : memref<!tpu.dma_semaphore, #tpu.memory_space<semaphore_mem>>) src(%dma_wait3A_235 : memref<10000x128xf32, #tpu.memory_space<hbm>>) dst(%dma_wait3A_229 : memref<128x128xf32, #tpu.memory_space<vmem>>)
      %run_scoped3A_236 = arith.constant 0 : i32
      %run_scoped3A_237 = arith.constant 2 : i32
      "tpu.region"() ({
        %run_scoped3A_356 = tpu.sem_alloc : memref<!tpu.dma_semaphore, #tpu.memory_space<semaphore_mem>>
        %dma_start3A_357 = arith.constant 0 : i32
        %dma_start3A_358 = arith.constant 0 : i32
        %dma_start3A_359 = tpu.memref_slice %arg10[%run_scoped3A_236, %dma_start3A_357, %dma_start3A_358] : memref<2x128x128xf32, #tpu.memory_space<vmem>> -> memref<1x128x128xf32, #tpu.memory_space<vmem>>
        %dma_start3A_360 = tpu.memref_squeeze %dma_start3A_359 : memref<1x128x128xf32, #tpu.memory_space<vmem>> -> memref<128x128xf32, #tpu.memory_space<vmem>>
        %dma_start3A_361 = arith.constant 0 : i32
        %dma_start3A_362 = tpu.memref_slice %arg9[%run_scoped3A_237, %dma_start3A_361] : memref<8x128xi32, #tpu.memory_space<vmem>> -> memref<1x128xi32, #tpu.memory_space<vmem>>
        %dma_start3A_363 = tpu.memref_squeeze %dma_start3A_362 : memref<1x128xi32, #tpu.memory_space<vmem>> -> memref<128xi32, #tpu.memory_space<vmem>>
        %dma_start3A_364 = arith.constant 0 : i32
        %dma_start3A_365 = arith.constant 0 : i32
        %dma_start3A_366 = tpu.memref_slice %arg11[%dma_start3A_364, %dma_start3A_365] : memref<10112x128xf32, #tpu.memory_space<vmem_shared>> -> memref<10112x128xf32, #tpu.memory_space<vmem_shared>>
        tpu.enqueue_indirect_dma source(%dma_start3A_360 : memref<128x128xf32, #tpu.memory_space<vmem>>) target(%dma_start3A_366 : memref<10112x128xf32, #tpu.memory_space<vmem_shared>>) offsets(%dma_start3A_363 : memref<128xi32, #tpu.memory_space<vmem>>) semaphore(%run_scoped3A_356 : memref<!tpu.dma_semaphore, #tpu.memory_space<semaphore_mem>>) {add = true}
        %dma_wait3A_367 = arith.constant 0 : i32
        %dma_wait3A_368 = arith.constant 0 : i32
        %dma_wait3A_369 = tpu.memref_slice %arg10[%run_scoped3A_236, %dma_wait3A_367, %dma_wait3A_368] : memref<2x128x128xf32, #tpu.memory_space<vmem>> -> memref<1x128x128xf32, #tpu.memory_space<vmem>>
        %dma_wait3A_370 = tpu.memref_squeeze %dma_wait3A_369 : memref<1x128x128xf32, #tpu.memory_space<vmem>> -> memref<128x128xf32, #tpu.memory_space<vmem>>
        %dma_wait3A_371 = arith.constant 0 : i32
        %dma_wait3A_372 = tpu.memref_slice %arg9[%run_scoped3A_237, %dma_wait3A_371] : memref<8x128xi32, #tpu.memory_space<vmem>> -> memref<1x128xi32, #tpu.memory_space<vmem>>
        %dma_wait3A_373 = tpu.memref_squeeze %dma_wait3A_372 : memref<1x128xi32, #tpu.memory_space<vmem>> -> memref<128xi32, #tpu.memory_space<vmem>>
        %dma_wait3A_374 = arith.constant 0 : i32
        %dma_wait3A_375 = arith.constant 0 : i32
        %dma_wait3A_376 = tpu.memref_slice %arg11[%dma_wait3A_374, %dma_wait3A_375] : memref<10112x128xf32, #tpu.memory_space<vmem_shared>> -> memref<10112x128xf32, #tpu.memory_space<vmem_shared>>
        tpu.wait_indirect_dma semaphore(%run_scoped3A_356 : memref<!tpu.dma_semaphore, #tpu.memory_space<semaphore_mem>>) src(%dma_wait3A_370 : memref<128x128xf32, #tpu.memory_space<vmem>>) dst(%dma_wait3A_376 : memref<10112x128xf32, #tpu.memory_space<vmem_shared>>)
        tpu.yield
      }) : () -> ()
      %dma_start3A_238 = arith.constant 4 : i32
      %dma_start3A_239 = arith.constant 0 : i32
      %dma_start3A_240 = arith.constant 0 : i32
      %dma_start3A_241 = arith.constant 0 : i32
      %dma_start3A_242 = tpu.memref_slice %arg10[%dma_start3A_239, %dma_start3A_240, %dma_start3A_241] : memref<2x128x128xf32, #tpu.memory_space<vmem>> -> memref<1x128x128xf32, #tpu.memory_space<vmem>>
      %dma_start3A_243 = tpu.memref_squeeze %dma_start3A_242 : memref<1x128x128xf32, #tpu.memory_space<vmem>> -> memref<128x128xf32, #tpu.memory_space<vmem>>
      %dma_start3A_244 = arith.constant 0 : i32
      %dma_start3A_245 = tpu.memref_slice %arg8[%dma_start3A_238, %dma_start3A_244] : memref<8x128xi32, #tpu.memory_space<vmem>> -> memref<1x128xi32, #tpu.memory_space<vmem>>
      %dma_start3A_246 = tpu.memref_squeeze %dma_start3A_245 : memref<1x128xi32, #tpu.memory_space<vmem>> -> memref<128xi32, #tpu.memory_space<vmem>>
      %dma_start3A_247 = arith.constant 0 : i32
      %dma_start3A_248 = arith.constant 0 : i32
      %dma_start3A_249 = tpu.memref_slice %arg2[%dma_start3A_247, %dma_start3A_248] : memref<10000x128xf32, #tpu.memory_space<hbm>> -> memref<10000x128xf32, #tpu.memory_space<hbm>>
      tpu.enqueue_indirect_dma source(%dma_start3A_249 : memref<10000x128xf32, #tpu.memory_space<hbm>>) target(%dma_start3A_243 : memref<128x128xf32, #tpu.memory_space<vmem>>) offsets(%dma_start3A_246 : memref<128xi32, #tpu.memory_space<vmem>>) semaphore(%arg12 : memref<!tpu.dma_semaphore, #tpu.memory_space<semaphore_mem>>)
      %dma_wait3A_250 = arith.constant 3 : i32
      %dma_wait3A_251 = arith.constant 1 : i32
      %dma_wait3A_252 = arith.constant 0 : i32
      %dma_wait3A_253 = arith.constant 0 : i32
      %dma_wait3A_254 = tpu.memref_slice %arg10[%dma_wait3A_251, %dma_wait3A_252, %dma_wait3A_253] : memref<2x128x128xf32, #tpu.memory_space<vmem>> -> memref<1x128x128xf32, #tpu.memory_space<vmem>>
      %dma_wait3A_255 = tpu.memref_squeeze %dma_wait3A_254 : memref<1x128x128xf32, #tpu.memory_space<vmem>> -> memref<128x128xf32, #tpu.memory_space<vmem>>
      %dma_wait3A_256 = arith.constant 0 : i32
      %dma_wait3A_257 = tpu.memref_slice %arg8[%dma_wait3A_250, %dma_wait3A_256] : memref<8x128xi32, #tpu.memory_space<vmem>> -> memref<1x128xi32, #tpu.memory_space<vmem>>
      %dma_wait3A_258 = tpu.memref_squeeze %dma_wait3A_257 : memref<1x128xi32, #tpu.memory_space<vmem>> -> memref<128xi32, #tpu.memory_space<vmem>>
      %dma_wait3A_259 = arith.constant 0 : i32
      %dma_wait3A_260 = arith.constant 0 : i32
      %dma_wait3A_261 = tpu.memref_slice %arg2[%dma_wait3A_259, %dma_wait3A_260] : memref<10000x128xf32, #tpu.memory_space<hbm>> -> memref<10000x128xf32, #tpu.memory_space<hbm>>
      tpu.wait_indirect_dma semaphore(%arg13 : memref<!tpu.dma_semaphore, #tpu.memory_space<semaphore_mem>>) src(%dma_wait3A_261 : memref<10000x128xf32, #tpu.memory_space<hbm>>) dst(%dma_wait3A_255 : memref<128x128xf32, #tpu.memory_space<vmem>>)
      %run_scoped3A_262 = arith.constant 1 : i32
      %run_scoped3A_263 = arith.constant 3 : i32
      "tpu.region"() ({
        %run_scoped3A_356 = tpu.sem_alloc : memref<!tpu.dma_semaphore, #tpu.memory_space<semaphore_mem>>
        %dma_start3A_357 = arith.constant 0 : i32
        %dma_start3A_358 = arith.constant 0 : i32
        %dma_start3A_359 = tpu.memref_slice %arg10[%run_scoped3A_262, %dma_start3A_357, %dma_start3A_358] : memref<2x128x128xf32, #tpu.memory_space<vmem>> -> memref<1x128x128xf32, #tpu.memory_space<vmem>>
        %dma_start3A_360 = tpu.memref_squeeze %dma_start3A_359 : memref<1x128x128xf32, #tpu.memory_space<vmem>> -> memref<128x128xf32, #tpu.memory_space<vmem>>
        %dma_start3A_361 = arith.constant 0 : i32
        %dma_start3A_362 = tpu.memref_slice %arg9[%run_scoped3A_263, %dma_start3A_361] : memref<8x128xi32, #tpu.memory_space<vmem>> -> memref<1x128xi32, #tpu.memory_space<vmem>>
        %dma_start3A_363 = tpu.memref_squeeze %dma_start3A_362 : memref<1x128xi32, #tpu.memory_space<vmem>> -> memref<128xi32, #tpu.memory_space<vmem>>
        %dma_start3A_364 = arith.constant 0 : i32
        %dma_start3A_365 = arith.constant 0 : i32
        %dma_start3A_366 = tpu.memref_slice %arg11[%dma_start3A_364, %dma_start3A_365] : memref<10112x128xf32, #tpu.memory_space<vmem_shared>> -> memref<10112x128xf32, #tpu.memory_space<vmem_shared>>
        tpu.enqueue_indirect_dma source(%dma_start3A_360 : memref<128x128xf32, #tpu.memory_space<vmem>>) target(%dma_start3A_366 : memref<10112x128xf32, #tpu.memory_space<vmem_shared>>) offsets(%dma_start3A_363 : memref<128xi32, #tpu.memory_space<vmem>>) semaphore(%run_scoped3A_356 : memref<!tpu.dma_semaphore, #tpu.memory_space<semaphore_mem>>) {add = true}
        %dma_wait3A_367 = arith.constant 0 : i32
        %dma_wait3A_368 = arith.constant 0 : i32
        %dma_wait3A_369 = tpu.memref_slice %arg10[%run_scoped3A_262, %dma_wait3A_367, %dma_wait3A_368] : memref<2x128x128xf32, #tpu.memory_space<vmem>> -> memref<1x128x128xf32, #tpu.memory_space<vmem>>
        %dma_wait3A_370 = tpu.memref_squeeze %dma_wait3A_369 : memref<1x128x128xf32, #tpu.memory_space<vmem>> -> memref<128x128xf32, #tpu.memory_space<vmem>>
        %dma_wait3A_371 = arith.constant 0 : i32
        %dma_wait3A_372 = tpu.memref_slice %arg9[%run_scoped3A_263, %dma_wait3A_371] : memref<8x128xi32, #tpu.memory_space<vmem>> -> memref<1x128xi32, #tpu.memory_space<vmem>>
        %dma_wait3A_373 = tpu.memref_squeeze %dma_wait3A_372 : memref<1x128xi32, #tpu.memory_space<vmem>> -> memref<128xi32, #tpu.memory_space<vmem>>
        %dma_wait3A_374 = arith.constant 0 : i32
        %dma_wait3A_375 = arith.constant 0 : i32
        %dma_wait3A_376 = tpu.memref_slice %arg11[%dma_wait3A_374, %dma_wait3A_375] : memref<10112x128xf32, #tpu.memory_space<vmem_shared>> -> memref<10112x128xf32, #tpu.memory_space<vmem_shared>>
        tpu.wait_indirect_dma semaphore(%run_scoped3A_356 : memref<!tpu.dma_semaphore, #tpu.memory_space<semaphore_mem>>) src(%dma_wait3A_370 : memref<128x128xf32, #tpu.memory_space<vmem>>) dst(%dma_wait3A_376 : memref<10112x128xf32, #tpu.memory_space<vmem_shared>>)
        tpu.yield
      }) : () -> ()
      %dma_start3A_264 = arith.constant 5 : i32
      %dma_start3A_265 = arith.constant 1 : i32
      %dma_start3A_266 = arith.constant 0 : i32
      %dma_start3A_267 = arith.constant 0 : i32
      %dma_start3A_268 = tpu.memref_slice %arg10[%dma_start3A_265, %dma_start3A_266, %dma_start3A_267] : memref<2x128x128xf32, #tpu.memory_space<vmem>> -> memref<1x128x128xf32, #tpu.memory_space<vmem>>
      %dma_start3A_269 = tpu.memref_squeeze %dma_start3A_268 : memref<1x128x128xf32, #tpu.memory_space<vmem>> -> memref<128x128xf32, #tpu.memory_space<vmem>>
      %dma_start3A_270 = arith.constant 0 : i32
      %dma_start3A_271 = tpu.memref_slice %arg8[%dma_start3A_264, %dma_start3A_270] : memref<8x128xi32, #tpu.memory_space<vmem>> -> memref<1x128xi32, #tpu.memory_space<vmem>>
      %dma_start3A_272 = tpu.memref_squeeze %dma_start3A_271 : memref<1x128xi32, #tpu.memory_space<vmem>> -> memref<128xi32, #tpu.memory_space<vmem>>
      %dma_start3A_273 = arith.constant 0 : i32
      %dma_start3A_274 = arith.constant 0 : i32
      %dma_start3A_275 = tpu.memref_slice %arg2[%dma_start3A_273, %dma_start3A_274] : memref<10000x128xf32, #tpu.memory_space<hbm>> -> memref<10000x128xf32, #tpu.memory_space<hbm>>
      tpu.enqueue_indirect_dma source(%dma_start3A_275 : memref<10000x128xf32, #tpu.memory_space<hbm>>) target(%dma_start3A_269 : memref<128x128xf32, #tpu.memory_space<vmem>>) offsets(%dma_start3A_272 : memref<128xi32, #tpu.memory_space<vmem>>) semaphore(%arg13 : memref<!tpu.dma_semaphore, #tpu.memory_space<semaphore_mem>>)
      %dma_wait3A_276 = arith.constant 4 : i32
      %dma_wait3A_277 = arith.constant 0 : i32
      %dma_wait3A_278 = arith.constant 0 : i32
      %dma_wait3A_279 = arith.constant 0 : i32
      %dma_wait3A_280 = tpu.memref_slice %arg10[%dma_wait3A_277, %dma_wait3A_278, %dma_wait3A_279] : memref<2x128x128xf32, #tpu.memory_space<vmem>> -> memref<1x128x128xf32, #tpu.memory_space<vmem>>
      %dma_wait3A_281 = tpu.memref_squeeze %dma_wait3A_280 : memref<1x128x128xf32, #tpu.memory_space<vmem>> -> memref<128x128xf32, #tpu.memory_space<vmem>>
      %dma_wait3A_282 = arith.constant 0 : i32
      %dma_wait3A_283 = tpu.memref_slice %arg8[%dma_wait3A_276, %dma_wait3A_282] : memref<8x128xi32, #tpu.memory_space<vmem>> -> memref<1x128xi32, #tpu.memory_space<vmem>>
      %dma_wait3A_284 = tpu.memref_squeeze %dma_wait3A_283 : memref<1x128xi32, #tpu.memory_space<vmem>> -> memref<128xi32, #tpu.memory_space<vmem>>
      %dma_wait3A_285 = arith.constant 0 : i32
      %dma_wait3A_286 = arith.constant 0 : i32
      %dma_wait3A_287 = tpu.memref_slice %arg2[%dma_wait3A_285, %dma_wait3A_286] : memref<10000x128xf32, #tpu.memory_space<hbm>> -> memref<10000x128xf32, #tpu.memory_space<hbm>>
      tpu.wait_indirect_dma semaphore(%arg12 : memref<!tpu.dma_semaphore, #tpu.memory_space<semaphore_mem>>) src(%dma_wait3A_287 : memref<10000x128xf32, #tpu.memory_space<hbm>>) dst(%dma_wait3A_281 : memref<128x128xf32, #tpu.memory_space<vmem>>)
      %run_scoped3A_288 = arith.constant 0 : i32
      %run_scoped3A_289 = arith.constant 4 : i32
      "tpu.region"() ({
        %run_scoped3A_356 = tpu.sem_alloc : memref<!tpu.dma_semaphore, #tpu.memory_space<semaphore_mem>>
        %dma_start3A_357 = arith.constant 0 : i32
        %dma_start3A_358 = arith.constant 0 : i32
        %dma_start3A_359 = tpu.memref_slice %arg10[%run_scoped3A_288, %dma_start3A_357, %dma_start3A_358] : memref<2x128x128xf32, #tpu.memory_space<vmem>> -> memref<1x128x128xf32, #tpu.memory_space<vmem>>
        %dma_start3A_360 = tpu.memref_squeeze %dma_start3A_359 : memref<1x128x128xf32, #tpu.memory_space<vmem>> -> memref<128x128xf32, #tpu.memory_space<vmem>>
        %dma_start3A_361 = arith.constant 0 : i32
        %dma_start3A_362 = tpu.memref_slice %arg9[%run_scoped3A_289, %dma_start3A_361] : memref<8x128xi32, #tpu.memory_space<vmem>> -> memref<1x128xi32, #tpu.memory_space<vmem>>
        %dma_start3A_363 = tpu.memref_squeeze %dma_start3A_362 : memref<1x128xi32, #tpu.memory_space<vmem>> -> memref<128xi32, #tpu.memory_space<vmem>>
        %dma_start3A_364 = arith.constant 0 : i32
        %dma_start3A_365 = arith.constant 0 : i32
        %dma_start3A_366 = tpu.memref_slice %arg11[%dma_start3A_364, %dma_start3A_365] : memref<10112x128xf32, #tpu.memory_space<vmem_shared>> -> memref<10112x128xf32, #tpu.memory_space<vmem_shared>>
        tpu.enqueue_indirect_dma source(%dma_start3A_360 : memref<128x128xf32, #tpu.memory_space<vmem>>) target(%dma_start3A_366 : memref<10112x128xf32, #tpu.memory_space<vmem_shared>>) offsets(%dma_start3A_363 : memref<128xi32, #tpu.memory_space<vmem>>) semaphore(%run_scoped3A_356 : memref<!tpu.dma_semaphore, #tpu.memory_space<semaphore_mem>>) {add = true}
        %dma_wait3A_367 = arith.constant 0 : i32
        %dma_wait3A_368 = arith.constant 0 : i32
        %dma_wait3A_369 = tpu.memref_slice %arg10[%run_scoped3A_288, %dma_wait3A_367, %dma_wait3A_368] : memref<2x128x128xf32, #tpu.memory_space<vmem>> -> memref<1x128x128xf32, #tpu.memory_space<vmem>>
        %dma_wait3A_370 = tpu.memref_squeeze %dma_wait3A_369 : memref<1x128x128xf32, #tpu.memory_space<vmem>> -> memref<128x128xf32, #tpu.memory_space<vmem>>
        %dma_wait3A_371 = arith.constant 0 : i32
        %dma_wait3A_372 = tpu.memref_slice %arg9[%run_scoped3A_289, %dma_wait3A_371] : memref<8x128xi32, #tpu.memory_space<vmem>> -> memref<1x128xi32, #tpu.memory_space<vmem>>
        %dma_wait3A_373 = tpu.memref_squeeze %dma_wait3A_372 : memref<1x128xi32, #tpu.memory_space<vmem>> -> memref<128xi32, #tpu.memory_space<vmem>>
        %dma_wait3A_374 = arith.constant 0 : i32
        %dma_wait3A_375 = arith.constant 0 : i32
        %dma_wait3A_376 = tpu.memref_slice %arg11[%dma_wait3A_374, %dma_wait3A_375] : memref<10112x128xf32, #tpu.memory_space<vmem_shared>> -> memref<10112x128xf32, #tpu.memory_space<vmem_shared>>
        tpu.wait_indirect_dma semaphore(%run_scoped3A_356 : memref<!tpu.dma_semaphore, #tpu.memory_space<semaphore_mem>>) src(%dma_wait3A_370 : memref<128x128xf32, #tpu.memory_space<vmem>>) dst(%dma_wait3A_376 : memref<10112x128xf32, #tpu.memory_space<vmem_shared>>)
        tpu.yield
      }) : () -> ()
      %dma_start3A_290 = arith.constant 6 : i32
      %dma_start3A_291 = arith.constant 0 : i32
      %dma_start3A_292 = arith.constant 0 : i32
      %dma_start3A_293 = arith.constant 0 : i32
      %dma_start3A_294 = tpu.memref_slice %arg10[%dma_start3A_291, %dma_start3A_292, %dma_start3A_293] : memref<2x128x128xf32, #tpu.memory_space<vmem>> -> memref<1x128x128xf32, #tpu.memory_space<vmem>>
      %dma_start3A_295 = tpu.memref_squeeze %dma_start3A_294 : memref<1x128x128xf32, #tpu.memory_space<vmem>> -> memref<128x128xf32, #tpu.memory_space<vmem>>
      %dma_start3A_296 = arith.constant 0 : i32
      %dma_start3A_297 = tpu.memref_slice %arg8[%dma_start3A_290, %dma_start3A_296] : memref<8x128xi32, #tpu.memory_space<vmem>> -> memref<1x128xi32, #tpu.memory_space<vmem>>
      %dma_start3A_298 = tpu.memref_squeeze %dma_start3A_297 : memref<1x128xi32, #tpu.memory_space<vmem>> -> memref<128xi32, #tpu.memory_space<vmem>>
      %dma_start3A_299 = arith.constant 0 : i32
      %dma_start3A_300 = arith.constant 0 : i32
      %dma_start3A_301 = tpu.memref_slice %arg2[%dma_start3A_299, %dma_start3A_300] : memref<10000x128xf32, #tpu.memory_space<hbm>> -> memref<10000x128xf32, #tpu.memory_space<hbm>>
      tpu.enqueue_indirect_dma source(%dma_start3A_301 : memref<10000x128xf32, #tpu.memory_space<hbm>>) target(%dma_start3A_295 : memref<128x128xf32, #tpu.memory_space<vmem>>) offsets(%dma_start3A_298 : memref<128xi32, #tpu.memory_space<vmem>>) semaphore(%arg12 : memref<!tpu.dma_semaphore, #tpu.memory_space<semaphore_mem>>)
      %dma_wait3A_302 = arith.constant 5 : i32
      %dma_wait3A_303 = arith.constant 1 : i32
      %dma_wait3A_304 = arith.constant 0 : i32
      %dma_wait3A_305 = arith.constant 0 : i32
      %dma_wait3A_306 = tpu.memref_slice %arg10[%dma_wait3A_303, %dma_wait3A_304, %dma_wait3A_305] : memref<2x128x128xf32, #tpu.memory_space<vmem>> -> memref<1x128x128xf32, #tpu.memory_space<vmem>>
      %dma_wait3A_307 = tpu.memref_squeeze %dma_wait3A_306 : memref<1x128x128xf32, #tpu.memory_space<vmem>> -> memref<128x128xf32, #tpu.memory_space<vmem>>
      %dma_wait3A_308 = arith.constant 0 : i32
      %dma_wait3A_309 = tpu.memref_slice %arg8[%dma_wait3A_302, %dma_wait3A_308] : memref<8x128xi32, #tpu.memory_space<vmem>> -> memref<1x128xi32, #tpu.memory_space<vmem>>
      %dma_wait3A_310 = tpu.memref_squeeze %dma_wait3A_309 : memref<1x128xi32, #tpu.memory_space<vmem>> -> memref<128xi32, #tpu.memory_space<vmem>>
      %dma_wait3A_311 = arith.constant 0 : i32
      %dma_wait3A_312 = arith.constant 0 : i32
      %dma_wait3A_313 = tpu.memref_slice %arg2[%dma_wait3A_311, %dma_wait3A_312] : memref<10000x128xf32, #tpu.memory_space<hbm>> -> memref<10000x128xf32, #tpu.memory_space<hbm>>
      tpu.wait_indirect_dma semaphore(%arg13 : memref<!tpu.dma_semaphore, #tpu.memory_space<semaphore_mem>>) src(%dma_wait3A_313 : memref<10000x128xf32, #tpu.memory_space<hbm>>) dst(%dma_wait3A_307 : memref<128x128xf32, #tpu.memory_space<vmem>>)
      %run_scoped3A_314 = arith.constant 1 : i32
      %run_scoped3A_315 = arith.constant 5 : i32
      "tpu.region"() ({
        %run_scoped3A_356 = tpu.sem_alloc : memref<!tpu.dma_semaphore, #tpu.memory_space<semaphore_mem>>
        %dma_start3A_357 = arith.constant 0 : i32
        %dma_start3A_358 = arith.constant 0 : i32
        %dma_start3A_359 = tpu.memref_slice %arg10[%run_scoped3A_314, %dma_start3A_357, %dma_start3A_358] : memref<2x128x128xf32, #tpu.memory_space<vmem>> -> memref<1x128x128xf32, #tpu.memory_space<vmem>>
        %dma_start3A_360 = tpu.memref_squeeze %dma_start3A_359 : memref<1x128x128xf32, #tpu.memory_space<vmem>> -> memref<128x128xf32, #tpu.memory_space<vmem>>
        %dma_start3A_361 = arith.constant 0 : i32
        %dma_start3A_362 = tpu.memref_slice %arg9[%run_scoped3A_315, %dma_start3A_361] : memref<8x128xi32, #tpu.memory_space<vmem>> -> memref<1x128xi32, #tpu.memory_space<vmem>>
        %dma_start3A_363 = tpu.memref_squeeze %dma_start3A_362 : memref<1x128xi32, #tpu.memory_space<vmem>> -> memref<128xi32, #tpu.memory_space<vmem>>
        %dma_start3A_364 = arith.constant 0 : i32
        %dma_start3A_365 = arith.constant 0 : i32
        %dma_start3A_366 = tpu.memref_slice %arg11[%dma_start3A_364, %dma_start3A_365] : memref<10112x128xf32, #tpu.memory_space<vmem_shared>> -> memref<10112x128xf32, #tpu.memory_space<vmem_shared>>
        tpu.enqueue_indirect_dma source(%dma_start3A_360 : memref<128x128xf32, #tpu.memory_space<vmem>>) target(%dma_start3A_366 : memref<10112x128xf32, #tpu.memory_space<vmem_shared>>) offsets(%dma_start3A_363 : memref<128xi32, #tpu.memory_space<vmem>>) semaphore(%run_scoped3A_356 : memref<!tpu.dma_semaphore, #tpu.memory_space<semaphore_mem>>) {add = true}
        %dma_wait3A_367 = arith.constant 0 : i32
        %dma_wait3A_368 = arith.constant 0 : i32
        %dma_wait3A_369 = tpu.memref_slice %arg10[%run_scoped3A_314, %dma_wait3A_367, %dma_wait3A_368] : memref<2x128x128xf32, #tpu.memory_space<vmem>> -> memref<1x128x128xf32, #tpu.memory_space<vmem>>
        %dma_wait3A_370 = tpu.memref_squeeze %dma_wait3A_369 : memref<1x128x128xf32, #tpu.memory_space<vmem>> -> memref<128x128xf32, #tpu.memory_space<vmem>>
        %dma_wait3A_371 = arith.constant 0 : i32
        %dma_wait3A_372 = tpu.memref_slice %arg9[%run_scoped3A_315, %dma_wait3A_371] : memref<8x128xi32, #tpu.memory_space<vmem>> -> memref<1x128xi32, #tpu.memory_space<vmem>>
        %dma_wait3A_373 = tpu.memref_squeeze %dma_wait3A_372 : memref<1x128xi32, #tpu.memory_space<vmem>> -> memref<128xi32, #tpu.memory_space<vmem>>
        %dma_wait3A_374 = arith.constant 0 : i32
        %dma_wait3A_375 = arith.constant 0 : i32
        %dma_wait3A_376 = tpu.memref_slice %arg11[%dma_wait3A_374, %dma_wait3A_375] : memref<10112x128xf32, #tpu.memory_space<vmem_shared>> -> memref<10112x128xf32, #tpu.memory_space<vmem_shared>>
        tpu.wait_indirect_dma semaphore(%run_scoped3A_356 : memref<!tpu.dma_semaphore, #tpu.memory_space<semaphore_mem>>) src(%dma_wait3A_370 : memref<128x128xf32, #tpu.memory_space<vmem>>) dst(%dma_wait3A_376 : memref<10112x128xf32, #tpu.memory_space<vmem_shared>>)
        tpu.yield
      }) : () -> ()
      %dma_start3A_316 = arith.constant 7 : i32
      %dma_start3A_317 = arith.constant 1 : i32
      %dma_start3A_318 = arith.constant 0 : i32
      %dma_start3A_319 = arith.constant 0 : i32
      %dma_start3A_320 = tpu.memref_slice %arg10[%dma_start3A_317, %dma_start3A_318, %dma_start3A_319] : memref<2x128x128xf32, #tpu.memory_space<vmem>> -> memref<1x128x128xf32, #tpu.memory_space<vmem>>
      %dma_start3A_321 = tpu.memref_squeeze %dma_start3A_320 : memref<1x128x128xf32, #tpu.memory_space<vmem>> -> memref<128x128xf32, #tpu.memory_space<vmem>>
      %dma_start3A_322 = arith.constant 0 : i32
      %dma_start3A_323 = tpu.memref_slice %arg8[%dma_start3A_316, %dma_start3A_322] : memref<8x128xi32, #tpu.memory_space<vmem>> -> memref<1x128xi32, #tpu.memory_space<vmem>>
      %dma_start3A_324 = tpu.memref_squeeze %dma_start3A_323 : memref<1x128xi32, #tpu.memory_space<vmem>> -> memref<128xi32, #tpu.memory_space<vmem>>
      %dma_start3A_325 = arith.constant 0 : i32
      %dma_start3A_326 = arith.constant 0 : i32
      %dma_start3A_327 = tpu.memref_slice %arg2[%dma_start3A_325, %dma_start3A_326] : memref<10000x128xf32, #tpu.memory_space<hbm>> -> memref<10000x128xf32, #tpu.memory_space<hbm>>
      tpu.enqueue_indirect_dma source(%dma_start3A_327 : memref<10000x128xf32, #tpu.memory_space<hbm>>) target(%dma_start3A_321 : memref<128x128xf32, #tpu.memory_space<vmem>>) offsets(%dma_start3A_324 : memref<128xi32, #tpu.memory_space<vmem>>) semaphore(%arg13 : memref<!tpu.dma_semaphore, #tpu.memory_space<semaphore_mem>>)
      %dma_wait3A_328 = arith.constant 6 : i32
      %dma_wait3A_329 = arith.constant 0 : i32
      %dma_wait3A_330 = arith.constant 0 : i32
      %dma_wait3A_331 = arith.constant 0 : i32
      %dma_wait3A_332 = tpu.memref_slice %arg10[%dma_wait3A_329, %dma_wait3A_330, %dma_wait3A_331] : memref<2x128x128xf32, #tpu.memory_space<vmem>> -> memref<1x128x128xf32, #tpu.memory_space<vmem>>
      %dma_wait3A_333 = tpu.memref_squeeze %dma_wait3A_332 : memref<1x128x128xf32, #tpu.memory_space<vmem>> -> memref<128x128xf32, #tpu.memory_space<vmem>>
      %dma_wait3A_334 = arith.constant 0 : i32
      %dma_wait3A_335 = tpu.memref_slice %arg8[%dma_wait3A_328, %dma_wait3A_334] : memref<8x128xi32, #tpu.memory_space<vmem>> -> memref<1x128xi32, #tpu.memory_space<vmem>>
      %dma_wait3A_336 = tpu.memref_squeeze %dma_wait3A_335 : memref<1x128xi32, #tpu.memory_space<vmem>> -> memref<128xi32, #tpu.memory_space<vmem>>
      %dma_wait3A_337 = arith.constant 0 : i32
      %dma_wait3A_338 = arith.constant 0 : i32
      %dma_wait3A_339 = tpu.memref_slice %arg2[%dma_wait3A_337, %dma_wait3A_338] : memref<10000x128xf32, #tpu.memory_space<hbm>> -> memref<10000x128xf32, #tpu.memory_space<hbm>>
      tpu.wait_indirect_dma semaphore(%arg12 : memref<!tpu.dma_semaphore, #tpu.memory_space<semaphore_mem>>) src(%dma_wait3A_339 : memref<10000x128xf32, #tpu.memory_space<hbm>>) dst(%dma_wait3A_333 : memref<128x128xf32, #tpu.memory_space<vmem>>)
      %run_scoped3A_340 = arith.constant 0 : i32
      %run_scoped3A_341 = arith.constant 6 : i32
      "tpu.region"() ({
        %run_scoped3A_356 = tpu.sem_alloc : memref<!tpu.dma_semaphore, #tpu.memory_space<semaphore_mem>>
        %dma_start3A_357 = arith.constant 0 : i32
        %dma_start3A_358 = arith.constant 0 : i32
        %dma_start3A_359 = tpu.memref_slice %arg10[%run_scoped3A_340, %dma_start3A_357, %dma_start3A_358] : memref<2x128x128xf32, #tpu.memory_space<vmem>> -> memref<1x128x128xf32, #tpu.memory_space<vmem>>
        %dma_start3A_360 = tpu.memref_squeeze %dma_start3A_359 : memref<1x128x128xf32, #tpu.memory_space<vmem>> -> memref<128x128xf32, #tpu.memory_space<vmem>>
        %dma_start3A_361 = arith.constant 0 : i32
        %dma_start3A_362 = tpu.memref_slice %arg9[%run_scoped3A_341, %dma_start3A_361] : memref<8x128xi32, #tpu.memory_space<vmem>> -> memref<1x128xi32, #tpu.memory_space<vmem>>
        %dma_start3A_363 = tpu.memref_squeeze %dma_start3A_362 : memref<1x128xi32, #tpu.memory_space<vmem>> -> memref<128xi32, #tpu.memory_space<vmem>>
        %dma_start3A_364 = arith.constant 0 : i32
        %dma_start3A_365 = arith.constant 0 : i32
        %dma_start3A_366 = tpu.memref_slice %arg11[%dma_start3A_364, %dma_start3A_365] : memref<10112x128xf32, #tpu.memory_space<vmem_shared>> -> memref<10112x128xf32, #tpu.memory_space<vmem_shared>>
        tpu.enqueue_indirect_dma source(%dma_start3A_360 : memref<128x128xf32, #tpu.memory_space<vmem>>) target(%dma_start3A_366 : memref<10112x128xf32, #tpu.memory_space<vmem_shared>>) offsets(%dma_start3A_363 : memref<128xi32, #tpu.memory_space<vmem>>) semaphore(%run_scoped3A_356 : memref<!tpu.dma_semaphore, #tpu.memory_space<semaphore_mem>>) {add = true}
        %dma_wait3A_367 = arith.constant 0 : i32
        %dma_wait3A_368 = arith.constant 0 : i32
        %dma_wait3A_369 = tpu.memref_slice %arg10[%run_scoped3A_340, %dma_wait3A_367, %dma_wait3A_368] : memref<2x128x128xf32, #tpu.memory_space<vmem>> -> memref<1x128x128xf32, #tpu.memory_space<vmem>>
        %dma_wait3A_370 = tpu.memref_squeeze %dma_wait3A_369 : memref<1x128x128xf32, #tpu.memory_space<vmem>> -> memref<128x128xf32, #tpu.memory_space<vmem>>
        %dma_wait3A_371 = arith.constant 0 : i32
        %dma_wait3A_372 = tpu.memref_slice %arg9[%run_scoped3A_341, %dma_wait3A_371] : memref<8x128xi32, #tpu.memory_space<vmem>> -> memref<1x128xi32, #tpu.memory_space<vmem>>
        %dma_wait3A_373 = tpu.memref_squeeze %dma_wait3A_372 : memref<1x128xi32, #tpu.memory_space<vmem>> -> memref<128xi32, #tpu.memory_space<vmem>>
        %dma_wait3A_374 = arith.constant 0 : i32
        %dma_wait3A_375 = arith.constant 0 : i32
        %dma_wait3A_376 = tpu.memref_slice %arg11[%dma_wait3A_374, %dma_wait3A_375] : memref<10112x128xf32, #tpu.memory_space<vmem_shared>> -> memref<10112x128xf32, #tpu.memory_space<vmem_shared>>
        tpu.wait_indirect_dma semaphore(%run_scoped3A_356 : memref<!tpu.dma_semaphore, #tpu.memory_space<semaphore_mem>>) src(%dma_wait3A_370 : memref<128x128xf32, #tpu.memory_space<vmem>>) dst(%dma_wait3A_376 : memref<10112x128xf32, #tpu.memory_space<vmem_shared>>)
        tpu.yield
      }) : () -> ()
      %dma_wait3A_342 = arith.constant 7 : i32
      %dma_wait3A_343 = arith.constant 1 : i32
      %dma_wait3A_344 = arith.constant 0 : i32
      %dma_wait3A_345 = arith.constant 0 : i32
      %dma_wait3A_346 = tpu.memref_slice %arg10[%dma_wait3A_343, %dma_wait3A_344, %dma_wait3A_345] : memref<2x128x128xf32, #tpu.memory_space<vmem>> -> memref<1x128x128xf32, #tpu.memory_space<vmem>>
      %dma_wait3A_347 = tpu.memref_squeeze %dma_wait3A_346 : memref<1x128x128xf32, #tpu.memory_space<vmem>> -> memref<128x128xf32, #tpu.memory_space<vmem>>
      %dma_wait3A_348 = arith.constant 0 : i32
      %dma_wait3A_349 = tpu.memref_slice %arg8[%dma_wait3A_342, %dma_wait3A_348] : memref<8x128xi32, #tpu.memory_space<vmem>> -> memref<1x128xi32, #tpu.memory_space<vmem>>
      %dma_wait3A_350 = tpu.memref_squeeze %dma_wait3A_349 : memref<1x128xi32, #tpu.memory_space<vmem>> -> memref<128xi32, #tpu.memory_space<vmem>>
      %dma_wait3A_351 = arith.constant 0 : i32
      %dma_wait3A_352 = arith.constant 0 : i32
      %dma_wait3A_353 = tpu.memref_slice %arg2[%dma_wait3A_351, %dma_wait3A_352] : memref<10000x128xf32, #tpu.memory_space<hbm>> -> memref<10000x128xf32, #tpu.memory_space<hbm>>
      tpu.wait_indirect_dma semaphore(%arg13 : memref<!tpu.dma_semaphore, #tpu.memory_space<semaphore_mem>>) src(%dma_wait3A_353 : memref<10000x128xf32, #tpu.memory_space<hbm>>) dst(%dma_wait3A_347 : memref<128x128xf32, #tpu.memory_space<vmem>>)
      %run_scoped3A_354 = arith.constant 1 : i32
      %run_scoped3A_355 = arith.constant 7 : i32
      "tpu.region"() ({
        %run_scoped3A_356 = tpu.sem_alloc : memref<!tpu.dma_semaphore, #tpu.memory_space<semaphore_mem>>
        %dma_start3A_357 = arith.constant 0 : i32
        %dma_start3A_358 = arith.constant 0 : i32
        %dma_start3A_359 = tpu.memref_slice %arg10[%run_scoped3A_354, %dma_start3A_357, %dma_start3A_358] : memref<2x128x128xf32, #tpu.memory_space<vmem>> -> memref<1x128x128xf32, #tpu.memory_space<vmem>>
        %dma_start3A_360 = tpu.memref_squeeze %dma_start3A_359 : memref<1x128x128xf32, #tpu.memory_space<vmem>> -> memref<128x128xf32, #tpu.memory_space<vmem>>
        %dma_start3A_361 = arith.constant 0 : i32
        %dma_start3A_362 = tpu.memref_slice %arg9[%run_scoped3A_355, %dma_start3A_361] : memref<8x128xi32, #tpu.memory_space<vmem>> -> memref<1x128xi32, #tpu.memory_space<vmem>>
        %dma_start3A_363 = tpu.memref_squeeze %dma_start3A_362 : memref<1x128xi32, #tpu.memory_space<vmem>> -> memref<128xi32, #tpu.memory_space<vmem>>
        %dma_start3A_364 = arith.constant 0 : i32
        %dma_start3A_365 = arith.constant 0 : i32
        %dma_start3A_366 = tpu.memref_slice %arg11[%dma_start3A_364, %dma_start3A_365] : memref<10112x128xf32, #tpu.memory_space<vmem_shared>> -> memref<10112x128xf32, #tpu.memory_space<vmem_shared>>
        tpu.enqueue_indirect_dma source(%dma_start3A_360 : memref<128x128xf32, #tpu.memory_space<vmem>>) target(%dma_start3A_366 : memref<10112x128xf32, #tpu.memory_space<vmem_shared>>) offsets(%dma_start3A_363 : memref<128xi32, #tpu.memory_space<vmem>>) semaphore(%run_scoped3A_356 : memref<!tpu.dma_semaphore, #tpu.memory_space<semaphore_mem>>) {add = true}
        %dma_wait3A_367 = arith.constant 0 : i32
        %dma_wait3A_368 = arith.constant 0 : i32
        %dma_wait3A_369 = tpu.memref_slice %arg10[%run_scoped3A_354, %dma_wait3A_367, %dma_wait3A_368] : memref<2x128x128xf32, #tpu.memory_space<vmem>> -> memref<1x128x128xf32, #tpu.memory_space<vmem>>
        %dma_wait3A_370 = tpu.memref_squeeze %dma_wait3A_369 : memref<1x128x128xf32, #tpu.memory_space<vmem>> -> memref<128x128xf32, #tpu.memory_space<vmem>>
        %dma_wait3A_371 = arith.constant 0 : i32
        %dma_wait3A_372 = tpu.memref_slice %arg9[%run_scoped3A_355, %dma_wait3A_371] : memref<8x128xi32, #tpu.memory_space<vmem>> -> memref<1x128xi32, #tpu.memory_space<vmem>>
        %dma_wait3A_373 = tpu.memref_squeeze %dma_wait3A_372 : memref<1x128xi32, #tpu.memory_space<vmem>> -> memref<128xi32, #tpu.memory_space<vmem>>
        %dma_wait3A_374 = arith.constant 0 : i32
        %dma_wait3A_375 = arith.constant 0 : i32
        %dma_wait3A_376 = tpu.memref_slice %arg11[%dma_wait3A_374, %dma_wait3A_375] : memref<10112x128xf32, #tpu.memory_space<vmem_shared>> -> memref<10112x128xf32, #tpu.memory_space<vmem_shared>>
        tpu.wait_indirect_dma semaphore(%run_scoped3A_356 : memref<!tpu.dma_semaphore, #tpu.memory_space<semaphore_mem>>) src(%dma_wait3A_370 : memref<128x128xf32, #tpu.memory_space<vmem>>) dst(%dma_wait3A_376 : memref<10112x128xf32, #tpu.memory_space<vmem_shared>>)
        tpu.yield
      }) : () -> ()
    }
    %while3A_83 = arith.constant 1 : i32
    scf.for %while3A_145 = %while3A_81 to %while3A_77 step %while3A_83  : i32 {
      %mul3A_146 = arith.constant 8 : i32
      %mul3A_147 = arith.muli %while3A_145, %mul3A_146 : i32
      %add3A_148 = arith.addi %select_n3A, %mul3A_147 : i32
      "tpu.region"() ({
        %run_scoped3A_356 = tpu.sem_alloc : memref<!tpu.dma_semaphore, #tpu.memory_space<semaphore_mem>>
        %dma_start3A_357 = arith.constant 0 : i32
        %dma_start3A_358 = tpu.memref_slice %arg3[%add3A_148, %dma_start3A_357] : memref<2560x128xi32, #tpu.memory_space<hbm>> -> memref<8x128xi32, #tpu.memory_space<hbm>>
        %dma_start3A_359 = arith.constant 0 : i32
        %dma_start3A_360 = tpu.memref_slice %arg3[%add3A_148, %dma_start3A_359] : memref<2560x128xi32, #tpu.memory_space<hbm>> -> memref<8x128xi32, #tpu.memory_space<hbm>>
        tpu.enqueue_dma source(%dma_start3A_360 : memref<8x128xi32, #tpu.memory_space<hbm>>) target(%arg8 : memref<8x128xi32, #tpu.memory_space<vmem>>) target_semaphore(%run_scoped3A_356 : memref<!tpu.dma_semaphore, #tpu.memory_space<semaphore_mem>>)
        %dma_wait3A_361 = arith.constant 0 : i32
        %dma_wait3A_362 = tpu.memref_slice %arg3[%add3A_148, %dma_wait3A_361] : memref<2560x128xi32, #tpu.memory_space<hbm>> -> memref<8x128xi32, #tpu.memory_space<hbm>>
        %dma_wait3A_363 = arith.constant 0 : i32
        %dma_wait3A_364 = tpu.memref_slice %arg3[%add3A_148, %dma_wait3A_363] : memref<2560x128xi32, #tpu.memory_space<hbm>> -> memref<8x128xi32, #tpu.memory_space<hbm>>
        tpu.wait_dma2 semaphore(%run_scoped3A_356 : memref<!tpu.dma_semaphore, #tpu.memory_space<semaphore_mem>>) src(%dma_wait3A_364 : memref<8x128xi32, #tpu.memory_space<hbm>>) dst(%arg8 : memref<8x128xi32, #tpu.memory_space<vmem>>)
        tpu.yield
      }) : () -> ()
      "tpu.region"() ({
        %run_scoped3A_356 = tpu.sem_alloc : memref<!tpu.dma_semaphore, #tpu.memory_space<semaphore_mem>>
        %dma_start3A_357 = arith.constant 0 : i32
        %dma_start3A_358 = tpu.memref_slice %arg4[%add3A_148, %dma_start3A_357] : memref<2560x128xi32, #tpu.memory_space<hbm>> -> memref<8x128xi32, #tpu.memory_space<hbm>>
        %dma_start3A_359 = arith.constant 0 : i32
        %dma_start3A_360 = tpu.memref_slice %arg4[%add3A_148, %dma_start3A_359] : memref<2560x128xi32, #tpu.memory_space<hbm>> -> memref<8x128xi32, #tpu.memory_space<hbm>>
        tpu.enqueue_dma source(%dma_start3A_360 : memref<8x128xi32, #tpu.memory_space<hbm>>) target(%arg9 : memref<8x128xi32, #tpu.memory_space<vmem>>) target_semaphore(%run_scoped3A_356 : memref<!tpu.dma_semaphore, #tpu.memory_space<semaphore_mem>>)
        %dma_wait3A_361 = arith.constant 0 : i32
        %dma_wait3A_362 = tpu.memref_slice %arg4[%add3A_148, %dma_wait3A_361] : memref<2560x128xi32, #tpu.memory_space<hbm>> -> memref<8x128xi32, #tpu.memory_space<hbm>>
        %dma_wait3A_363 = arith.constant 0 : i32
        %dma_wait3A_364 = tpu.memref_slice %arg4[%add3A_148, %dma_wait3A_363] : memref<2560x128xi32, #tpu.memory_space<hbm>> -> memref<8x128xi32, #tpu.memory_space<hbm>>
        tpu.wait_dma2 semaphore(%run_scoped3A_356 : memref<!tpu.dma_semaphore, #tpu.memory_space<semaphore_mem>>) src(%dma_wait3A_364 : memref<8x128xi32, #tpu.memory_space<hbm>>) dst(%arg9 : memref<8x128xi32, #tpu.memory_space<vmem>>)
        tpu.yield
      }) : () -> ()
      %dma_start3A_149 = arith.constant 0 : i32
      %dma_start3A_150 = arith.constant 0 : i32
      %dma_start3A_151 = arith.constant 0 : i32
      %dma_start3A_152 = arith.constant 0 : i32
      %dma_start3A_153 = tpu.memref_slice %arg10[%dma_start3A_150, %dma_start3A_151, %dma_start3A_152] : memref<2x128x128xf32, #tpu.memory_space<vmem>> -> memref<1x128x128xf32, #tpu.memory_space<vmem>>
      %dma_start3A_154 = tpu.memref_squeeze %dma_start3A_153 : memref<1x128x128xf32, #tpu.memory_space<vmem>> -> memref<128x128xf32, #tpu.memory_space<vmem>>
      %dma_start3A_155 = arith.constant 0 : i32
      %dma_start3A_156 = tpu.memref_slice %arg8[%dma_start3A_149, %dma_start3A_155] : memref<8x128xi32, #tpu.memory_space<vmem>> -> memref<1x128xi32, #tpu.memory_space<vmem>>
      %dma_start3A_157 = tpu.memref_squeeze %dma_start3A_156 : memref<1x128xi32, #tpu.memory_space<vmem>> -> memref<128xi32, #tpu.memory_space<vmem>>
      %dma_start3A_158 = arith.constant 0 : i32
      %dma_start3A_159 = arith.constant 0 : i32
      %dma_start3A_160 = tpu.memref_slice %arg2[%dma_start3A_158, %dma_start3A_159] : memref<10000x128xf32, #tpu.memory_space<hbm>> -> memref<10000x128xf32, #tpu.memory_space<hbm>>
      tpu.enqueue_indirect_dma source(%dma_start3A_160 : memref<10000x128xf32, #tpu.memory_space<hbm>>) target(%dma_start3A_154 : memref<128x128xf32, #tpu.memory_space<vmem>>) offsets(%dma_start3A_157 : memref<128xi32, #tpu.memory_space<vmem>>) semaphore(%arg12 : memref<!tpu.dma_semaphore, #tpu.memory_space<semaphore_mem>>)
      %dma_start3A_161 = arith.constant 1 : i32
      %dma_start3A_162 = arith.constant 1 : i32
      %dma_start3A_163 = arith.constant 0 : i32
      %dma_start3A_164 = arith.constant 0 : i32
      %dma_start3A_165 = tpu.memref_slice %arg10[%dma_start3A_162, %dma_start3A_163, %dma_start3A_164] : memref<2x128x128xf32, #tpu.memory_space<vmem>> -> memref<1x128x128xf32, #tpu.memory_space<vmem>>
      %dma_start3A_166 = tpu.memref_squeeze %dma_start3A_165 : memref<1x128x128xf32, #tpu.memory_space<vmem>> -> memref<128x128xf32, #tpu.memory_space<vmem>>
      %dma_start3A_167 = arith.constant 0 : i32
      %dma_start3A_168 = tpu.memref_slice %arg8[%dma_start3A_161, %dma_start3A_167] : memref<8x128xi32, #tpu.memory_space<vmem>> -> memref<1x128xi32, #tpu.memory_space<vmem>>
      %dma_start3A_169 = tpu.memref_squeeze %dma_start3A_168 : memref<1x128xi32, #tpu.memory_space<vmem>> -> memref<128xi32, #tpu.memory_space<vmem>>
      %dma_start3A_170 = arith.constant 0 : i32
      %dma_start3A_171 = arith.constant 0 : i32
      %dma_start3A_172 = tpu.memref_slice %arg2[%dma_start3A_170, %dma_start3A_171] : memref<10000x128xf32, #tpu.memory_space<hbm>> -> memref<10000x128xf32, #tpu.memory_space<hbm>>
      tpu.enqueue_indirect_dma source(%dma_start3A_172 : memref<10000x128xf32, #tpu.memory_space<hbm>>) target(%dma_start3A_166 : memref<128x128xf32, #tpu.memory_space<vmem>>) offsets(%dma_start3A_169 : memref<128xi32, #tpu.memory_space<vmem>>) semaphore(%arg13 : memref<!tpu.dma_semaphore, #tpu.memory_space<semaphore_mem>>)
      %dma_wait3A_173 = arith.constant 0 : i32
      %dma_wait3A_174 = arith.constant 0 : i32
      %dma_wait3A_175 = arith.constant 0 : i32
      %dma_wait3A_176 = arith.constant 0 : i32
      %dma_wait3A_177 = tpu.memref_slice %arg10[%dma_wait3A_174, %dma_wait3A_175, %dma_wait3A_176] : memref<2x128x128xf32, #tpu.memory_space<vmem>> -> memref<1x128x128xf32, #tpu.memory_space<vmem>>
      %dma_wait3A_178 = tpu.memref_squeeze %dma_wait3A_177 : memref<1x128x128xf32, #tpu.memory_space<vmem>> -> memref<128x128xf32, #tpu.memory_space<vmem>>
      %dma_wait3A_179 = arith.constant 0 : i32
      %dma_wait3A_180 = tpu.memref_slice %arg8[%dma_wait3A_173, %dma_wait3A_179] : memref<8x128xi32, #tpu.memory_space<vmem>> -> memref<1x128xi32, #tpu.memory_space<vmem>>
      %dma_wait3A_181 = tpu.memref_squeeze %dma_wait3A_180 : memref<1x128xi32, #tpu.memory_space<vmem>> -> memref<128xi32, #tpu.memory_space<vmem>>
      %dma_wait3A_182 = arith.constant 0 : i32
      %dma_wait3A_183 = arith.constant 0 : i32
      %dma_wait3A_184 = tpu.memref_slice %arg2[%dma_wait3A_182, %dma_wait3A_183] : memref<10000x128xf32, #tpu.memory_space<hbm>> -> memref<10000x128xf32, #tpu.memory_space<hbm>>
      tpu.wait_indirect_dma semaphore(%arg12 : memref<!tpu.dma_semaphore, #tpu.memory_space<semaphore_mem>>) src(%dma_wait3A_184 : memref<10000x128xf32, #tpu.memory_space<hbm>>) dst(%dma_wait3A_178 : memref<128x128xf32, #tpu.memory_space<vmem>>)
      %run_scoped3A = arith.constant 0 : i32
      %run_scoped3A_185 = arith.constant 0 : i32
      "tpu.region"() ({
        %run_scoped3A_356 = tpu.sem_alloc : memref<!tpu.dma_semaphore, #tpu.memory_space<semaphore_mem>>
        %dma_start3A_357 = arith.constant 0 : i32
        %dma_start3A_358 = arith.constant 0 : i32
        %dma_start3A_359 = tpu.memref_slice %arg10[%run_scoped3A, %dma_start3A_357, %dma_start3A_358] : memref<2x128x128xf32, #tpu.memory_space<vmem>> -> memref<1x128x128xf32, #tpu.memory_space<vmem>>
        %dma_start3A_360 = tpu.memref_squeeze %dma_start3A_359 : memref<1x128x128xf32, #tpu.memory_space<vmem>> -> memref<128x128xf32, #tpu.memory_space<vmem>>
        %dma_start3A_361 = arith.constant 0 : i32
        %dma_start3A_362 = tpu.memref_slice %arg9[%run_scoped3A_185, %dma_start3A_361] : memref<8x128xi32, #tpu.memory_space<vmem>> -> memref<1x128xi32, #tpu.memory_space<vmem>>
        %dma_start3A_363 = tpu.memref_squeeze %dma_start3A_362 : memref<1x128xi32, #tpu.memory_space<vmem>> -> memref<128xi32, #tpu.memory_space<vmem>>
        %dma_start3A_364 = arith.constant 0 : i32
        %dma_start3A_365 = arith.constant 0 : i32
        %dma_start3A_366 = tpu.memref_slice %arg11[%dma_start3A_364, %dma_start3A_365] : memref<10112x128xf32, #tpu.memory_space<vmem_shared>> -> memref<10112x128xf32, #tpu.memory_space<vmem_shared>>
        tpu.enqueue_indirect_dma source(%dma_start3A_360 : memref<128x128xf32, #tpu.memory_space<vmem>>) target(%dma_start3A_366 : memref<10112x128xf32, #tpu.memory_space<vmem_shared>>) offsets(%dma_start3A_363 : memref<128xi32, #tpu.memory_space<vmem>>) semaphore(%run_scoped3A_356 : memref<!tpu.dma_semaphore, #tpu.memory_space<semaphore_mem>>) {add = true}
        %dma_wait3A_367 = arith.constant 0 : i32
        %dma_wait3A_368 = arith.constant 0 : i32
        %dma_wait3A_369 = tpu.memref_slice %arg10[%run_scoped3A, %dma_wait3A_367, %dma_wait3A_368] : memref<2x128x128xf32, #tpu.memory_space<vmem>> -> memref<1x128x128xf32, #tpu.memory_space<vmem>>
        %dma_wait3A_370 = tpu.memref_squeeze %dma_wait3A_369 : memref<1x128x128xf32, #tpu.memory_space<vmem>> -> memref<128x128xf32, #tpu.memory_space<vmem>>
        %dma_wait3A_371 = arith.constant 0 : i32
        %dma_wait3A_372 = tpu.memref_slice %arg9[%run_scoped3A_185, %dma_wait3A_371] : memref<8x128xi32, #tpu.memory_space<vmem>> -> memref<1x128xi32, #tpu.memory_space<vmem>>
        %dma_wait3A_373 = tpu.memref_squeeze %dma_wait3A_372 : memref<1x128xi32, #tpu.memory_space<vmem>> -> memref<128xi32, #tpu.memory_space<vmem>>
        %dma_wait3A_374 = arith.constant 0 : i32
        %dma_wait3A_375 = arith.constant 0 : i32
        %dma_wait3A_376 = tpu.memref_slice %arg11[%dma_wait3A_374, %dma_wait3A_375] : memref<10112x128xf32, #tpu.memory_space<vmem_shared>> -> memref<10112x128xf32, #tpu.memory_space<vmem_shared>>
        tpu.wait_indirect_dma semaphore(%run_scoped3A_356 : memref<!tpu.dma_semaphore, #tpu.memory_space<semaphore_mem>>) src(%dma_wait3A_370 : memref<128x128xf32, #tpu.memory_space<vmem>>) dst(%dma_wait3A_376 : memref<10112x128xf32, #tpu.memory_space<vmem_shared>>)
        tpu.yield
      }) : () -> ()
      %dma_start3A_186 = arith.constant 2 : i32
      %dma_start3A_187 = arith.constant 0 : i32
      %dma_start3A_188 = arith.constant 0 : i32
      %dma_start3A_189 = arith.constant 0 : i32
      %dma_start3A_190 = tpu.memref_slice %arg10[%dma_start3A_187, %dma_start3A_188, %dma_start3A_189] : memref<2x128x128xf32, #tpu.memory_space<vmem>> -> memref<1x128x128xf32, #tpu.memory_space<vmem>>
      %dma_start3A_191 = tpu.memref_squeeze %dma_start3A_190 : memref<1x128x128xf32, #tpu.memory_space<vmem>> -> memref<128x128xf32, #tpu.memory_space<vmem>>
      %dma_start3A_192 = arith.constant 0 : i32
      %dma_start3A_193 = tpu.memref_slice %arg8[%dma_start3A_186, %dma_start3A_192] : memref<8x128xi32, #tpu.memory_space<vmem>> -> memref<1x128xi32, #tpu.memory_space<vmem>>
      %dma_start3A_194 = tpu.memref_squeeze %dma_start3A_193 : memref<1x128xi32, #tpu.memory_space<vmem>> -> memref<128xi32, #tpu.memory_space<vmem>>
      %dma_start3A_195 = arith.constant 0 : i32
      %dma_start3A_196 = arith.constant 0 : i32
      %dma_start3A_197 = tpu.memref_slice %arg2[%dma_start3A_195, %dma_start3A_196] : memref<10000x128xf32, #tpu.memory_space<hbm>> -> memref<10000x128xf32, #tpu.memory_space<hbm>>
      tpu.enqueue_indirect_dma source(%dma_start3A_197 : memref<10000x128xf32, #tpu.memory_space<hbm>>) target(%dma_start3A_191 : memref<128x128xf32, #tpu.memory_space<vmem>>) offsets(%dma_start3A_194 : memref<128xi32, #tpu.memory_space<vmem>>) semaphore(%arg12 : memref<!tpu.dma_semaphore, #tpu.memory_space<semaphore_mem>>)
      %dma_wait3A_198 = arith.constant 1 : i32
      %dma_wait3A_199 = arith.constant 1 : i32
      %dma_wait3A_200 = arith.constant 0 : i32
      %dma_wait3A_201 = arith.constant 0 : i32
      %dma_wait3A_202 = tpu.memref_slice %arg10[%dma_wait3A_199, %dma_wait3A_200, %dma_wait3A_201] : memref<2x128x128xf32, #tpu.memory_space<vmem>> -> memref<1x128x128xf32, #tpu.memory_space<vmem>>
      %dma_wait3A_203 = tpu.memref_squeeze %dma_wait3A_202 : memref<1x128x128xf32, #tpu.memory_space<vmem>> -> memref<128x128xf32, #tpu.memory_space<vmem>>
      %dma_wait3A_204 = arith.constant 0 : i32
      %dma_wait3A_205 = tpu.memref_slice %arg8[%dma_wait3A_198, %dma_wait3A_204] : memref<8x128xi32, #tpu.memory_space<vmem>> -> memref<1x128xi32, #tpu.memory_space<vmem>>
      %dma_wait3A_206 = tpu.memref_squeeze %dma_wait3A_205 : memref<1x128xi32, #tpu.memory_space<vmem>> -> memref<128xi32, #tpu.memory_space<vmem>>
      %dma_wait3A_207 = arith.constant 0 : i32
      %dma_wait3A_208 = arith.constant 0 : i32
      %dma_wait3A_209 = tpu.memref_slice %arg2[%dma_wait3A_207, %dma_wait3A_208] : memref<10000x128xf32, #tpu.memory_space<hbm>> -> memref<10000x128xf32, #tpu.memory_space<hbm>>
      tpu.wait_indirect_dma semaphore(%arg13 : memref<!tpu.dma_semaphore, #tpu.memory_space<semaphore_mem>>) src(%dma_wait3A_209 : memref<10000x128xf32, #tpu.memory_space<hbm>>) dst(%dma_wait3A_203 : memref<128x128xf32, #tpu.memory_space<vmem>>)
      %run_scoped3A_210 = arith.constant 1 : i32
      %run_scoped3A_211 = arith.constant 1 : i32
      "tpu.region"() ({
        %run_scoped3A_356 = tpu.sem_alloc : memref<!tpu.dma_semaphore, #tpu.memory_space<semaphore_mem>>
        %dma_start3A_357 = arith.constant 0 : i32
        %dma_start3A_358 = arith.constant 0 : i32
        %dma_start3A_359 = tpu.memref_slice %arg10[%run_scoped3A_210, %dma_start3A_357, %dma_start3A_358] : memref<2x128x128xf32, #tpu.memory_space<vmem>> -> memref<1x128x128xf32, #tpu.memory_space<vmem>>
        %dma_start3A_360 = tpu.memref_squeeze %dma_start3A_359 : memref<1x128x128xf32, #tpu.memory_space<vmem>> -> memref<128x128xf32, #tpu.memory_space<vmem>>
        %dma_start3A_361 = arith.constant 0 : i32
        %dma_start3A_362 = tpu.memref_slice %arg9[%run_scoped3A_211, %dma_start3A_361] : memref<8x128xi32, #tpu.memory_space<vmem>> -> memref<1x128xi32, #tpu.memory_space<vmem>>
        %dma_start3A_363 = tpu.memref_squeeze %dma_start3A_362 : memref<1x128xi32, #tpu.memory_space<vmem>> -> memref<128xi32, #tpu.memory_space<vmem>>
        %dma_start3A_364 = arith.constant 0 : i32
        %dma_start3A_365 = arith.constant 0 : i32
        %dma_start3A_366 = tpu.memref_slice %arg11[%dma_start3A_364, %dma_start3A_365] : memref<10112x128xf32, #tpu.memory_space<vmem_shared>> -> memref<10112x128xf32, #tpu.memory_space<vmem_shared>>
        tpu.enqueue_indirect_dma source(%dma_start3A_360 : memref<128x128xf32, #tpu.memory_space<vmem>>) target(%dma_start3A_366 : memref<10112x128xf32, #tpu.memory_space<vmem_shared>>) offsets(%dma_start3A_363 : memref<128xi32, #tpu.memory_space<vmem>>) semaphore(%run_scoped3A_356 : memref<!tpu.dma_semaphore, #tpu.memory_space<semaphore_mem>>) {add = true}
        %dma_wait3A_367 = arith.constant 0 : i32
        %dma_wait3A_368 = arith.constant 0 : i32
        %dma_wait3A_369 = tpu.memref_slice %arg10[%run_scoped3A_210, %dma_wait3A_367, %dma_wait3A_368] : memref<2x128x128xf32, #tpu.memory_space<vmem>> -> memref<1x128x128xf32, #tpu.memory_space<vmem>>
        %dma_wait3A_370 = tpu.memref_squeeze %dma_wait3A_369 : memref<1x128x128xf32, #tpu.memory_space<vmem>> -> memref<128x128xf32, #tpu.memory_space<vmem>>
        %dma_wait3A_371 = arith.constant 0 : i32
        %dma_wait3A_372 = tpu.memref_slice %arg9[%run_scoped3A_211, %dma_wait3A_371] : memref<8x128xi32, #tpu.memory_space<vmem>> -> memref<1x128xi32, #tpu.memory_space<vmem>>
        %dma_wait3A_373 = tpu.memref_squeeze %dma_wait3A_372 : memref<1x128xi32, #tpu.memory_space<vmem>> -> memref<128xi32, #tpu.memory_space<vmem>>
        %dma_wait3A_374 = arith.constant 0 : i32
        %dma_wait3A_375 = arith.constant 0 : i32
        %dma_wait3A_376 = tpu.memref_slice %arg11[%dma_wait3A_374, %dma_wait3A_375] : memref<10112x128xf32, #tpu.memory_space<vmem_shared>> -> memref<10112x128xf32, #tpu.memory_space<vmem_shared>>
        tpu.wait_indirect_dma semaphore(%run_scoped3A_356 : memref<!tpu.dma_semaphore, #tpu.memory_space<semaphore_mem>>) src(%dma_wait3A_370 : memref<128x128xf32, #tpu.memory_space<vmem>>) dst(%dma_wait3A_376 : memref<10112x128xf32, #tpu.memory_space<vmem_shared>>)
        tpu.yield
      }) : () -> ()
      %dma_start3A_212 = arith.constant 3 : i32
      %dma_start3A_213 = arith.constant 1 : i32
      %dma_start3A_214 = arith.constant 0 : i32
      %dma_start3A_215 = arith.constant 0 : i32
      %dma_start3A_216 = tpu.memref_slice %arg10[%dma_start3A_213, %dma_start3A_214, %dma_start3A_215] : memref<2x128x128xf32, #tpu.memory_space<vmem>> -> memref<1x128x128xf32, #tpu.memory_space<vmem>>
      %dma_start3A_217 = tpu.memref_squeeze %dma_start3A_216 : memref<1x128x128xf32, #tpu.memory_space<vmem>> -> memref<128x128xf32, #tpu.memory_space<vmem>>
      %dma_start3A_218 = arith.constant 0 : i32
      %dma_start3A_219 = tpu.memref_slice %arg8[%dma_start3A_212, %dma_start3A_218] : memref<8x128xi32, #tpu.memory_space<vmem>> -> memref<1x128xi32, #tpu.memory_space<vmem>>
      %dma_start3A_220 = tpu.memref_squeeze %dma_start3A_219 : memref<1x128xi32, #tpu.memory_space<vmem>> -> memref<128xi32, #tpu.memory_space<vmem>>
      %dma_start3A_221 = arith.constant 0 : i32
      %dma_start3A_222 = arith.constant 0 : i32
      %dma_start3A_223 = tpu.memref_slice %arg2[%dma_start3A_221, %dma_start3A_222] : memref<10000x128xf32, #tpu.memory_space<hbm>> -> memref<10000x128xf32, #tpu.memory_space<hbm>>
      tpu.enqueue_indirect_dma source(%dma_start3A_223 : memref<10000x128xf32, #tpu.memory_space<hbm>>) target(%dma_start3A_217 : memref<128x128xf32, #tpu.memory_space<vmem>>) offsets(%dma_start3A_220 : memref<128xi32, #tpu.memory_space<vmem>>) semaphore(%arg13 : memref<!tpu.dma_semaphore, #tpu.memory_space<semaphore_mem>>)
      %dma_wait3A_224 = arith.constant 2 : i32
      %dma_wait3A_225 = arith.constant 0 : i32
      %dma_wait3A_226 = arith.constant 0 : i32
      %dma_wait3A_227 = arith.constant 0 : i32
      %dma_wait3A_228 = tpu.memref_slice %arg10[%dma_wait3A_225, %dma_wait3A_226, %dma_wait3A_227] : memref<2x128x128xf32, #tpu.memory_space<vmem>> -> memref<1x128x128xf32, #tpu.memory_space<vmem>>
      %dma_wait3A_229 = tpu.memref_squeeze %dma_wait3A_228 : memref<1x128x128xf32, #tpu.memory_space<vmem>> -> memref<128x128xf32, #tpu.memory_space<vmem>>
      %dma_wait3A_230 = arith.constant 0 : i32
      %dma_wait3A_231 = tpu.memref_slice %arg8[%dma_wait3A_224, %dma_wait3A_230] : memref<8x128xi32, #tpu.memory_space<vmem>> -> memref<1x128xi32, #tpu.memory_space<vmem>>
      %dma_wait3A_232 = tpu.memref_squeeze %dma_wait3A_231 : memref<1x128xi32, #tpu.memory_space<vmem>> -> memref<128xi32, #tpu.memory_space<vmem>>
      %dma_wait3A_233 = arith.constant 0 : i32
      %dma_wait3A_234 = arith.constant 0 : i32
      %dma_wait3A_235 = tpu.memref_slice %arg2[%dma_wait3A_233, %dma_wait3A_234] : memref<10000x128xf32, #tpu.memory_space<hbm>> -> memref<10000x128xf32, #tpu.memory_space<hbm>>
      tpu.wait_indirect_dma semaphore(%arg12 : memref<!tpu.dma_semaphore, #tpu.memory_space<semaphore_mem>>) src(%dma_wait3A_235 : memref<10000x128xf32, #tpu.memory_space<hbm>>) dst(%dma_wait3A_229 : memref<128x128xf32, #tpu.memory_space<vmem>>)
      %run_scoped3A_236 = arith.constant 0 : i32
      %run_scoped3A_237 = arith.constant 2 : i32
      "tpu.region"() ({
        %run_scoped3A_356 = tpu.sem_alloc : memref<!tpu.dma_semaphore, #tpu.memory_space<semaphore_mem>>
        %dma_start3A_357 = arith.constant 0 : i32
        %dma_start3A_358 = arith.constant 0 : i32
        %dma_start3A_359 = tpu.memref_slice %arg10[%run_scoped3A_236, %dma_start3A_357, %dma_start3A_358] : memref<2x128x128xf32, #tpu.memory_space<vmem>> -> memref<1x128x128xf32, #tpu.memory_space<vmem>>
        %dma_start3A_360 = tpu.memref_squeeze %dma_start3A_359 : memref<1x128x128xf32, #tpu.memory_space<vmem>> -> memref<128x128xf32, #tpu.memory_space<vmem>>
        %dma_start3A_361 = arith.constant 0 : i32
        %dma_start3A_362 = tpu.memref_slice %arg9[%run_scoped3A_237, %dma_start3A_361] : memref<8x128xi32, #tpu.memory_space<vmem>> -> memref<1x128xi32, #tpu.memory_space<vmem>>
        %dma_start3A_363 = tpu.memref_squeeze %dma_start3A_362 : memref<1x128xi32, #tpu.memory_space<vmem>> -> memref<128xi32, #tpu.memory_space<vmem>>
        %dma_start3A_364 = arith.constant 0 : i32
        %dma_start3A_365 = arith.constant 0 : i32
        %dma_start3A_366 = tpu.memref_slice %arg11[%dma_start3A_364, %dma_start3A_365] : memref<10112x128xf32, #tpu.memory_space<vmem_shared>> -> memref<10112x128xf32, #tpu.memory_space<vmem_shared>>
        tpu.enqueue_indirect_dma source(%dma_start3A_360 : memref<128x128xf32, #tpu.memory_space<vmem>>) target(%dma_start3A_366 : memref<10112x128xf32, #tpu.memory_space<vmem_shared>>) offsets(%dma_start3A_363 : memref<128xi32, #tpu.memory_space<vmem>>) semaphore(%run_scoped3A_356 : memref<!tpu.dma_semaphore, #tpu.memory_space<semaphore_mem>>) {add = true}
        %dma_wait3A_367 = arith.constant 0 : i32
        %dma_wait3A_368 = arith.constant 0 : i32
        %dma_wait3A_369 = tpu.memref_slice %arg10[%run_scoped3A_236, %dma_wait3A_367, %dma_wait3A_368] : memref<2x128x128xf32, #tpu.memory_space<vmem>> -> memref<1x128x128xf32, #tpu.memory_space<vmem>>
        %dma_wait3A_370 = tpu.memref_squeeze %dma_wait3A_369 : memref<1x128x128xf32, #tpu.memory_space<vmem>> -> memref<128x128xf32, #tpu.memory_space<vmem>>
        %dma_wait3A_371 = arith.constant 0 : i32
        %dma_wait3A_372 = tpu.memref_slice %arg9[%run_scoped3A_237, %dma_wait3A_371] : memref<8x128xi32, #tpu.memory_space<vmem>> -> memref<1x128xi32, #tpu.memory_space<vmem>>
        %dma_wait3A_373 = tpu.memref_squeeze %dma_wait3A_372 : memref<1x128xi32, #tpu.memory_space<vmem>> -> memref<128xi32, #tpu.memory_space<vmem>>
        %dma_wait3A_374 = arith.constant 0 : i32
        %dma_wait3A_375 = arith.constant 0 : i32
        %dma_wait3A_376 = tpu.memref_slice %arg11[%dma_wait3A_374, %dma_wait3A_375] : memref<10112x128xf32, #tpu.memory_space<vmem_shared>> -> memref<10112x128xf32, #tpu.memory_space<vmem_shared>>
        tpu.wait_indirect_dma semaphore(%run_scoped3A_356 : memref<!tpu.dma_semaphore, #tpu.memory_space<semaphore_mem>>) src(%dma_wait3A_370 : memref<128x128xf32, #tpu.memory_space<vmem>>) dst(%dma_wait3A_376 : memref<10112x128xf32, #tpu.memory_space<vmem_shared>>)
        tpu.yield
      }) : () -> ()
      %dma_start3A_238 = arith.constant 4 : i32
      %dma_start3A_239 = arith.constant 0 : i32
      %dma_start3A_240 = arith.constant 0 : i32
      %dma_start3A_241 = arith.constant 0 : i32
      %dma_start3A_242 = tpu.memref_slice %arg10[%dma_start3A_239, %dma_start3A_240, %dma_start3A_241] : memref<2x128x128xf32, #tpu.memory_space<vmem>> -> memref<1x128x128xf32, #tpu.memory_space<vmem>>
      %dma_start3A_243 = tpu.memref_squeeze %dma_start3A_242 : memref<1x128x128xf32, #tpu.memory_space<vmem>> -> memref<128x128xf32, #tpu.memory_space<vmem>>
      %dma_start3A_244 = arith.constant 0 : i32
      %dma_start3A_245 = tpu.memref_slice %arg8[%dma_start3A_238, %dma_start3A_244] : memref<8x128xi32, #tpu.memory_space<vmem>> -> memref<1x128xi32, #tpu.memory_space<vmem>>
      %dma_start3A_246 = tpu.memref_squeeze %dma_start3A_245 : memref<1x128xi32, #tpu.memory_space<vmem>> -> memref<128xi32, #tpu.memory_space<vmem>>
      %dma_start3A_247 = arith.constant 0 : i32
      %dma_start3A_248 = arith.constant 0 : i32
      %dma_start3A_249 = tpu.memref_slice %arg2[%dma_start3A_247, %dma_start3A_248] : memref<10000x128xf32, #tpu.memory_space<hbm>> -> memref<10000x128xf32, #tpu.memory_space<hbm>>
      tpu.enqueue_indirect_dma source(%dma_start3A_249 : memref<10000x128xf32, #tpu.memory_space<hbm>>) target(%dma_start3A_243 : memref<128x128xf32, #tpu.memory_space<vmem>>) offsets(%dma_start3A_246 : memref<128xi32, #tpu.memory_space<vmem>>) semaphore(%arg12 : memref<!tpu.dma_semaphore, #tpu.memory_space<semaphore_mem>>)
      %dma_wait3A_250 = arith.constant 3 : i32
      %dma_wait3A_251 = arith.constant 1 : i32
      %dma_wait3A_252 = arith.constant 0 : i32
      %dma_wait3A_253 = arith.constant 0 : i32
      %dma_wait3A_254 = tpu.memref_slice %arg10[%dma_wait3A_251, %dma_wait3A_252, %dma_wait3A_253] : memref<2x128x128xf32, #tpu.memory_space<vmem>> -> memref<1x128x128xf32, #tpu.memory_space<vmem>>
      %dma_wait3A_255 = tpu.memref_squeeze %dma_wait3A_254 : memref<1x128x128xf32, #tpu.memory_space<vmem>> -> memref<128x128xf32, #tpu.memory_space<vmem>>
      %dma_wait3A_256 = arith.constant 0 : i32
      %dma_wait3A_257 = tpu.memref_slice %arg8[%dma_wait3A_250, %dma_wait3A_256] : memref<8x128xi32, #tpu.memory_space<vmem>> -> memref<1x128xi32, #tpu.memory_space<vmem>>
      %dma_wait3A_258 = tpu.memref_squeeze %dma_wait3A_257 : memref<1x128xi32, #tpu.memory_space<vmem>> -> memref<128xi32, #tpu.memory_space<vmem>>
      %dma_wait3A_259 = arith.constant 0 : i32
      %dma_wait3A_260 = arith.constant 0 : i32
      %dma_wait3A_261 = tpu.memref_slice %arg2[%dma_wait3A_259, %dma_wait3A_260] : memref<10000x128xf32, #tpu.memory_space<hbm>> -> memref<10000x128xf32, #tpu.memory_space<hbm>>
      tpu.wait_indirect_dma semaphore(%arg13 : memref<!tpu.dma_semaphore, #tpu.memory_space<semaphore_mem>>) src(%dma_wait3A_261 : memref<10000x128xf32, #tpu.memory_space<hbm>>) dst(%dma_wait3A_255 : memref<128x128xf32, #tpu.memory_space<vmem>>)
      %run_scoped3A_262 = arith.constant 1 : i32
      %run_scoped3A_263 = arith.constant 3 : i32
      "tpu.region"() ({
        %run_scoped3A_356 = tpu.sem_alloc : memref<!tpu.dma_semaphore, #tpu.memory_space<semaphore_mem>>
        %dma_start3A_357 = arith.constant 0 : i32
        %dma_start3A_358 = arith.constant 0 : i32
        %dma_start3A_359 = tpu.memref_slice %arg10[%run_scoped3A_262, %dma_start3A_357, %dma_start3A_358] : memref<2x128x128xf32, #tpu.memory_space<vmem>> -> memref<1x128x128xf32, #tpu.memory_space<vmem>>
        %dma_start3A_360 = tpu.memref_squeeze %dma_start3A_359 : memref<1x128x128xf32, #tpu.memory_space<vmem>> -> memref<128x128xf32, #tpu.memory_space<vmem>>
        %dma_start3A_361 = arith.constant 0 : i32
        %dma_start3A_362 = tpu.memref_slice %arg9[%run_scoped3A_263, %dma_start3A_361] : memref<8x128xi32, #tpu.memory_space<vmem>> -> memref<1x128xi32, #tpu.memory_space<vmem>>
        %dma_start3A_363 = tpu.memref_squeeze %dma_start3A_362 : memref<1x128xi32, #tpu.memory_space<vmem>> -> memref<128xi32, #tpu.memory_space<vmem>>
        %dma_start3A_364 = arith.constant 0 : i32
        %dma_start3A_365 = arith.constant 0 : i32
        %dma_start3A_366 = tpu.memref_slice %arg11[%dma_start3A_364, %dma_start3A_365] : memref<10112x128xf32, #tpu.memory_space<vmem_shared>> -> memref<10112x128xf32, #tpu.memory_space<vmem_shared>>
        tpu.enqueue_indirect_dma source(%dma_start3A_360 : memref<128x128xf32, #tpu.memory_space<vmem>>) target(%dma_start3A_366 : memref<10112x128xf32, #tpu.memory_space<vmem_shared>>) offsets(%dma_start3A_363 : memref<128xi32, #tpu.memory_space<vmem>>) semaphore(%run_scoped3A_356 : memref<!tpu.dma_semaphore, #tpu.memory_space<semaphore_mem>>) {add = true}
        %dma_wait3A_367 = arith.constant 0 : i32
        %dma_wait3A_368 = arith.constant 0 : i32
        %dma_wait3A_369 = tpu.memref_slice %arg10[%run_scoped3A_262, %dma_wait3A_367, %dma_wait3A_368] : memref<2x128x128xf32, #tpu.memory_space<vmem>> -> memref<1x128x128xf32, #tpu.memory_space<vmem>>
        %dma_wait3A_370 = tpu.memref_squeeze %dma_wait3A_369 : memref<1x128x128xf32, #tpu.memory_space<vmem>> -> memref<128x128xf32, #tpu.memory_space<vmem>>
        %dma_wait3A_371 = arith.constant 0 : i32
        %dma_wait3A_372 = tpu.memref_slice %arg9[%run_scoped3A_263, %dma_wait3A_371] : memref<8x128xi32, #tpu.memory_space<vmem>> -> memref<1x128xi32, #tpu.memory_space<vmem>>
        %dma_wait3A_373 = tpu.memref_squeeze %dma_wait3A_372 : memref<1x128xi32, #tpu.memory_space<vmem>> -> memref<128xi32, #tpu.memory_space<vmem>>
        %dma_wait3A_374 = arith.constant 0 : i32
        %dma_wait3A_375 = arith.constant 0 : i32
        %dma_wait3A_376 = tpu.memref_slice %arg11[%dma_wait3A_374, %dma_wait3A_375] : memref<10112x128xf32, #tpu.memory_space<vmem_shared>> -> memref<10112x128xf32, #tpu.memory_space<vmem_shared>>
        tpu.wait_indirect_dma semaphore(%run_scoped3A_356 : memref<!tpu.dma_semaphore, #tpu.memory_space<semaphore_mem>>) src(%dma_wait3A_370 : memref<128x128xf32, #tpu.memory_space<vmem>>) dst(%dma_wait3A_376 : memref<10112x128xf32, #tpu.memory_space<vmem_shared>>)
        tpu.yield
      }) : () -> ()
      %dma_start3A_264 = arith.constant 5 : i32
      %dma_start3A_265 = arith.constant 1 : i32
      %dma_start3A_266 = arith.constant 0 : i32
      %dma_start3A_267 = arith.constant 0 : i32
      %dma_start3A_268 = tpu.memref_slice %arg10[%dma_start3A_265, %dma_start3A_266, %dma_start3A_267] : memref<2x128x128xf32, #tpu.memory_space<vmem>> -> memref<1x128x128xf32, #tpu.memory_space<vmem>>
      %dma_start3A_269 = tpu.memref_squeeze %dma_start3A_268 : memref<1x128x128xf32, #tpu.memory_space<vmem>> -> memref<128x128xf32, #tpu.memory_space<vmem>>
      %dma_start3A_270 = arith.constant 0 : i32
      %dma_start3A_271 = tpu.memref_slice %arg8[%dma_start3A_264, %dma_start3A_270] : memref<8x128xi32, #tpu.memory_space<vmem>> -> memref<1x128xi32, #tpu.memory_space<vmem>>
      %dma_start3A_272 = tpu.memref_squeeze %dma_start3A_271 : memref<1x128xi32, #tpu.memory_space<vmem>> -> memref<128xi32, #tpu.memory_space<vmem>>
      %dma_start3A_273 = arith.constant 0 : i32
      %dma_start3A_274 = arith.constant 0 : i32
      %dma_start3A_275 = tpu.memref_slice %arg2[%dma_start3A_273, %dma_start3A_274] : memref<10000x128xf32, #tpu.memory_space<hbm>> -> memref<10000x128xf32, #tpu.memory_space<hbm>>
      tpu.enqueue_indirect_dma source(%dma_start3A_275 : memref<10000x128xf32, #tpu.memory_space<hbm>>) target(%dma_start3A_269 : memref<128x128xf32, #tpu.memory_space<vmem>>) offsets(%dma_start3A_272 : memref<128xi32, #tpu.memory_space<vmem>>) semaphore(%arg13 : memref<!tpu.dma_semaphore, #tpu.memory_space<semaphore_mem>>)
      %dma_wait3A_276 = arith.constant 4 : i32
      %dma_wait3A_277 = arith.constant 0 : i32
      %dma_wait3A_278 = arith.constant 0 : i32
      %dma_wait3A_279 = arith.constant 0 : i32
      %dma_wait3A_280 = tpu.memref_slice %arg10[%dma_wait3A_277, %dma_wait3A_278, %dma_wait3A_279] : memref<2x128x128xf32, #tpu.memory_space<vmem>> -> memref<1x128x128xf32, #tpu.memory_space<vmem>>
      %dma_wait3A_281 = tpu.memref_squeeze %dma_wait3A_280 : memref<1x128x128xf32, #tpu.memory_space<vmem>> -> memref<128x128xf32, #tpu.memory_space<vmem>>
      %dma_wait3A_282 = arith.constant 0 : i32
      %dma_wait3A_283 = tpu.memref_slice %arg8[%dma_wait3A_276, %dma_wait3A_282] : memref<8x128xi32, #tpu.memory_space<vmem>> -> memref<1x128xi32, #tpu.memory_space<vmem>>
      %dma_wait3A_284 = tpu.memref_squeeze %dma_wait3A_283 : memref<1x128xi32, #tpu.memory_space<vmem>> -> memref<128xi32, #tpu.memory_space<vmem>>
      %dma_wait3A_285 = arith.constant 0 : i32
      %dma_wait3A_286 = arith.constant 0 : i32
      %dma_wait3A_287 = tpu.memref_slice %arg2[%dma_wait3A_285, %dma_wait3A_286] : memref<10000x128xf32, #tpu.memory_space<hbm>> -> memref<10000x128xf32, #tpu.memory_space<hbm>>
      tpu.wait_indirect_dma semaphore(%arg12 : memref<!tpu.dma_semaphore, #tpu.memory_space<semaphore_mem>>) src(%dma_wait3A_287 : memref<10000x128xf32, #tpu.memory_space<hbm>>) dst(%dma_wait3A_281 : memref<128x128xf32, #tpu.memory_space<vmem>>)
      %run_scoped3A_288 = arith.constant 0 : i32
      %run_scoped3A_289 = arith.constant 4 : i32
      "tpu.region"() ({
        %run_scoped3A_356 = tpu.sem_alloc : memref<!tpu.dma_semaphore, #tpu.memory_space<semaphore_mem>>
        %dma_start3A_357 = arith.constant 0 : i32
        %dma_start3A_358 = arith.constant 0 : i32
        %dma_start3A_359 = tpu.memref_slice %arg10[%run_scoped3A_288, %dma_start3A_357, %dma_start3A_358] : memref<2x128x128xf32, #tpu.memory_space<vmem>> -> memref<1x128x128xf32, #tpu.memory_space<vmem>>
        %dma_start3A_360 = tpu.memref_squeeze %dma_start3A_359 : memref<1x128x128xf32, #tpu.memory_space<vmem>> -> memref<128x128xf32, #tpu.memory_space<vmem>>
        %dma_start3A_361 = arith.constant 0 : i32
        %dma_start3A_362 = tpu.memref_slice %arg9[%run_scoped3A_289, %dma_start3A_361] : memref<8x128xi32, #tpu.memory_space<vmem>> -> memref<1x128xi32, #tpu.memory_space<vmem>>
        %dma_start3A_363 = tpu.memref_squeeze %dma_start3A_362 : memref<1x128xi32, #tpu.memory_space<vmem>> -> memref<128xi32, #tpu.memory_space<vmem>>
        %dma_start3A_364 = arith.constant 0 : i32
        %dma_start3A_365 = arith.constant 0 : i32
        %dma_start3A_366 = tpu.memref_slice %arg11[%dma_start3A_364, %dma_start3A_365] : memref<10112x128xf32, #tpu.memory_space<vmem_shared>> -> memref<10112x128xf32, #tpu.memory_space<vmem_shared>>
        tpu.enqueue_indirect_dma source(%dma_start3A_360 : memref<128x128xf32, #tpu.memory_space<vmem>>) target(%dma_start3A_366 : memref<10112x128xf32, #tpu.memory_space<vmem_shared>>) offsets(%dma_start3A_363 : memref<128xi32, #tpu.memory_space<vmem>>) semaphore(%run_scoped3A_356 : memref<!tpu.dma_semaphore, #tpu.memory_space<semaphore_mem>>) {add = true}
        %dma_wait3A_367 = arith.constant 0 : i32
        %dma_wait3A_368 = arith.constant 0 : i32
        %dma_wait3A_369 = tpu.memref_slice %arg10[%run_scoped3A_288, %dma_wait3A_367, %dma_wait3A_368] : memref<2x128x128xf32, #tpu.memory_space<vmem>> -> memref<1x128x128xf32, #tpu.memory_space<vmem>>
        %dma_wait3A_370 = tpu.memref_squeeze %dma_wait3A_369 : memref<1x128x128xf32, #tpu.memory_space<vmem>> -> memref<128x128xf32, #tpu.memory_space<vmem>>
        %dma_wait3A_371 = arith.constant 0 : i32
        %dma_wait3A_372 = tpu.memref_slice %arg9[%run_scoped3A_289, %dma_wait3A_371] : memref<8x128xi32, #tpu.memory_space<vmem>> -> memref<1x128xi32, #tpu.memory_space<vmem>>
        %dma_wait3A_373 = tpu.memref_squeeze %dma_wait3A_372 : memref<1x128xi32, #tpu.memory_space<vmem>> -> memref<128xi32, #tpu.memory_space<vmem>>
        %dma_wait3A_374 = arith.constant 0 : i32
        %dma_wait3A_375 = arith.constant 0 : i32
        %dma_wait3A_376 = tpu.memref_slice %arg11[%dma_wait3A_374, %dma_wait3A_375] : memref<10112x128xf32, #tpu.memory_space<vmem_shared>> -> memref<10112x128xf32, #tpu.memory_space<vmem_shared>>
        tpu.wait_indirect_dma semaphore(%run_scoped3A_356 : memref<!tpu.dma_semaphore, #tpu.memory_space<semaphore_mem>>) src(%dma_wait3A_370 : memref<128x128xf32, #tpu.memory_space<vmem>>) dst(%dma_wait3A_376 : memref<10112x128xf32, #tpu.memory_space<vmem_shared>>)
        tpu.yield
      }) : () -> ()
      %dma_start3A_290 = arith.constant 6 : i32
      %dma_start3A_291 = arith.constant 0 : i32
      %dma_start3A_292 = arith.constant 0 : i32
      %dma_start3A_293 = arith.constant 0 : i32
      %dma_start3A_294 = tpu.memref_slice %arg10[%dma_start3A_291, %dma_start3A_292, %dma_start3A_293] : memref<2x128x128xf32, #tpu.memory_space<vmem>> -> memref<1x128x128xf32, #tpu.memory_space<vmem>>
      %dma_start3A_295 = tpu.memref_squeeze %dma_start3A_294 : memref<1x128x128xf32, #tpu.memory_space<vmem>> -> memref<128x128xf32, #tpu.memory_space<vmem>>
      %dma_start3A_296 = arith.constant 0 : i32
      %dma_start3A_297 = tpu.memref_slice %arg8[%dma_start3A_290, %dma_start3A_296] : memref<8x128xi32, #tpu.memory_space<vmem>> -> memref<1x128xi32, #tpu.memory_space<vmem>>
      %dma_start3A_298 = tpu.memref_squeeze %dma_start3A_297 : memref<1x128xi32, #tpu.memory_space<vmem>> -> memref<128xi32, #tpu.memory_space<vmem>>
      %dma_start3A_299 = arith.constant 0 : i32
      %dma_start3A_300 = arith.constant 0 : i32
      %dma_start3A_301 = tpu.memref_slice %arg2[%dma_start3A_299, %dma_start3A_300] : memref<10000x128xf32, #tpu.memory_space<hbm>> -> memref<10000x128xf32, #tpu.memory_space<hbm>>
      tpu.enqueue_indirect_dma source(%dma_start3A_301 : memref<10000x128xf32, #tpu.memory_space<hbm>>) target(%dma_start3A_295 : memref<128x128xf32, #tpu.memory_space<vmem>>) offsets(%dma_start3A_298 : memref<128xi32, #tpu.memory_space<vmem>>) semaphore(%arg12 : memref<!tpu.dma_semaphore, #tpu.memory_space<semaphore_mem>>)
      %dma_wait3A_302 = arith.constant 5 : i32
      %dma_wait3A_303 = arith.constant 1 : i32
      %dma_wait3A_304 = arith.constant 0 : i32
      %dma_wait3A_305 = arith.constant 0 : i32
      %dma_wait3A_306 = tpu.memref_slice %arg10[%dma_wait3A_303, %dma_wait3A_304, %dma_wait3A_305] : memref<2x128x128xf32, #tpu.memory_space<vmem>> -> memref<1x128x128xf32, #tpu.memory_space<vmem>>
      %dma_wait3A_307 = tpu.memref_squeeze %dma_wait3A_306 : memref<1x128x128xf32, #tpu.memory_space<vmem>> -> memref<128x128xf32, #tpu.memory_space<vmem>>
      %dma_wait3A_308 = arith.constant 0 : i32
      %dma_wait3A_309 = tpu.memref_slice %arg8[%dma_wait3A_302, %dma_wait3A_308] : memref<8x128xi32, #tpu.memory_space<vmem>> -> memref<1x128xi32, #tpu.memory_space<vmem>>
      %dma_wait3A_310 = tpu.memref_squeeze %dma_wait3A_309 : memref<1x128xi32, #tpu.memory_space<vmem>> -> memref<128xi32, #tpu.memory_space<vmem>>
      %dma_wait3A_311 = arith.constant 0 : i32
      %dma_wait3A_312 = arith.constant 0 : i32
      %dma_wait3A_313 = tpu.memref_slice %arg2[%dma_wait3A_311, %dma_wait3A_312] : memref<10000x128xf32, #tpu.memory_space<hbm>> -> memref<10000x128xf32, #tpu.memory_space<hbm>>
      tpu.wait_indirect_dma semaphore(%arg13 : memref<!tpu.dma_semaphore, #tpu.memory_space<semaphore_mem>>) src(%dma_wait3A_313 : memref<10000x128xf32, #tpu.memory_space<hbm>>) dst(%dma_wait3A_307 : memref<128x128xf32, #tpu.memory_space<vmem>>)
      %run_scoped3A_314 = arith.constant 1 : i32
      %run_scoped3A_315 = arith.constant 5 : i32
      "tpu.region"() ({
        %run_scoped3A_356 = tpu.sem_alloc : memref<!tpu.dma_semaphore, #tpu.memory_space<semaphore_mem>>
        %dma_start3A_357 = arith.constant 0 : i32
        %dma_start3A_358 = arith.constant 0 : i32
        %dma_start3A_359 = tpu.memref_slice %arg10[%run_scoped3A_314, %dma_start3A_357, %dma_start3A_358] : memref<2x128x128xf32, #tpu.memory_space<vmem>> -> memref<1x128x128xf32, #tpu.memory_space<vmem>>
        %dma_start3A_360 = tpu.memref_squeeze %dma_start3A_359 : memref<1x128x128xf32, #tpu.memory_space<vmem>> -> memref<128x128xf32, #tpu.memory_space<vmem>>
        %dma_start3A_361 = arith.constant 0 : i32
        %dma_start3A_362 = tpu.memref_slice %arg9[%run_scoped3A_315, %dma_start3A_361] : memref<8x128xi32, #tpu.memory_space<vmem>> -> memref<1x128xi32, #tpu.memory_space<vmem>>
        %dma_start3A_363 = tpu.memref_squeeze %dma_start3A_362 : memref<1x128xi32, #tpu.memory_space<vmem>> -> memref<128xi32, #tpu.memory_space<vmem>>
        %dma_start3A_364 = arith.constant 0 : i32
        %dma_start3A_365 = arith.constant 0 : i32
        %dma_start3A_366 = tpu.memref_slice %arg11[%dma_start3A_364, %dma_start3A_365] : memref<10112x128xf32, #tpu.memory_space<vmem_shared>> -> memref<10112x128xf32, #tpu.memory_space<vmem_shared>>
        tpu.enqueue_indirect_dma source(%dma_start3A_360 : memref<128x128xf32, #tpu.memory_space<vmem>>) target(%dma_start3A_366 : memref<10112x128xf32, #tpu.memory_space<vmem_shared>>) offsets(%dma_start3A_363 : memref<128xi32, #tpu.memory_space<vmem>>) semaphore(%run_scoped3A_356 : memref<!tpu.dma_semaphore, #tpu.memory_space<semaphore_mem>>) {add = true}
        %dma_wait3A_367 = arith.constant 0 : i32
        %dma_wait3A_368 = arith.constant 0 : i32
        %dma_wait3A_369 = tpu.memref_slice %arg10[%run_scoped3A_314, %dma_wait3A_367, %dma_wait3A_368] : memref<2x128x128xf32, #tpu.memory_space<vmem>> -> memref<1x128x128xf32, #tpu.memory_space<vmem>>
        %dma_wait3A_370 = tpu.memref_squeeze %dma_wait3A_369 : memref<1x128x128xf32, #tpu.memory_space<vmem>> -> memref<128x128xf32, #tpu.memory_space<vmem>>
        %dma_wait3A_371 = arith.constant 0 : i32
        %dma_wait3A_372 = tpu.memref_slice %arg9[%run_scoped3A_315, %dma_wait3A_371] : memref<8x128xi32, #tpu.memory_space<vmem>> -> memref<1x128xi32, #tpu.memory_space<vmem>>
        %dma_wait3A_373 = tpu.memref_squeeze %dma_wait3A_372 : memref<1x128xi32, #tpu.memory_space<vmem>> -> memref<128xi32, #tpu.memory_space<vmem>>
        %dma_wait3A_374 = arith.constant 0 : i32
        %dma_wait3A_375 = arith.constant 0 : i32
        %dma_wait3A_376 = tpu.memref_slice %arg11[%dma_wait3A_374, %dma_wait3A_375] : memref<10112x128xf32, #tpu.memory_space<vmem_shared>> -> memref<10112x128xf32, #tpu.memory_space<vmem_shared>>
        tpu.wait_indirect_dma semaphore(%run_scoped3A_356 : memref<!tpu.dma_semaphore, #tpu.memory_space<semaphore_mem>>) src(%dma_wait3A_370 : memref<128x128xf32, #tpu.memory_space<vmem>>) dst(%dma_wait3A_376 : memref<10112x128xf32, #tpu.memory_space<vmem_shared>>)
        tpu.yield
      }) : () -> ()
      %dma_start3A_316 = arith.constant 7 : i32
      %dma_start3A_317 = arith.constant 1 : i32
      %dma_start3A_318 = arith.constant 0 : i32
      %dma_start3A_319 = arith.constant 0 : i32
      %dma_start3A_320 = tpu.memref_slice %arg10[%dma_start3A_317, %dma_start3A_318, %dma_start3A_319] : memref<2x128x128xf32, #tpu.memory_space<vmem>> -> memref<1x128x128xf32, #tpu.memory_space<vmem>>
      %dma_start3A_321 = tpu.memref_squeeze %dma_start3A_320 : memref<1x128x128xf32, #tpu.memory_space<vmem>> -> memref<128x128xf32, #tpu.memory_space<vmem>>
      %dma_start3A_322 = arith.constant 0 : i32
      %dma_start3A_323 = tpu.memref_slice %arg8[%dma_start3A_316, %dma_start3A_322] : memref<8x128xi32, #tpu.memory_space<vmem>> -> memref<1x128xi32, #tpu.memory_space<vmem>>
      %dma_start3A_324 = tpu.memref_squeeze %dma_start3A_323 : memref<1x128xi32, #tpu.memory_space<vmem>> -> memref<128xi32, #tpu.memory_space<vmem>>
      %dma_start3A_325 = arith.constant 0 : i32
      %dma_start3A_326 = arith.constant 0 : i32
      %dma_start3A_327 = tpu.memref_slice %arg2[%dma_start3A_325, %dma_start3A_326] : memref<10000x128xf32, #tpu.memory_space<hbm>> -> memref<10000x128xf32, #tpu.memory_space<hbm>>
      tpu.enqueue_indirect_dma source(%dma_start3A_327 : memref<10000x128xf32, #tpu.memory_space<hbm>>) target(%dma_start3A_321 : memref<128x128xf32, #tpu.memory_space<vmem>>) offsets(%dma_start3A_324 : memref<128xi32, #tpu.memory_space<vmem>>) semaphore(%arg13 : memref<!tpu.dma_semaphore, #tpu.memory_space<semaphore_mem>>)
      %dma_wait3A_328 = arith.constant 6 : i32
      %dma_wait3A_329 = arith.constant 0 : i32
      %dma_wait3A_330 = arith.constant 0 : i32
      %dma_wait3A_331 = arith.constant 0 : i32
      %dma_wait3A_332 = tpu.memref_slice %arg10[%dma_wait3A_329, %dma_wait3A_330, %dma_wait3A_331] : memref<2x128x128xf32, #tpu.memory_space<vmem>> -> memref<1x128x128xf32, #tpu.memory_space<vmem>>
      %dma_wait3A_333 = tpu.memref_squeeze %dma_wait3A_332 : memref<1x128x128xf32, #tpu.memory_space<vmem>> -> memref<128x128xf32, #tpu.memory_space<vmem>>
      %dma_wait3A_334 = arith.constant 0 : i32
      %dma_wait3A_335 = tpu.memref_slice %arg8[%dma_wait3A_328, %dma_wait3A_334] : memref<8x128xi32, #tpu.memory_space<vmem>> -> memref<1x128xi32, #tpu.memory_space<vmem>>
      %dma_wait3A_336 = tpu.memref_squeeze %dma_wait3A_335 : memref<1x128xi32, #tpu.memory_space<vmem>> -> memref<128xi32, #tpu.memory_space<vmem>>
      %dma_wait3A_337 = arith.constant 0 : i32
      %dma_wait3A_338 = arith.constant 0 : i32
      %dma_wait3A_339 = tpu.memref_slice %arg2[%dma_wait3A_337, %dma_wait3A_338] : memref<10000x128xf32, #tpu.memory_space<hbm>> -> memref<10000x128xf32, #tpu.memory_space<hbm>>
      tpu.wait_indirect_dma semaphore(%arg12 : memref<!tpu.dma_semaphore, #tpu.memory_space<semaphore_mem>>) src(%dma_wait3A_339 : memref<10000x128xf32, #tpu.memory_space<hbm>>) dst(%dma_wait3A_333 : memref<128x128xf32, #tpu.memory_space<vmem>>)
      %run_scoped3A_340 = arith.constant 0 : i32
      %run_scoped3A_341 = arith.constant 6 : i32
      "tpu.region"() ({
        %run_scoped3A_356 = tpu.sem_alloc : memref<!tpu.dma_semaphore, #tpu.memory_space<semaphore_mem>>
        %dma_start3A_357 = arith.constant 0 : i32
        %dma_start3A_358 = arith.constant 0 : i32
        %dma_start3A_359 = tpu.memref_slice %arg10[%run_scoped3A_340, %dma_start3A_357, %dma_start3A_358] : memref<2x128x128xf32, #tpu.memory_space<vmem>> -> memref<1x128x128xf32, #tpu.memory_space<vmem>>
        %dma_start3A_360 = tpu.memref_squeeze %dma_start3A_359 : memref<1x128x128xf32, #tpu.memory_space<vmem>> -> memref<128x128xf32, #tpu.memory_space<vmem>>
        %dma_start3A_361 = arith.constant 0 : i32
        %dma_start3A_362 = tpu.memref_slice %arg9[%run_scoped3A_341, %dma_start3A_361] : memref<8x128xi32, #tpu.memory_space<vmem>> -> memref<1x128xi32, #tpu.memory_space<vmem>>
        %dma_start3A_363 = tpu.memref_squeeze %dma_start3A_362 : memref<1x128xi32, #tpu.memory_space<vmem>> -> memref<128xi32, #tpu.memory_space<vmem>>
        %dma_start3A_364 = arith.constant 0 : i32
        %dma_start3A_365 = arith.constant 0 : i32
        %dma_start3A_366 = tpu.memref_slice %arg11[%dma_start3A_364, %dma_start3A_365] : memref<10112x128xf32, #tpu.memory_space<vmem_shared>> -> memref<10112x128xf32, #tpu.memory_space<vmem_shared>>
        tpu.enqueue_indirect_dma source(%dma_start3A_360 : memref<128x128xf32, #tpu.memory_space<vmem>>) target(%dma_start3A_366 : memref<10112x128xf32, #tpu.memory_space<vmem_shared>>) offsets(%dma_start3A_363 : memref<128xi32, #tpu.memory_space<vmem>>) semaphore(%run_scoped3A_356 : memref<!tpu.dma_semaphore, #tpu.memory_space<semaphore_mem>>) {add = true}
        %dma_wait3A_367 = arith.constant 0 : i32
        %dma_wait3A_368 = arith.constant 0 : i32
        %dma_wait3A_369 = tpu.memref_slice %arg10[%run_scoped3A_340, %dma_wait3A_367, %dma_wait3A_368] : memref<2x128x128xf32, #tpu.memory_space<vmem>> -> memref<1x128x128xf32, #tpu.memory_space<vmem>>
        %dma_wait3A_370 = tpu.memref_squeeze %dma_wait3A_369 : memref<1x128x128xf32, #tpu.memory_space<vmem>> -> memref<128x128xf32, #tpu.memory_space<vmem>>
        %dma_wait3A_371 = arith.constant 0 : i32
        %dma_wait3A_372 = tpu.memref_slice %arg9[%run_scoped3A_341, %dma_wait3A_371] : memref<8x128xi32, #tpu.memory_space<vmem>> -> memref<1x128xi32, #tpu.memory_space<vmem>>
        %dma_wait3A_373 = tpu.memref_squeeze %dma_wait3A_372 : memref<1x128xi32, #tpu.memory_space<vmem>> -> memref<128xi32, #tpu.memory_space<vmem>>
        %dma_wait3A_374 = arith.constant 0 : i32
        %dma_wait3A_375 = arith.constant 0 : i32
        %dma_wait3A_376 = tpu.memref_slice %arg11[%dma_wait3A_374, %dma_wait3A_375] : memref<10112x128xf32, #tpu.memory_space<vmem_shared>> -> memref<10112x128xf32, #tpu.memory_space<vmem_shared>>
        tpu.wait_indirect_dma semaphore(%run_scoped3A_356 : memref<!tpu.dma_semaphore, #tpu.memory_space<semaphore_mem>>) src(%dma_wait3A_370 : memref<128x128xf32, #tpu.memory_space<vmem>>) dst(%dma_wait3A_376 : memref<10112x128xf32, #tpu.memory_space<vmem_shared>>)
        tpu.yield
      }) : () -> ()
      %dma_wait3A_342 = arith.constant 7 : i32
      %dma_wait3A_343 = arith.constant 1 : i32
      %dma_wait3A_344 = arith.constant 0 : i32
      %dma_wait3A_345 = arith.constant 0 : i32
      %dma_wait3A_346 = tpu.memref_slice %arg10[%dma_wait3A_343, %dma_wait3A_344, %dma_wait3A_345] : memref<2x128x128xf32, #tpu.memory_space<vmem>> -> memref<1x128x128xf32, #tpu.memory_space<vmem>>
      %dma_wait3A_347 = tpu.memref_squeeze %dma_wait3A_346 : memref<1x128x128xf32, #tpu.memory_space<vmem>> -> memref<128x128xf32, #tpu.memory_space<vmem>>
      %dma_wait3A_348 = arith.constant 0 : i32
      %dma_wait3A_349 = tpu.memref_slice %arg8[%dma_wait3A_342, %dma_wait3A_348] : memref<8x128xi32, #tpu.memory_space<vmem>> -> memref<1x128xi32, #tpu.memory_space<vmem>>
      %dma_wait3A_350 = tpu.memref_squeeze %dma_wait3A_349 : memref<1x128xi32, #tpu.memory_space<vmem>> -> memref<128xi32, #tpu.memory_space<vmem>>
      %dma_wait3A_351 = arith.constant 0 : i32
      %dma_wait3A_352 = arith.constant 0 : i32
      %dma_wait3A_353 = tpu.memref_slice %arg2[%dma_wait3A_351, %dma_wait3A_352] : memref<10000x128xf32, #tpu.memory_space<hbm>> -> memref<10000x128xf32, #tpu.memory_space<hbm>>
      tpu.wait_indirect_dma semaphore(%arg13 : memref<!tpu.dma_semaphore, #tpu.memory_space<semaphore_mem>>) src(%dma_wait3A_353 : memref<10000x128xf32, #tpu.memory_space<hbm>>) dst(%dma_wait3A_347 : memref<128x128xf32, #tpu.memory_space<vmem>>)
      %run_scoped3A_354 = arith.constant 1 : i32
      %run_scoped3A_355 = arith.constant 7 : i32
      "tpu.region"() ({
        %run_scoped3A_356 = tpu.sem_alloc : memref<!tpu.dma_semaphore, #tpu.memory_space<semaphore_mem>>
        %dma_start3A_357 = arith.constant 0 : i32
        %dma_start3A_358 = arith.constant 0 : i32
        %dma_start3A_359 = tpu.memref_slice %arg10[%run_scoped3A_354, %dma_start3A_357, %dma_start3A_358] : memref<2x128x128xf32, #tpu.memory_space<vmem>> -> memref<1x128x128xf32, #tpu.memory_space<vmem>>
        %dma_start3A_360 = tpu.memref_squeeze %dma_start3A_359 : memref<1x128x128xf32, #tpu.memory_space<vmem>> -> memref<128x128xf32, #tpu.memory_space<vmem>>
        %dma_start3A_361 = arith.constant 0 : i32
        %dma_start3A_362 = tpu.memref_slice %arg9[%run_scoped3A_355, %dma_start3A_361] : memref<8x128xi32, #tpu.memory_space<vmem>> -> memref<1x128xi32, #tpu.memory_space<vmem>>
        %dma_start3A_363 = tpu.memref_squeeze %dma_start3A_362 : memref<1x128xi32, #tpu.memory_space<vmem>> -> memref<128xi32, #tpu.memory_space<vmem>>
        %dma_start3A_364 = arith.constant 0 : i32
        %dma_start3A_365 = arith.constant 0 : i32
        %dma_start3A_366 = tpu.memref_slice %arg11[%dma_start3A_364, %dma_start3A_365] : memref<10112x128xf32, #tpu.memory_space<vmem_shared>> -> memref<10112x128xf32, #tpu.memory_space<vmem_shared>>
        tpu.enqueue_indirect_dma source(%dma_start3A_360 : memref<128x128xf32, #tpu.memory_space<vmem>>) target(%dma_start3A_366 : memref<10112x128xf32, #tpu.memory_space<vmem_shared>>) offsets(%dma_start3A_363 : memref<128xi32, #tpu.memory_space<vmem>>) semaphore(%run_scoped3A_356 : memref<!tpu.dma_semaphore, #tpu.memory_space<semaphore_mem>>) {add = true}
        %dma_wait3A_367 = arith.constant 0 : i32
        %dma_wait3A_368 = arith.constant 0 : i32
        %dma_wait3A_369 = tpu.memref_slice %arg10[%run_scoped3A_354, %dma_wait3A_367, %dma_wait3A_368] : memref<2x128x128xf32, #tpu.memory_space<vmem>> -> memref<1x128x128xf32, #tpu.memory_space<vmem>>
        %dma_wait3A_370 = tpu.memref_squeeze %dma_wait3A_369 : memref<1x128x128xf32, #tpu.memory_space<vmem>> -> memref<128x128xf32, #tpu.memory_space<vmem>>
        %dma_wait3A_371 = arith.constant 0 : i32
        %dma_wait3A_372 = tpu.memref_slice %arg9[%run_scoped3A_355, %dma_wait3A_371] : memref<8x128xi32, #tpu.memory_space<vmem>> -> memref<1x128xi32, #tpu.memory_space<vmem>>
        %dma_wait3A_373 = tpu.memref_squeeze %dma_wait3A_372 : memref<1x128xi32, #tpu.memory_space<vmem>> -> memref<128xi32, #tpu.memory_space<vmem>>
        %dma_wait3A_374 = arith.constant 0 : i32
        %dma_wait3A_375 = arith.constant 0 : i32
        %dma_wait3A_376 = tpu.memref_slice %arg11[%dma_wait3A_374, %dma_wait3A_375] : memref<10112x128xf32, #tpu.memory_space<vmem_shared>> -> memref<10112x128xf32, #tpu.memory_space<vmem_shared>>
        tpu.wait_indirect_dma semaphore(%run_scoped3A_356 : memref<!tpu.dma_semaphore, #tpu.memory_space<semaphore_mem>>) src(%dma_wait3A_370 : memref<128x128xf32, #tpu.memory_space<vmem>>) dst(%dma_wait3A_376 : memref<10112x128xf32, #tpu.memory_space<vmem_shared>>)
        tpu.yield
      }) : () -> ()
    }
    %barrier3A_84 = arith.constant 0 : index
    tpu.barrier barrier_id(%barrier3A_84)
    %add3A_85 = arith.constant 0 : i32
    %add3A_86 = arith.addi %mul3A_2, %add3A_85 : i32
    %add3A_87 = arith.constant 0 : i32
    %add3A_88 = arith.addi %add3A_5, %add3A_87 : i32
    %dma_start3A_89 = arith.constant 0 : i32
    %dma_start3A_90 = tpu.memref_slice %arg7[%add3A_88, %dma_start3A_89] : memref<20224x128xf32, #tpu.memory_space<hbm>> -> memref<128x128xf32, #tpu.memory_space<hbm>>
    %dma_start3A_91 = arith.constant 0 : i32
    %dma_start3A_92 = tpu.memref_slice %arg11[%add3A_86, %dma_start3A_91] : memref<10112x128xf32, #tpu.memory_space<vmem_shared>> -> memref<128x128xf32, #tpu.memory_space<vmem_shared>>
    tpu.enqueue_dma source(%dma_start3A_92 : memref<128x128xf32, #tpu.memory_space<vmem_shared>>) target(%dma_start3A_90 : memref<128x128xf32, #tpu.memory_space<hbm>>) target_semaphore(%arg12 : memref<!tpu.dma_semaphore, #tpu.memory_space<semaphore_mem>>)
    %add3A_93 = arith.constant 128 : i32
    %add3A_94 = arith.addi %mul3A_2, %add3A_93 : i32
    %add3A_95 = arith.constant 128 : i32
    %add3A_96 = arith.addi %add3A_5, %add3A_95 : i32
    %dma_start3A_97 = arith.constant 0 : i32
    %dma_start3A_98 = tpu.memref_slice %arg7[%add3A_96, %dma_start3A_97] : memref<20224x128xf32, #tpu.memory_space<hbm>> -> memref<128x128xf32, #tpu.memory_space<hbm>>
    %dma_start3A_99 = arith.constant 0 : i32
    %dma_start3A_100 = tpu.memref_slice %arg11[%add3A_94, %dma_start3A_99] : memref<10112x128xf32, #tpu.memory_space<vmem_shared>> -> memref<128x128xf32, #tpu.memory_space<vmem_shared>>
    tpu.enqueue_dma source(%dma_start3A_100 : memref<128x128xf32, #tpu.memory_space<vmem_shared>>) target(%dma_start3A_98 : memref<128x128xf32, #tpu.memory_space<hbm>>) target_semaphore(%arg12 : memref<!tpu.dma_semaphore, #tpu.memory_space<semaphore_mem>>)
    %add3A_101 = arith.constant 256 : i32
    %add3A_102 = arith.addi %mul3A_2, %add3A_101 : i32
    %add3A_103 = arith.constant 256 : i32
    %add3A_104 = arith.addi %add3A_5, %add3A_103 : i32
    %dma_start3A_105 = arith.constant 0 : i32
    %dma_start3A_106 = tpu.memref_slice %arg7[%add3A_104, %dma_start3A_105] : memref<20224x128xf32, #tpu.memory_space<hbm>> -> memref<128x128xf32, #tpu.memory_space<hbm>>
    %dma_start3A_107 = arith.constant 0 : i32
    %dma_start3A_108 = tpu.memref_slice %arg11[%add3A_102, %dma_start3A_107] : memref<10112x128xf32, #tpu.memory_space<vmem_shared>> -> memref<128x128xf32, #tpu.memory_space<vmem_shared>>
    tpu.enqueue_dma source(%dma_start3A_108 : memref<128x128xf32, #tpu.memory_space<vmem_shared>>) target(%dma_start3A_106 : memref<128x128xf32, #tpu.memory_space<hbm>>) target_semaphore(%arg12 : memref<!tpu.dma_semaphore, #tpu.memory_space<semaphore_mem>>)
    %add3A_109 = arith.constant 384 : i32
    %add3A_110 = arith.addi %mul3A_2, %add3A_109 : i32
    %add3A_111 = arith.constant 384 : i32
    %add3A_112 = arith.addi %add3A_5, %add3A_111 : i32
    %dma_start3A_113 = arith.constant 0 : i32
    %dma_start3A_114 = tpu.memref_slice %arg7[%add3A_112, %dma_start3A_113] : memref<20224x128xf32, #tpu.memory_space<hbm>> -> memref<128x128xf32, #tpu.memory_space<hbm>>
    %dma_start3A_115 = arith.constant 0 : i32
    %dma_start3A_116 = tpu.memref_slice %arg11[%add3A_110, %dma_start3A_115] : memref<10112x128xf32, #tpu.memory_space<vmem_shared>> -> memref<128x128xf32, #tpu.memory_space<vmem_shared>>
    tpu.enqueue_dma source(%dma_start3A_116 : memref<128x128xf32, #tpu.memory_space<vmem_shared>>) target(%dma_start3A_114 : memref<128x128xf32, #tpu.memory_space<hbm>>) target_semaphore(%arg12 : memref<!tpu.dma_semaphore, #tpu.memory_space<semaphore_mem>>)
    %add3A_117 = arith.constant 512 : i32
    %add3A_118 = arith.addi %mul3A_2, %add3A_117 : i32
    %add3A_119 = arith.constant 512 : i32
    %add3A_120 = arith.addi %add3A_5, %add3A_119 : i32
    %dma_start3A_121 = arith.constant 0 : i32
    %dma_start3A_122 = tpu.memref_slice %arg7[%add3A_120, %dma_start3A_121] : memref<20224x128xf32, #tpu.memory_space<hbm>> -> memref<120x128xf32, #tpu.memory_space<hbm>>
    %dma_start3A_123 = arith.constant 0 : i32
    %dma_start3A_124 = tpu.memref_slice %arg11[%add3A_118, %dma_start3A_123] : memref<10112x128xf32, #tpu.memory_space<vmem_shared>> -> memref<120x128xf32, #tpu.memory_space<vmem_shared>>
    tpu.enqueue_dma source(%dma_start3A_124 : memref<120x128xf32, #tpu.memory_space<vmem_shared>>) target(%dma_start3A_122 : memref<120x128xf32, #tpu.memory_space<hbm>>) target_semaphore(%arg12 : memref<!tpu.dma_semaphore, #tpu.memory_space<semaphore_mem>>)
    %dma_wait3A_125 = arith.constant 0 : i32
    %dma_wait3A_126 = tpu.memref_slice %arg7[%add3A_88, %dma_wait3A_125] : memref<20224x128xf32, #tpu.memory_space<hbm>> -> memref<128x128xf32, #tpu.memory_space<hbm>>
    %dma_wait3A_127 = arith.constant 0 : i32
    %dma_wait3A_128 = tpu.memref_slice %arg11[%add3A_86, %dma_wait3A_127] : memref<10112x128xf32, #tpu.memory_space<vmem_shared>> -> memref<128x128xf32, #tpu.memory_space<vmem_shared>>
    tpu.wait_dma2 semaphore(%arg12 : memref<!tpu.dma_semaphore, #tpu.memory_space<semaphore_mem>>) src(%dma_wait3A_128 : memref<128x128xf32, #tpu.memory_space<vmem_shared>>) dst(%dma_wait3A_126 : memref<128x128xf32, #tpu.memory_space<hbm>>)
    %dma_wait3A_129 = arith.constant 0 : i32
    %dma_wait3A_130 = tpu.memref_slice %arg7[%add3A_96, %dma_wait3A_129] : memref<20224x128xf32, #tpu.memory_space<hbm>> -> memref<128x128xf32, #tpu.memory_space<hbm>>
    %dma_wait3A_131 = arith.constant 0 : i32
    %dma_wait3A_132 = tpu.memref_slice %arg11[%add3A_94, %dma_wait3A_131] : memref<10112x128xf32, #tpu.memory_space<vmem_shared>> -> memref<128x128xf32, #tpu.memory_space<vmem_shared>>
    tpu.wait_dma2 semaphore(%arg12 : memref<!tpu.dma_semaphore, #tpu.memory_space<semaphore_mem>>) src(%dma_wait3A_132 : memref<128x128xf32, #tpu.memory_space<vmem_shared>>) dst(%dma_wait3A_130 : memref<128x128xf32, #tpu.memory_space<hbm>>)
    %dma_wait3A_133 = arith.constant 0 : i32
    %dma_wait3A_134 = tpu.memref_slice %arg7[%add3A_104, %dma_wait3A_133] : memref<20224x128xf32, #tpu.memory_space<hbm>> -> memref<128x128xf32, #tpu.memory_space<hbm>>
    %dma_wait3A_135 = arith.constant 0 : i32
    %dma_wait3A_136 = tpu.memref_slice %arg11[%add3A_102, %dma_wait3A_135] : memref<10112x128xf32, #tpu.memory_space<vmem_shared>> -> memref<128x128xf32, #tpu.memory_space<vmem_shared>>
    tpu.wait_dma2 semaphore(%arg12 : memref<!tpu.dma_semaphore, #tpu.memory_space<semaphore_mem>>) src(%dma_wait3A_136 : memref<128x128xf32, #tpu.memory_space<vmem_shared>>) dst(%dma_wait3A_134 : memref<128x128xf32, #tpu.memory_space<hbm>>)
    %dma_wait3A_137 = arith.constant 0 : i32
    %dma_wait3A_138 = tpu.memref_slice %arg7[%add3A_112, %dma_wait3A_137] : memref<20224x128xf32, #tpu.memory_space<hbm>> -> memref<128x128xf32, #tpu.memory_space<hbm>>
    %dma_wait3A_139 = arith.constant 0 : i32
    %dma_wait3A_140 = tpu.memref_slice %arg11[%add3A_110, %dma_wait3A_139] : memref<10112x128xf32, #tpu.memory_space<vmem_shared>> -> memref<128x128xf32, #tpu.memory_space<vmem_shared>>
    tpu.wait_dma2 semaphore(%arg12 : memref<!tpu.dma_semaphore, #tpu.memory_space<semaphore_mem>>) src(%dma_wait3A_140 : memref<128x128xf32, #tpu.memory_space<vmem_shared>>) dst(%dma_wait3A_138 : memref<128x128xf32, #tpu.memory_space<hbm>>)
    %dma_wait3A_141 = arith.constant 0 : i32
    %dma_wait3A_142 = tpu.memref_slice %arg7[%add3A_120, %dma_wait3A_141] : memref<20224x128xf32, #tpu.memory_space<hbm>> -> memref<120x128xf32, #tpu.memory_space<hbm>>
    %dma_wait3A_143 = arith.constant 0 : i32
    %dma_wait3A_144 = tpu.memref_slice %arg11[%add3A_118, %dma_wait3A_143] : memref<10112x128xf32, #tpu.memory_space<vmem_shared>> -> memref<120x128xf32, #tpu.memory_space<vmem_shared>>
    tpu.wait_dma2 semaphore(%arg12 : memref<!tpu.dma_semaphore, #tpu.memory_space<semaphore_mem>>) src(%dma_wait3A_144 : memref<120x128xf32, #tpu.memory_space<vmem_shared>>) dst(%dma_wait3A_142 : memref<120x128xf32, #tpu.memory_space<hbm>>)
    return
  }
}

#map = affine_map<(d0, d1) -> (0, 0)>
module attributes {stable_mosaic.version = 14 : i64} {
  func.func @body(%arg0: i32, %arg1: i32, %arg2: memref<10000x128xf32, #tpu.memory_space<hbm>>, %arg3: memref<2560x128xi32, #tpu.memory_space<hbm>>, %arg4: memref<2560x128xi32, #tpu.memory_space<hbm>>, %arg5: memref<632x128xf32, #tpu.memory_space<hbm>>, %arg6: memref<128x128xf32, #tpu.memory_space<hbm>>, %arg7: memref<20224x128xf32, #tpu.memory_space<hbm>>, %arg8: memref<20224x128xf32, #tpu.memory_space<hbm>>, %arg9: memref<8x128xi32, #tpu.memory_space<vmem>>, %arg10: memref<8x128xi32, #tpu.memory_space<vmem>>, %arg11: memref<2x128x128xf32, #tpu.memory_space<vmem>>, %arg12: memref<10112x128xf32, #tpu.memory_space<vmem_shared>>, %arg13: memref<!tpu.dma_semaphore, #tpu.memory_space<semaphore_mem>>, %arg14: memref<!tpu.dma_semaphore, #tpu.memory_space<semaphore_mem>>) attributes {dimension_semantics = [#tpu.dimension_semantics<core_parallel>, #tpu.dimension_semantics<subcore_parallel>], iteration_bounds = array<i64: 2, 16>, scalar_prefetch = 0 : i64, scratch_operands = 6 : i64, tpu.core_type = #tpu.core_type<sc_vector_subcore>, window_params = [{transform_indices = #map}, {transform_indices = #map}, {transform_indices = #map}, {transform_indices = #map}, {transform_indices = #map}, {transform_indices = #map}, {transform_indices = #map}]} {
    %mul3A = arith.constant 16 : i32
    %mul3A_0 = arith.muli %arg0, %mul3A : i32
    %add3A = arith.addi %mul3A_0, %arg1 : i32
    %mul3A_1 = arith.constant 632 : i32
    %mul3A_2 = arith.muli %arg1, %mul3A_1 : i32
    %mul3A_3 = arith.constant 10112 : i32
    %mul3A_4 = arith.muli %arg0, %mul3A_3 : i32
    %add3A_5 = arith.addi %mul3A_4, %mul3A_2 : i32
    %add3A_6 = arith.constant 0 : i32
    %add3A_7 = arith.addi %mul3A_2, %add3A_6 : i32
    %dma_start3A = arith.constant 0 : i32
    %dma_start3A_8 = tpu.memref_slice %arg12[%add3A_7, %dma_start3A] : memref<10112x128xf32, #tpu.memory_space<vmem_shared>> -> memref<128x128xf32, #tpu.memory_space<vmem_shared>>
    %dma_start3A_9 = arith.constant 0 : i32
    %dma_start3A_10 = arith.constant 0 : i32
    %dma_start3A_11 = tpu.memref_slice %arg5[%dma_start3A_9, %dma_start3A_10] : memref<632x128xf32, #tpu.memory_space<hbm>> -> memref<128x128xf32, #tpu.memory_space<hbm>>
    tpu.enqueue_dma source(%dma_start3A_11 : memref<128x128xf32, #tpu.memory_space<hbm>>) target(%dma_start3A_8 : memref<128x128xf32, #tpu.memory_space<vmem_shared>>) target_semaphore(%arg13 : memref<!tpu.dma_semaphore, #tpu.memory_space<semaphore_mem>>)
    %add3A_12 = arith.constant 128 : i32
    %add3A_13 = arith.addi %mul3A_2, %add3A_12 : i32
    %dma_start3A_14 = arith.constant 0 : i32
    %dma_start3A_15 = tpu.memref_slice %arg12[%add3A_13, %dma_start3A_14] : memref<10112x128xf32, #tpu.memory_space<vmem_shared>> -> memref<128x128xf32, #tpu.memory_space<vmem_shared>>
    %dma_start3A_16 = arith.constant 128 : i32
    %dma_start3A_17 = arith.constant 0 : i32
    %dma_start3A_18 = tpu.memref_slice %arg5[%dma_start3A_16, %dma_start3A_17] : memref<632x128xf32, #tpu.memory_space<hbm>> -> memref<128x128xf32, #tpu.memory_space<hbm>>
    tpu.enqueue_dma source(%dma_start3A_18 : memref<128x128xf32, #tpu.memory_space<hbm>>) target(%dma_start3A_15 : memref<128x128xf32, #tpu.memory_space<vmem_shared>>) target_semaphore(%arg13 : memref<!tpu.dma_semaphore, #tpu.memory_space<semaphore_mem>>)
    %add3A_19 = arith.constant 256 : i32
    %add3A_20 = arith.addi %mul3A_2, %add3A_19 : i32
    %dma_start3A_21 = arith.constant 0 : i32
    %dma_start3A_22 = tpu.memref_slice %arg12[%add3A_20, %dma_start3A_21] : memref<10112x128xf32, #tpu.memory_space<vmem_shared>> -> memref<128x128xf32, #tpu.memory_space<vmem_shared>>
    %dma_start3A_23 = arith.constant 256 : i32
    %dma_start3A_24 = arith.constant 0 : i32
    %dma_start3A_25 = tpu.memref_slice %arg5[%dma_start3A_23, %dma_start3A_24] : memref<632x128xf32, #tpu.memory_space<hbm>> -> memref<128x128xf32, #tpu.memory_space<hbm>>
    tpu.enqueue_dma source(%dma_start3A_25 : memref<128x128xf32, #tpu.memory_space<hbm>>) target(%dma_start3A_22 : memref<128x128xf32, #tpu.memory_space<vmem_shared>>) target_semaphore(%arg13 : memref<!tpu.dma_semaphore, #tpu.memory_space<semaphore_mem>>)
    %add3A_26 = arith.constant 384 : i32
    %add3A_27 = arith.addi %mul3A_2, %add3A_26 : i32
    %dma_start3A_28 = arith.constant 0 : i32
    %dma_start3A_29 = tpu.memref_slice %arg12[%add3A_27, %dma_start3A_28] : memref<10112x128xf32, #tpu.memory_space<vmem_shared>> -> memref<128x128xf32, #tpu.memory_space<vmem_shared>>
    %dma_start3A_30 = arith.constant 384 : i32
    %dma_start3A_31 = arith.constant 0 : i32
    %dma_start3A_32 = tpu.memref_slice %arg5[%dma_start3A_30, %dma_start3A_31] : memref<632x128xf32, #tpu.memory_space<hbm>> -> memref<128x128xf32, #tpu.memory_space<hbm>>
    tpu.enqueue_dma source(%dma_start3A_32 : memref<128x128xf32, #tpu.memory_space<hbm>>) target(%dma_start3A_29 : memref<128x128xf32, #tpu.memory_space<vmem_shared>>) target_semaphore(%arg13 : memref<!tpu.dma_semaphore, #tpu.memory_space<semaphore_mem>>)
    %add3A_33 = arith.constant 512 : i32
    %add3A_34 = arith.addi %mul3A_2, %add3A_33 : i32
    %dma_start3A_35 = arith.constant 0 : i32
    %dma_start3A_36 = tpu.memref_slice %arg12[%add3A_34, %dma_start3A_35] : memref<10112x128xf32, #tpu.memory_space<vmem_shared>> -> memref<120x128xf32, #tpu.memory_space<vmem_shared>>
    %dma_start3A_37 = arith.constant 512 : i32
    %dma_start3A_38 = arith.constant 0 : i32
    %dma_start3A_39 = tpu.memref_slice %arg5[%dma_start3A_37, %dma_start3A_38] : memref<632x128xf32, #tpu.memory_space<hbm>> -> memref<120x128xf32, #tpu.memory_space<hbm>>
    tpu.enqueue_dma source(%dma_start3A_39 : memref<120x128xf32, #tpu.memory_space<hbm>>) target(%dma_start3A_36 : memref<120x128xf32, #tpu.memory_space<vmem_shared>>) target_semaphore(%arg13 : memref<!tpu.dma_semaphore, #tpu.memory_space<semaphore_mem>>)
    %dma_wait3A = arith.constant 0 : i32
    %dma_wait3A_40 = tpu.memref_slice %arg12[%add3A_7, %dma_wait3A] : memref<10112x128xf32, #tpu.memory_space<vmem_shared>> -> memref<128x128xf32, #tpu.memory_space<vmem_shared>>
    %dma_wait3A_41 = arith.constant 0 : i32
    %dma_wait3A_42 = arith.constant 0 : i32
    %dma_wait3A_43 = tpu.memref_slice %arg5[%dma_wait3A_41, %dma_wait3A_42] : memref<632x128xf32, #tpu.memory_space<hbm>> -> memref<128x128xf32, #tpu.memory_space<hbm>>
    tpu.wait_dma2 semaphore(%arg13 : memref<!tpu.dma_semaphore, #tpu.memory_space<semaphore_mem>>) src(%dma_wait3A_43 : memref<128x128xf32, #tpu.memory_space<hbm>>) dst(%dma_wait3A_40 : memref<128x128xf32, #tpu.memory_space<vmem_shared>>)
    %dma_wait3A_44 = arith.constant 0 : i32
    %dma_wait3A_45 = tpu.memref_slice %arg12[%add3A_13, %dma_wait3A_44] : memref<10112x128xf32, #tpu.memory_space<vmem_shared>> -> memref<128x128xf32, #tpu.memory_space<vmem_shared>>
    %dma_wait3A_46 = arith.constant 128 : i32
    %dma_wait3A_47 = arith.constant 0 : i32
    %dma_wait3A_48 = tpu.memref_slice %arg5[%dma_wait3A_46, %dma_wait3A_47] : memref<632x128xf32, #tpu.memory_space<hbm>> -> memref<128x128xf32, #tpu.memory_space<hbm>>
    tpu.wait_dma2 semaphore(%arg13 : memref<!tpu.dma_semaphore, #tpu.memory_space<semaphore_mem>>) src(%dma_wait3A_48 : memref<128x128xf32, #tpu.memory_space<hbm>>) dst(%dma_wait3A_45 : memref<128x128xf32, #tpu.memory_space<vmem_shared>>)
    %dma_wait3A_49 = arith.constant 0 : i32
    %dma_wait3A_50 = tpu.memref_slice %arg12[%add3A_20, %dma_wait3A_49] : memref<10112x128xf32, #tpu.memory_space<vmem_shared>> -> memref<128x128xf32, #tpu.memory_space<vmem_shared>>
    %dma_wait3A_51 = arith.constant 256 : i32
    %dma_wait3A_52 = arith.constant 0 : i32
    %dma_wait3A_53 = tpu.memref_slice %arg5[%dma_wait3A_51, %dma_wait3A_52] : memref<632x128xf32, #tpu.memory_space<hbm>> -> memref<128x128xf32, #tpu.memory_space<hbm>>
    tpu.wait_dma2 semaphore(%arg13 : memref<!tpu.dma_semaphore, #tpu.memory_space<semaphore_mem>>) src(%dma_wait3A_53 : memref<128x128xf32, #tpu.memory_space<hbm>>) dst(%dma_wait3A_50 : memref<128x128xf32, #tpu.memory_space<vmem_shared>>)
    %dma_wait3A_54 = arith.constant 0 : i32
    %dma_wait3A_55 = tpu.memref_slice %arg12[%add3A_27, %dma_wait3A_54] : memref<10112x128xf32, #tpu.memory_space<vmem_shared>> -> memref<128x128xf32, #tpu.memory_space<vmem_shared>>
    %dma_wait3A_56 = arith.constant 384 : i32
    %dma_wait3A_57 = arith.constant 0 : i32
    %dma_wait3A_58 = tpu.memref_slice %arg5[%dma_wait3A_56, %dma_wait3A_57] : memref<632x128xf32, #tpu.memory_space<hbm>> -> memref<128x128xf32, #tpu.memory_space<hbm>>
    tpu.wait_dma2 semaphore(%arg13 : memref<!tpu.dma_semaphore, #tpu.memory_space<semaphore_mem>>) src(%dma_wait3A_58 : memref<128x128xf32, #tpu.memory_space<hbm>>) dst(%dma_wait3A_55 : memref<128x128xf32, #tpu.memory_space<vmem_shared>>)
    %dma_wait3A_59 = arith.constant 0 : i32
    %dma_wait3A_60 = tpu.memref_slice %arg12[%add3A_34, %dma_wait3A_59] : memref<10112x128xf32, #tpu.memory_space<vmem_shared>> -> memref<120x128xf32, #tpu.memory_space<vmem_shared>>
    %dma_wait3A_61 = arith.constant 512 : i32
    %dma_wait3A_62 = arith.constant 0 : i32
    %dma_wait3A_63 = tpu.memref_slice %arg5[%dma_wait3A_61, %dma_wait3A_62] : memref<632x128xf32, #tpu.memory_space<hbm>> -> memref<120x128xf32, #tpu.memory_space<hbm>>
    tpu.wait_dma2 semaphore(%arg13 : memref<!tpu.dma_semaphore, #tpu.memory_space<semaphore_mem>>) src(%dma_wait3A_63 : memref<120x128xf32, #tpu.memory_space<hbm>>) dst(%dma_wait3A_60 : memref<120x128xf32, #tpu.memory_space<vmem_shared>>)
    %barrier3A = arith.constant 0 : index
    tpu.barrier barrier_id(%barrier3A)
    %eq3A = arith.constant 0 : i32
    %eq3A_64 = arith.cmpi eq, %arg0, %eq3A : i32
    %mul3A_65 = arith.constant 152 : i32
    %mul3A_66 = arith.muli %arg1, %mul3A_65 : i32
    %mul3A_67 = arith.constant 8 : i32
    %mul3A_68 = arith.muli %arg1, %mul3A_67 : i32
    %add3A_69 = arith.constant 2432 : i32
    %add3A_70 = arith.addi %add3A_69, %mul3A_68 : i32
    %select_n3A = arith.select %eq3A_64, %mul3A_66, %add3A_70 : i32
    %eq3A_71 = arith.constant 0 : i32
    %eq3A_72 = arith.cmpi eq, %arg0, %eq3A_71 : i32
    %jit3A = arith.constant 19 : i32
    %jit3A_73 = arith.constant 1 : i32
    %select_n3A_74 = arith.select %eq3A_72, %jit3A, %jit3A_73 : i32
    %while3A = arith.constant 0 : i32
    %while3A_75 = arith.constant 0 : i32
    %while3A_76 = arith.subi %select_n3A_74, %while3A_75 : i32
    %while3A_77 = arith.addi %while3A_75, %while3A_76 : i32
    %while3A_78 = arith.constant 1 : i32
    %while3A_79 = arith.divsi %while3A_76, %while3A_78 : i32
    %while3A_80 = arith.muli %while3A_79, %while3A_78 : i32
    %while3A_81 = arith.addi %while3A_75, %while3A_80 : i32
    %while3A_82 = arith.constant 1 : i32
    scf.for %while3A_274 = %while3A_75 to %while3A_81 step %while3A_82  : i32 {
      %mul3A_275 = arith.constant 8 : i32
      %mul3A_276 = arith.muli %while3A_274, %mul3A_275 : i32
      %add3A_277 = arith.addi %select_n3A, %mul3A_276 : i32
      "tpu.region"() ({
        %run_scoped3A_486 = tpu.sem_alloc : memref<!tpu.dma_semaphore, #tpu.memory_space<semaphore_mem>>
        %dma_start3A_487 = arith.constant 0 : i32
        %dma_start3A_488 = tpu.memref_slice %arg3[%add3A_277, %dma_start3A_487] : memref<2560x128xi32, #tpu.memory_space<hbm>> -> memref<8x128xi32, #tpu.memory_space<hbm>>
        %dma_start3A_489 = arith.constant 0 : i32
        %dma_start3A_490 = tpu.memref_slice %arg3[%add3A_277, %dma_start3A_489] : memref<2560x128xi32, #tpu.memory_space<hbm>> -> memref<8x128xi32, #tpu.memory_space<hbm>>
        tpu.enqueue_dma source(%dma_start3A_490 : memref<8x128xi32, #tpu.memory_space<hbm>>) target(%arg9 : memref<8x128xi32, #tpu.memory_space<vmem>>) target_semaphore(%run_scoped3A_486 : memref<!tpu.dma_semaphore, #tpu.memory_space<semaphore_mem>>)
        %dma_wait3A_491 = arith.constant 0 : i32
        %dma_wait3A_492 = tpu.memref_slice %arg3[%add3A_277, %dma_wait3A_491] : memref<2560x128xi32, #tpu.memory_space<hbm>> -> memref<8x128xi32, #tpu.memory_space<hbm>>
        %dma_wait3A_493 = arith.constant 0 : i32
        %dma_wait3A_494 = tpu.memref_slice %arg3[%add3A_277, %dma_wait3A_493] : memref<2560x128xi32, #tpu.memory_space<hbm>> -> memref<8x128xi32, #tpu.memory_space<hbm>>
        tpu.wait_dma2 semaphore(%run_scoped3A_486 : memref<!tpu.dma_semaphore, #tpu.memory_space<semaphore_mem>>) src(%dma_wait3A_494 : memref<8x128xi32, #tpu.memory_space<hbm>>) dst(%arg9 : memref<8x128xi32, #tpu.memory_space<vmem>>)
        tpu.yield
      }) : () -> ()
      "tpu.region"() ({
        %run_scoped3A_486 = tpu.sem_alloc : memref<!tpu.dma_semaphore, #tpu.memory_space<semaphore_mem>>
        %dma_start3A_487 = arith.constant 0 : i32
        %dma_start3A_488 = tpu.memref_slice %arg4[%add3A_277, %dma_start3A_487] : memref<2560x128xi32, #tpu.memory_space<hbm>> -> memref<8x128xi32, #tpu.memory_space<hbm>>
        %dma_start3A_489 = arith.constant 0 : i32
        %dma_start3A_490 = tpu.memref_slice %arg4[%add3A_277, %dma_start3A_489] : memref<2560x128xi32, #tpu.memory_space<hbm>> -> memref<8x128xi32, #tpu.memory_space<hbm>>
        tpu.enqueue_dma source(%dma_start3A_490 : memref<8x128xi32, #tpu.memory_space<hbm>>) target(%arg10 : memref<8x128xi32, #tpu.memory_space<vmem>>) target_semaphore(%run_scoped3A_486 : memref<!tpu.dma_semaphore, #tpu.memory_space<semaphore_mem>>)
        %dma_wait3A_491 = arith.constant 0 : i32
        %dma_wait3A_492 = tpu.memref_slice %arg4[%add3A_277, %dma_wait3A_491] : memref<2560x128xi32, #tpu.memory_space<hbm>> -> memref<8x128xi32, #tpu.memory_space<hbm>>
        %dma_wait3A_493 = arith.constant 0 : i32
        %dma_wait3A_494 = tpu.memref_slice %arg4[%add3A_277, %dma_wait3A_493] : memref<2560x128xi32, #tpu.memory_space<hbm>> -> memref<8x128xi32, #tpu.memory_space<hbm>>
        tpu.wait_dma2 semaphore(%run_scoped3A_486 : memref<!tpu.dma_semaphore, #tpu.memory_space<semaphore_mem>>) src(%dma_wait3A_494 : memref<8x128xi32, #tpu.memory_space<hbm>>) dst(%arg10 : memref<8x128xi32, #tpu.memory_space<vmem>>)
        tpu.yield
      }) : () -> ()
      %dma_start3A_278 = arith.constant 0 : i32
      %dma_start3A_279 = arith.constant 0 : i32
      %dma_start3A_280 = arith.constant 0 : i32
      %dma_start3A_281 = arith.constant 0 : i32
      %dma_start3A_282 = tpu.memref_slice %arg11[%dma_start3A_279, %dma_start3A_280, %dma_start3A_281] : memref<2x128x128xf32, #tpu.memory_space<vmem>> -> memref<1x128x128xf32, #tpu.memory_space<vmem>>
      %dma_start3A_283 = tpu.memref_squeeze %dma_start3A_282 : memref<1x128x128xf32, #tpu.memory_space<vmem>> -> memref<128x128xf32, #tpu.memory_space<vmem>>
      %dma_start3A_284 = arith.constant 0 : i32
      %dma_start3A_285 = tpu.memref_slice %arg9[%dma_start3A_278, %dma_start3A_284] : memref<8x128xi32, #tpu.memory_space<vmem>> -> memref<1x128xi32, #tpu.memory_space<vmem>>
      %dma_start3A_286 = tpu.memref_squeeze %dma_start3A_285 : memref<1x128xi32, #tpu.memory_space<vmem>> -> memref<128xi32, #tpu.memory_space<vmem>>
      %dma_start3A_287 = arith.constant 0 : i32
      %dma_start3A_288 = arith.constant 0 : i32
      %dma_start3A_289 = tpu.memref_slice %arg2[%dma_start3A_287, %dma_start3A_288] : memref<10000x128xf32, #tpu.memory_space<hbm>> -> memref<10000x128xf32, #tpu.memory_space<hbm>>
      tpu.enqueue_indirect_dma source(%dma_start3A_289 : memref<10000x128xf32, #tpu.memory_space<hbm>>) target(%dma_start3A_283 : memref<128x128xf32, #tpu.memory_space<vmem>>) offsets(%dma_start3A_286 : memref<128xi32, #tpu.memory_space<vmem>>) semaphore(%arg13 : memref<!tpu.dma_semaphore, #tpu.memory_space<semaphore_mem>>)
      %dma_start3A_290 = arith.constant 1 : i32
      %dma_start3A_291 = arith.constant 1 : i32
      %dma_start3A_292 = arith.constant 0 : i32
      %dma_start3A_293 = arith.constant 0 : i32
      %dma_start3A_294 = tpu.memref_slice %arg11[%dma_start3A_291, %dma_start3A_292, %dma_start3A_293] : memref<2x128x128xf32, #tpu.memory_space<vmem>> -> memref<1x128x128xf32, #tpu.memory_space<vmem>>
      %dma_start3A_295 = tpu.memref_squeeze %dma_start3A_294 : memref<1x128x128xf32, #tpu.memory_space<vmem>> -> memref<128x128xf32, #tpu.memory_space<vmem>>
      %dma_start3A_296 = arith.constant 0 : i32
      %dma_start3A_297 = tpu.memref_slice %arg9[%dma_start3A_290, %dma_start3A_296] : memref<8x128xi32, #tpu.memory_space<vmem>> -> memref<1x128xi32, #tpu.memory_space<vmem>>
      %dma_start3A_298 = tpu.memref_squeeze %dma_start3A_297 : memref<1x128xi32, #tpu.memory_space<vmem>> -> memref<128xi32, #tpu.memory_space<vmem>>
      %dma_start3A_299 = arith.constant 0 : i32
      %dma_start3A_300 = arith.constant 0 : i32
      %dma_start3A_301 = tpu.memref_slice %arg2[%dma_start3A_299, %dma_start3A_300] : memref<10000x128xf32, #tpu.memory_space<hbm>> -> memref<10000x128xf32, #tpu.memory_space<hbm>>
      tpu.enqueue_indirect_dma source(%dma_start3A_301 : memref<10000x128xf32, #tpu.memory_space<hbm>>) target(%dma_start3A_295 : memref<128x128xf32, #tpu.memory_space<vmem>>) offsets(%dma_start3A_298 : memref<128xi32, #tpu.memory_space<vmem>>) semaphore(%arg14 : memref<!tpu.dma_semaphore, #tpu.memory_space<semaphore_mem>>)
      %dma_wait3A_302 = arith.constant 0 : i32
      %dma_wait3A_303 = arith.constant 0 : i32
      %dma_wait3A_304 = arith.constant 0 : i32
      %dma_wait3A_305 = arith.constant 0 : i32
      %dma_wait3A_306 = tpu.memref_slice %arg11[%dma_wait3A_303, %dma_wait3A_304, %dma_wait3A_305] : memref<2x128x128xf32, #tpu.memory_space<vmem>> -> memref<1x128x128xf32, #tpu.memory_space<vmem>>
      %dma_wait3A_307 = tpu.memref_squeeze %dma_wait3A_306 : memref<1x128x128xf32, #tpu.memory_space<vmem>> -> memref<128x128xf32, #tpu.memory_space<vmem>>
      %dma_wait3A_308 = arith.constant 0 : i32
      %dma_wait3A_309 = tpu.memref_slice %arg9[%dma_wait3A_302, %dma_wait3A_308] : memref<8x128xi32, #tpu.memory_space<vmem>> -> memref<1x128xi32, #tpu.memory_space<vmem>>
      %dma_wait3A_310 = tpu.memref_squeeze %dma_wait3A_309 : memref<1x128xi32, #tpu.memory_space<vmem>> -> memref<128xi32, #tpu.memory_space<vmem>>
      %dma_wait3A_311 = arith.constant 0 : i32
      %dma_wait3A_312 = arith.constant 0 : i32
      %dma_wait3A_313 = tpu.memref_slice %arg2[%dma_wait3A_311, %dma_wait3A_312] : memref<10000x128xf32, #tpu.memory_space<hbm>> -> memref<10000x128xf32, #tpu.memory_space<hbm>>
      tpu.wait_indirect_dma semaphore(%arg13 : memref<!tpu.dma_semaphore, #tpu.memory_space<semaphore_mem>>) src(%dma_wait3A_313 : memref<10000x128xf32, #tpu.memory_space<hbm>>) dst(%dma_wait3A_307 : memref<128x128xf32, #tpu.memory_space<vmem>>)
      %run_scoped3A_314 = arith.constant 0 : i32
      %run_scoped3A_315 = arith.constant 0 : i32
      "tpu.region"() ({
        %run_scoped3A_486 = tpu.sem_alloc : memref<!tpu.dma_semaphore, #tpu.memory_space<semaphore_mem>>
        %dma_start3A_487 = arith.constant 0 : i32
        %dma_start3A_488 = arith.constant 0 : i32
        %dma_start3A_489 = tpu.memref_slice %arg11[%run_scoped3A_314, %dma_start3A_487, %dma_start3A_488] : memref<2x128x128xf32, #tpu.memory_space<vmem>> -> memref<1x128x128xf32, #tpu.memory_space<vmem>>
        %dma_start3A_490 = tpu.memref_squeeze %dma_start3A_489 : memref<1x128x128xf32, #tpu.memory_space<vmem>> -> memref<128x128xf32, #tpu.memory_space<vmem>>
        %dma_start3A_491 = arith.constant 0 : i32
        %dma_start3A_492 = tpu.memref_slice %arg10[%run_scoped3A_315, %dma_start3A_491] : memref<8x128xi32, #tpu.memory_space<vmem>> -> memref<1x128xi32, #tpu.memory_space<vmem>>
        %dma_start3A_493 = tpu.memref_squeeze %dma_start3A_492 : memref<1x128xi32, #tpu.memory_space<vmem>> -> memref<128xi32, #tpu.memory_space<vmem>>
        %dma_start3A_494 = arith.constant 0 : i32
        %dma_start3A_495 = arith.constant 0 : i32
        %dma_start3A_496 = tpu.memref_slice %arg12[%dma_start3A_494, %dma_start3A_495] : memref<10112x128xf32, #tpu.memory_space<vmem_shared>> -> memref<10112x128xf32, #tpu.memory_space<vmem_shared>>
        tpu.enqueue_indirect_dma source(%dma_start3A_490 : memref<128x128xf32, #tpu.memory_space<vmem>>) target(%dma_start3A_496 : memref<10112x128xf32, #tpu.memory_space<vmem_shared>>) offsets(%dma_start3A_493 : memref<128xi32, #tpu.memory_space<vmem>>) semaphore(%run_scoped3A_486 : memref<!tpu.dma_semaphore, #tpu.memory_space<semaphore_mem>>) {add = true}
        %dma_wait3A_497 = arith.constant 0 : i32
        %dma_wait3A_498 = arith.constant 0 : i32
        %dma_wait3A_499 = tpu.memref_slice %arg11[%run_scoped3A_314, %dma_wait3A_497, %dma_wait3A_498] : memref<2x128x128xf32, #tpu.memory_space<vmem>> -> memref<1x128x128xf32, #tpu.memory_space<vmem>>
        %dma_wait3A_500 = tpu.memref_squeeze %dma_wait3A_499 : memref<1x128x128xf32, #tpu.memory_space<vmem>> -> memref<128x128xf32, #tpu.memory_space<vmem>>
        %dma_wait3A_501 = arith.constant 0 : i32
        %dma_wait3A_502 = tpu.memref_slice %arg10[%run_scoped3A_315, %dma_wait3A_501] : memref<8x128xi32, #tpu.memory_space<vmem>> -> memref<1x128xi32, #tpu.memory_space<vmem>>
        %dma_wait3A_503 = tpu.memref_squeeze %dma_wait3A_502 : memref<1x128xi32, #tpu.memory_space<vmem>> -> memref<128xi32, #tpu.memory_space<vmem>>
        %dma_wait3A_504 = arith.constant 0 : i32
        %dma_wait3A_505 = arith.constant 0 : i32
        %dma_wait3A_506 = tpu.memref_slice %arg12[%dma_wait3A_504, %dma_wait3A_505] : memref<10112x128xf32, #tpu.memory_space<vmem_shared>> -> memref<10112x128xf32, #tpu.memory_space<vmem_shared>>
        tpu.wait_indirect_dma semaphore(%run_scoped3A_486 : memref<!tpu.dma_semaphore, #tpu.memory_space<semaphore_mem>>) src(%dma_wait3A_500 : memref<128x128xf32, #tpu.memory_space<vmem>>) dst(%dma_wait3A_506 : memref<10112x128xf32, #tpu.memory_space<vmem_shared>>)
        tpu.yield
      }) : () -> ()
      %dma_start3A_316 = arith.constant 2 : i32
      %dma_start3A_317 = arith.constant 0 : i32
      %dma_start3A_318 = arith.constant 0 : i32
      %dma_start3A_319 = arith.constant 0 : i32
      %dma_start3A_320 = tpu.memref_slice %arg11[%dma_start3A_317, %dma_start3A_318, %dma_start3A_319] : memref<2x128x128xf32, #tpu.memory_space<vmem>> -> memref<1x128x128xf32, #tpu.memory_space<vmem>>
      %dma_start3A_321 = tpu.memref_squeeze %dma_start3A_320 : memref<1x128x128xf32, #tpu.memory_space<vmem>> -> memref<128x128xf32, #tpu.memory_space<vmem>>
      %dma_start3A_322 = arith.constant 0 : i32
      %dma_start3A_323 = tpu.memref_slice %arg9[%dma_start3A_316, %dma_start3A_322] : memref<8x128xi32, #tpu.memory_space<vmem>> -> memref<1x128xi32, #tpu.memory_space<vmem>>
      %dma_start3A_324 = tpu.memref_squeeze %dma_start3A_323 : memref<1x128xi32, #tpu.memory_space<vmem>> -> memref<128xi32, #tpu.memory_space<vmem>>
      %dma_start3A_325 = arith.constant 0 : i32
      %dma_start3A_326 = arith.constant 0 : i32
      %dma_start3A_327 = tpu.memref_slice %arg2[%dma_start3A_325, %dma_start3A_326] : memref<10000x128xf32, #tpu.memory_space<hbm>> -> memref<10000x128xf32, #tpu.memory_space<hbm>>
      tpu.enqueue_indirect_dma source(%dma_start3A_327 : memref<10000x128xf32, #tpu.memory_space<hbm>>) target(%dma_start3A_321 : memref<128x128xf32, #tpu.memory_space<vmem>>) offsets(%dma_start3A_324 : memref<128xi32, #tpu.memory_space<vmem>>) semaphore(%arg13 : memref<!tpu.dma_semaphore, #tpu.memory_space<semaphore_mem>>)
      %dma_wait3A_328 = arith.constant 1 : i32
      %dma_wait3A_329 = arith.constant 1 : i32
      %dma_wait3A_330 = arith.constant 0 : i32
      %dma_wait3A_331 = arith.constant 0 : i32
      %dma_wait3A_332 = tpu.memref_slice %arg11[%dma_wait3A_329, %dma_wait3A_330, %dma_wait3A_331] : memref<2x128x128xf32, #tpu.memory_space<vmem>> -> memref<1x128x128xf32, #tpu.memory_space<vmem>>
      %dma_wait3A_333 = tpu.memref_squeeze %dma_wait3A_332 : memref<1x128x128xf32, #tpu.memory_space<vmem>> -> memref<128x128xf32, #tpu.memory_space<vmem>>
      %dma_wait3A_334 = arith.constant 0 : i32
      %dma_wait3A_335 = tpu.memref_slice %arg9[%dma_wait3A_328, %dma_wait3A_334] : memref<8x128xi32, #tpu.memory_space<vmem>> -> memref<1x128xi32, #tpu.memory_space<vmem>>
      %dma_wait3A_336 = tpu.memref_squeeze %dma_wait3A_335 : memref<1x128xi32, #tpu.memory_space<vmem>> -> memref<128xi32, #tpu.memory_space<vmem>>
      %dma_wait3A_337 = arith.constant 0 : i32
      %dma_wait3A_338 = arith.constant 0 : i32
      %dma_wait3A_339 = tpu.memref_slice %arg2[%dma_wait3A_337, %dma_wait3A_338] : memref<10000x128xf32, #tpu.memory_space<hbm>> -> memref<10000x128xf32, #tpu.memory_space<hbm>>
      tpu.wait_indirect_dma semaphore(%arg14 : memref<!tpu.dma_semaphore, #tpu.memory_space<semaphore_mem>>) src(%dma_wait3A_339 : memref<10000x128xf32, #tpu.memory_space<hbm>>) dst(%dma_wait3A_333 : memref<128x128xf32, #tpu.memory_space<vmem>>)
      %run_scoped3A_340 = arith.constant 1 : i32
      %run_scoped3A_341 = arith.constant 1 : i32
      "tpu.region"() ({
        %run_scoped3A_486 = tpu.sem_alloc : memref<!tpu.dma_semaphore, #tpu.memory_space<semaphore_mem>>
        %dma_start3A_487 = arith.constant 0 : i32
        %dma_start3A_488 = arith.constant 0 : i32
        %dma_start3A_489 = tpu.memref_slice %arg11[%run_scoped3A_340, %dma_start3A_487, %dma_start3A_488] : memref<2x128x128xf32, #tpu.memory_space<vmem>> -> memref<1x128x128xf32, #tpu.memory_space<vmem>>
        %dma_start3A_490 = tpu.memref_squeeze %dma_start3A_489 : memref<1x128x128xf32, #tpu.memory_space<vmem>> -> memref<128x128xf32, #tpu.memory_space<vmem>>
        %dma_start3A_491 = arith.constant 0 : i32
        %dma_start3A_492 = tpu.memref_slice %arg10[%run_scoped3A_341, %dma_start3A_491] : memref<8x128xi32, #tpu.memory_space<vmem>> -> memref<1x128xi32, #tpu.memory_space<vmem>>
        %dma_start3A_493 = tpu.memref_squeeze %dma_start3A_492 : memref<1x128xi32, #tpu.memory_space<vmem>> -> memref<128xi32, #tpu.memory_space<vmem>>
        %dma_start3A_494 = arith.constant 0 : i32
        %dma_start3A_495 = arith.constant 0 : i32
        %dma_start3A_496 = tpu.memref_slice %arg12[%dma_start3A_494, %dma_start3A_495] : memref<10112x128xf32, #tpu.memory_space<vmem_shared>> -> memref<10112x128xf32, #tpu.memory_space<vmem_shared>>
        tpu.enqueue_indirect_dma source(%dma_start3A_490 : memref<128x128xf32, #tpu.memory_space<vmem>>) target(%dma_start3A_496 : memref<10112x128xf32, #tpu.memory_space<vmem_shared>>) offsets(%dma_start3A_493 : memref<128xi32, #tpu.memory_space<vmem>>) semaphore(%run_scoped3A_486 : memref<!tpu.dma_semaphore, #tpu.memory_space<semaphore_mem>>) {add = true}
        %dma_wait3A_497 = arith.constant 0 : i32
        %dma_wait3A_498 = arith.constant 0 : i32
        %dma_wait3A_499 = tpu.memref_slice %arg11[%run_scoped3A_340, %dma_wait3A_497, %dma_wait3A_498] : memref<2x128x128xf32, #tpu.memory_space<vmem>> -> memref<1x128x128xf32, #tpu.memory_space<vmem>>
        %dma_wait3A_500 = tpu.memref_squeeze %dma_wait3A_499 : memref<1x128x128xf32, #tpu.memory_space<vmem>> -> memref<128x128xf32, #tpu.memory_space<vmem>>
        %dma_wait3A_501 = arith.constant 0 : i32
        %dma_wait3A_502 = tpu.memref_slice %arg10[%run_scoped3A_341, %dma_wait3A_501] : memref<8x128xi32, #tpu.memory_space<vmem>> -> memref<1x128xi32, #tpu.memory_space<vmem>>
        %dma_wait3A_503 = tpu.memref_squeeze %dma_wait3A_502 : memref<1x128xi32, #tpu.memory_space<vmem>> -> memref<128xi32, #tpu.memory_space<vmem>>
        %dma_wait3A_504 = arith.constant 0 : i32
        %dma_wait3A_505 = arith.constant 0 : i32
        %dma_wait3A_506 = tpu.memref_slice %arg12[%dma_wait3A_504, %dma_wait3A_505] : memref<10112x128xf32, #tpu.memory_space<vmem_shared>> -> memref<10112x128xf32, #tpu.memory_space<vmem_shared>>
        tpu.wait_indirect_dma semaphore(%run_scoped3A_486 : memref<!tpu.dma_semaphore, #tpu.memory_space<semaphore_mem>>) src(%dma_wait3A_500 : memref<128x128xf32, #tpu.memory_space<vmem>>) dst(%dma_wait3A_506 : memref<10112x128xf32, #tpu.memory_space<vmem_shared>>)
        tpu.yield
      }) : () -> ()
      %dma_start3A_342 = arith.constant 3 : i32
      %dma_start3A_343 = arith.constant 1 : i32
      %dma_start3A_344 = arith.constant 0 : i32
      %dma_start3A_345 = arith.constant 0 : i32
      %dma_start3A_346 = tpu.memref_slice %arg11[%dma_start3A_343, %dma_start3A_344, %dma_start3A_345] : memref<2x128x128xf32, #tpu.memory_space<vmem>> -> memref<1x128x128xf32, #tpu.memory_space<vmem>>
      %dma_start3A_347 = tpu.memref_squeeze %dma_start3A_346 : memref<1x128x128xf32, #tpu.memory_space<vmem>> -> memref<128x128xf32, #tpu.memory_space<vmem>>
      %dma_start3A_348 = arith.constant 0 : i32
      %dma_start3A_349 = tpu.memref_slice %arg9[%dma_start3A_342, %dma_start3A_348] : memref<8x128xi32, #tpu.memory_space<vmem>> -> memref<1x128xi32, #tpu.memory_space<vmem>>
      %dma_start3A_350 = tpu.memref_squeeze %dma_start3A_349 : memref<1x128xi32, #tpu.memory_space<vmem>> -> memref<128xi32, #tpu.memory_space<vmem>>
      %dma_start3A_351 = arith.constant 0 : i32
      %dma_start3A_352 = arith.constant 0 : i32
      %dma_start3A_353 = tpu.memref_slice %arg2[%dma_start3A_351, %dma_start3A_352] : memref<10000x128xf32, #tpu.memory_space<hbm>> -> memref<10000x128xf32, #tpu.memory_space<hbm>>
      tpu.enqueue_indirect_dma source(%dma_start3A_353 : memref<10000x128xf32, #tpu.memory_space<hbm>>) target(%dma_start3A_347 : memref<128x128xf32, #tpu.memory_space<vmem>>) offsets(%dma_start3A_350 : memref<128xi32, #tpu.memory_space<vmem>>) semaphore(%arg14 : memref<!tpu.dma_semaphore, #tpu.memory_space<semaphore_mem>>)
      %dma_wait3A_354 = arith.constant 2 : i32
      %dma_wait3A_355 = arith.constant 0 : i32
      %dma_wait3A_356 = arith.constant 0 : i32
      %dma_wait3A_357 = arith.constant 0 : i32
      %dma_wait3A_358 = tpu.memref_slice %arg11[%dma_wait3A_355, %dma_wait3A_356, %dma_wait3A_357] : memref<2x128x128xf32, #tpu.memory_space<vmem>> -> memref<1x128x128xf32, #tpu.memory_space<vmem>>
      %dma_wait3A_359 = tpu.memref_squeeze %dma_wait3A_358 : memref<1x128x128xf32, #tpu.memory_space<vmem>> -> memref<128x128xf32, #tpu.memory_space<vmem>>
      %dma_wait3A_360 = arith.constant 0 : i32
      %dma_wait3A_361 = tpu.memref_slice %arg9[%dma_wait3A_354, %dma_wait3A_360] : memref<8x128xi32, #tpu.memory_space<vmem>> -> memref<1x128xi32, #tpu.memory_space<vmem>>
      %dma_wait3A_362 = tpu.memref_squeeze %dma_wait3A_361 : memref<1x128xi32, #tpu.memory_space<vmem>> -> memref<128xi32, #tpu.memory_space<vmem>>
      %dma_wait3A_363 = arith.constant 0 : i32
      %dma_wait3A_364 = arith.constant 0 : i32
      %dma_wait3A_365 = tpu.memref_slice %arg2[%dma_wait3A_363, %dma_wait3A_364] : memref<10000x128xf32, #tpu.memory_space<hbm>> -> memref<10000x128xf32, #tpu.memory_space<hbm>>
      tpu.wait_indirect_dma semaphore(%arg13 : memref<!tpu.dma_semaphore, #tpu.memory_space<semaphore_mem>>) src(%dma_wait3A_365 : memref<10000x128xf32, #tpu.memory_space<hbm>>) dst(%dma_wait3A_359 : memref<128x128xf32, #tpu.memory_space<vmem>>)
      %run_scoped3A_366 = arith.constant 0 : i32
      %run_scoped3A_367 = arith.constant 2 : i32
      "tpu.region"() ({
        %run_scoped3A_486 = tpu.sem_alloc : memref<!tpu.dma_semaphore, #tpu.memory_space<semaphore_mem>>
        %dma_start3A_487 = arith.constant 0 : i32
        %dma_start3A_488 = arith.constant 0 : i32
        %dma_start3A_489 = tpu.memref_slice %arg11[%run_scoped3A_366, %dma_start3A_487, %dma_start3A_488] : memref<2x128x128xf32, #tpu.memory_space<vmem>> -> memref<1x128x128xf32, #tpu.memory_space<vmem>>
        %dma_start3A_490 = tpu.memref_squeeze %dma_start3A_489 : memref<1x128x128xf32, #tpu.memory_space<vmem>> -> memref<128x128xf32, #tpu.memory_space<vmem>>
        %dma_start3A_491 = arith.constant 0 : i32
        %dma_start3A_492 = tpu.memref_slice %arg10[%run_scoped3A_367, %dma_start3A_491] : memref<8x128xi32, #tpu.memory_space<vmem>> -> memref<1x128xi32, #tpu.memory_space<vmem>>
        %dma_start3A_493 = tpu.memref_squeeze %dma_start3A_492 : memref<1x128xi32, #tpu.memory_space<vmem>> -> memref<128xi32, #tpu.memory_space<vmem>>
        %dma_start3A_494 = arith.constant 0 : i32
        %dma_start3A_495 = arith.constant 0 : i32
        %dma_start3A_496 = tpu.memref_slice %arg12[%dma_start3A_494, %dma_start3A_495] : memref<10112x128xf32, #tpu.memory_space<vmem_shared>> -> memref<10112x128xf32, #tpu.memory_space<vmem_shared>>
        tpu.enqueue_indirect_dma source(%dma_start3A_490 : memref<128x128xf32, #tpu.memory_space<vmem>>) target(%dma_start3A_496 : memref<10112x128xf32, #tpu.memory_space<vmem_shared>>) offsets(%dma_start3A_493 : memref<128xi32, #tpu.memory_space<vmem>>) semaphore(%run_scoped3A_486 : memref<!tpu.dma_semaphore, #tpu.memory_space<semaphore_mem>>) {add = true}
        %dma_wait3A_497 = arith.constant 0 : i32
        %dma_wait3A_498 = arith.constant 0 : i32
        %dma_wait3A_499 = tpu.memref_slice %arg11[%run_scoped3A_366, %dma_wait3A_497, %dma_wait3A_498] : memref<2x128x128xf32, #tpu.memory_space<vmem>> -> memref<1x128x128xf32, #tpu.memory_space<vmem>>
        %dma_wait3A_500 = tpu.memref_squeeze %dma_wait3A_499 : memref<1x128x128xf32, #tpu.memory_space<vmem>> -> memref<128x128xf32, #tpu.memory_space<vmem>>
        %dma_wait3A_501 = arith.constant 0 : i32
        %dma_wait3A_502 = tpu.memref_slice %arg10[%run_scoped3A_367, %dma_wait3A_501] : memref<8x128xi32, #tpu.memory_space<vmem>> -> memref<1x128xi32, #tpu.memory_space<vmem>>
        %dma_wait3A_503 = tpu.memref_squeeze %dma_wait3A_502 : memref<1x128xi32, #tpu.memory_space<vmem>> -> memref<128xi32, #tpu.memory_space<vmem>>
        %dma_wait3A_504 = arith.constant 0 : i32
        %dma_wait3A_505 = arith.constant 0 : i32
        %dma_wait3A_506 = tpu.memref_slice %arg12[%dma_wait3A_504, %dma_wait3A_505] : memref<10112x128xf32, #tpu.memory_space<vmem_shared>> -> memref<10112x128xf32, #tpu.memory_space<vmem_shared>>
        tpu.wait_indirect_dma semaphore(%run_scoped3A_486 : memref<!tpu.dma_semaphore, #tpu.memory_space<semaphore_mem>>) src(%dma_wait3A_500 : memref<128x128xf32, #tpu.memory_space<vmem>>) dst(%dma_wait3A_506 : memref<10112x128xf32, #tpu.memory_space<vmem_shared>>)
        tpu.yield
      }) : () -> ()
      %dma_start3A_368 = arith.constant 4 : i32
      %dma_start3A_369 = arith.constant 0 : i32
      %dma_start3A_370 = arith.constant 0 : i32
      %dma_start3A_371 = arith.constant 0 : i32
      %dma_start3A_372 = tpu.memref_slice %arg11[%dma_start3A_369, %dma_start3A_370, %dma_start3A_371] : memref<2x128x128xf32, #tpu.memory_space<vmem>> -> memref<1x128x128xf32, #tpu.memory_space<vmem>>
      %dma_start3A_373 = tpu.memref_squeeze %dma_start3A_372 : memref<1x128x128xf32, #tpu.memory_space<vmem>> -> memref<128x128xf32, #tpu.memory_space<vmem>>
      %dma_start3A_374 = arith.constant 0 : i32
      %dma_start3A_375 = tpu.memref_slice %arg9[%dma_start3A_368, %dma_start3A_374] : memref<8x128xi32, #tpu.memory_space<vmem>> -> memref<1x128xi32, #tpu.memory_space<vmem>>
      %dma_start3A_376 = tpu.memref_squeeze %dma_start3A_375 : memref<1x128xi32, #tpu.memory_space<vmem>> -> memref<128xi32, #tpu.memory_space<vmem>>
      %dma_start3A_377 = arith.constant 0 : i32
      %dma_start3A_378 = arith.constant 0 : i32
      %dma_start3A_379 = tpu.memref_slice %arg2[%dma_start3A_377, %dma_start3A_378] : memref<10000x128xf32, #tpu.memory_space<hbm>> -> memref<10000x128xf32, #tpu.memory_space<hbm>>
      tpu.enqueue_indirect_dma source(%dma_start3A_379 : memref<10000x128xf32, #tpu.memory_space<hbm>>) target(%dma_start3A_373 : memref<128x128xf32, #tpu.memory_space<vmem>>) offsets(%dma_start3A_376 : memref<128xi32, #tpu.memory_space<vmem>>) semaphore(%arg13 : memref<!tpu.dma_semaphore, #tpu.memory_space<semaphore_mem>>)
      %dma_wait3A_380 = arith.constant 3 : i32
      %dma_wait3A_381 = arith.constant 1 : i32
      %dma_wait3A_382 = arith.constant 0 : i32
      %dma_wait3A_383 = arith.constant 0 : i32
      %dma_wait3A_384 = tpu.memref_slice %arg11[%dma_wait3A_381, %dma_wait3A_382, %dma_wait3A_383] : memref<2x128x128xf32, #tpu.memory_space<vmem>> -> memref<1x128x128xf32, #tpu.memory_space<vmem>>
      %dma_wait3A_385 = tpu.memref_squeeze %dma_wait3A_384 : memref<1x128x128xf32, #tpu.memory_space<vmem>> -> memref<128x128xf32, #tpu.memory_space<vmem>>
      %dma_wait3A_386 = arith.constant 0 : i32
      %dma_wait3A_387 = tpu.memref_slice %arg9[%dma_wait3A_380, %dma_wait3A_386] : memref<8x128xi32, #tpu.memory_space<vmem>> -> memref<1x128xi32, #tpu.memory_space<vmem>>
      %dma_wait3A_388 = tpu.memref_squeeze %dma_wait3A_387 : memref<1x128xi32, #tpu.memory_space<vmem>> -> memref<128xi32, #tpu.memory_space<vmem>>
      %dma_wait3A_389 = arith.constant 0 : i32
      %dma_wait3A_390 = arith.constant 0 : i32
      %dma_wait3A_391 = tpu.memref_slice %arg2[%dma_wait3A_389, %dma_wait3A_390] : memref<10000x128xf32, #tpu.memory_space<hbm>> -> memref<10000x128xf32, #tpu.memory_space<hbm>>
      tpu.wait_indirect_dma semaphore(%arg14 : memref<!tpu.dma_semaphore, #tpu.memory_space<semaphore_mem>>) src(%dma_wait3A_391 : memref<10000x128xf32, #tpu.memory_space<hbm>>) dst(%dma_wait3A_385 : memref<128x128xf32, #tpu.memory_space<vmem>>)
      %run_scoped3A_392 = arith.constant 1 : i32
      %run_scoped3A_393 = arith.constant 3 : i32
      "tpu.region"() ({
        %run_scoped3A_486 = tpu.sem_alloc : memref<!tpu.dma_semaphore, #tpu.memory_space<semaphore_mem>>
        %dma_start3A_487 = arith.constant 0 : i32
        %dma_start3A_488 = arith.constant 0 : i32
        %dma_start3A_489 = tpu.memref_slice %arg11[%run_scoped3A_392, %dma_start3A_487, %dma_start3A_488] : memref<2x128x128xf32, #tpu.memory_space<vmem>> -> memref<1x128x128xf32, #tpu.memory_space<vmem>>
        %dma_start3A_490 = tpu.memref_squeeze %dma_start3A_489 : memref<1x128x128xf32, #tpu.memory_space<vmem>> -> memref<128x128xf32, #tpu.memory_space<vmem>>
        %dma_start3A_491 = arith.constant 0 : i32
        %dma_start3A_492 = tpu.memref_slice %arg10[%run_scoped3A_393, %dma_start3A_491] : memref<8x128xi32, #tpu.memory_space<vmem>> -> memref<1x128xi32, #tpu.memory_space<vmem>>
        %dma_start3A_493 = tpu.memref_squeeze %dma_start3A_492 : memref<1x128xi32, #tpu.memory_space<vmem>> -> memref<128xi32, #tpu.memory_space<vmem>>
        %dma_start3A_494 = arith.constant 0 : i32
        %dma_start3A_495 = arith.constant 0 : i32
        %dma_start3A_496 = tpu.memref_slice %arg12[%dma_start3A_494, %dma_start3A_495] : memref<10112x128xf32, #tpu.memory_space<vmem_shared>> -> memref<10112x128xf32, #tpu.memory_space<vmem_shared>>
        tpu.enqueue_indirect_dma source(%dma_start3A_490 : memref<128x128xf32, #tpu.memory_space<vmem>>) target(%dma_start3A_496 : memref<10112x128xf32, #tpu.memory_space<vmem_shared>>) offsets(%dma_start3A_493 : memref<128xi32, #tpu.memory_space<vmem>>) semaphore(%run_scoped3A_486 : memref<!tpu.dma_semaphore, #tpu.memory_space<semaphore_mem>>) {add = true}
        %dma_wait3A_497 = arith.constant 0 : i32
        %dma_wait3A_498 = arith.constant 0 : i32
        %dma_wait3A_499 = tpu.memref_slice %arg11[%run_scoped3A_392, %dma_wait3A_497, %dma_wait3A_498] : memref<2x128x128xf32, #tpu.memory_space<vmem>> -> memref<1x128x128xf32, #tpu.memory_space<vmem>>
        %dma_wait3A_500 = tpu.memref_squeeze %dma_wait3A_499 : memref<1x128x128xf32, #tpu.memory_space<vmem>> -> memref<128x128xf32, #tpu.memory_space<vmem>>
        %dma_wait3A_501 = arith.constant 0 : i32
        %dma_wait3A_502 = tpu.memref_slice %arg10[%run_scoped3A_393, %dma_wait3A_501] : memref<8x128xi32, #tpu.memory_space<vmem>> -> memref<1x128xi32, #tpu.memory_space<vmem>>
        %dma_wait3A_503 = tpu.memref_squeeze %dma_wait3A_502 : memref<1x128xi32, #tpu.memory_space<vmem>> -> memref<128xi32, #tpu.memory_space<vmem>>
        %dma_wait3A_504 = arith.constant 0 : i32
        %dma_wait3A_505 = arith.constant 0 : i32
        %dma_wait3A_506 = tpu.memref_slice %arg12[%dma_wait3A_504, %dma_wait3A_505] : memref<10112x128xf32, #tpu.memory_space<vmem_shared>> -> memref<10112x128xf32, #tpu.memory_space<vmem_shared>>
        tpu.wait_indirect_dma semaphore(%run_scoped3A_486 : memref<!tpu.dma_semaphore, #tpu.memory_space<semaphore_mem>>) src(%dma_wait3A_500 : memref<128x128xf32, #tpu.memory_space<vmem>>) dst(%dma_wait3A_506 : memref<10112x128xf32, #tpu.memory_space<vmem_shared>>)
        tpu.yield
      }) : () -> ()
      %dma_start3A_394 = arith.constant 5 : i32
      %dma_start3A_395 = arith.constant 1 : i32
      %dma_start3A_396 = arith.constant 0 : i32
      %dma_start3A_397 = arith.constant 0 : i32
      %dma_start3A_398 = tpu.memref_slice %arg11[%dma_start3A_395, %dma_start3A_396, %dma_start3A_397] : memref<2x128x128xf32, #tpu.memory_space<vmem>> -> memref<1x128x128xf32, #tpu.memory_space<vmem>>
      %dma_start3A_399 = tpu.memref_squeeze %dma_start3A_398 : memref<1x128x128xf32, #tpu.memory_space<vmem>> -> memref<128x128xf32, #tpu.memory_space<vmem>>
      %dma_start3A_400 = arith.constant 0 : i32
      %dma_start3A_401 = tpu.memref_slice %arg9[%dma_start3A_394, %dma_start3A_400] : memref<8x128xi32, #tpu.memory_space<vmem>> -> memref<1x128xi32, #tpu.memory_space<vmem>>
      %dma_start3A_402 = tpu.memref_squeeze %dma_start3A_401 : memref<1x128xi32, #tpu.memory_space<vmem>> -> memref<128xi32, #tpu.memory_space<vmem>>
      %dma_start3A_403 = arith.constant 0 : i32
      %dma_start3A_404 = arith.constant 0 : i32
      %dma_start3A_405 = tpu.memref_slice %arg2[%dma_start3A_403, %dma_start3A_404] : memref<10000x128xf32, #tpu.memory_space<hbm>> -> memref<10000x128xf32, #tpu.memory_space<hbm>>
      tpu.enqueue_indirect_dma source(%dma_start3A_405 : memref<10000x128xf32, #tpu.memory_space<hbm>>) target(%dma_start3A_399 : memref<128x128xf32, #tpu.memory_space<vmem>>) offsets(%dma_start3A_402 : memref<128xi32, #tpu.memory_space<vmem>>) semaphore(%arg14 : memref<!tpu.dma_semaphore, #tpu.memory_space<semaphore_mem>>)
      %dma_wait3A_406 = arith.constant 4 : i32
      %dma_wait3A_407 = arith.constant 0 : i32
      %dma_wait3A_408 = arith.constant 0 : i32
      %dma_wait3A_409 = arith.constant 0 : i32
      %dma_wait3A_410 = tpu.memref_slice %arg11[%dma_wait3A_407, %dma_wait3A_408, %dma_wait3A_409] : memref<2x128x128xf32, #tpu.memory_space<vmem>> -> memref<1x128x128xf32, #tpu.memory_space<vmem>>
      %dma_wait3A_411 = tpu.memref_squeeze %dma_wait3A_410 : memref<1x128x128xf32, #tpu.memory_space<vmem>> -> memref<128x128xf32, #tpu.memory_space<vmem>>
      %dma_wait3A_412 = arith.constant 0 : i32
      %dma_wait3A_413 = tpu.memref_slice %arg9[%dma_wait3A_406, %dma_wait3A_412] : memref<8x128xi32, #tpu.memory_space<vmem>> -> memref<1x128xi32, #tpu.memory_space<vmem>>
      %dma_wait3A_414 = tpu.memref_squeeze %dma_wait3A_413 : memref<1x128xi32, #tpu.memory_space<vmem>> -> memref<128xi32, #tpu.memory_space<vmem>>
      %dma_wait3A_415 = arith.constant 0 : i32
      %dma_wait3A_416 = arith.constant 0 : i32
      %dma_wait3A_417 = tpu.memref_slice %arg2[%dma_wait3A_415, %dma_wait3A_416] : memref<10000x128xf32, #tpu.memory_space<hbm>> -> memref<10000x128xf32, #tpu.memory_space<hbm>>
      tpu.wait_indirect_dma semaphore(%arg13 : memref<!tpu.dma_semaphore, #tpu.memory_space<semaphore_mem>>) src(%dma_wait3A_417 : memref<10000x128xf32, #tpu.memory_space<hbm>>) dst(%dma_wait3A_411 : memref<128x128xf32, #tpu.memory_space<vmem>>)
      %run_scoped3A_418 = arith.constant 0 : i32
      %run_scoped3A_419 = arith.constant 4 : i32
      "tpu.region"() ({
        %run_scoped3A_486 = tpu.sem_alloc : memref<!tpu.dma_semaphore, #tpu.memory_space<semaphore_mem>>
        %dma_start3A_487 = arith.constant 0 : i32
        %dma_start3A_488 = arith.constant 0 : i32
        %dma_start3A_489 = tpu.memref_slice %arg11[%run_scoped3A_418, %dma_start3A_487, %dma_start3A_488] : memref<2x128x128xf32, #tpu.memory_space<vmem>> -> memref<1x128x128xf32, #tpu.memory_space<vmem>>
        %dma_start3A_490 = tpu.memref_squeeze %dma_start3A_489 : memref<1x128x128xf32, #tpu.memory_space<vmem>> -> memref<128x128xf32, #tpu.memory_space<vmem>>
        %dma_start3A_491 = arith.constant 0 : i32
        %dma_start3A_492 = tpu.memref_slice %arg10[%run_scoped3A_419, %dma_start3A_491] : memref<8x128xi32, #tpu.memory_space<vmem>> -> memref<1x128xi32, #tpu.memory_space<vmem>>
        %dma_start3A_493 = tpu.memref_squeeze %dma_start3A_492 : memref<1x128xi32, #tpu.memory_space<vmem>> -> memref<128xi32, #tpu.memory_space<vmem>>
        %dma_start3A_494 = arith.constant 0 : i32
        %dma_start3A_495 = arith.constant 0 : i32
        %dma_start3A_496 = tpu.memref_slice %arg12[%dma_start3A_494, %dma_start3A_495] : memref<10112x128xf32, #tpu.memory_space<vmem_shared>> -> memref<10112x128xf32, #tpu.memory_space<vmem_shared>>
        tpu.enqueue_indirect_dma source(%dma_start3A_490 : memref<128x128xf32, #tpu.memory_space<vmem>>) target(%dma_start3A_496 : memref<10112x128xf32, #tpu.memory_space<vmem_shared>>) offsets(%dma_start3A_493 : memref<128xi32, #tpu.memory_space<vmem>>) semaphore(%run_scoped3A_486 : memref<!tpu.dma_semaphore, #tpu.memory_space<semaphore_mem>>) {add = true}
        %dma_wait3A_497 = arith.constant 0 : i32
        %dma_wait3A_498 = arith.constant 0 : i32
        %dma_wait3A_499 = tpu.memref_slice %arg11[%run_scoped3A_418, %dma_wait3A_497, %dma_wait3A_498] : memref<2x128x128xf32, #tpu.memory_space<vmem>> -> memref<1x128x128xf32, #tpu.memory_space<vmem>>
        %dma_wait3A_500 = tpu.memref_squeeze %dma_wait3A_499 : memref<1x128x128xf32, #tpu.memory_space<vmem>> -> memref<128x128xf32, #tpu.memory_space<vmem>>
        %dma_wait3A_501 = arith.constant 0 : i32
        %dma_wait3A_502 = tpu.memref_slice %arg10[%run_scoped3A_419, %dma_wait3A_501] : memref<8x128xi32, #tpu.memory_space<vmem>> -> memref<1x128xi32, #tpu.memory_space<vmem>>
        %dma_wait3A_503 = tpu.memref_squeeze %dma_wait3A_502 : memref<1x128xi32, #tpu.memory_space<vmem>> -> memref<128xi32, #tpu.memory_space<vmem>>
        %dma_wait3A_504 = arith.constant 0 : i32
        %dma_wait3A_505 = arith.constant 0 : i32
        %dma_wait3A_506 = tpu.memref_slice %arg12[%dma_wait3A_504, %dma_wait3A_505] : memref<10112x128xf32, #tpu.memory_space<vmem_shared>> -> memref<10112x128xf32, #tpu.memory_space<vmem_shared>>
        tpu.wait_indirect_dma semaphore(%run_scoped3A_486 : memref<!tpu.dma_semaphore, #tpu.memory_space<semaphore_mem>>) src(%dma_wait3A_500 : memref<128x128xf32, #tpu.memory_space<vmem>>) dst(%dma_wait3A_506 : memref<10112x128xf32, #tpu.memory_space<vmem_shared>>)
        tpu.yield
      }) : () -> ()
      %dma_start3A_420 = arith.constant 6 : i32
      %dma_start3A_421 = arith.constant 0 : i32
      %dma_start3A_422 = arith.constant 0 : i32
      %dma_start3A_423 = arith.constant 0 : i32
      %dma_start3A_424 = tpu.memref_slice %arg11[%dma_start3A_421, %dma_start3A_422, %dma_start3A_423] : memref<2x128x128xf32, #tpu.memory_space<vmem>> -> memref<1x128x128xf32, #tpu.memory_space<vmem>>
      %dma_start3A_425 = tpu.memref_squeeze %dma_start3A_424 : memref<1x128x128xf32, #tpu.memory_space<vmem>> -> memref<128x128xf32, #tpu.memory_space<vmem>>
      %dma_start3A_426 = arith.constant 0 : i32
      %dma_start3A_427 = tpu.memref_slice %arg9[%dma_start3A_420, %dma_start3A_426] : memref<8x128xi32, #tpu.memory_space<vmem>> -> memref<1x128xi32, #tpu.memory_space<vmem>>
      %dma_start3A_428 = tpu.memref_squeeze %dma_start3A_427 : memref<1x128xi32, #tpu.memory_space<vmem>> -> memref<128xi32, #tpu.memory_space<vmem>>
      %dma_start3A_429 = arith.constant 0 : i32
      %dma_start3A_430 = arith.constant 0 : i32
      %dma_start3A_431 = tpu.memref_slice %arg2[%dma_start3A_429, %dma_start3A_430] : memref<10000x128xf32, #tpu.memory_space<hbm>> -> memref<10000x128xf32, #tpu.memory_space<hbm>>
      tpu.enqueue_indirect_dma source(%dma_start3A_431 : memref<10000x128xf32, #tpu.memory_space<hbm>>) target(%dma_start3A_425 : memref<128x128xf32, #tpu.memory_space<vmem>>) offsets(%dma_start3A_428 : memref<128xi32, #tpu.memory_space<vmem>>) semaphore(%arg13 : memref<!tpu.dma_semaphore, #tpu.memory_space<semaphore_mem>>)
      %dma_wait3A_432 = arith.constant 5 : i32
      %dma_wait3A_433 = arith.constant 1 : i32
      %dma_wait3A_434 = arith.constant 0 : i32
      %dma_wait3A_435 = arith.constant 0 : i32
      %dma_wait3A_436 = tpu.memref_slice %arg11[%dma_wait3A_433, %dma_wait3A_434, %dma_wait3A_435] : memref<2x128x128xf32, #tpu.memory_space<vmem>> -> memref<1x128x128xf32, #tpu.memory_space<vmem>>
      %dma_wait3A_437 = tpu.memref_squeeze %dma_wait3A_436 : memref<1x128x128xf32, #tpu.memory_space<vmem>> -> memref<128x128xf32, #tpu.memory_space<vmem>>
      %dma_wait3A_438 = arith.constant 0 : i32
      %dma_wait3A_439 = tpu.memref_slice %arg9[%dma_wait3A_432, %dma_wait3A_438] : memref<8x128xi32, #tpu.memory_space<vmem>> -> memref<1x128xi32, #tpu.memory_space<vmem>>
      %dma_wait3A_440 = tpu.memref_squeeze %dma_wait3A_439 : memref<1x128xi32, #tpu.memory_space<vmem>> -> memref<128xi32, #tpu.memory_space<vmem>>
      %dma_wait3A_441 = arith.constant 0 : i32
      %dma_wait3A_442 = arith.constant 0 : i32
      %dma_wait3A_443 = tpu.memref_slice %arg2[%dma_wait3A_441, %dma_wait3A_442] : memref<10000x128xf32, #tpu.memory_space<hbm>> -> memref<10000x128xf32, #tpu.memory_space<hbm>>
      tpu.wait_indirect_dma semaphore(%arg14 : memref<!tpu.dma_semaphore, #tpu.memory_space<semaphore_mem>>) src(%dma_wait3A_443 : memref<10000x128xf32, #tpu.memory_space<hbm>>) dst(%dma_wait3A_437 : memref<128x128xf32, #tpu.memory_space<vmem>>)
      %run_scoped3A_444 = arith.constant 1 : i32
      %run_scoped3A_445 = arith.constant 5 : i32
      "tpu.region"() ({
        %run_scoped3A_486 = tpu.sem_alloc : memref<!tpu.dma_semaphore, #tpu.memory_space<semaphore_mem>>
        %dma_start3A_487 = arith.constant 0 : i32
        %dma_start3A_488 = arith.constant 0 : i32
        %dma_start3A_489 = tpu.memref_slice %arg11[%run_scoped3A_444, %dma_start3A_487, %dma_start3A_488] : memref<2x128x128xf32, #tpu.memory_space<vmem>> -> memref<1x128x128xf32, #tpu.memory_space<vmem>>
        %dma_start3A_490 = tpu.memref_squeeze %dma_start3A_489 : memref<1x128x128xf32, #tpu.memory_space<vmem>> -> memref<128x128xf32, #tpu.memory_space<vmem>>
        %dma_start3A_491 = arith.constant 0 : i32
        %dma_start3A_492 = tpu.memref_slice %arg10[%run_scoped3A_445, %dma_start3A_491] : memref<8x128xi32, #tpu.memory_space<vmem>> -> memref<1x128xi32, #tpu.memory_space<vmem>>
        %dma_start3A_493 = tpu.memref_squeeze %dma_start3A_492 : memref<1x128xi32, #tpu.memory_space<vmem>> -> memref<128xi32, #tpu.memory_space<vmem>>
        %dma_start3A_494 = arith.constant 0 : i32
        %dma_start3A_495 = arith.constant 0 : i32
        %dma_start3A_496 = tpu.memref_slice %arg12[%dma_start3A_494, %dma_start3A_495] : memref<10112x128xf32, #tpu.memory_space<vmem_shared>> -> memref<10112x128xf32, #tpu.memory_space<vmem_shared>>
        tpu.enqueue_indirect_dma source(%dma_start3A_490 : memref<128x128xf32, #tpu.memory_space<vmem>>) target(%dma_start3A_496 : memref<10112x128xf32, #tpu.memory_space<vmem_shared>>) offsets(%dma_start3A_493 : memref<128xi32, #tpu.memory_space<vmem>>) semaphore(%run_scoped3A_486 : memref<!tpu.dma_semaphore, #tpu.memory_space<semaphore_mem>>) {add = true}
        %dma_wait3A_497 = arith.constant 0 : i32
        %dma_wait3A_498 = arith.constant 0 : i32
        %dma_wait3A_499 = tpu.memref_slice %arg11[%run_scoped3A_444, %dma_wait3A_497, %dma_wait3A_498] : memref<2x128x128xf32, #tpu.memory_space<vmem>> -> memref<1x128x128xf32, #tpu.memory_space<vmem>>
        %dma_wait3A_500 = tpu.memref_squeeze %dma_wait3A_499 : memref<1x128x128xf32, #tpu.memory_space<vmem>> -> memref<128x128xf32, #tpu.memory_space<vmem>>
        %dma_wait3A_501 = arith.constant 0 : i32
        %dma_wait3A_502 = tpu.memref_slice %arg10[%run_scoped3A_445, %dma_wait3A_501] : memref<8x128xi32, #tpu.memory_space<vmem>> -> memref<1x128xi32, #tpu.memory_space<vmem>>
        %dma_wait3A_503 = tpu.memref_squeeze %dma_wait3A_502 : memref<1x128xi32, #tpu.memory_space<vmem>> -> memref<128xi32, #tpu.memory_space<vmem>>
        %dma_wait3A_504 = arith.constant 0 : i32
        %dma_wait3A_505 = arith.constant 0 : i32
        %dma_wait3A_506 = tpu.memref_slice %arg12[%dma_wait3A_504, %dma_wait3A_505] : memref<10112x128xf32, #tpu.memory_space<vmem_shared>> -> memref<10112x128xf32, #tpu.memory_space<vmem_shared>>
        tpu.wait_indirect_dma semaphore(%run_scoped3A_486 : memref<!tpu.dma_semaphore, #tpu.memory_space<semaphore_mem>>) src(%dma_wait3A_500 : memref<128x128xf32, #tpu.memory_space<vmem>>) dst(%dma_wait3A_506 : memref<10112x128xf32, #tpu.memory_space<vmem_shared>>)
        tpu.yield
      }) : () -> ()
      %dma_start3A_446 = arith.constant 7 : i32
      %dma_start3A_447 = arith.constant 1 : i32
      %dma_start3A_448 = arith.constant 0 : i32
      %dma_start3A_449 = arith.constant 0 : i32
      %dma_start3A_450 = tpu.memref_slice %arg11[%dma_start3A_447, %dma_start3A_448, %dma_start3A_449] : memref<2x128x128xf32, #tpu.memory_space<vmem>> -> memref<1x128x128xf32, #tpu.memory_space<vmem>>
      %dma_start3A_451 = tpu.memref_squeeze %dma_start3A_450 : memref<1x128x128xf32, #tpu.memory_space<vmem>> -> memref<128x128xf32, #tpu.memory_space<vmem>>
      %dma_start3A_452 = arith.constant 0 : i32
      %dma_start3A_453 = tpu.memref_slice %arg9[%dma_start3A_446, %dma_start3A_452] : memref<8x128xi32, #tpu.memory_space<vmem>> -> memref<1x128xi32, #tpu.memory_space<vmem>>
      %dma_start3A_454 = tpu.memref_squeeze %dma_start3A_453 : memref<1x128xi32, #tpu.memory_space<vmem>> -> memref<128xi32, #tpu.memory_space<vmem>>
      %dma_start3A_455 = arith.constant 0 : i32
      %dma_start3A_456 = arith.constant 0 : i32
      %dma_start3A_457 = tpu.memref_slice %arg2[%dma_start3A_455, %dma_start3A_456] : memref<10000x128xf32, #tpu.memory_space<hbm>> -> memref<10000x128xf32, #tpu.memory_space<hbm>>
      tpu.enqueue_indirect_dma source(%dma_start3A_457 : memref<10000x128xf32, #tpu.memory_space<hbm>>) target(%dma_start3A_451 : memref<128x128xf32, #tpu.memory_space<vmem>>) offsets(%dma_start3A_454 : memref<128xi32, #tpu.memory_space<vmem>>) semaphore(%arg14 : memref<!tpu.dma_semaphore, #tpu.memory_space<semaphore_mem>>)
      %dma_wait3A_458 = arith.constant 6 : i32
      %dma_wait3A_459 = arith.constant 0 : i32
      %dma_wait3A_460 = arith.constant 0 : i32
      %dma_wait3A_461 = arith.constant 0 : i32
      %dma_wait3A_462 = tpu.memref_slice %arg11[%dma_wait3A_459, %dma_wait3A_460, %dma_wait3A_461] : memref<2x128x128xf32, #tpu.memory_space<vmem>> -> memref<1x128x128xf32, #tpu.memory_space<vmem>>
      %dma_wait3A_463 = tpu.memref_squeeze %dma_wait3A_462 : memref<1x128x128xf32, #tpu.memory_space<vmem>> -> memref<128x128xf32, #tpu.memory_space<vmem>>
      %dma_wait3A_464 = arith.constant 0 : i32
      %dma_wait3A_465 = tpu.memref_slice %arg9[%dma_wait3A_458, %dma_wait3A_464] : memref<8x128xi32, #tpu.memory_space<vmem>> -> memref<1x128xi32, #tpu.memory_space<vmem>>
      %dma_wait3A_466 = tpu.memref_squeeze %dma_wait3A_465 : memref<1x128xi32, #tpu.memory_space<vmem>> -> memref<128xi32, #tpu.memory_space<vmem>>
      %dma_wait3A_467 = arith.constant 0 : i32
      %dma_wait3A_468 = arith.constant 0 : i32
      %dma_wait3A_469 = tpu.memref_slice %arg2[%dma_wait3A_467, %dma_wait3A_468] : memref<10000x128xf32, #tpu.memory_space<hbm>> -> memref<10000x128xf32, #tpu.memory_space<hbm>>
      tpu.wait_indirect_dma semaphore(%arg13 : memref<!tpu.dma_semaphore, #tpu.memory_space<semaphore_mem>>) src(%dma_wait3A_469 : memref<10000x128xf32, #tpu.memory_space<hbm>>) dst(%dma_wait3A_463 : memref<128x128xf32, #tpu.memory_space<vmem>>)
      %run_scoped3A_470 = arith.constant 0 : i32
      %run_scoped3A_471 = arith.constant 6 : i32
      "tpu.region"() ({
        %run_scoped3A_486 = tpu.sem_alloc : memref<!tpu.dma_semaphore, #tpu.memory_space<semaphore_mem>>
        %dma_start3A_487 = arith.constant 0 : i32
        %dma_start3A_488 = arith.constant 0 : i32
        %dma_start3A_489 = tpu.memref_slice %arg11[%run_scoped3A_470, %dma_start3A_487, %dma_start3A_488] : memref<2x128x128xf32, #tpu.memory_space<vmem>> -> memref<1x128x128xf32, #tpu.memory_space<vmem>>
        %dma_start3A_490 = tpu.memref_squeeze %dma_start3A_489 : memref<1x128x128xf32, #tpu.memory_space<vmem>> -> memref<128x128xf32, #tpu.memory_space<vmem>>
        %dma_start3A_491 = arith.constant 0 : i32
        %dma_start3A_492 = tpu.memref_slice %arg10[%run_scoped3A_471, %dma_start3A_491] : memref<8x128xi32, #tpu.memory_space<vmem>> -> memref<1x128xi32, #tpu.memory_space<vmem>>
        %dma_start3A_493 = tpu.memref_squeeze %dma_start3A_492 : memref<1x128xi32, #tpu.memory_space<vmem>> -> memref<128xi32, #tpu.memory_space<vmem>>
        %dma_start3A_494 = arith.constant 0 : i32
        %dma_start3A_495 = arith.constant 0 : i32
        %dma_start3A_496 = tpu.memref_slice %arg12[%dma_start3A_494, %dma_start3A_495] : memref<10112x128xf32, #tpu.memory_space<vmem_shared>> -> memref<10112x128xf32, #tpu.memory_space<vmem_shared>>
        tpu.enqueue_indirect_dma source(%dma_start3A_490 : memref<128x128xf32, #tpu.memory_space<vmem>>) target(%dma_start3A_496 : memref<10112x128xf32, #tpu.memory_space<vmem_shared>>) offsets(%dma_start3A_493 : memref<128xi32, #tpu.memory_space<vmem>>) semaphore(%run_scoped3A_486 : memref<!tpu.dma_semaphore, #tpu.memory_space<semaphore_mem>>) {add = true}
        %dma_wait3A_497 = arith.constant 0 : i32
        %dma_wait3A_498 = arith.constant 0 : i32
        %dma_wait3A_499 = tpu.memref_slice %arg11[%run_scoped3A_470, %dma_wait3A_497, %dma_wait3A_498] : memref<2x128x128xf32, #tpu.memory_space<vmem>> -> memref<1x128x128xf32, #tpu.memory_space<vmem>>
        %dma_wait3A_500 = tpu.memref_squeeze %dma_wait3A_499 : memref<1x128x128xf32, #tpu.memory_space<vmem>> -> memref<128x128xf32, #tpu.memory_space<vmem>>
        %dma_wait3A_501 = arith.constant 0 : i32
        %dma_wait3A_502 = tpu.memref_slice %arg10[%run_scoped3A_471, %dma_wait3A_501] : memref<8x128xi32, #tpu.memory_space<vmem>> -> memref<1x128xi32, #tpu.memory_space<vmem>>
        %dma_wait3A_503 = tpu.memref_squeeze %dma_wait3A_502 : memref<1x128xi32, #tpu.memory_space<vmem>> -> memref<128xi32, #tpu.memory_space<vmem>>
        %dma_wait3A_504 = arith.constant 0 : i32
        %dma_wait3A_505 = arith.constant 0 : i32
        %dma_wait3A_506 = tpu.memref_slice %arg12[%dma_wait3A_504, %dma_wait3A_505] : memref<10112x128xf32, #tpu.memory_space<vmem_shared>> -> memref<10112x128xf32, #tpu.memory_space<vmem_shared>>
        tpu.wait_indirect_dma semaphore(%run_scoped3A_486 : memref<!tpu.dma_semaphore, #tpu.memory_space<semaphore_mem>>) src(%dma_wait3A_500 : memref<128x128xf32, #tpu.memory_space<vmem>>) dst(%dma_wait3A_506 : memref<10112x128xf32, #tpu.memory_space<vmem_shared>>)
        tpu.yield
      }) : () -> ()
      %dma_wait3A_472 = arith.constant 7 : i32
      %dma_wait3A_473 = arith.constant 1 : i32
      %dma_wait3A_474 = arith.constant 0 : i32
      %dma_wait3A_475 = arith.constant 0 : i32
      %dma_wait3A_476 = tpu.memref_slice %arg11[%dma_wait3A_473, %dma_wait3A_474, %dma_wait3A_475] : memref<2x128x128xf32, #tpu.memory_space<vmem>> -> memref<1x128x128xf32, #tpu.memory_space<vmem>>
      %dma_wait3A_477 = tpu.memref_squeeze %dma_wait3A_476 : memref<1x128x128xf32, #tpu.memory_space<vmem>> -> memref<128x128xf32, #tpu.memory_space<vmem>>
      %dma_wait3A_478 = arith.constant 0 : i32
      %dma_wait3A_479 = tpu.memref_slice %arg9[%dma_wait3A_472, %dma_wait3A_478] : memref<8x128xi32, #tpu.memory_space<vmem>> -> memref<1x128xi32, #tpu.memory_space<vmem>>
      %dma_wait3A_480 = tpu.memref_squeeze %dma_wait3A_479 : memref<1x128xi32, #tpu.memory_space<vmem>> -> memref<128xi32, #tpu.memory_space<vmem>>
      %dma_wait3A_481 = arith.constant 0 : i32
      %dma_wait3A_482 = arith.constant 0 : i32
      %dma_wait3A_483 = tpu.memref_slice %arg2[%dma_wait3A_481, %dma_wait3A_482] : memref<10000x128xf32, #tpu.memory_space<hbm>> -> memref<10000x128xf32, #tpu.memory_space<hbm>>
      tpu.wait_indirect_dma semaphore(%arg14 : memref<!tpu.dma_semaphore, #tpu.memory_space<semaphore_mem>>) src(%dma_wait3A_483 : memref<10000x128xf32, #tpu.memory_space<hbm>>) dst(%dma_wait3A_477 : memref<128x128xf32, #tpu.memory_space<vmem>>)
      %run_scoped3A_484 = arith.constant 1 : i32
      %run_scoped3A_485 = arith.constant 7 : i32
      "tpu.region"() ({
        %run_scoped3A_486 = tpu.sem_alloc : memref<!tpu.dma_semaphore, #tpu.memory_space<semaphore_mem>>
        %dma_start3A_487 = arith.constant 0 : i32
        %dma_start3A_488 = arith.constant 0 : i32
        %dma_start3A_489 = tpu.memref_slice %arg11[%run_scoped3A_484, %dma_start3A_487, %dma_start3A_488] : memref<2x128x128xf32, #tpu.memory_space<vmem>> -> memref<1x128x128xf32, #tpu.memory_space<vmem>>
        %dma_start3A_490 = tpu.memref_squeeze %dma_start3A_489 : memref<1x128x128xf32, #tpu.memory_space<vmem>> -> memref<128x128xf32, #tpu.memory_space<vmem>>
        %dma_start3A_491 = arith.constant 0 : i32
        %dma_start3A_492 = tpu.memref_slice %arg10[%run_scoped3A_485, %dma_start3A_491] : memref<8x128xi32, #tpu.memory_space<vmem>> -> memref<1x128xi32, #tpu.memory_space<vmem>>
        %dma_start3A_493 = tpu.memref_squeeze %dma_start3A_492 : memref<1x128xi32, #tpu.memory_space<vmem>> -> memref<128xi32, #tpu.memory_space<vmem>>
        %dma_start3A_494 = arith.constant 0 : i32
        %dma_start3A_495 = arith.constant 0 : i32
        %dma_start3A_496 = tpu.memref_slice %arg12[%dma_start3A_494, %dma_start3A_495] : memref<10112x128xf32, #tpu.memory_space<vmem_shared>> -> memref<10112x128xf32, #tpu.memory_space<vmem_shared>>
        tpu.enqueue_indirect_dma source(%dma_start3A_490 : memref<128x128xf32, #tpu.memory_space<vmem>>) target(%dma_start3A_496 : memref<10112x128xf32, #tpu.memory_space<vmem_shared>>) offsets(%dma_start3A_493 : memref<128xi32, #tpu.memory_space<vmem>>) semaphore(%run_scoped3A_486 : memref<!tpu.dma_semaphore, #tpu.memory_space<semaphore_mem>>) {add = true}
        %dma_wait3A_497 = arith.constant 0 : i32
        %dma_wait3A_498 = arith.constant 0 : i32
        %dma_wait3A_499 = tpu.memref_slice %arg11[%run_scoped3A_484, %dma_wait3A_497, %dma_wait3A_498] : memref<2x128x128xf32, #tpu.memory_space<vmem>> -> memref<1x128x128xf32, #tpu.memory_space<vmem>>
        %dma_wait3A_500 = tpu.memref_squeeze %dma_wait3A_499 : memref<1x128x128xf32, #tpu.memory_space<vmem>> -> memref<128x128xf32, #tpu.memory_space<vmem>>
        %dma_wait3A_501 = arith.constant 0 : i32
        %dma_wait3A_502 = tpu.memref_slice %arg10[%run_scoped3A_485, %dma_wait3A_501] : memref<8x128xi32, #tpu.memory_space<vmem>> -> memref<1x128xi32, #tpu.memory_space<vmem>>
        %dma_wait3A_503 = tpu.memref_squeeze %dma_wait3A_502 : memref<1x128xi32, #tpu.memory_space<vmem>> -> memref<128xi32, #tpu.memory_space<vmem>>
        %dma_wait3A_504 = arith.constant 0 : i32
        %dma_wait3A_505 = arith.constant 0 : i32
        %dma_wait3A_506 = tpu.memref_slice %arg12[%dma_wait3A_504, %dma_wait3A_505] : memref<10112x128xf32, #tpu.memory_space<vmem_shared>> -> memref<10112x128xf32, #tpu.memory_space<vmem_shared>>
        tpu.wait_indirect_dma semaphore(%run_scoped3A_486 : memref<!tpu.dma_semaphore, #tpu.memory_space<semaphore_mem>>) src(%dma_wait3A_500 : memref<128x128xf32, #tpu.memory_space<vmem>>) dst(%dma_wait3A_506 : memref<10112x128xf32, #tpu.memory_space<vmem_shared>>)
        tpu.yield
      }) : () -> ()
    }
    %while3A_83 = arith.constant 1 : i32
    scf.for %while3A_274 = %while3A_81 to %while3A_77 step %while3A_83  : i32 {
      %mul3A_275 = arith.constant 8 : i32
      %mul3A_276 = arith.muli %while3A_274, %mul3A_275 : i32
      %add3A_277 = arith.addi %select_n3A, %mul3A_276 : i32
      "tpu.region"() ({
        %run_scoped3A_486 = tpu.sem_alloc : memref<!tpu.dma_semaphore, #tpu.memory_space<semaphore_mem>>
        %dma_start3A_487 = arith.constant 0 : i32
        %dma_start3A_488 = tpu.memref_slice %arg3[%add3A_277, %dma_start3A_487] : memref<2560x128xi32, #tpu.memory_space<hbm>> -> memref<8x128xi32, #tpu.memory_space<hbm>>
        %dma_start3A_489 = arith.constant 0 : i32
        %dma_start3A_490 = tpu.memref_slice %arg3[%add3A_277, %dma_start3A_489] : memref<2560x128xi32, #tpu.memory_space<hbm>> -> memref<8x128xi32, #tpu.memory_space<hbm>>
        tpu.enqueue_dma source(%dma_start3A_490 : memref<8x128xi32, #tpu.memory_space<hbm>>) target(%arg9 : memref<8x128xi32, #tpu.memory_space<vmem>>) target_semaphore(%run_scoped3A_486 : memref<!tpu.dma_semaphore, #tpu.memory_space<semaphore_mem>>)
        %dma_wait3A_491 = arith.constant 0 : i32
        %dma_wait3A_492 = tpu.memref_slice %arg3[%add3A_277, %dma_wait3A_491] : memref<2560x128xi32, #tpu.memory_space<hbm>> -> memref<8x128xi32, #tpu.memory_space<hbm>>
        %dma_wait3A_493 = arith.constant 0 : i32
        %dma_wait3A_494 = tpu.memref_slice %arg3[%add3A_277, %dma_wait3A_493] : memref<2560x128xi32, #tpu.memory_space<hbm>> -> memref<8x128xi32, #tpu.memory_space<hbm>>
        tpu.wait_dma2 semaphore(%run_scoped3A_486 : memref<!tpu.dma_semaphore, #tpu.memory_space<semaphore_mem>>) src(%dma_wait3A_494 : memref<8x128xi32, #tpu.memory_space<hbm>>) dst(%arg9 : memref<8x128xi32, #tpu.memory_space<vmem>>)
        tpu.yield
      }) : () -> ()
      "tpu.region"() ({
        %run_scoped3A_486 = tpu.sem_alloc : memref<!tpu.dma_semaphore, #tpu.memory_space<semaphore_mem>>
        %dma_start3A_487 = arith.constant 0 : i32
        %dma_start3A_488 = tpu.memref_slice %arg4[%add3A_277, %dma_start3A_487] : memref<2560x128xi32, #tpu.memory_space<hbm>> -> memref<8x128xi32, #tpu.memory_space<hbm>>
        %dma_start3A_489 = arith.constant 0 : i32
        %dma_start3A_490 = tpu.memref_slice %arg4[%add3A_277, %dma_start3A_489] : memref<2560x128xi32, #tpu.memory_space<hbm>> -> memref<8x128xi32, #tpu.memory_space<hbm>>
        tpu.enqueue_dma source(%dma_start3A_490 : memref<8x128xi32, #tpu.memory_space<hbm>>) target(%arg10 : memref<8x128xi32, #tpu.memory_space<vmem>>) target_semaphore(%run_scoped3A_486 : memref<!tpu.dma_semaphore, #tpu.memory_space<semaphore_mem>>)
        %dma_wait3A_491 = arith.constant 0 : i32
        %dma_wait3A_492 = tpu.memref_slice %arg4[%add3A_277, %dma_wait3A_491] : memref<2560x128xi32, #tpu.memory_space<hbm>> -> memref<8x128xi32, #tpu.memory_space<hbm>>
        %dma_wait3A_493 = arith.constant 0 : i32
        %dma_wait3A_494 = tpu.memref_slice %arg4[%add3A_277, %dma_wait3A_493] : memref<2560x128xi32, #tpu.memory_space<hbm>> -> memref<8x128xi32, #tpu.memory_space<hbm>>
        tpu.wait_dma2 semaphore(%run_scoped3A_486 : memref<!tpu.dma_semaphore, #tpu.memory_space<semaphore_mem>>) src(%dma_wait3A_494 : memref<8x128xi32, #tpu.memory_space<hbm>>) dst(%arg10 : memref<8x128xi32, #tpu.memory_space<vmem>>)
        tpu.yield
      }) : () -> ()
      %dma_start3A_278 = arith.constant 0 : i32
      %dma_start3A_279 = arith.constant 0 : i32
      %dma_start3A_280 = arith.constant 0 : i32
      %dma_start3A_281 = arith.constant 0 : i32
      %dma_start3A_282 = tpu.memref_slice %arg11[%dma_start3A_279, %dma_start3A_280, %dma_start3A_281] : memref<2x128x128xf32, #tpu.memory_space<vmem>> -> memref<1x128x128xf32, #tpu.memory_space<vmem>>
      %dma_start3A_283 = tpu.memref_squeeze %dma_start3A_282 : memref<1x128x128xf32, #tpu.memory_space<vmem>> -> memref<128x128xf32, #tpu.memory_space<vmem>>
      %dma_start3A_284 = arith.constant 0 : i32
      %dma_start3A_285 = tpu.memref_slice %arg9[%dma_start3A_278, %dma_start3A_284] : memref<8x128xi32, #tpu.memory_space<vmem>> -> memref<1x128xi32, #tpu.memory_space<vmem>>
      %dma_start3A_286 = tpu.memref_squeeze %dma_start3A_285 : memref<1x128xi32, #tpu.memory_space<vmem>> -> memref<128xi32, #tpu.memory_space<vmem>>
      %dma_start3A_287 = arith.constant 0 : i32
      %dma_start3A_288 = arith.constant 0 : i32
      %dma_start3A_289 = tpu.memref_slice %arg2[%dma_start3A_287, %dma_start3A_288] : memref<10000x128xf32, #tpu.memory_space<hbm>> -> memref<10000x128xf32, #tpu.memory_space<hbm>>
      tpu.enqueue_indirect_dma source(%dma_start3A_289 : memref<10000x128xf32, #tpu.memory_space<hbm>>) target(%dma_start3A_283 : memref<128x128xf32, #tpu.memory_space<vmem>>) offsets(%dma_start3A_286 : memref<128xi32, #tpu.memory_space<vmem>>) semaphore(%arg13 : memref<!tpu.dma_semaphore, #tpu.memory_space<semaphore_mem>>)
      %dma_start3A_290 = arith.constant 1 : i32
      %dma_start3A_291 = arith.constant 1 : i32
      %dma_start3A_292 = arith.constant 0 : i32
      %dma_start3A_293 = arith.constant 0 : i32
      %dma_start3A_294 = tpu.memref_slice %arg11[%dma_start3A_291, %dma_start3A_292, %dma_start3A_293] : memref<2x128x128xf32, #tpu.memory_space<vmem>> -> memref<1x128x128xf32, #tpu.memory_space<vmem>>
      %dma_start3A_295 = tpu.memref_squeeze %dma_start3A_294 : memref<1x128x128xf32, #tpu.memory_space<vmem>> -> memref<128x128xf32, #tpu.memory_space<vmem>>
      %dma_start3A_296 = arith.constant 0 : i32
      %dma_start3A_297 = tpu.memref_slice %arg9[%dma_start3A_290, %dma_start3A_296] : memref<8x128xi32, #tpu.memory_space<vmem>> -> memref<1x128xi32, #tpu.memory_space<vmem>>
      %dma_start3A_298 = tpu.memref_squeeze %dma_start3A_297 : memref<1x128xi32, #tpu.memory_space<vmem>> -> memref<128xi32, #tpu.memory_space<vmem>>
      %dma_start3A_299 = arith.constant 0 : i32
      %dma_start3A_300 = arith.constant 0 : i32
      %dma_start3A_301 = tpu.memref_slice %arg2[%dma_start3A_299, %dma_start3A_300] : memref<10000x128xf32, #tpu.memory_space<hbm>> -> memref<10000x128xf32, #tpu.memory_space<hbm>>
      tpu.enqueue_indirect_dma source(%dma_start3A_301 : memref<10000x128xf32, #tpu.memory_space<hbm>>) target(%dma_start3A_295 : memref<128x128xf32, #tpu.memory_space<vmem>>) offsets(%dma_start3A_298 : memref<128xi32, #tpu.memory_space<vmem>>) semaphore(%arg14 : memref<!tpu.dma_semaphore, #tpu.memory_space<semaphore_mem>>)
      %dma_wait3A_302 = arith.constant 0 : i32
      %dma_wait3A_303 = arith.constant 0 : i32
      %dma_wait3A_304 = arith.constant 0 : i32
      %dma_wait3A_305 = arith.constant 0 : i32
      %dma_wait3A_306 = tpu.memref_slice %arg11[%dma_wait3A_303, %dma_wait3A_304, %dma_wait3A_305] : memref<2x128x128xf32, #tpu.memory_space<vmem>> -> memref<1x128x128xf32, #tpu.memory_space<vmem>>
      %dma_wait3A_307 = tpu.memref_squeeze %dma_wait3A_306 : memref<1x128x128xf32, #tpu.memory_space<vmem>> -> memref<128x128xf32, #tpu.memory_space<vmem>>
      %dma_wait3A_308 = arith.constant 0 : i32
      %dma_wait3A_309 = tpu.memref_slice %arg9[%dma_wait3A_302, %dma_wait3A_308] : memref<8x128xi32, #tpu.memory_space<vmem>> -> memref<1x128xi32, #tpu.memory_space<vmem>>
      %dma_wait3A_310 = tpu.memref_squeeze %dma_wait3A_309 : memref<1x128xi32, #tpu.memory_space<vmem>> -> memref<128xi32, #tpu.memory_space<vmem>>
      %dma_wait3A_311 = arith.constant 0 : i32
      %dma_wait3A_312 = arith.constant 0 : i32
      %dma_wait3A_313 = tpu.memref_slice %arg2[%dma_wait3A_311, %dma_wait3A_312] : memref<10000x128xf32, #tpu.memory_space<hbm>> -> memref<10000x128xf32, #tpu.memory_space<hbm>>
      tpu.wait_indirect_dma semaphore(%arg13 : memref<!tpu.dma_semaphore, #tpu.memory_space<semaphore_mem>>) src(%dma_wait3A_313 : memref<10000x128xf32, #tpu.memory_space<hbm>>) dst(%dma_wait3A_307 : memref<128x128xf32, #tpu.memory_space<vmem>>)
      %run_scoped3A_314 = arith.constant 0 : i32
      %run_scoped3A_315 = arith.constant 0 : i32
      "tpu.region"() ({
        %run_scoped3A_486 = tpu.sem_alloc : memref<!tpu.dma_semaphore, #tpu.memory_space<semaphore_mem>>
        %dma_start3A_487 = arith.constant 0 : i32
        %dma_start3A_488 = arith.constant 0 : i32
        %dma_start3A_489 = tpu.memref_slice %arg11[%run_scoped3A_314, %dma_start3A_487, %dma_start3A_488] : memref<2x128x128xf32, #tpu.memory_space<vmem>> -> memref<1x128x128xf32, #tpu.memory_space<vmem>>
        %dma_start3A_490 = tpu.memref_squeeze %dma_start3A_489 : memref<1x128x128xf32, #tpu.memory_space<vmem>> -> memref<128x128xf32, #tpu.memory_space<vmem>>
        %dma_start3A_491 = arith.constant 0 : i32
        %dma_start3A_492 = tpu.memref_slice %arg10[%run_scoped3A_315, %dma_start3A_491] : memref<8x128xi32, #tpu.memory_space<vmem>> -> memref<1x128xi32, #tpu.memory_space<vmem>>
        %dma_start3A_493 = tpu.memref_squeeze %dma_start3A_492 : memref<1x128xi32, #tpu.memory_space<vmem>> -> memref<128xi32, #tpu.memory_space<vmem>>
        %dma_start3A_494 = arith.constant 0 : i32
        %dma_start3A_495 = arith.constant 0 : i32
        %dma_start3A_496 = tpu.memref_slice %arg12[%dma_start3A_494, %dma_start3A_495] : memref<10112x128xf32, #tpu.memory_space<vmem_shared>> -> memref<10112x128xf32, #tpu.memory_space<vmem_shared>>
        tpu.enqueue_indirect_dma source(%dma_start3A_490 : memref<128x128xf32, #tpu.memory_space<vmem>>) target(%dma_start3A_496 : memref<10112x128xf32, #tpu.memory_space<vmem_shared>>) offsets(%dma_start3A_493 : memref<128xi32, #tpu.memory_space<vmem>>) semaphore(%run_scoped3A_486 : memref<!tpu.dma_semaphore, #tpu.memory_space<semaphore_mem>>) {add = true}
        %dma_wait3A_497 = arith.constant 0 : i32
        %dma_wait3A_498 = arith.constant 0 : i32
        %dma_wait3A_499 = tpu.memref_slice %arg11[%run_scoped3A_314, %dma_wait3A_497, %dma_wait3A_498] : memref<2x128x128xf32, #tpu.memory_space<vmem>> -> memref<1x128x128xf32, #tpu.memory_space<vmem>>
        %dma_wait3A_500 = tpu.memref_squeeze %dma_wait3A_499 : memref<1x128x128xf32, #tpu.memory_space<vmem>> -> memref<128x128xf32, #tpu.memory_space<vmem>>
        %dma_wait3A_501 = arith.constant 0 : i32
        %dma_wait3A_502 = tpu.memref_slice %arg10[%run_scoped3A_315, %dma_wait3A_501] : memref<8x128xi32, #tpu.memory_space<vmem>> -> memref<1x128xi32, #tpu.memory_space<vmem>>
        %dma_wait3A_503 = tpu.memref_squeeze %dma_wait3A_502 : memref<1x128xi32, #tpu.memory_space<vmem>> -> memref<128xi32, #tpu.memory_space<vmem>>
        %dma_wait3A_504 = arith.constant 0 : i32
        %dma_wait3A_505 = arith.constant 0 : i32
        %dma_wait3A_506 = tpu.memref_slice %arg12[%dma_wait3A_504, %dma_wait3A_505] : memref<10112x128xf32, #tpu.memory_space<vmem_shared>> -> memref<10112x128xf32, #tpu.memory_space<vmem_shared>>
        tpu.wait_indirect_dma semaphore(%run_scoped3A_486 : memref<!tpu.dma_semaphore, #tpu.memory_space<semaphore_mem>>) src(%dma_wait3A_500 : memref<128x128xf32, #tpu.memory_space<vmem>>) dst(%dma_wait3A_506 : memref<10112x128xf32, #tpu.memory_space<vmem_shared>>)
        tpu.yield
      }) : () -> ()
      %dma_start3A_316 = arith.constant 2 : i32
      %dma_start3A_317 = arith.constant 0 : i32
      %dma_start3A_318 = arith.constant 0 : i32
      %dma_start3A_319 = arith.constant 0 : i32
      %dma_start3A_320 = tpu.memref_slice %arg11[%dma_start3A_317, %dma_start3A_318, %dma_start3A_319] : memref<2x128x128xf32, #tpu.memory_space<vmem>> -> memref<1x128x128xf32, #tpu.memory_space<vmem>>
      %dma_start3A_321 = tpu.memref_squeeze %dma_start3A_320 : memref<1x128x128xf32, #tpu.memory_space<vmem>> -> memref<128x128xf32, #tpu.memory_space<vmem>>
      %dma_start3A_322 = arith.constant 0 : i32
      %dma_start3A_323 = tpu.memref_slice %arg9[%dma_start3A_316, %dma_start3A_322] : memref<8x128xi32, #tpu.memory_space<vmem>> -> memref<1x128xi32, #tpu.memory_space<vmem>>
      %dma_start3A_324 = tpu.memref_squeeze %dma_start3A_323 : memref<1x128xi32, #tpu.memory_space<vmem>> -> memref<128xi32, #tpu.memory_space<vmem>>
      %dma_start3A_325 = arith.constant 0 : i32
      %dma_start3A_326 = arith.constant 0 : i32
      %dma_start3A_327 = tpu.memref_slice %arg2[%dma_start3A_325, %dma_start3A_326] : memref<10000x128xf32, #tpu.memory_space<hbm>> -> memref<10000x128xf32, #tpu.memory_space<hbm>>
      tpu.enqueue_indirect_dma source(%dma_start3A_327 : memref<10000x128xf32, #tpu.memory_space<hbm>>) target(%dma_start3A_321 : memref<128x128xf32, #tpu.memory_space<vmem>>) offsets(%dma_start3A_324 : memref<128xi32, #tpu.memory_space<vmem>>) semaphore(%arg13 : memref<!tpu.dma_semaphore, #tpu.memory_space<semaphore_mem>>)
      %dma_wait3A_328 = arith.constant 1 : i32
      %dma_wait3A_329 = arith.constant 1 : i32
      %dma_wait3A_330 = arith.constant 0 : i32
      %dma_wait3A_331 = arith.constant 0 : i32
      %dma_wait3A_332 = tpu.memref_slice %arg11[%dma_wait3A_329, %dma_wait3A_330, %dma_wait3A_331] : memref<2x128x128xf32, #tpu.memory_space<vmem>> -> memref<1x128x128xf32, #tpu.memory_space<vmem>>
      %dma_wait3A_333 = tpu.memref_squeeze %dma_wait3A_332 : memref<1x128x128xf32, #tpu.memory_space<vmem>> -> memref<128x128xf32, #tpu.memory_space<vmem>>
      %dma_wait3A_334 = arith.constant 0 : i32
      %dma_wait3A_335 = tpu.memref_slice %arg9[%dma_wait3A_328, %dma_wait3A_334] : memref<8x128xi32, #tpu.memory_space<vmem>> -> memref<1x128xi32, #tpu.memory_space<vmem>>
      %dma_wait3A_336 = tpu.memref_squeeze %dma_wait3A_335 : memref<1x128xi32, #tpu.memory_space<vmem>> -> memref<128xi32, #tpu.memory_space<vmem>>
      %dma_wait3A_337 = arith.constant 0 : i32
      %dma_wait3A_338 = arith.constant 0 : i32
      %dma_wait3A_339 = tpu.memref_slice %arg2[%dma_wait3A_337, %dma_wait3A_338] : memref<10000x128xf32, #tpu.memory_space<hbm>> -> memref<10000x128xf32, #tpu.memory_space<hbm>>
      tpu.wait_indirect_dma semaphore(%arg14 : memref<!tpu.dma_semaphore, #tpu.memory_space<semaphore_mem>>) src(%dma_wait3A_339 : memref<10000x128xf32, #tpu.memory_space<hbm>>) dst(%dma_wait3A_333 : memref<128x128xf32, #tpu.memory_space<vmem>>)
      %run_scoped3A_340 = arith.constant 1 : i32
      %run_scoped3A_341 = arith.constant 1 : i32
      "tpu.region"() ({
        %run_scoped3A_486 = tpu.sem_alloc : memref<!tpu.dma_semaphore, #tpu.memory_space<semaphore_mem>>
        %dma_start3A_487 = arith.constant 0 : i32
        %dma_start3A_488 = arith.constant 0 : i32
        %dma_start3A_489 = tpu.memref_slice %arg11[%run_scoped3A_340, %dma_start3A_487, %dma_start3A_488] : memref<2x128x128xf32, #tpu.memory_space<vmem>> -> memref<1x128x128xf32, #tpu.memory_space<vmem>>
        %dma_start3A_490 = tpu.memref_squeeze %dma_start3A_489 : memref<1x128x128xf32, #tpu.memory_space<vmem>> -> memref<128x128xf32, #tpu.memory_space<vmem>>
        %dma_start3A_491 = arith.constant 0 : i32
        %dma_start3A_492 = tpu.memref_slice %arg10[%run_scoped3A_341, %dma_start3A_491] : memref<8x128xi32, #tpu.memory_space<vmem>> -> memref<1x128xi32, #tpu.memory_space<vmem>>
        %dma_start3A_493 = tpu.memref_squeeze %dma_start3A_492 : memref<1x128xi32, #tpu.memory_space<vmem>> -> memref<128xi32, #tpu.memory_space<vmem>>
        %dma_start3A_494 = arith.constant 0 : i32
        %dma_start3A_495 = arith.constant 0 : i32
        %dma_start3A_496 = tpu.memref_slice %arg12[%dma_start3A_494, %dma_start3A_495] : memref<10112x128xf32, #tpu.memory_space<vmem_shared>> -> memref<10112x128xf32, #tpu.memory_space<vmem_shared>>
        tpu.enqueue_indirect_dma source(%dma_start3A_490 : memref<128x128xf32, #tpu.memory_space<vmem>>) target(%dma_start3A_496 : memref<10112x128xf32, #tpu.memory_space<vmem_shared>>) offsets(%dma_start3A_493 : memref<128xi32, #tpu.memory_space<vmem>>) semaphore(%run_scoped3A_486 : memref<!tpu.dma_semaphore, #tpu.memory_space<semaphore_mem>>) {add = true}
        %dma_wait3A_497 = arith.constant 0 : i32
        %dma_wait3A_498 = arith.constant 0 : i32
        %dma_wait3A_499 = tpu.memref_slice %arg11[%run_scoped3A_340, %dma_wait3A_497, %dma_wait3A_498] : memref<2x128x128xf32, #tpu.memory_space<vmem>> -> memref<1x128x128xf32, #tpu.memory_space<vmem>>
        %dma_wait3A_500 = tpu.memref_squeeze %dma_wait3A_499 : memref<1x128x128xf32, #tpu.memory_space<vmem>> -> memref<128x128xf32, #tpu.memory_space<vmem>>
        %dma_wait3A_501 = arith.constant 0 : i32
        %dma_wait3A_502 = tpu.memref_slice %arg10[%run_scoped3A_341, %dma_wait3A_501] : memref<8x128xi32, #tpu.memory_space<vmem>> -> memref<1x128xi32, #tpu.memory_space<vmem>>
        %dma_wait3A_503 = tpu.memref_squeeze %dma_wait3A_502 : memref<1x128xi32, #tpu.memory_space<vmem>> -> memref<128xi32, #tpu.memory_space<vmem>>
        %dma_wait3A_504 = arith.constant 0 : i32
        %dma_wait3A_505 = arith.constant 0 : i32
        %dma_wait3A_506 = tpu.memref_slice %arg12[%dma_wait3A_504, %dma_wait3A_505] : memref<10112x128xf32, #tpu.memory_space<vmem_shared>> -> memref<10112x128xf32, #tpu.memory_space<vmem_shared>>
        tpu.wait_indirect_dma semaphore(%run_scoped3A_486 : memref<!tpu.dma_semaphore, #tpu.memory_space<semaphore_mem>>) src(%dma_wait3A_500 : memref<128x128xf32, #tpu.memory_space<vmem>>) dst(%dma_wait3A_506 : memref<10112x128xf32, #tpu.memory_space<vmem_shared>>)
        tpu.yield
      }) : () -> ()
      %dma_start3A_342 = arith.constant 3 : i32
      %dma_start3A_343 = arith.constant 1 : i32
      %dma_start3A_344 = arith.constant 0 : i32
      %dma_start3A_345 = arith.constant 0 : i32
      %dma_start3A_346 = tpu.memref_slice %arg11[%dma_start3A_343, %dma_start3A_344, %dma_start3A_345] : memref<2x128x128xf32, #tpu.memory_space<vmem>> -> memref<1x128x128xf32, #tpu.memory_space<vmem>>
      %dma_start3A_347 = tpu.memref_squeeze %dma_start3A_346 : memref<1x128x128xf32, #tpu.memory_space<vmem>> -> memref<128x128xf32, #tpu.memory_space<vmem>>
      %dma_start3A_348 = arith.constant 0 : i32
      %dma_start3A_349 = tpu.memref_slice %arg9[%dma_start3A_342, %dma_start3A_348] : memref<8x128xi32, #tpu.memory_space<vmem>> -> memref<1x128xi32, #tpu.memory_space<vmem>>
      %dma_start3A_350 = tpu.memref_squeeze %dma_start3A_349 : memref<1x128xi32, #tpu.memory_space<vmem>> -> memref<128xi32, #tpu.memory_space<vmem>>
      %dma_start3A_351 = arith.constant 0 : i32
      %dma_start3A_352 = arith.constant 0 : i32
      %dma_start3A_353 = tpu.memref_slice %arg2[%dma_start3A_351, %dma_start3A_352] : memref<10000x128xf32, #tpu.memory_space<hbm>> -> memref<10000x128xf32, #tpu.memory_space<hbm>>
      tpu.enqueue_indirect_dma source(%dma_start3A_353 : memref<10000x128xf32, #tpu.memory_space<hbm>>) target(%dma_start3A_347 : memref<128x128xf32, #tpu.memory_space<vmem>>) offsets(%dma_start3A_350 : memref<128xi32, #tpu.memory_space<vmem>>) semaphore(%arg14 : memref<!tpu.dma_semaphore, #tpu.memory_space<semaphore_mem>>)
      %dma_wait3A_354 = arith.constant 2 : i32
      %dma_wait3A_355 = arith.constant 0 : i32
      %dma_wait3A_356 = arith.constant 0 : i32
      %dma_wait3A_357 = arith.constant 0 : i32
      %dma_wait3A_358 = tpu.memref_slice %arg11[%dma_wait3A_355, %dma_wait3A_356, %dma_wait3A_357] : memref<2x128x128xf32, #tpu.memory_space<vmem>> -> memref<1x128x128xf32, #tpu.memory_space<vmem>>
      %dma_wait3A_359 = tpu.memref_squeeze %dma_wait3A_358 : memref<1x128x128xf32, #tpu.memory_space<vmem>> -> memref<128x128xf32, #tpu.memory_space<vmem>>
      %dma_wait3A_360 = arith.constant 0 : i32
      %dma_wait3A_361 = tpu.memref_slice %arg9[%dma_wait3A_354, %dma_wait3A_360] : memref<8x128xi32, #tpu.memory_space<vmem>> -> memref<1x128xi32, #tpu.memory_space<vmem>>
      %dma_wait3A_362 = tpu.memref_squeeze %dma_wait3A_361 : memref<1x128xi32, #tpu.memory_space<vmem>> -> memref<128xi32, #tpu.memory_space<vmem>>
      %dma_wait3A_363 = arith.constant 0 : i32
      %dma_wait3A_364 = arith.constant 0 : i32
      %dma_wait3A_365 = tpu.memref_slice %arg2[%dma_wait3A_363, %dma_wait3A_364] : memref<10000x128xf32, #tpu.memory_space<hbm>> -> memref<10000x128xf32, #tpu.memory_space<hbm>>
      tpu.wait_indirect_dma semaphore(%arg13 : memref<!tpu.dma_semaphore, #tpu.memory_space<semaphore_mem>>) src(%dma_wait3A_365 : memref<10000x128xf32, #tpu.memory_space<hbm>>) dst(%dma_wait3A_359 : memref<128x128xf32, #tpu.memory_space<vmem>>)
      %run_scoped3A_366 = arith.constant 0 : i32
      %run_scoped3A_367 = arith.constant 2 : i32
      "tpu.region"() ({
        %run_scoped3A_486 = tpu.sem_alloc : memref<!tpu.dma_semaphore, #tpu.memory_space<semaphore_mem>>
        %dma_start3A_487 = arith.constant 0 : i32
        %dma_start3A_488 = arith.constant 0 : i32
        %dma_start3A_489 = tpu.memref_slice %arg11[%run_scoped3A_366, %dma_start3A_487, %dma_start3A_488] : memref<2x128x128xf32, #tpu.memory_space<vmem>> -> memref<1x128x128xf32, #tpu.memory_space<vmem>>
        %dma_start3A_490 = tpu.memref_squeeze %dma_start3A_489 : memref<1x128x128xf32, #tpu.memory_space<vmem>> -> memref<128x128xf32, #tpu.memory_space<vmem>>
        %dma_start3A_491 = arith.constant 0 : i32
        %dma_start3A_492 = tpu.memref_slice %arg10[%run_scoped3A_367, %dma_start3A_491] : memref<8x128xi32, #tpu.memory_space<vmem>> -> memref<1x128xi32, #tpu.memory_space<vmem>>
        %dma_start3A_493 = tpu.memref_squeeze %dma_start3A_492 : memref<1x128xi32, #tpu.memory_space<vmem>> -> memref<128xi32, #tpu.memory_space<vmem>>
        %dma_start3A_494 = arith.constant 0 : i32
        %dma_start3A_495 = arith.constant 0 : i32
        %dma_start3A_496 = tpu.memref_slice %arg12[%dma_start3A_494, %dma_start3A_495] : memref<10112x128xf32, #tpu.memory_space<vmem_shared>> -> memref<10112x128xf32, #tpu.memory_space<vmem_shared>>
        tpu.enqueue_indirect_dma source(%dma_start3A_490 : memref<128x128xf32, #tpu.memory_space<vmem>>) target(%dma_start3A_496 : memref<10112x128xf32, #tpu.memory_space<vmem_shared>>) offsets(%dma_start3A_493 : memref<128xi32, #tpu.memory_space<vmem>>) semaphore(%run_scoped3A_486 : memref<!tpu.dma_semaphore, #tpu.memory_space<semaphore_mem>>) {add = true}
        %dma_wait3A_497 = arith.constant 0 : i32
        %dma_wait3A_498 = arith.constant 0 : i32
        %dma_wait3A_499 = tpu.memref_slice %arg11[%run_scoped3A_366, %dma_wait3A_497, %dma_wait3A_498] : memref<2x128x128xf32, #tpu.memory_space<vmem>> -> memref<1x128x128xf32, #tpu.memory_space<vmem>>
        %dma_wait3A_500 = tpu.memref_squeeze %dma_wait3A_499 : memref<1x128x128xf32, #tpu.memory_space<vmem>> -> memref<128x128xf32, #tpu.memory_space<vmem>>
        %dma_wait3A_501 = arith.constant 0 : i32
        %dma_wait3A_502 = tpu.memref_slice %arg10[%run_scoped3A_367, %dma_wait3A_501] : memref<8x128xi32, #tpu.memory_space<vmem>> -> memref<1x128xi32, #tpu.memory_space<vmem>>
        %dma_wait3A_503 = tpu.memref_squeeze %dma_wait3A_502 : memref<1x128xi32, #tpu.memory_space<vmem>> -> memref<128xi32, #tpu.memory_space<vmem>>
        %dma_wait3A_504 = arith.constant 0 : i32
        %dma_wait3A_505 = arith.constant 0 : i32
        %dma_wait3A_506 = tpu.memref_slice %arg12[%dma_wait3A_504, %dma_wait3A_505] : memref<10112x128xf32, #tpu.memory_space<vmem_shared>> -> memref<10112x128xf32, #tpu.memory_space<vmem_shared>>
        tpu.wait_indirect_dma semaphore(%run_scoped3A_486 : memref<!tpu.dma_semaphore, #tpu.memory_space<semaphore_mem>>) src(%dma_wait3A_500 : memref<128x128xf32, #tpu.memory_space<vmem>>) dst(%dma_wait3A_506 : memref<10112x128xf32, #tpu.memory_space<vmem_shared>>)
        tpu.yield
      }) : () -> ()
      %dma_start3A_368 = arith.constant 4 : i32
      %dma_start3A_369 = arith.constant 0 : i32
      %dma_start3A_370 = arith.constant 0 : i32
      %dma_start3A_371 = arith.constant 0 : i32
      %dma_start3A_372 = tpu.memref_slice %arg11[%dma_start3A_369, %dma_start3A_370, %dma_start3A_371] : memref<2x128x128xf32, #tpu.memory_space<vmem>> -> memref<1x128x128xf32, #tpu.memory_space<vmem>>
      %dma_start3A_373 = tpu.memref_squeeze %dma_start3A_372 : memref<1x128x128xf32, #tpu.memory_space<vmem>> -> memref<128x128xf32, #tpu.memory_space<vmem>>
      %dma_start3A_374 = arith.constant 0 : i32
      %dma_start3A_375 = tpu.memref_slice %arg9[%dma_start3A_368, %dma_start3A_374] : memref<8x128xi32, #tpu.memory_space<vmem>> -> memref<1x128xi32, #tpu.memory_space<vmem>>
      %dma_start3A_376 = tpu.memref_squeeze %dma_start3A_375 : memref<1x128xi32, #tpu.memory_space<vmem>> -> memref<128xi32, #tpu.memory_space<vmem>>
      %dma_start3A_377 = arith.constant 0 : i32
      %dma_start3A_378 = arith.constant 0 : i32
      %dma_start3A_379 = tpu.memref_slice %arg2[%dma_start3A_377, %dma_start3A_378] : memref<10000x128xf32, #tpu.memory_space<hbm>> -> memref<10000x128xf32, #tpu.memory_space<hbm>>
      tpu.enqueue_indirect_dma source(%dma_start3A_379 : memref<10000x128xf32, #tpu.memory_space<hbm>>) target(%dma_start3A_373 : memref<128x128xf32, #tpu.memory_space<vmem>>) offsets(%dma_start3A_376 : memref<128xi32, #tpu.memory_space<vmem>>) semaphore(%arg13 : memref<!tpu.dma_semaphore, #tpu.memory_space<semaphore_mem>>)
      %dma_wait3A_380 = arith.constant 3 : i32
      %dma_wait3A_381 = arith.constant 1 : i32
      %dma_wait3A_382 = arith.constant 0 : i32
      %dma_wait3A_383 = arith.constant 0 : i32
      %dma_wait3A_384 = tpu.memref_slice %arg11[%dma_wait3A_381, %dma_wait3A_382, %dma_wait3A_383] : memref<2x128x128xf32, #tpu.memory_space<vmem>> -> memref<1x128x128xf32, #tpu.memory_space<vmem>>
      %dma_wait3A_385 = tpu.memref_squeeze %dma_wait3A_384 : memref<1x128x128xf32, #tpu.memory_space<vmem>> -> memref<128x128xf32, #tpu.memory_space<vmem>>
      %dma_wait3A_386 = arith.constant 0 : i32
      %dma_wait3A_387 = tpu.memref_slice %arg9[%dma_wait3A_380, %dma_wait3A_386] : memref<8x128xi32, #tpu.memory_space<vmem>> -> memref<1x128xi32, #tpu.memory_space<vmem>>
      %dma_wait3A_388 = tpu.memref_squeeze %dma_wait3A_387 : memref<1x128xi32, #tpu.memory_space<vmem>> -> memref<128xi32, #tpu.memory_space<vmem>>
      %dma_wait3A_389 = arith.constant 0 : i32
      %dma_wait3A_390 = arith.constant 0 : i32
      %dma_wait3A_391 = tpu.memref_slice %arg2[%dma_wait3A_389, %dma_wait3A_390] : memref<10000x128xf32, #tpu.memory_space<hbm>> -> memref<10000x128xf32, #tpu.memory_space<hbm>>
      tpu.wait_indirect_dma semaphore(%arg14 : memref<!tpu.dma_semaphore, #tpu.memory_space<semaphore_mem>>) src(%dma_wait3A_391 : memref<10000x128xf32, #tpu.memory_space<hbm>>) dst(%dma_wait3A_385 : memref<128x128xf32, #tpu.memory_space<vmem>>)
      %run_scoped3A_392 = arith.constant 1 : i32
      %run_scoped3A_393 = arith.constant 3 : i32
      "tpu.region"() ({
        %run_scoped3A_486 = tpu.sem_alloc : memref<!tpu.dma_semaphore, #tpu.memory_space<semaphore_mem>>
        %dma_start3A_487 = arith.constant 0 : i32
        %dma_start3A_488 = arith.constant 0 : i32
        %dma_start3A_489 = tpu.memref_slice %arg11[%run_scoped3A_392, %dma_start3A_487, %dma_start3A_488] : memref<2x128x128xf32, #tpu.memory_space<vmem>> -> memref<1x128x128xf32, #tpu.memory_space<vmem>>
        %dma_start3A_490 = tpu.memref_squeeze %dma_start3A_489 : memref<1x128x128xf32, #tpu.memory_space<vmem>> -> memref<128x128xf32, #tpu.memory_space<vmem>>
        %dma_start3A_491 = arith.constant 0 : i32
        %dma_start3A_492 = tpu.memref_slice %arg10[%run_scoped3A_393, %dma_start3A_491] : memref<8x128xi32, #tpu.memory_space<vmem>> -> memref<1x128xi32, #tpu.memory_space<vmem>>
        %dma_start3A_493 = tpu.memref_squeeze %dma_start3A_492 : memref<1x128xi32, #tpu.memory_space<vmem>> -> memref<128xi32, #tpu.memory_space<vmem>>
        %dma_start3A_494 = arith.constant 0 : i32
        %dma_start3A_495 = arith.constant 0 : i32
        %dma_start3A_496 = tpu.memref_slice %arg12[%dma_start3A_494, %dma_start3A_495] : memref<10112x128xf32, #tpu.memory_space<vmem_shared>> -> memref<10112x128xf32, #tpu.memory_space<vmem_shared>>
        tpu.enqueue_indirect_dma source(%dma_start3A_490 : memref<128x128xf32, #tpu.memory_space<vmem>>) target(%dma_start3A_496 : memref<10112x128xf32, #tpu.memory_space<vmem_shared>>) offsets(%dma_start3A_493 : memref<128xi32, #tpu.memory_space<vmem>>) semaphore(%run_scoped3A_486 : memref<!tpu.dma_semaphore, #tpu.memory_space<semaphore_mem>>) {add = true}
        %dma_wait3A_497 = arith.constant 0 : i32
        %dma_wait3A_498 = arith.constant 0 : i32
        %dma_wait3A_499 = tpu.memref_slice %arg11[%run_scoped3A_392, %dma_wait3A_497, %dma_wait3A_498] : memref<2x128x128xf32, #tpu.memory_space<vmem>> -> memref<1x128x128xf32, #tpu.memory_space<vmem>>
        %dma_wait3A_500 = tpu.memref_squeeze %dma_wait3A_499 : memref<1x128x128xf32, #tpu.memory_space<vmem>> -> memref<128x128xf32, #tpu.memory_space<vmem>>
        %dma_wait3A_501 = arith.constant 0 : i32
        %dma_wait3A_502 = tpu.memref_slice %arg10[%run_scoped3A_393, %dma_wait3A_501] : memref<8x128xi32, #tpu.memory_space<vmem>> -> memref<1x128xi32, #tpu.memory_space<vmem>>
        %dma_wait3A_503 = tpu.memref_squeeze %dma_wait3A_502 : memref<1x128xi32, #tpu.memory_space<vmem>> -> memref<128xi32, #tpu.memory_space<vmem>>
        %dma_wait3A_504 = arith.constant 0 : i32
        %dma_wait3A_505 = arith.constant 0 : i32
        %dma_wait3A_506 = tpu.memref_slice %arg12[%dma_wait3A_504, %dma_wait3A_505] : memref<10112x128xf32, #tpu.memory_space<vmem_shared>> -> memref<10112x128xf32, #tpu.memory_space<vmem_shared>>
        tpu.wait_indirect_dma semaphore(%run_scoped3A_486 : memref<!tpu.dma_semaphore, #tpu.memory_space<semaphore_mem>>) src(%dma_wait3A_500 : memref<128x128xf32, #tpu.memory_space<vmem>>) dst(%dma_wait3A_506 : memref<10112x128xf32, #tpu.memory_space<vmem_shared>>)
        tpu.yield
      }) : () -> ()
      %dma_start3A_394 = arith.constant 5 : i32
      %dma_start3A_395 = arith.constant 1 : i32
      %dma_start3A_396 = arith.constant 0 : i32
      %dma_start3A_397 = arith.constant 0 : i32
      %dma_start3A_398 = tpu.memref_slice %arg11[%dma_start3A_395, %dma_start3A_396, %dma_start3A_397] : memref<2x128x128xf32, #tpu.memory_space<vmem>> -> memref<1x128x128xf32, #tpu.memory_space<vmem>>
      %dma_start3A_399 = tpu.memref_squeeze %dma_start3A_398 : memref<1x128x128xf32, #tpu.memory_space<vmem>> -> memref<128x128xf32, #tpu.memory_space<vmem>>
      %dma_start3A_400 = arith.constant 0 : i32
      %dma_start3A_401 = tpu.memref_slice %arg9[%dma_start3A_394, %dma_start3A_400] : memref<8x128xi32, #tpu.memory_space<vmem>> -> memref<1x128xi32, #tpu.memory_space<vmem>>
      %dma_start3A_402 = tpu.memref_squeeze %dma_start3A_401 : memref<1x128xi32, #tpu.memory_space<vmem>> -> memref<128xi32, #tpu.memory_space<vmem>>
      %dma_start3A_403 = arith.constant 0 : i32
      %dma_start3A_404 = arith.constant 0 : i32
      %dma_start3A_405 = tpu.memref_slice %arg2[%dma_start3A_403, %dma_start3A_404] : memref<10000x128xf32, #tpu.memory_space<hbm>> -> memref<10000x128xf32, #tpu.memory_space<hbm>>
      tpu.enqueue_indirect_dma source(%dma_start3A_405 : memref<10000x128xf32, #tpu.memory_space<hbm>>) target(%dma_start3A_399 : memref<128x128xf32, #tpu.memory_space<vmem>>) offsets(%dma_start3A_402 : memref<128xi32, #tpu.memory_space<vmem>>) semaphore(%arg14 : memref<!tpu.dma_semaphore, #tpu.memory_space<semaphore_mem>>)
      %dma_wait3A_406 = arith.constant 4 : i32
      %dma_wait3A_407 = arith.constant 0 : i32
      %dma_wait3A_408 = arith.constant 0 : i32
      %dma_wait3A_409 = arith.constant 0 : i32
      %dma_wait3A_410 = tpu.memref_slice %arg11[%dma_wait3A_407, %dma_wait3A_408, %dma_wait3A_409] : memref<2x128x128xf32, #tpu.memory_space<vmem>> -> memref<1x128x128xf32, #tpu.memory_space<vmem>>
      %dma_wait3A_411 = tpu.memref_squeeze %dma_wait3A_410 : memref<1x128x128xf32, #tpu.memory_space<vmem>> -> memref<128x128xf32, #tpu.memory_space<vmem>>
      %dma_wait3A_412 = arith.constant 0 : i32
      %dma_wait3A_413 = tpu.memref_slice %arg9[%dma_wait3A_406, %dma_wait3A_412] : memref<8x128xi32, #tpu.memory_space<vmem>> -> memref<1x128xi32, #tpu.memory_space<vmem>>
      %dma_wait3A_414 = tpu.memref_squeeze %dma_wait3A_413 : memref<1x128xi32, #tpu.memory_space<vmem>> -> memref<128xi32, #tpu.memory_space<vmem>>
      %dma_wait3A_415 = arith.constant 0 : i32
      %dma_wait3A_416 = arith.constant 0 : i32
      %dma_wait3A_417 = tpu.memref_slice %arg2[%dma_wait3A_415, %dma_wait3A_416] : memref<10000x128xf32, #tpu.memory_space<hbm>> -> memref<10000x128xf32, #tpu.memory_space<hbm>>
      tpu.wait_indirect_dma semaphore(%arg13 : memref<!tpu.dma_semaphore, #tpu.memory_space<semaphore_mem>>) src(%dma_wait3A_417 : memref<10000x128xf32, #tpu.memory_space<hbm>>) dst(%dma_wait3A_411 : memref<128x128xf32, #tpu.memory_space<vmem>>)
      %run_scoped3A_418 = arith.constant 0 : i32
      %run_scoped3A_419 = arith.constant 4 : i32
      "tpu.region"() ({
        %run_scoped3A_486 = tpu.sem_alloc : memref<!tpu.dma_semaphore, #tpu.memory_space<semaphore_mem>>
        %dma_start3A_487 = arith.constant 0 : i32
        %dma_start3A_488 = arith.constant 0 : i32
        %dma_start3A_489 = tpu.memref_slice %arg11[%run_scoped3A_418, %dma_start3A_487, %dma_start3A_488] : memref<2x128x128xf32, #tpu.memory_space<vmem>> -> memref<1x128x128xf32, #tpu.memory_space<vmem>>
        %dma_start3A_490 = tpu.memref_squeeze %dma_start3A_489 : memref<1x128x128xf32, #tpu.memory_space<vmem>> -> memref<128x128xf32, #tpu.memory_space<vmem>>
        %dma_start3A_491 = arith.constant 0 : i32
        %dma_start3A_492 = tpu.memref_slice %arg10[%run_scoped3A_419, %dma_start3A_491] : memref<8x128xi32, #tpu.memory_space<vmem>> -> memref<1x128xi32, #tpu.memory_space<vmem>>
        %dma_start3A_493 = tpu.memref_squeeze %dma_start3A_492 : memref<1x128xi32, #tpu.memory_space<vmem>> -> memref<128xi32, #tpu.memory_space<vmem>>
        %dma_start3A_494 = arith.constant 0 : i32
        %dma_start3A_495 = arith.constant 0 : i32
        %dma_start3A_496 = tpu.memref_slice %arg12[%dma_start3A_494, %dma_start3A_495] : memref<10112x128xf32, #tpu.memory_space<vmem_shared>> -> memref<10112x128xf32, #tpu.memory_space<vmem_shared>>
        tpu.enqueue_indirect_dma source(%dma_start3A_490 : memref<128x128xf32, #tpu.memory_space<vmem>>) target(%dma_start3A_496 : memref<10112x128xf32, #tpu.memory_space<vmem_shared>>) offsets(%dma_start3A_493 : memref<128xi32, #tpu.memory_space<vmem>>) semaphore(%run_scoped3A_486 : memref<!tpu.dma_semaphore, #tpu.memory_space<semaphore_mem>>) {add = true}
        %dma_wait3A_497 = arith.constant 0 : i32
        %dma_wait3A_498 = arith.constant 0 : i32
        %dma_wait3A_499 = tpu.memref_slice %arg11[%run_scoped3A_418, %dma_wait3A_497, %dma_wait3A_498] : memref<2x128x128xf32, #tpu.memory_space<vmem>> -> memref<1x128x128xf32, #tpu.memory_space<vmem>>
        %dma_wait3A_500 = tpu.memref_squeeze %dma_wait3A_499 : memref<1x128x128xf32, #tpu.memory_space<vmem>> -> memref<128x128xf32, #tpu.memory_space<vmem>>
        %dma_wait3A_501 = arith.constant 0 : i32
        %dma_wait3A_502 = tpu.memref_slice %arg10[%run_scoped3A_419, %dma_wait3A_501] : memref<8x128xi32, #tpu.memory_space<vmem>> -> memref<1x128xi32, #tpu.memory_space<vmem>>
        %dma_wait3A_503 = tpu.memref_squeeze %dma_wait3A_502 : memref<1x128xi32, #tpu.memory_space<vmem>> -> memref<128xi32, #tpu.memory_space<vmem>>
        %dma_wait3A_504 = arith.constant 0 : i32
        %dma_wait3A_505 = arith.constant 0 : i32
        %dma_wait3A_506 = tpu.memref_slice %arg12[%dma_wait3A_504, %dma_wait3A_505] : memref<10112x128xf32, #tpu.memory_space<vmem_shared>> -> memref<10112x128xf32, #tpu.memory_space<vmem_shared>>
        tpu.wait_indirect_dma semaphore(%run_scoped3A_486 : memref<!tpu.dma_semaphore, #tpu.memory_space<semaphore_mem>>) src(%dma_wait3A_500 : memref<128x128xf32, #tpu.memory_space<vmem>>) dst(%dma_wait3A_506 : memref<10112x128xf32, #tpu.memory_space<vmem_shared>>)
        tpu.yield
      }) : () -> ()
      %dma_start3A_420 = arith.constant 6 : i32
      %dma_start3A_421 = arith.constant 0 : i32
      %dma_start3A_422 = arith.constant 0 : i32
      %dma_start3A_423 = arith.constant 0 : i32
      %dma_start3A_424 = tpu.memref_slice %arg11[%dma_start3A_421, %dma_start3A_422, %dma_start3A_423] : memref<2x128x128xf32, #tpu.memory_space<vmem>> -> memref<1x128x128xf32, #tpu.memory_space<vmem>>
      %dma_start3A_425 = tpu.memref_squeeze %dma_start3A_424 : memref<1x128x128xf32, #tpu.memory_space<vmem>> -> memref<128x128xf32, #tpu.memory_space<vmem>>
      %dma_start3A_426 = arith.constant 0 : i32
      %dma_start3A_427 = tpu.memref_slice %arg9[%dma_start3A_420, %dma_start3A_426] : memref<8x128xi32, #tpu.memory_space<vmem>> -> memref<1x128xi32, #tpu.memory_space<vmem>>
      %dma_start3A_428 = tpu.memref_squeeze %dma_start3A_427 : memref<1x128xi32, #tpu.memory_space<vmem>> -> memref<128xi32, #tpu.memory_space<vmem>>
      %dma_start3A_429 = arith.constant 0 : i32
      %dma_start3A_430 = arith.constant 0 : i32
      %dma_start3A_431 = tpu.memref_slice %arg2[%dma_start3A_429, %dma_start3A_430] : memref<10000x128xf32, #tpu.memory_space<hbm>> -> memref<10000x128xf32, #tpu.memory_space<hbm>>
      tpu.enqueue_indirect_dma source(%dma_start3A_431 : memref<10000x128xf32, #tpu.memory_space<hbm>>) target(%dma_start3A_425 : memref<128x128xf32, #tpu.memory_space<vmem>>) offsets(%dma_start3A_428 : memref<128xi32, #tpu.memory_space<vmem>>) semaphore(%arg13 : memref<!tpu.dma_semaphore, #tpu.memory_space<semaphore_mem>>)
      %dma_wait3A_432 = arith.constant 5 : i32
      %dma_wait3A_433 = arith.constant 1 : i32
      %dma_wait3A_434 = arith.constant 0 : i32
      %dma_wait3A_435 = arith.constant 0 : i32
      %dma_wait3A_436 = tpu.memref_slice %arg11[%dma_wait3A_433, %dma_wait3A_434, %dma_wait3A_435] : memref<2x128x128xf32, #tpu.memory_space<vmem>> -> memref<1x128x128xf32, #tpu.memory_space<vmem>>
      %dma_wait3A_437 = tpu.memref_squeeze %dma_wait3A_436 : memref<1x128x128xf32, #tpu.memory_space<vmem>> -> memref<128x128xf32, #tpu.memory_space<vmem>>
      %dma_wait3A_438 = arith.constant 0 : i32
      %dma_wait3A_439 = tpu.memref_slice %arg9[%dma_wait3A_432, %dma_wait3A_438] : memref<8x128xi32, #tpu.memory_space<vmem>> -> memref<1x128xi32, #tpu.memory_space<vmem>>
      %dma_wait3A_440 = tpu.memref_squeeze %dma_wait3A_439 : memref<1x128xi32, #tpu.memory_space<vmem>> -> memref<128xi32, #tpu.memory_space<vmem>>
      %dma_wait3A_441 = arith.constant 0 : i32
      %dma_wait3A_442 = arith.constant 0 : i32
      %dma_wait3A_443 = tpu.memref_slice %arg2[%dma_wait3A_441, %dma_wait3A_442] : memref<10000x128xf32, #tpu.memory_space<hbm>> -> memref<10000x128xf32, #tpu.memory_space<hbm>>
      tpu.wait_indirect_dma semaphore(%arg14 : memref<!tpu.dma_semaphore, #tpu.memory_space<semaphore_mem>>) src(%dma_wait3A_443 : memref<10000x128xf32, #tpu.memory_space<hbm>>) dst(%dma_wait3A_437 : memref<128x128xf32, #tpu.memory_space<vmem>>)
      %run_scoped3A_444 = arith.constant 1 : i32
      %run_scoped3A_445 = arith.constant 5 : i32
      "tpu.region"() ({
        %run_scoped3A_486 = tpu.sem_alloc : memref<!tpu.dma_semaphore, #tpu.memory_space<semaphore_mem>>
        %dma_start3A_487 = arith.constant 0 : i32
        %dma_start3A_488 = arith.constant 0 : i32
        %dma_start3A_489 = tpu.memref_slice %arg11[%run_scoped3A_444, %dma_start3A_487, %dma_start3A_488] : memref<2x128x128xf32, #tpu.memory_space<vmem>> -> memref<1x128x128xf32, #tpu.memory_space<vmem>>
        %dma_start3A_490 = tpu.memref_squeeze %dma_start3A_489 : memref<1x128x128xf32, #tpu.memory_space<vmem>> -> memref<128x128xf32, #tpu.memory_space<vmem>>
        %dma_start3A_491 = arith.constant 0 : i32
        %dma_start3A_492 = tpu.memref_slice %arg10[%run_scoped3A_445, %dma_start3A_491] : memref<8x128xi32, #tpu.memory_space<vmem>> -> memref<1x128xi32, #tpu.memory_space<vmem>>
        %dma_start3A_493 = tpu.memref_squeeze %dma_start3A_492 : memref<1x128xi32, #tpu.memory_space<vmem>> -> memref<128xi32, #tpu.memory_space<vmem>>
        %dma_start3A_494 = arith.constant 0 : i32
        %dma_start3A_495 = arith.constant 0 : i32
        %dma_start3A_496 = tpu.memref_slice %arg12[%dma_start3A_494, %dma_start3A_495] : memref<10112x128xf32, #tpu.memory_space<vmem_shared>> -> memref<10112x128xf32, #tpu.memory_space<vmem_shared>>
        tpu.enqueue_indirect_dma source(%dma_start3A_490 : memref<128x128xf32, #tpu.memory_space<vmem>>) target(%dma_start3A_496 : memref<10112x128xf32, #tpu.memory_space<vmem_shared>>) offsets(%dma_start3A_493 : memref<128xi32, #tpu.memory_space<vmem>>) semaphore(%run_scoped3A_486 : memref<!tpu.dma_semaphore, #tpu.memory_space<semaphore_mem>>) {add = true}
        %dma_wait3A_497 = arith.constant 0 : i32
        %dma_wait3A_498 = arith.constant 0 : i32
        %dma_wait3A_499 = tpu.memref_slice %arg11[%run_scoped3A_444, %dma_wait3A_497, %dma_wait3A_498] : memref<2x128x128xf32, #tpu.memory_space<vmem>> -> memref<1x128x128xf32, #tpu.memory_space<vmem>>
        %dma_wait3A_500 = tpu.memref_squeeze %dma_wait3A_499 : memref<1x128x128xf32, #tpu.memory_space<vmem>> -> memref<128x128xf32, #tpu.memory_space<vmem>>
        %dma_wait3A_501 = arith.constant 0 : i32
        %dma_wait3A_502 = tpu.memref_slice %arg10[%run_scoped3A_445, %dma_wait3A_501] : memref<8x128xi32, #tpu.memory_space<vmem>> -> memref<1x128xi32, #tpu.memory_space<vmem>>
        %dma_wait3A_503 = tpu.memref_squeeze %dma_wait3A_502 : memref<1x128xi32, #tpu.memory_space<vmem>> -> memref<128xi32, #tpu.memory_space<vmem>>
        %dma_wait3A_504 = arith.constant 0 : i32
        %dma_wait3A_505 = arith.constant 0 : i32
        %dma_wait3A_506 = tpu.memref_slice %arg12[%dma_wait3A_504, %dma_wait3A_505] : memref<10112x128xf32, #tpu.memory_space<vmem_shared>> -> memref<10112x128xf32, #tpu.memory_space<vmem_shared>>
        tpu.wait_indirect_dma semaphore(%run_scoped3A_486 : memref<!tpu.dma_semaphore, #tpu.memory_space<semaphore_mem>>) src(%dma_wait3A_500 : memref<128x128xf32, #tpu.memory_space<vmem>>) dst(%dma_wait3A_506 : memref<10112x128xf32, #tpu.memory_space<vmem_shared>>)
        tpu.yield
      }) : () -> ()
      %dma_start3A_446 = arith.constant 7 : i32
      %dma_start3A_447 = arith.constant 1 : i32
      %dma_start3A_448 = arith.constant 0 : i32
      %dma_start3A_449 = arith.constant 0 : i32
      %dma_start3A_450 = tpu.memref_slice %arg11[%dma_start3A_447, %dma_start3A_448, %dma_start3A_449] : memref<2x128x128xf32, #tpu.memory_space<vmem>> -> memref<1x128x128xf32, #tpu.memory_space<vmem>>
      %dma_start3A_451 = tpu.memref_squeeze %dma_start3A_450 : memref<1x128x128xf32, #tpu.memory_space<vmem>> -> memref<128x128xf32, #tpu.memory_space<vmem>>
      %dma_start3A_452 = arith.constant 0 : i32
      %dma_start3A_453 = tpu.memref_slice %arg9[%dma_start3A_446, %dma_start3A_452] : memref<8x128xi32, #tpu.memory_space<vmem>> -> memref<1x128xi32, #tpu.memory_space<vmem>>
      %dma_start3A_454 = tpu.memref_squeeze %dma_start3A_453 : memref<1x128xi32, #tpu.memory_space<vmem>> -> memref<128xi32, #tpu.memory_space<vmem>>
      %dma_start3A_455 = arith.constant 0 : i32
      %dma_start3A_456 = arith.constant 0 : i32
      %dma_start3A_457 = tpu.memref_slice %arg2[%dma_start3A_455, %dma_start3A_456] : memref<10000x128xf32, #tpu.memory_space<hbm>> -> memref<10000x128xf32, #tpu.memory_space<hbm>>
      tpu.enqueue_indirect_dma source(%dma_start3A_457 : memref<10000x128xf32, #tpu.memory_space<hbm>>) target(%dma_start3A_451 : memref<128x128xf32, #tpu.memory_space<vmem>>) offsets(%dma_start3A_454 : memref<128xi32, #tpu.memory_space<vmem>>) semaphore(%arg14 : memref<!tpu.dma_semaphore, #tpu.memory_space<semaphore_mem>>)
      %dma_wait3A_458 = arith.constant 6 : i32
      %dma_wait3A_459 = arith.constant 0 : i32
      %dma_wait3A_460 = arith.constant 0 : i32
      %dma_wait3A_461 = arith.constant 0 : i32
      %dma_wait3A_462 = tpu.memref_slice %arg11[%dma_wait3A_459, %dma_wait3A_460, %dma_wait3A_461] : memref<2x128x128xf32, #tpu.memory_space<vmem>> -> memref<1x128x128xf32, #tpu.memory_space<vmem>>
      %dma_wait3A_463 = tpu.memref_squeeze %dma_wait3A_462 : memref<1x128x128xf32, #tpu.memory_space<vmem>> -> memref<128x128xf32, #tpu.memory_space<vmem>>
      %dma_wait3A_464 = arith.constant 0 : i32
      %dma_wait3A_465 = tpu.memref_slice %arg9[%dma_wait3A_458, %dma_wait3A_464] : memref<8x128xi32, #tpu.memory_space<vmem>> -> memref<1x128xi32, #tpu.memory_space<vmem>>
      %dma_wait3A_466 = tpu.memref_squeeze %dma_wait3A_465 : memref<1x128xi32, #tpu.memory_space<vmem>> -> memref<128xi32, #tpu.memory_space<vmem>>
      %dma_wait3A_467 = arith.constant 0 : i32
      %dma_wait3A_468 = arith.constant 0 : i32
      %dma_wait3A_469 = tpu.memref_slice %arg2[%dma_wait3A_467, %dma_wait3A_468] : memref<10000x128xf32, #tpu.memory_space<hbm>> -> memref<10000x128xf32, #tpu.memory_space<hbm>>
      tpu.wait_indirect_dma semaphore(%arg13 : memref<!tpu.dma_semaphore, #tpu.memory_space<semaphore_mem>>) src(%dma_wait3A_469 : memref<10000x128xf32, #tpu.memory_space<hbm>>) dst(%dma_wait3A_463 : memref<128x128xf32, #tpu.memory_space<vmem>>)
      %run_scoped3A_470 = arith.constant 0 : i32
      %run_scoped3A_471 = arith.constant 6 : i32
      "tpu.region"() ({
        %run_scoped3A_486 = tpu.sem_alloc : memref<!tpu.dma_semaphore, #tpu.memory_space<semaphore_mem>>
        %dma_start3A_487 = arith.constant 0 : i32
        %dma_start3A_488 = arith.constant 0 : i32
        %dma_start3A_489 = tpu.memref_slice %arg11[%run_scoped3A_470, %dma_start3A_487, %dma_start3A_488] : memref<2x128x128xf32, #tpu.memory_space<vmem>> -> memref<1x128x128xf32, #tpu.memory_space<vmem>>
        %dma_start3A_490 = tpu.memref_squeeze %dma_start3A_489 : memref<1x128x128xf32, #tpu.memory_space<vmem>> -> memref<128x128xf32, #tpu.memory_space<vmem>>
        %dma_start3A_491 = arith.constant 0 : i32
        %dma_start3A_492 = tpu.memref_slice %arg10[%run_scoped3A_471, %dma_start3A_491] : memref<8x128xi32, #tpu.memory_space<vmem>> -> memref<1x128xi32, #tpu.memory_space<vmem>>
        %dma_start3A_493 = tpu.memref_squeeze %dma_start3A_492 : memref<1x128xi32, #tpu.memory_space<vmem>> -> memref<128xi32, #tpu.memory_space<vmem>>
        %dma_start3A_494 = arith.constant 0 : i32
        %dma_start3A_495 = arith.constant 0 : i32
        %dma_start3A_496 = tpu.memref_slice %arg12[%dma_start3A_494, %dma_start3A_495] : memref<10112x128xf32, #tpu.memory_space<vmem_shared>> -> memref<10112x128xf32, #tpu.memory_space<vmem_shared>>
        tpu.enqueue_indirect_dma source(%dma_start3A_490 : memref<128x128xf32, #tpu.memory_space<vmem>>) target(%dma_start3A_496 : memref<10112x128xf32, #tpu.memory_space<vmem_shared>>) offsets(%dma_start3A_493 : memref<128xi32, #tpu.memory_space<vmem>>) semaphore(%run_scoped3A_486 : memref<!tpu.dma_semaphore, #tpu.memory_space<semaphore_mem>>) {add = true}
        %dma_wait3A_497 = arith.constant 0 : i32
        %dma_wait3A_498 = arith.constant 0 : i32
        %dma_wait3A_499 = tpu.memref_slice %arg11[%run_scoped3A_470, %dma_wait3A_497, %dma_wait3A_498] : memref<2x128x128xf32, #tpu.memory_space<vmem>> -> memref<1x128x128xf32, #tpu.memory_space<vmem>>
        %dma_wait3A_500 = tpu.memref_squeeze %dma_wait3A_499 : memref<1x128x128xf32, #tpu.memory_space<vmem>> -> memref<128x128xf32, #tpu.memory_space<vmem>>
        %dma_wait3A_501 = arith.constant 0 : i32
        %dma_wait3A_502 = tpu.memref_slice %arg10[%run_scoped3A_471, %dma_wait3A_501] : memref<8x128xi32, #tpu.memory_space<vmem>> -> memref<1x128xi32, #tpu.memory_space<vmem>>
        %dma_wait3A_503 = tpu.memref_squeeze %dma_wait3A_502 : memref<1x128xi32, #tpu.memory_space<vmem>> -> memref<128xi32, #tpu.memory_space<vmem>>
        %dma_wait3A_504 = arith.constant 0 : i32
        %dma_wait3A_505 = arith.constant 0 : i32
        %dma_wait3A_506 = tpu.memref_slice %arg12[%dma_wait3A_504, %dma_wait3A_505] : memref<10112x128xf32, #tpu.memory_space<vmem_shared>> -> memref<10112x128xf32, #tpu.memory_space<vmem_shared>>
        tpu.wait_indirect_dma semaphore(%run_scoped3A_486 : memref<!tpu.dma_semaphore, #tpu.memory_space<semaphore_mem>>) src(%dma_wait3A_500 : memref<128x128xf32, #tpu.memory_space<vmem>>) dst(%dma_wait3A_506 : memref<10112x128xf32, #tpu.memory_space<vmem_shared>>)
        tpu.yield
      }) : () -> ()
      %dma_wait3A_472 = arith.constant 7 : i32
      %dma_wait3A_473 = arith.constant 1 : i32
      %dma_wait3A_474 = arith.constant 0 : i32
      %dma_wait3A_475 = arith.constant 0 : i32
      %dma_wait3A_476 = tpu.memref_slice %arg11[%dma_wait3A_473, %dma_wait3A_474, %dma_wait3A_475] : memref<2x128x128xf32, #tpu.memory_space<vmem>> -> memref<1x128x128xf32, #tpu.memory_space<vmem>>
      %dma_wait3A_477 = tpu.memref_squeeze %dma_wait3A_476 : memref<1x128x128xf32, #tpu.memory_space<vmem>> -> memref<128x128xf32, #tpu.memory_space<vmem>>
      %dma_wait3A_478 = arith.constant 0 : i32
      %dma_wait3A_479 = tpu.memref_slice %arg9[%dma_wait3A_472, %dma_wait3A_478] : memref<8x128xi32, #tpu.memory_space<vmem>> -> memref<1x128xi32, #tpu.memory_space<vmem>>
      %dma_wait3A_480 = tpu.memref_squeeze %dma_wait3A_479 : memref<1x128xi32, #tpu.memory_space<vmem>> -> memref<128xi32, #tpu.memory_space<vmem>>
      %dma_wait3A_481 = arith.constant 0 : i32
      %dma_wait3A_482 = arith.constant 0 : i32
      %dma_wait3A_483 = tpu.memref_slice %arg2[%dma_wait3A_481, %dma_wait3A_482] : memref<10000x128xf32, #tpu.memory_space<hbm>> -> memref<10000x128xf32, #tpu.memory_space<hbm>>
      tpu.wait_indirect_dma semaphore(%arg14 : memref<!tpu.dma_semaphore, #tpu.memory_space<semaphore_mem>>) src(%dma_wait3A_483 : memref<10000x128xf32, #tpu.memory_space<hbm>>) dst(%dma_wait3A_477 : memref<128x128xf32, #tpu.memory_space<vmem>>)
      %run_scoped3A_484 = arith.constant 1 : i32
      %run_scoped3A_485 = arith.constant 7 : i32
      "tpu.region"() ({
        %run_scoped3A_486 = tpu.sem_alloc : memref<!tpu.dma_semaphore, #tpu.memory_space<semaphore_mem>>
        %dma_start3A_487 = arith.constant 0 : i32
        %dma_start3A_488 = arith.constant 0 : i32
        %dma_start3A_489 = tpu.memref_slice %arg11[%run_scoped3A_484, %dma_start3A_487, %dma_start3A_488] : memref<2x128x128xf32, #tpu.memory_space<vmem>> -> memref<1x128x128xf32, #tpu.memory_space<vmem>>
        %dma_start3A_490 = tpu.memref_squeeze %dma_start3A_489 : memref<1x128x128xf32, #tpu.memory_space<vmem>> -> memref<128x128xf32, #tpu.memory_space<vmem>>
        %dma_start3A_491 = arith.constant 0 : i32
        %dma_start3A_492 = tpu.memref_slice %arg10[%run_scoped3A_485, %dma_start3A_491] : memref<8x128xi32, #tpu.memory_space<vmem>> -> memref<1x128xi32, #tpu.memory_space<vmem>>
        %dma_start3A_493 = tpu.memref_squeeze %dma_start3A_492 : memref<1x128xi32, #tpu.memory_space<vmem>> -> memref<128xi32, #tpu.memory_space<vmem>>
        %dma_start3A_494 = arith.constant 0 : i32
        %dma_start3A_495 = arith.constant 0 : i32
        %dma_start3A_496 = tpu.memref_slice %arg12[%dma_start3A_494, %dma_start3A_495] : memref<10112x128xf32, #tpu.memory_space<vmem_shared>> -> memref<10112x128xf32, #tpu.memory_space<vmem_shared>>
        tpu.enqueue_indirect_dma source(%dma_start3A_490 : memref<128x128xf32, #tpu.memory_space<vmem>>) target(%dma_start3A_496 : memref<10112x128xf32, #tpu.memory_space<vmem_shared>>) offsets(%dma_start3A_493 : memref<128xi32, #tpu.memory_space<vmem>>) semaphore(%run_scoped3A_486 : memref<!tpu.dma_semaphore, #tpu.memory_space<semaphore_mem>>) {add = true}
        %dma_wait3A_497 = arith.constant 0 : i32
        %dma_wait3A_498 = arith.constant 0 : i32
        %dma_wait3A_499 = tpu.memref_slice %arg11[%run_scoped3A_484, %dma_wait3A_497, %dma_wait3A_498] : memref<2x128x128xf32, #tpu.memory_space<vmem>> -> memref<1x128x128xf32, #tpu.memory_space<vmem>>
        %dma_wait3A_500 = tpu.memref_squeeze %dma_wait3A_499 : memref<1x128x128xf32, #tpu.memory_space<vmem>> -> memref<128x128xf32, #tpu.memory_space<vmem>>
        %dma_wait3A_501 = arith.constant 0 : i32
        %dma_wait3A_502 = tpu.memref_slice %arg10[%run_scoped3A_485, %dma_wait3A_501] : memref<8x128xi32, #tpu.memory_space<vmem>> -> memref<1x128xi32, #tpu.memory_space<vmem>>
        %dma_wait3A_503 = tpu.memref_squeeze %dma_wait3A_502 : memref<1x128xi32, #tpu.memory_space<vmem>> -> memref<128xi32, #tpu.memory_space<vmem>>
        %dma_wait3A_504 = arith.constant 0 : i32
        %dma_wait3A_505 = arith.constant 0 : i32
        %dma_wait3A_506 = tpu.memref_slice %arg12[%dma_wait3A_504, %dma_wait3A_505] : memref<10112x128xf32, #tpu.memory_space<vmem_shared>> -> memref<10112x128xf32, #tpu.memory_space<vmem_shared>>
        tpu.wait_indirect_dma semaphore(%run_scoped3A_486 : memref<!tpu.dma_semaphore, #tpu.memory_space<semaphore_mem>>) src(%dma_wait3A_500 : memref<128x128xf32, #tpu.memory_space<vmem>>) dst(%dma_wait3A_506 : memref<10112x128xf32, #tpu.memory_space<vmem_shared>>)
        tpu.yield
      }) : () -> ()
    }
    %barrier3A_84 = arith.constant 0 : index
    tpu.barrier barrier_id(%barrier3A_84)
    %add3A_85 = arith.constant 0 : i32
    %add3A_86 = arith.addi %mul3A_2, %add3A_85 : i32
    %add3A_87 = arith.constant 0 : i32
    %add3A_88 = arith.addi %add3A_5, %add3A_87 : i32
    %dma_start3A_89 = arith.constant 0 : i32
    %dma_start3A_90 = tpu.memref_slice %arg7[%add3A_88, %dma_start3A_89] : memref<20224x128xf32, #tpu.memory_space<hbm>> -> memref<128x128xf32, #tpu.memory_space<hbm>>
    %dma_start3A_91 = arith.constant 0 : i32
    %dma_start3A_92 = tpu.memref_slice %arg12[%add3A_86, %dma_start3A_91] : memref<10112x128xf32, #tpu.memory_space<vmem_shared>> -> memref<128x128xf32, #tpu.memory_space<vmem_shared>>
    tpu.enqueue_dma source(%dma_start3A_92 : memref<128x128xf32, #tpu.memory_space<vmem_shared>>) target(%dma_start3A_90 : memref<128x128xf32, #tpu.memory_space<hbm>>) target_semaphore(%arg13 : memref<!tpu.dma_semaphore, #tpu.memory_space<semaphore_mem>>)
    %add3A_93 = arith.constant 128 : i32
    %add3A_94 = arith.addi %mul3A_2, %add3A_93 : i32
    %add3A_95 = arith.constant 128 : i32
    %add3A_96 = arith.addi %add3A_5, %add3A_95 : i32
    %dma_start3A_97 = arith.constant 0 : i32
    %dma_start3A_98 = tpu.memref_slice %arg7[%add3A_96, %dma_start3A_97] : memref<20224x128xf32, #tpu.memory_space<hbm>> -> memref<128x128xf32, #tpu.memory_space<hbm>>
    %dma_start3A_99 = arith.constant 0 : i32
    %dma_start3A_100 = tpu.memref_slice %arg12[%add3A_94, %dma_start3A_99] : memref<10112x128xf32, #tpu.memory_space<vmem_shared>> -> memref<128x128xf32, #tpu.memory_space<vmem_shared>>
    tpu.enqueue_dma source(%dma_start3A_100 : memref<128x128xf32, #tpu.memory_space<vmem_shared>>) target(%dma_start3A_98 : memref<128x128xf32, #tpu.memory_space<hbm>>) target_semaphore(%arg13 : memref<!tpu.dma_semaphore, #tpu.memory_space<semaphore_mem>>)
    %add3A_101 = arith.constant 256 : i32
    %add3A_102 = arith.addi %mul3A_2, %add3A_101 : i32
    %add3A_103 = arith.constant 256 : i32
    %add3A_104 = arith.addi %add3A_5, %add3A_103 : i32
    %dma_start3A_105 = arith.constant 0 : i32
    %dma_start3A_106 = tpu.memref_slice %arg7[%add3A_104, %dma_start3A_105] : memref<20224x128xf32, #tpu.memory_space<hbm>> -> memref<128x128xf32, #tpu.memory_space<hbm>>
    %dma_start3A_107 = arith.constant 0 : i32
    %dma_start3A_108 = tpu.memref_slice %arg12[%add3A_102, %dma_start3A_107] : memref<10112x128xf32, #tpu.memory_space<vmem_shared>> -> memref<128x128xf32, #tpu.memory_space<vmem_shared>>
    tpu.enqueue_dma source(%dma_start3A_108 : memref<128x128xf32, #tpu.memory_space<vmem_shared>>) target(%dma_start3A_106 : memref<128x128xf32, #tpu.memory_space<hbm>>) target_semaphore(%arg13 : memref<!tpu.dma_semaphore, #tpu.memory_space<semaphore_mem>>)
    %add3A_109 = arith.constant 384 : i32
    %add3A_110 = arith.addi %mul3A_2, %add3A_109 : i32
    %add3A_111 = arith.constant 384 : i32
    %add3A_112 = arith.addi %add3A_5, %add3A_111 : i32
    %dma_start3A_113 = arith.constant 0 : i32
    %dma_start3A_114 = tpu.memref_slice %arg7[%add3A_112, %dma_start3A_113] : memref<20224x128xf32, #tpu.memory_space<hbm>> -> memref<128x128xf32, #tpu.memory_space<hbm>>
    %dma_start3A_115 = arith.constant 0 : i32
    %dma_start3A_116 = tpu.memref_slice %arg12[%add3A_110, %dma_start3A_115] : memref<10112x128xf32, #tpu.memory_space<vmem_shared>> -> memref<128x128xf32, #tpu.memory_space<vmem_shared>>
    tpu.enqueue_dma source(%dma_start3A_116 : memref<128x128xf32, #tpu.memory_space<vmem_shared>>) target(%dma_start3A_114 : memref<128x128xf32, #tpu.memory_space<hbm>>) target_semaphore(%arg13 : memref<!tpu.dma_semaphore, #tpu.memory_space<semaphore_mem>>)
    %add3A_117 = arith.constant 512 : i32
    %add3A_118 = arith.addi %mul3A_2, %add3A_117 : i32
    %add3A_119 = arith.constant 512 : i32
    %add3A_120 = arith.addi %add3A_5, %add3A_119 : i32
    %dma_start3A_121 = arith.constant 0 : i32
    %dma_start3A_122 = tpu.memref_slice %arg7[%add3A_120, %dma_start3A_121] : memref<20224x128xf32, #tpu.memory_space<hbm>> -> memref<120x128xf32, #tpu.memory_space<hbm>>
    %dma_start3A_123 = arith.constant 0 : i32
    %dma_start3A_124 = tpu.memref_slice %arg12[%add3A_118, %dma_start3A_123] : memref<10112x128xf32, #tpu.memory_space<vmem_shared>> -> memref<120x128xf32, #tpu.memory_space<vmem_shared>>
    tpu.enqueue_dma source(%dma_start3A_124 : memref<120x128xf32, #tpu.memory_space<vmem_shared>>) target(%dma_start3A_122 : memref<120x128xf32, #tpu.memory_space<hbm>>) target_semaphore(%arg13 : memref<!tpu.dma_semaphore, #tpu.memory_space<semaphore_mem>>)
    %dma_wait3A_125 = arith.constant 0 : i32
    %dma_wait3A_126 = tpu.memref_slice %arg7[%add3A_88, %dma_wait3A_125] : memref<20224x128xf32, #tpu.memory_space<hbm>> -> memref<128x128xf32, #tpu.memory_space<hbm>>
    %dma_wait3A_127 = arith.constant 0 : i32
    %dma_wait3A_128 = tpu.memref_slice %arg12[%add3A_86, %dma_wait3A_127] : memref<10112x128xf32, #tpu.memory_space<vmem_shared>> -> memref<128x128xf32, #tpu.memory_space<vmem_shared>>
    tpu.wait_dma2 semaphore(%arg13 : memref<!tpu.dma_semaphore, #tpu.memory_space<semaphore_mem>>) src(%dma_wait3A_128 : memref<128x128xf32, #tpu.memory_space<vmem_shared>>) dst(%dma_wait3A_126 : memref<128x128xf32, #tpu.memory_space<hbm>>)
    %dma_wait3A_129 = arith.constant 0 : i32
    %dma_wait3A_130 = tpu.memref_slice %arg7[%add3A_96, %dma_wait3A_129] : memref<20224x128xf32, #tpu.memory_space<hbm>> -> memref<128x128xf32, #tpu.memory_space<hbm>>
    %dma_wait3A_131 = arith.constant 0 : i32
    %dma_wait3A_132 = tpu.memref_slice %arg12[%add3A_94, %dma_wait3A_131] : memref<10112x128xf32, #tpu.memory_space<vmem_shared>> -> memref<128x128xf32, #tpu.memory_space<vmem_shared>>
    tpu.wait_dma2 semaphore(%arg13 : memref<!tpu.dma_semaphore, #tpu.memory_space<semaphore_mem>>) src(%dma_wait3A_132 : memref<128x128xf32, #tpu.memory_space<vmem_shared>>) dst(%dma_wait3A_130 : memref<128x128xf32, #tpu.memory_space<hbm>>)
    %dma_wait3A_133 = arith.constant 0 : i32
    %dma_wait3A_134 = tpu.memref_slice %arg7[%add3A_104, %dma_wait3A_133] : memref<20224x128xf32, #tpu.memory_space<hbm>> -> memref<128x128xf32, #tpu.memory_space<hbm>>
    %dma_wait3A_135 = arith.constant 0 : i32
    %dma_wait3A_136 = tpu.memref_slice %arg12[%add3A_102, %dma_wait3A_135] : memref<10112x128xf32, #tpu.memory_space<vmem_shared>> -> memref<128x128xf32, #tpu.memory_space<vmem_shared>>
    tpu.wait_dma2 semaphore(%arg13 : memref<!tpu.dma_semaphore, #tpu.memory_space<semaphore_mem>>) src(%dma_wait3A_136 : memref<128x128xf32, #tpu.memory_space<vmem_shared>>) dst(%dma_wait3A_134 : memref<128x128xf32, #tpu.memory_space<hbm>>)
    %dma_wait3A_137 = arith.constant 0 : i32
    %dma_wait3A_138 = tpu.memref_slice %arg7[%add3A_112, %dma_wait3A_137] : memref<20224x128xf32, #tpu.memory_space<hbm>> -> memref<128x128xf32, #tpu.memory_space<hbm>>
    %dma_wait3A_139 = arith.constant 0 : i32
    %dma_wait3A_140 = tpu.memref_slice %arg12[%add3A_110, %dma_wait3A_139] : memref<10112x128xf32, #tpu.memory_space<vmem_shared>> -> memref<128x128xf32, #tpu.memory_space<vmem_shared>>
    tpu.wait_dma2 semaphore(%arg13 : memref<!tpu.dma_semaphore, #tpu.memory_space<semaphore_mem>>) src(%dma_wait3A_140 : memref<128x128xf32, #tpu.memory_space<vmem_shared>>) dst(%dma_wait3A_138 : memref<128x128xf32, #tpu.memory_space<hbm>>)
    %dma_wait3A_141 = arith.constant 0 : i32
    %dma_wait3A_142 = tpu.memref_slice %arg7[%add3A_120, %dma_wait3A_141] : memref<20224x128xf32, #tpu.memory_space<hbm>> -> memref<120x128xf32, #tpu.memory_space<hbm>>
    %dma_wait3A_143 = arith.constant 0 : i32
    %dma_wait3A_144 = tpu.memref_slice %arg12[%add3A_118, %dma_wait3A_143] : memref<10112x128xf32, #tpu.memory_space<vmem_shared>> -> memref<120x128xf32, #tpu.memory_space<vmem_shared>>
    tpu.wait_dma2 semaphore(%arg13 : memref<!tpu.dma_semaphore, #tpu.memory_space<semaphore_mem>>) src(%dma_wait3A_144 : memref<120x128xf32, #tpu.memory_space<vmem_shared>>) dst(%dma_wait3A_142 : memref<120x128xf32, #tpu.memory_space<hbm>>)
    %barrier3A_145 = arith.constant 0 : index
    tpu.barrier barrier_id(%barrier3A_145)
    %run_scoped3A = arith.constant 0 : i32
    "tpu.region"() ({
      %run_scoped3A_274 = tpu.sem_alloc : memref<!tpu.dma_semaphore, #tpu.memory_space<semaphore_mem>>
      %dma_start3A_275 = arith.constant 0 : i32
      %dma_start3A_276 = arith.constant 0 : i32
      %dma_start3A_277 = tpu.memref_slice %arg11[%run_scoped3A, %dma_start3A_275, %dma_start3A_276] : memref<2x128x128xf32, #tpu.memory_space<vmem>> -> memref<1x128x128xf32, #tpu.memory_space<vmem>>
      %dma_start3A_278 = tpu.memref_squeeze %dma_start3A_277 : memref<1x128x128xf32, #tpu.memory_space<vmem>> -> memref<128x128xf32, #tpu.memory_space<vmem>>
      %dma_start3A_279 = arith.constant 0 : i32
      %dma_start3A_280 = arith.constant 0 : i32
      %dma_start3A_281 = tpu.memref_slice %arg11[%run_scoped3A, %dma_start3A_279, %dma_start3A_280] : memref<2x128x128xf32, #tpu.memory_space<vmem>> -> memref<1x128x128xf32, #tpu.memory_space<vmem>>
      %dma_start3A_282 = tpu.memref_squeeze %dma_start3A_281 : memref<1x128x128xf32, #tpu.memory_space<vmem>> -> memref<128x128xf32, #tpu.memory_space<vmem>>
      tpu.enqueue_dma source(%arg6 : memref<128x128xf32, #tpu.memory_space<hbm>>) target(%dma_start3A_282 : memref<128x128xf32, #tpu.memory_space<vmem>>) target_semaphore(%run_scoped3A_274 : memref<!tpu.dma_semaphore, #tpu.memory_space<semaphore_mem>>)
      %dma_wait3A_283 = arith.constant 0 : i32
      %dma_wait3A_284 = arith.constant 0 : i32
      %dma_wait3A_285 = tpu.memref_slice %arg11[%run_scoped3A, %dma_wait3A_283, %dma_wait3A_284] : memref<2x128x128xf32, #tpu.memory_space<vmem>> -> memref<1x128x128xf32, #tpu.memory_space<vmem>>
      %dma_wait3A_286 = tpu.memref_squeeze %dma_wait3A_285 : memref<1x128x128xf32, #tpu.memory_space<vmem>> -> memref<128x128xf32, #tpu.memory_space<vmem>>
      %dma_wait3A_287 = arith.constant 0 : i32
      %dma_wait3A_288 = arith.constant 0 : i32
      %dma_wait3A_289 = tpu.memref_slice %arg11[%run_scoped3A, %dma_wait3A_287, %dma_wait3A_288] : memref<2x128x128xf32, #tpu.memory_space<vmem>> -> memref<1x128x128xf32, #tpu.memory_space<vmem>>
      %dma_wait3A_290 = tpu.memref_squeeze %dma_wait3A_289 : memref<1x128x128xf32, #tpu.memory_space<vmem>> -> memref<128x128xf32, #tpu.memory_space<vmem>>
      tpu.wait_dma2 semaphore(%run_scoped3A_274 : memref<!tpu.dma_semaphore, #tpu.memory_space<semaphore_mem>>) src(%arg6 : memref<128x128xf32, #tpu.memory_space<hbm>>) dst(%dma_wait3A_290 : memref<128x128xf32, #tpu.memory_space<vmem>>)
      tpu.yield
    }) : () -> ()
    %add3A_146 = arith.constant 0 : i32
    %add3A_147 = arith.addi %mul3A_2, %add3A_146 : i32
    %dma_start3A_148 = arith.constant 0 : i32
    %dma_start3A_149 = tpu.memref_slice %arg12[%add3A_147, %dma_start3A_148] : memref<10112x128xf32, #tpu.memory_space<vmem_shared>> -> memref<128x128xf32, #tpu.memory_space<vmem_shared>>
    %dma_start3A_150 = arith.constant 0 : i32
    %dma_start3A_151 = arith.constant 0 : i32
    %dma_start3A_152 = tpu.memref_slice %arg5[%dma_start3A_150, %dma_start3A_151] : memref<632x128xf32, #tpu.memory_space<hbm>> -> memref<128x128xf32, #tpu.memory_space<hbm>>
    tpu.enqueue_dma source(%dma_start3A_152 : memref<128x128xf32, #tpu.memory_space<hbm>>) target(%dma_start3A_149 : memref<128x128xf32, #tpu.memory_space<vmem_shared>>) target_semaphore(%arg13 : memref<!tpu.dma_semaphore, #tpu.memory_space<semaphore_mem>>)
    %add3A_153 = arith.constant 128 : i32
    %add3A_154 = arith.addi %mul3A_2, %add3A_153 : i32
    %dma_start3A_155 = arith.constant 0 : i32
    %dma_start3A_156 = tpu.memref_slice %arg12[%add3A_154, %dma_start3A_155] : memref<10112x128xf32, #tpu.memory_space<vmem_shared>> -> memref<128x128xf32, #tpu.memory_space<vmem_shared>>
    %dma_start3A_157 = arith.constant 128 : i32
    %dma_start3A_158 = arith.constant 0 : i32
    %dma_start3A_159 = tpu.memref_slice %arg5[%dma_start3A_157, %dma_start3A_158] : memref<632x128xf32, #tpu.memory_space<hbm>> -> memref<128x128xf32, #tpu.memory_space<hbm>>
    tpu.enqueue_dma source(%dma_start3A_159 : memref<128x128xf32, #tpu.memory_space<hbm>>) target(%dma_start3A_156 : memref<128x128xf32, #tpu.memory_space<vmem_shared>>) target_semaphore(%arg13 : memref<!tpu.dma_semaphore, #tpu.memory_space<semaphore_mem>>)
    %add3A_160 = arith.constant 256 : i32
    %add3A_161 = arith.addi %mul3A_2, %add3A_160 : i32
    %dma_start3A_162 = arith.constant 0 : i32
    %dma_start3A_163 = tpu.memref_slice %arg12[%add3A_161, %dma_start3A_162] : memref<10112x128xf32, #tpu.memory_space<vmem_shared>> -> memref<128x128xf32, #tpu.memory_space<vmem_shared>>
    %dma_start3A_164 = arith.constant 256 : i32
    %dma_start3A_165 = arith.constant 0 : i32
    %dma_start3A_166 = tpu.memref_slice %arg5[%dma_start3A_164, %dma_start3A_165] : memref<632x128xf32, #tpu.memory_space<hbm>> -> memref<128x128xf32, #tpu.memory_space<hbm>>
    tpu.enqueue_dma source(%dma_start3A_166 : memref<128x128xf32, #tpu.memory_space<hbm>>) target(%dma_start3A_163 : memref<128x128xf32, #tpu.memory_space<vmem_shared>>) target_semaphore(%arg13 : memref<!tpu.dma_semaphore, #tpu.memory_space<semaphore_mem>>)
    %add3A_167 = arith.constant 384 : i32
    %add3A_168 = arith.addi %mul3A_2, %add3A_167 : i32
    %dma_start3A_169 = arith.constant 0 : i32
    %dma_start3A_170 = tpu.memref_slice %arg12[%add3A_168, %dma_start3A_169] : memref<10112x128xf32, #tpu.memory_space<vmem_shared>> -> memref<128x128xf32, #tpu.memory_space<vmem_shared>>
    %dma_start3A_171 = arith.constant 384 : i32
    %dma_start3A_172 = arith.constant 0 : i32
    %dma_start3A_173 = tpu.memref_slice %arg5[%dma_start3A_171, %dma_start3A_172] : memref<632x128xf32, #tpu.memory_space<hbm>> -> memref<128x128xf32, #tpu.memory_space<hbm>>
    tpu.enqueue_dma source(%dma_start3A_173 : memref<128x128xf32, #tpu.memory_space<hbm>>) target(%dma_start3A_170 : memref<128x128xf32, #tpu.memory_space<vmem_shared>>) target_semaphore(%arg13 : memref<!tpu.dma_semaphore, #tpu.memory_space<semaphore_mem>>)
    %add3A_174 = arith.constant 512 : i32
    %add3A_175 = arith.addi %mul3A_2, %add3A_174 : i32
    %dma_start3A_176 = arith.constant 0 : i32
    %dma_start3A_177 = tpu.memref_slice %arg12[%add3A_175, %dma_start3A_176] : memref<10112x128xf32, #tpu.memory_space<vmem_shared>> -> memref<120x128xf32, #tpu.memory_space<vmem_shared>>
    %dma_start3A_178 = arith.constant 512 : i32
    %dma_start3A_179 = arith.constant 0 : i32
    %dma_start3A_180 = tpu.memref_slice %arg5[%dma_start3A_178, %dma_start3A_179] : memref<632x128xf32, #tpu.memory_space<hbm>> -> memref<120x128xf32, #tpu.memory_space<hbm>>
    tpu.enqueue_dma source(%dma_start3A_180 : memref<120x128xf32, #tpu.memory_space<hbm>>) target(%dma_start3A_177 : memref<120x128xf32, #tpu.memory_space<vmem_shared>>) target_semaphore(%arg13 : memref<!tpu.dma_semaphore, #tpu.memory_space<semaphore_mem>>)
    %dma_wait3A_181 = arith.constant 0 : i32
    %dma_wait3A_182 = tpu.memref_slice %arg12[%add3A_147, %dma_wait3A_181] : memref<10112x128xf32, #tpu.memory_space<vmem_shared>> -> memref<128x128xf32, #tpu.memory_space<vmem_shared>>
    %dma_wait3A_183 = arith.constant 0 : i32
    %dma_wait3A_184 = arith.constant 0 : i32
    %dma_wait3A_185 = tpu.memref_slice %arg5[%dma_wait3A_183, %dma_wait3A_184] : memref<632x128xf32, #tpu.memory_space<hbm>> -> memref<128x128xf32, #tpu.memory_space<hbm>>
    tpu.wait_dma2 semaphore(%arg13 : memref<!tpu.dma_semaphore, #tpu.memory_space<semaphore_mem>>) src(%dma_wait3A_185 : memref<128x128xf32, #tpu.memory_space<hbm>>) dst(%dma_wait3A_182 : memref<128x128xf32, #tpu.memory_space<vmem_shared>>)
    %dma_wait3A_186 = arith.constant 0 : i32
    %dma_wait3A_187 = tpu.memref_slice %arg12[%add3A_154, %dma_wait3A_186] : memref<10112x128xf32, #tpu.memory_space<vmem_shared>> -> memref<128x128xf32, #tpu.memory_space<vmem_shared>>
    %dma_wait3A_188 = arith.constant 128 : i32
    %dma_wait3A_189 = arith.constant 0 : i32
    %dma_wait3A_190 = tpu.memref_slice %arg5[%dma_wait3A_188, %dma_wait3A_189] : memref<632x128xf32, #tpu.memory_space<hbm>> -> memref<128x128xf32, #tpu.memory_space<hbm>>
    tpu.wait_dma2 semaphore(%arg13 : memref<!tpu.dma_semaphore, #tpu.memory_space<semaphore_mem>>) src(%dma_wait3A_190 : memref<128x128xf32, #tpu.memory_space<hbm>>) dst(%dma_wait3A_187 : memref<128x128xf32, #tpu.memory_space<vmem_shared>>)
    %dma_wait3A_191 = arith.constant 0 : i32
    %dma_wait3A_192 = tpu.memref_slice %arg12[%add3A_161, %dma_wait3A_191] : memref<10112x128xf32, #tpu.memory_space<vmem_shared>> -> memref<128x128xf32, #tpu.memory_space<vmem_shared>>
    %dma_wait3A_193 = arith.constant 256 : i32
    %dma_wait3A_194 = arith.constant 0 : i32
    %dma_wait3A_195 = tpu.memref_slice %arg5[%dma_wait3A_193, %dma_wait3A_194] : memref<632x128xf32, #tpu.memory_space<hbm>> -> memref<128x128xf32, #tpu.memory_space<hbm>>
    tpu.wait_dma2 semaphore(%arg13 : memref<!tpu.dma_semaphore, #tpu.memory_space<semaphore_mem>>) src(%dma_wait3A_195 : memref<128x128xf32, #tpu.memory_space<hbm>>) dst(%dma_wait3A_192 : memref<128x128xf32, #tpu.memory_space<vmem_shared>>)
    %dma_wait3A_196 = arith.constant 0 : i32
    %dma_wait3A_197 = tpu.memref_slice %arg12[%add3A_168, %dma_wait3A_196] : memref<10112x128xf32, #tpu.memory_space<vmem_shared>> -> memref<128x128xf32, #tpu.memory_space<vmem_shared>>
    %dma_wait3A_198 = arith.constant 384 : i32
    %dma_wait3A_199 = arith.constant 0 : i32
    %dma_wait3A_200 = tpu.memref_slice %arg5[%dma_wait3A_198, %dma_wait3A_199] : memref<632x128xf32, #tpu.memory_space<hbm>> -> memref<128x128xf32, #tpu.memory_space<hbm>>
    tpu.wait_dma2 semaphore(%arg13 : memref<!tpu.dma_semaphore, #tpu.memory_space<semaphore_mem>>) src(%dma_wait3A_200 : memref<128x128xf32, #tpu.memory_space<hbm>>) dst(%dma_wait3A_197 : memref<128x128xf32, #tpu.memory_space<vmem_shared>>)
    %dma_wait3A_201 = arith.constant 0 : i32
    %dma_wait3A_202 = tpu.memref_slice %arg12[%add3A_175, %dma_wait3A_201] : memref<10112x128xf32, #tpu.memory_space<vmem_shared>> -> memref<120x128xf32, #tpu.memory_space<vmem_shared>>
    %dma_wait3A_203 = arith.constant 512 : i32
    %dma_wait3A_204 = arith.constant 0 : i32
    %dma_wait3A_205 = tpu.memref_slice %arg5[%dma_wait3A_203, %dma_wait3A_204] : memref<632x128xf32, #tpu.memory_space<hbm>> -> memref<120x128xf32, #tpu.memory_space<hbm>>
    tpu.wait_dma2 semaphore(%arg13 : memref<!tpu.dma_semaphore, #tpu.memory_space<semaphore_mem>>) src(%dma_wait3A_205 : memref<120x128xf32, #tpu.memory_space<hbm>>) dst(%dma_wait3A_202 : memref<120x128xf32, #tpu.memory_space<vmem_shared>>)
    %barrier3A_206 = arith.constant 0 : index
    tpu.barrier barrier_id(%barrier3A_206)
    %scan3A = arith.constant 0 : i32
    %scan3A_207 = arith.constant 0 : i32
    %scan3A_208 = arith.constant 0 : i32
    %scan3A_209 = arith.constant 10 : i32
    %scan3A_210 = arith.addi %scan3A_208, %scan3A_209 : i32
    %scan3A_211 = arith.constant 1 : i32
    scf.for %scan3A_274 = %scan3A_208 to %scan3A_210 step %scan3A_211  : i32 {
      %mul3A_275 = arith.constant 80 : i32
      %mul3A_276 = arith.muli %add3A, %mul3A_275 : i32
      %mul3A_277 = arith.constant 8 : i32
      %mul3A_278 = arith.muli %scan3A_274, %mul3A_277 : i32
      %add3A_279 = arith.addi %mul3A_276, %mul3A_278 : i32
      "tpu.region"() ({
        %run_scoped3A_288 = tpu.sem_alloc : memref<!tpu.dma_semaphore, #tpu.memory_space<semaphore_mem>>
        %dma_start3A_289 = arith.constant 0 : i32
        %dma_start3A_290 = tpu.memref_slice %arg4[%add3A_279, %dma_start3A_289] : memref<2560x128xi32, #tpu.memory_space<hbm>> -> memref<8x128xi32, #tpu.memory_space<hbm>>
        %dma_start3A_291 = arith.constant 0 : i32
        %dma_start3A_292 = tpu.memref_slice %arg4[%add3A_279, %dma_start3A_291] : memref<2560x128xi32, #tpu.memory_space<hbm>> -> memref<8x128xi32, #tpu.memory_space<hbm>>
        tpu.enqueue_dma source(%dma_start3A_292 : memref<8x128xi32, #tpu.memory_space<hbm>>) target(%arg10 : memref<8x128xi32, #tpu.memory_space<vmem>>) target_semaphore(%run_scoped3A_288 : memref<!tpu.dma_semaphore, #tpu.memory_space<semaphore_mem>>)
        %dma_wait3A_293 = arith.constant 0 : i32
        %dma_wait3A_294 = tpu.memref_slice %arg4[%add3A_279, %dma_wait3A_293] : memref<2560x128xi32, #tpu.memory_space<hbm>> -> memref<8x128xi32, #tpu.memory_space<hbm>>
        %dma_wait3A_295 = arith.constant 0 : i32
        %dma_wait3A_296 = tpu.memref_slice %arg4[%add3A_279, %dma_wait3A_295] : memref<2560x128xi32, #tpu.memory_space<hbm>> -> memref<8x128xi32, #tpu.memory_space<hbm>>
        tpu.wait_dma2 semaphore(%run_scoped3A_288 : memref<!tpu.dma_semaphore, #tpu.memory_space<semaphore_mem>>) src(%dma_wait3A_296 : memref<8x128xi32, #tpu.memory_space<hbm>>) dst(%arg10 : memref<8x128xi32, #tpu.memory_space<vmem>>)
        tpu.yield
      }) : () -> ()
      %run_scoped3A_280 = arith.constant 0 : i32
      "tpu.region"() ({
        %run_scoped3A_288 = tpu.sem_alloc : memref<!tpu.dma_semaphore, #tpu.memory_space<semaphore_mem>>
        %dma_start3A_289 = arith.constant 0 : i32
        %dma_start3A_290 = arith.constant 0 : i32
        %dma_start3A_291 = tpu.memref_slice %arg11[%scan3A_207, %dma_start3A_289, %dma_start3A_290] : memref<2x128x128xf32, #tpu.memory_space<vmem>> -> memref<1x128x128xf32, #tpu.memory_space<vmem>>
        %dma_start3A_292 = tpu.memref_squeeze %dma_start3A_291 : memref<1x128x128xf32, #tpu.memory_space<vmem>> -> memref<128x128xf32, #tpu.memory_space<vmem>>
        %dma_start3A_293 = arith.constant 0 : i32
        %dma_start3A_294 = tpu.memref_slice %arg10[%run_scoped3A_280, %dma_start3A_293] : memref<8x128xi32, #tpu.memory_space<vmem>> -> memref<1x128xi32, #tpu.memory_space<vmem>>
        %dma_start3A_295 = tpu.memref_squeeze %dma_start3A_294 : memref<1x128xi32, #tpu.memory_space<vmem>> -> memref<128xi32, #tpu.memory_space<vmem>>
        %dma_start3A_296 = arith.constant 0 : i32
        %dma_start3A_297 = arith.constant 0 : i32
        %dma_start3A_298 = tpu.memref_slice %arg12[%dma_start3A_296, %dma_start3A_297] : memref<10112x128xf32, #tpu.memory_space<vmem_shared>> -> memref<10112x128xf32, #tpu.memory_space<vmem_shared>>
        tpu.enqueue_indirect_dma source(%dma_start3A_292 : memref<128x128xf32, #tpu.memory_space<vmem>>) target(%dma_start3A_298 : memref<10112x128xf32, #tpu.memory_space<vmem_shared>>) offsets(%dma_start3A_295 : memref<128xi32, #tpu.memory_space<vmem>>) semaphore(%run_scoped3A_288 : memref<!tpu.dma_semaphore, #tpu.memory_space<semaphore_mem>>) {add = true}
        %dma_wait3A_299 = arith.constant 0 : i32
        %dma_wait3A_300 = arith.constant 0 : i32
        %dma_wait3A_301 = tpu.memref_slice %arg11[%scan3A_207, %dma_wait3A_299, %dma_wait3A_300] : memref<2x128x128xf32, #tpu.memory_space<vmem>> -> memref<1x128x128xf32, #tpu.memory_space<vmem>>
        %dma_wait3A_302 = tpu.memref_squeeze %dma_wait3A_301 : memref<1x128x128xf32, #tpu.memory_space<vmem>> -> memref<128x128xf32, #tpu.memory_space<vmem>>
        %dma_wait3A_303 = arith.constant 0 : i32
        %dma_wait3A_304 = tpu.memref_slice %arg10[%run_scoped3A_280, %dma_wait3A_303] : memref<8x128xi32, #tpu.memory_space<vmem>> -> memref<1x128xi32, #tpu.memory_space<vmem>>
        %dma_wait3A_305 = tpu.memref_squeeze %dma_wait3A_304 : memref<1x128xi32, #tpu.memory_space<vmem>> -> memref<128xi32, #tpu.memory_space<vmem>>
        %dma_wait3A_306 = arith.constant 0 : i32
        %dma_wait3A_307 = arith.constant 0 : i32
        %dma_wait3A_308 = tpu.memref_slice %arg12[%dma_wait3A_306, %dma_wait3A_307] : memref<10112x128xf32, #tpu.memory_space<vmem_shared>> -> memref<10112x128xf32, #tpu.memory_space<vmem_shared>>
        tpu.wait_indirect_dma semaphore(%run_scoped3A_288 : memref<!tpu.dma_semaphore, #tpu.memory_space<semaphore_mem>>) src(%dma_wait3A_302 : memref<128x128xf32, #tpu.memory_space<vmem>>) dst(%dma_wait3A_308 : memref<10112x128xf32, #tpu.memory_space<vmem_shared>>)
        tpu.yield
      }) : () -> ()
      %run_scoped3A_281 = arith.constant 1 : i32
      "tpu.region"() ({
        %run_scoped3A_288 = tpu.sem_alloc : memref<!tpu.dma_semaphore, #tpu.memory_space<semaphore_mem>>
        %dma_start3A_289 = arith.constant 0 : i32
        %dma_start3A_290 = arith.constant 0 : i32
        %dma_start3A_291 = tpu.memref_slice %arg11[%scan3A_207, %dma_start3A_289, %dma_start3A_290] : memref<2x128x128xf32, #tpu.memory_space<vmem>> -> memref<1x128x128xf32, #tpu.memory_space<vmem>>
        %dma_start3A_292 = tpu.memref_squeeze %dma_start3A_291 : memref<1x128x128xf32, #tpu.memory_space<vmem>> -> memref<128x128xf32, #tpu.memory_space<vmem>>
        %dma_start3A_293 = arith.constant 0 : i32
        %dma_start3A_294 = tpu.memref_slice %arg10[%run_scoped3A_281, %dma_start3A_293] : memref<8x128xi32, #tpu.memory_space<vmem>> -> memref<1x128xi32, #tpu.memory_space<vmem>>
        %dma_start3A_295 = tpu.memref_squeeze %dma_start3A_294 : memref<1x128xi32, #tpu.memory_space<vmem>> -> memref<128xi32, #tpu.memory_space<vmem>>
        %dma_start3A_296 = arith.constant 0 : i32
        %dma_start3A_297 = arith.constant 0 : i32
        %dma_start3A_298 = tpu.memref_slice %arg12[%dma_start3A_296, %dma_start3A_297] : memref<10112x128xf32, #tpu.memory_space<vmem_shared>> -> memref<10112x128xf32, #tpu.memory_space<vmem_shared>>
        tpu.enqueue_indirect_dma source(%dma_start3A_292 : memref<128x128xf32, #tpu.memory_space<vmem>>) target(%dma_start3A_298 : memref<10112x128xf32, #tpu.memory_space<vmem_shared>>) offsets(%dma_start3A_295 : memref<128xi32, #tpu.memory_space<vmem>>) semaphore(%run_scoped3A_288 : memref<!tpu.dma_semaphore, #tpu.memory_space<semaphore_mem>>) {add = true}
        %dma_wait3A_299 = arith.constant 0 : i32
        %dma_wait3A_300 = arith.constant 0 : i32
        %dma_wait3A_301 = tpu.memref_slice %arg11[%scan3A_207, %dma_wait3A_299, %dma_wait3A_300] : memref<2x128x128xf32, #tpu.memory_space<vmem>> -> memref<1x128x128xf32, #tpu.memory_space<vmem>>
        %dma_wait3A_302 = tpu.memref_squeeze %dma_wait3A_301 : memref<1x128x128xf32, #tpu.memory_space<vmem>> -> memref<128x128xf32, #tpu.memory_space<vmem>>
        %dma_wait3A_303 = arith.constant 0 : i32
        %dma_wait3A_304 = tpu.memref_slice %arg10[%run_scoped3A_281, %dma_wait3A_303] : memref<8x128xi32, #tpu.memory_space<vmem>> -> memref<1x128xi32, #tpu.memory_space<vmem>>
        %dma_wait3A_305 = tpu.memref_squeeze %dma_wait3A_304 : memref<1x128xi32, #tpu.memory_space<vmem>> -> memref<128xi32, #tpu.memory_space<vmem>>
        %dma_wait3A_306 = arith.constant 0 : i32
        %dma_wait3A_307 = arith.constant 0 : i32
        %dma_wait3A_308 = tpu.memref_slice %arg12[%dma_wait3A_306, %dma_wait3A_307] : memref<10112x128xf32, #tpu.memory_space<vmem_shared>> -> memref<10112x128xf32, #tpu.memory_space<vmem_shared>>
        tpu.wait_indirect_dma semaphore(%run_scoped3A_288 : memref<!tpu.dma_semaphore, #tpu.memory_space<semaphore_mem>>) src(%dma_wait3A_302 : memref<128x128xf32, #tpu.memory_space<vmem>>) dst(%dma_wait3A_308 : memref<10112x128xf32, #tpu.memory_space<vmem_shared>>)
        tpu.yield
      }) : () -> ()
      %run_scoped3A_282 = arith.constant 2 : i32
      "tpu.region"() ({
        %run_scoped3A_288 = tpu.sem_alloc : memref<!tpu.dma_semaphore, #tpu.memory_space<semaphore_mem>>
        %dma_start3A_289 = arith.constant 0 : i32
        %dma_start3A_290 = arith.constant 0 : i32
        %dma_start3A_291 = tpu.memref_slice %arg11[%scan3A_207, %dma_start3A_289, %dma_start3A_290] : memref<2x128x128xf32, #tpu.memory_space<vmem>> -> memref<1x128x128xf32, #tpu.memory_space<vmem>>
        %dma_start3A_292 = tpu.memref_squeeze %dma_start3A_291 : memref<1x128x128xf32, #tpu.memory_space<vmem>> -> memref<128x128xf32, #tpu.memory_space<vmem>>
        %dma_start3A_293 = arith.constant 0 : i32
        %dma_start3A_294 = tpu.memref_slice %arg10[%run_scoped3A_282, %dma_start3A_293] : memref<8x128xi32, #tpu.memory_space<vmem>> -> memref<1x128xi32, #tpu.memory_space<vmem>>
        %dma_start3A_295 = tpu.memref_squeeze %dma_start3A_294 : memref<1x128xi32, #tpu.memory_space<vmem>> -> memref<128xi32, #tpu.memory_space<vmem>>
        %dma_start3A_296 = arith.constant 0 : i32
        %dma_start3A_297 = arith.constant 0 : i32
        %dma_start3A_298 = tpu.memref_slice %arg12[%dma_start3A_296, %dma_start3A_297] : memref<10112x128xf32, #tpu.memory_space<vmem_shared>> -> memref<10112x128xf32, #tpu.memory_space<vmem_shared>>
        tpu.enqueue_indirect_dma source(%dma_start3A_292 : memref<128x128xf32, #tpu.memory_space<vmem>>) target(%dma_start3A_298 : memref<10112x128xf32, #tpu.memory_space<vmem_shared>>) offsets(%dma_start3A_295 : memref<128xi32, #tpu.memory_space<vmem>>) semaphore(%run_scoped3A_288 : memref<!tpu.dma_semaphore, #tpu.memory_space<semaphore_mem>>) {add = true}
        %dma_wait3A_299 = arith.constant 0 : i32
        %dma_wait3A_300 = arith.constant 0 : i32
        %dma_wait3A_301 = tpu.memref_slice %arg11[%scan3A_207, %dma_wait3A_299, %dma_wait3A_300] : memref<2x128x128xf32, #tpu.memory_space<vmem>> -> memref<1x128x128xf32, #tpu.memory_space<vmem>>
        %dma_wait3A_302 = tpu.memref_squeeze %dma_wait3A_301 : memref<1x128x128xf32, #tpu.memory_space<vmem>> -> memref<128x128xf32, #tpu.memory_space<vmem>>
        %dma_wait3A_303 = arith.constant 0 : i32
        %dma_wait3A_304 = tpu.memref_slice %arg10[%run_scoped3A_282, %dma_wait3A_303] : memref<8x128xi32, #tpu.memory_space<vmem>> -> memref<1x128xi32, #tpu.memory_space<vmem>>
        %dma_wait3A_305 = tpu.memref_squeeze %dma_wait3A_304 : memref<1x128xi32, #tpu.memory_space<vmem>> -> memref<128xi32, #tpu.memory_space<vmem>>
        %dma_wait3A_306 = arith.constant 0 : i32
        %dma_wait3A_307 = arith.constant 0 : i32
        %dma_wait3A_308 = tpu.memref_slice %arg12[%dma_wait3A_306, %dma_wait3A_307] : memref<10112x128xf32, #tpu.memory_space<vmem_shared>> -> memref<10112x128xf32, #tpu.memory_space<vmem_shared>>
        tpu.wait_indirect_dma semaphore(%run_scoped3A_288 : memref<!tpu.dma_semaphore, #tpu.memory_space<semaphore_mem>>) src(%dma_wait3A_302 : memref<128x128xf32, #tpu.memory_space<vmem>>) dst(%dma_wait3A_308 : memref<10112x128xf32, #tpu.memory_space<vmem_shared>>)
        tpu.yield
      }) : () -> ()
      %run_scoped3A_283 = arith.constant 3 : i32
      "tpu.region"() ({
        %run_scoped3A_288 = tpu.sem_alloc : memref<!tpu.dma_semaphore, #tpu.memory_space<semaphore_mem>>
        %dma_start3A_289 = arith.constant 0 : i32
        %dma_start3A_290 = arith.constant 0 : i32
        %dma_start3A_291 = tpu.memref_slice %arg11[%scan3A_207, %dma_start3A_289, %dma_start3A_290] : memref<2x128x128xf32, #tpu.memory_space<vmem>> -> memref<1x128x128xf32, #tpu.memory_space<vmem>>
        %dma_start3A_292 = tpu.memref_squeeze %dma_start3A_291 : memref<1x128x128xf32, #tpu.memory_space<vmem>> -> memref<128x128xf32, #tpu.memory_space<vmem>>
        %dma_start3A_293 = arith.constant 0 : i32
        %dma_start3A_294 = tpu.memref_slice %arg10[%run_scoped3A_283, %dma_start3A_293] : memref<8x128xi32, #tpu.memory_space<vmem>> -> memref<1x128xi32, #tpu.memory_space<vmem>>
        %dma_start3A_295 = tpu.memref_squeeze %dma_start3A_294 : memref<1x128xi32, #tpu.memory_space<vmem>> -> memref<128xi32, #tpu.memory_space<vmem>>
        %dma_start3A_296 = arith.constant 0 : i32
        %dma_start3A_297 = arith.constant 0 : i32
        %dma_start3A_298 = tpu.memref_slice %arg12[%dma_start3A_296, %dma_start3A_297] : memref<10112x128xf32, #tpu.memory_space<vmem_shared>> -> memref<10112x128xf32, #tpu.memory_space<vmem_shared>>
        tpu.enqueue_indirect_dma source(%dma_start3A_292 : memref<128x128xf32, #tpu.memory_space<vmem>>) target(%dma_start3A_298 : memref<10112x128xf32, #tpu.memory_space<vmem_shared>>) offsets(%dma_start3A_295 : memref<128xi32, #tpu.memory_space<vmem>>) semaphore(%run_scoped3A_288 : memref<!tpu.dma_semaphore, #tpu.memory_space<semaphore_mem>>) {add = true}
        %dma_wait3A_299 = arith.constant 0 : i32
        %dma_wait3A_300 = arith.constant 0 : i32
        %dma_wait3A_301 = tpu.memref_slice %arg11[%scan3A_207, %dma_wait3A_299, %dma_wait3A_300] : memref<2x128x128xf32, #tpu.memory_space<vmem>> -> memref<1x128x128xf32, #tpu.memory_space<vmem>>
        %dma_wait3A_302 = tpu.memref_squeeze %dma_wait3A_301 : memref<1x128x128xf32, #tpu.memory_space<vmem>> -> memref<128x128xf32, #tpu.memory_space<vmem>>
        %dma_wait3A_303 = arith.constant 0 : i32
        %dma_wait3A_304 = tpu.memref_slice %arg10[%run_scoped3A_283, %dma_wait3A_303] : memref<8x128xi32, #tpu.memory_space<vmem>> -> memref<1x128xi32, #tpu.memory_space<vmem>>
        %dma_wait3A_305 = tpu.memref_squeeze %dma_wait3A_304 : memref<1x128xi32, #tpu.memory_space<vmem>> -> memref<128xi32, #tpu.memory_space<vmem>>
        %dma_wait3A_306 = arith.constant 0 : i32
        %dma_wait3A_307 = arith.constant 0 : i32
        %dma_wait3A_308 = tpu.memref_slice %arg12[%dma_wait3A_306, %dma_wait3A_307] : memref<10112x128xf32, #tpu.memory_space<vmem_shared>> -> memref<10112x128xf32, #tpu.memory_space<vmem_shared>>
        tpu.wait_indirect_dma semaphore(%run_scoped3A_288 : memref<!tpu.dma_semaphore, #tpu.memory_space<semaphore_mem>>) src(%dma_wait3A_302 : memref<128x128xf32, #tpu.memory_space<vmem>>) dst(%dma_wait3A_308 : memref<10112x128xf32, #tpu.memory_space<vmem_shared>>)
        tpu.yield
      }) : () -> ()
      %run_scoped3A_284 = arith.constant 4 : i32
      "tpu.region"() ({
        %run_scoped3A_288 = tpu.sem_alloc : memref<!tpu.dma_semaphore, #tpu.memory_space<semaphore_mem>>
        %dma_start3A_289 = arith.constant 0 : i32
        %dma_start3A_290 = arith.constant 0 : i32
        %dma_start3A_291 = tpu.memref_slice %arg11[%scan3A_207, %dma_start3A_289, %dma_start3A_290] : memref<2x128x128xf32, #tpu.memory_space<vmem>> -> memref<1x128x128xf32, #tpu.memory_space<vmem>>
        %dma_start3A_292 = tpu.memref_squeeze %dma_start3A_291 : memref<1x128x128xf32, #tpu.memory_space<vmem>> -> memref<128x128xf32, #tpu.memory_space<vmem>>
        %dma_start3A_293 = arith.constant 0 : i32
        %dma_start3A_294 = tpu.memref_slice %arg10[%run_scoped3A_284, %dma_start3A_293] : memref<8x128xi32, #tpu.memory_space<vmem>> -> memref<1x128xi32, #tpu.memory_space<vmem>>
        %dma_start3A_295 = tpu.memref_squeeze %dma_start3A_294 : memref<1x128xi32, #tpu.memory_space<vmem>> -> memref<128xi32, #tpu.memory_space<vmem>>
        %dma_start3A_296 = arith.constant 0 : i32
        %dma_start3A_297 = arith.constant 0 : i32
        %dma_start3A_298 = tpu.memref_slice %arg12[%dma_start3A_296, %dma_start3A_297] : memref<10112x128xf32, #tpu.memory_space<vmem_shared>> -> memref<10112x128xf32, #tpu.memory_space<vmem_shared>>
        tpu.enqueue_indirect_dma source(%dma_start3A_292 : memref<128x128xf32, #tpu.memory_space<vmem>>) target(%dma_start3A_298 : memref<10112x128xf32, #tpu.memory_space<vmem_shared>>) offsets(%dma_start3A_295 : memref<128xi32, #tpu.memory_space<vmem>>) semaphore(%run_scoped3A_288 : memref<!tpu.dma_semaphore, #tpu.memory_space<semaphore_mem>>) {add = true}
        %dma_wait3A_299 = arith.constant 0 : i32
        %dma_wait3A_300 = arith.constant 0 : i32
        %dma_wait3A_301 = tpu.memref_slice %arg11[%scan3A_207, %dma_wait3A_299, %dma_wait3A_300] : memref<2x128x128xf32, #tpu.memory_space<vmem>> -> memref<1x128x128xf32, #tpu.memory_space<vmem>>
        %dma_wait3A_302 = tpu.memref_squeeze %dma_wait3A_301 : memref<1x128x128xf32, #tpu.memory_space<vmem>> -> memref<128x128xf32, #tpu.memory_space<vmem>>
        %dma_wait3A_303 = arith.constant 0 : i32
        %dma_wait3A_304 = tpu.memref_slice %arg10[%run_scoped3A_284, %dma_wait3A_303] : memref<8x128xi32, #tpu.memory_space<vmem>> -> memref<1x128xi32, #tpu.memory_space<vmem>>
        %dma_wait3A_305 = tpu.memref_squeeze %dma_wait3A_304 : memref<1x128xi32, #tpu.memory_space<vmem>> -> memref<128xi32, #tpu.memory_space<vmem>>
        %dma_wait3A_306 = arith.constant 0 : i32
        %dma_wait3A_307 = arith.constant 0 : i32
        %dma_wait3A_308 = tpu.memref_slice %arg12[%dma_wait3A_306, %dma_wait3A_307] : memref<10112x128xf32, #tpu.memory_space<vmem_shared>> -> memref<10112x128xf32, #tpu.memory_space<vmem_shared>>
        tpu.wait_indirect_dma semaphore(%run_scoped3A_288 : memref<!tpu.dma_semaphore, #tpu.memory_space<semaphore_mem>>) src(%dma_wait3A_302 : memref<128x128xf32, #tpu.memory_space<vmem>>) dst(%dma_wait3A_308 : memref<10112x128xf32, #tpu.memory_space<vmem_shared>>)
        tpu.yield
      }) : () -> ()
      %run_scoped3A_285 = arith.constant 5 : i32
      "tpu.region"() ({
        %run_scoped3A_288 = tpu.sem_alloc : memref<!tpu.dma_semaphore, #tpu.memory_space<semaphore_mem>>
        %dma_start3A_289 = arith.constant 0 : i32
        %dma_start3A_290 = arith.constant 0 : i32
        %dma_start3A_291 = tpu.memref_slice %arg11[%scan3A_207, %dma_start3A_289, %dma_start3A_290] : memref<2x128x128xf32, #tpu.memory_space<vmem>> -> memref<1x128x128xf32, #tpu.memory_space<vmem>>
        %dma_start3A_292 = tpu.memref_squeeze %dma_start3A_291 : memref<1x128x128xf32, #tpu.memory_space<vmem>> -> memref<128x128xf32, #tpu.memory_space<vmem>>
        %dma_start3A_293 = arith.constant 0 : i32
        %dma_start3A_294 = tpu.memref_slice %arg10[%run_scoped3A_285, %dma_start3A_293] : memref<8x128xi32, #tpu.memory_space<vmem>> -> memref<1x128xi32, #tpu.memory_space<vmem>>
        %dma_start3A_295 = tpu.memref_squeeze %dma_start3A_294 : memref<1x128xi32, #tpu.memory_space<vmem>> -> memref<128xi32, #tpu.memory_space<vmem>>
        %dma_start3A_296 = arith.constant 0 : i32
        %dma_start3A_297 = arith.constant 0 : i32
        %dma_start3A_298 = tpu.memref_slice %arg12[%dma_start3A_296, %dma_start3A_297] : memref<10112x128xf32, #tpu.memory_space<vmem_shared>> -> memref<10112x128xf32, #tpu.memory_space<vmem_shared>>
        tpu.enqueue_indirect_dma source(%dma_start3A_292 : memref<128x128xf32, #tpu.memory_space<vmem>>) target(%dma_start3A_298 : memref<10112x128xf32, #tpu.memory_space<vmem_shared>>) offsets(%dma_start3A_295 : memref<128xi32, #tpu.memory_space<vmem>>) semaphore(%run_scoped3A_288 : memref<!tpu.dma_semaphore, #tpu.memory_space<semaphore_mem>>) {add = true}
        %dma_wait3A_299 = arith.constant 0 : i32
        %dma_wait3A_300 = arith.constant 0 : i32
        %dma_wait3A_301 = tpu.memref_slice %arg11[%scan3A_207, %dma_wait3A_299, %dma_wait3A_300] : memref<2x128x128xf32, #tpu.memory_space<vmem>> -> memref<1x128x128xf32, #tpu.memory_space<vmem>>
        %dma_wait3A_302 = tpu.memref_squeeze %dma_wait3A_301 : memref<1x128x128xf32, #tpu.memory_space<vmem>> -> memref<128x128xf32, #tpu.memory_space<vmem>>
        %dma_wait3A_303 = arith.constant 0 : i32
        %dma_wait3A_304 = tpu.memref_slice %arg10[%run_scoped3A_285, %dma_wait3A_303] : memref<8x128xi32, #tpu.memory_space<vmem>> -> memref<1x128xi32, #tpu.memory_space<vmem>>
        %dma_wait3A_305 = tpu.memref_squeeze %dma_wait3A_304 : memref<1x128xi32, #tpu.memory_space<vmem>> -> memref<128xi32, #tpu.memory_space<vmem>>
        %dma_wait3A_306 = arith.constant 0 : i32
        %dma_wait3A_307 = arith.constant 0 : i32
        %dma_wait3A_308 = tpu.memref_slice %arg12[%dma_wait3A_306, %dma_wait3A_307] : memref<10112x128xf32, #tpu.memory_space<vmem_shared>> -> memref<10112x128xf32, #tpu.memory_space<vmem_shared>>
        tpu.wait_indirect_dma semaphore(%run_scoped3A_288 : memref<!tpu.dma_semaphore, #tpu.memory_space<semaphore_mem>>) src(%dma_wait3A_302 : memref<128x128xf32, #tpu.memory_space<vmem>>) dst(%dma_wait3A_308 : memref<10112x128xf32, #tpu.memory_space<vmem_shared>>)
        tpu.yield
      }) : () -> ()
      %run_scoped3A_286 = arith.constant 6 : i32
      "tpu.region"() ({
        %run_scoped3A_288 = tpu.sem_alloc : memref<!tpu.dma_semaphore, #tpu.memory_space<semaphore_mem>>
        %dma_start3A_289 = arith.constant 0 : i32
        %dma_start3A_290 = arith.constant 0 : i32
        %dma_start3A_291 = tpu.memref_slice %arg11[%scan3A_207, %dma_start3A_289, %dma_start3A_290] : memref<2x128x128xf32, #tpu.memory_space<vmem>> -> memref<1x128x128xf32, #tpu.memory_space<vmem>>
        %dma_start3A_292 = tpu.memref_squeeze %dma_start3A_291 : memref<1x128x128xf32, #tpu.memory_space<vmem>> -> memref<128x128xf32, #tpu.memory_space<vmem>>
        %dma_start3A_293 = arith.constant 0 : i32
        %dma_start3A_294 = tpu.memref_slice %arg10[%run_scoped3A_286, %dma_start3A_293] : memref<8x128xi32, #tpu.memory_space<vmem>> -> memref<1x128xi32, #tpu.memory_space<vmem>>
        %dma_start3A_295 = tpu.memref_squeeze %dma_start3A_294 : memref<1x128xi32, #tpu.memory_space<vmem>> -> memref<128xi32, #tpu.memory_space<vmem>>
        %dma_start3A_296 = arith.constant 0 : i32
        %dma_start3A_297 = arith.constant 0 : i32
        %dma_start3A_298 = tpu.memref_slice %arg12[%dma_start3A_296, %dma_start3A_297] : memref<10112x128xf32, #tpu.memory_space<vmem_shared>> -> memref<10112x128xf32, #tpu.memory_space<vmem_shared>>
        tpu.enqueue_indirect_dma source(%dma_start3A_292 : memref<128x128xf32, #tpu.memory_space<vmem>>) target(%dma_start3A_298 : memref<10112x128xf32, #tpu.memory_space<vmem_shared>>) offsets(%dma_start3A_295 : memref<128xi32, #tpu.memory_space<vmem>>) semaphore(%run_scoped3A_288 : memref<!tpu.dma_semaphore, #tpu.memory_space<semaphore_mem>>) {add = true}
        %dma_wait3A_299 = arith.constant 0 : i32
        %dma_wait3A_300 = arith.constant 0 : i32
        %dma_wait3A_301 = tpu.memref_slice %arg11[%scan3A_207, %dma_wait3A_299, %dma_wait3A_300] : memref<2x128x128xf32, #tpu.memory_space<vmem>> -> memref<1x128x128xf32, #tpu.memory_space<vmem>>
        %dma_wait3A_302 = tpu.memref_squeeze %dma_wait3A_301 : memref<1x128x128xf32, #tpu.memory_space<vmem>> -> memref<128x128xf32, #tpu.memory_space<vmem>>
        %dma_wait3A_303 = arith.constant 0 : i32
        %dma_wait3A_304 = tpu.memref_slice %arg10[%run_scoped3A_286, %dma_wait3A_303] : memref<8x128xi32, #tpu.memory_space<vmem>> -> memref<1x128xi32, #tpu.memory_space<vmem>>
        %dma_wait3A_305 = tpu.memref_squeeze %dma_wait3A_304 : memref<1x128xi32, #tpu.memory_space<vmem>> -> memref<128xi32, #tpu.memory_space<vmem>>
        %dma_wait3A_306 = arith.constant 0 : i32
        %dma_wait3A_307 = arith.constant 0 : i32
        %dma_wait3A_308 = tpu.memref_slice %arg12[%dma_wait3A_306, %dma_wait3A_307] : memref<10112x128xf32, #tpu.memory_space<vmem_shared>> -> memref<10112x128xf32, #tpu.memory_space<vmem_shared>>
        tpu.wait_indirect_dma semaphore(%run_scoped3A_288 : memref<!tpu.dma_semaphore, #tpu.memory_space<semaphore_mem>>) src(%dma_wait3A_302 : memref<128x128xf32, #tpu.memory_space<vmem>>) dst(%dma_wait3A_308 : memref<10112x128xf32, #tpu.memory_space<vmem_shared>>)
        tpu.yield
      }) : () -> ()
      %run_scoped3A_287 = arith.constant 7 : i32
      "tpu.region"() ({
        %run_scoped3A_288 = tpu.sem_alloc : memref<!tpu.dma_semaphore, #tpu.memory_space<semaphore_mem>>
        %dma_start3A_289 = arith.constant 0 : i32
        %dma_start3A_290 = arith.constant 0 : i32
        %dma_start3A_291 = tpu.memref_slice %arg11[%scan3A_207, %dma_start3A_289, %dma_start3A_290] : memref<2x128x128xf32, #tpu.memory_space<vmem>> -> memref<1x128x128xf32, #tpu.memory_space<vmem>>
        %dma_start3A_292 = tpu.memref_squeeze %dma_start3A_291 : memref<1x128x128xf32, #tpu.memory_space<vmem>> -> memref<128x128xf32, #tpu.memory_space<vmem>>
        %dma_start3A_293 = arith.constant 0 : i32
        %dma_start3A_294 = tpu.memref_slice %arg10[%run_scoped3A_287, %dma_start3A_293] : memref<8x128xi32, #tpu.memory_space<vmem>> -> memref<1x128xi32, #tpu.memory_space<vmem>>
        %dma_start3A_295 = tpu.memref_squeeze %dma_start3A_294 : memref<1x128xi32, #tpu.memory_space<vmem>> -> memref<128xi32, #tpu.memory_space<vmem>>
        %dma_start3A_296 = arith.constant 0 : i32
        %dma_start3A_297 = arith.constant 0 : i32
        %dma_start3A_298 = tpu.memref_slice %arg12[%dma_start3A_296, %dma_start3A_297] : memref<10112x128xf32, #tpu.memory_space<vmem_shared>> -> memref<10112x128xf32, #tpu.memory_space<vmem_shared>>
        tpu.enqueue_indirect_dma source(%dma_start3A_292 : memref<128x128xf32, #tpu.memory_space<vmem>>) target(%dma_start3A_298 : memref<10112x128xf32, #tpu.memory_space<vmem_shared>>) offsets(%dma_start3A_295 : memref<128xi32, #tpu.memory_space<vmem>>) semaphore(%run_scoped3A_288 : memref<!tpu.dma_semaphore, #tpu.memory_space<semaphore_mem>>) {add = true}
        %dma_wait3A_299 = arith.constant 0 : i32
        %dma_wait3A_300 = arith.constant 0 : i32
        %dma_wait3A_301 = tpu.memref_slice %arg11[%scan3A_207, %dma_wait3A_299, %dma_wait3A_300] : memref<2x128x128xf32, #tpu.memory_space<vmem>> -> memref<1x128x128xf32, #tpu.memory_space<vmem>>
        %dma_wait3A_302 = tpu.memref_squeeze %dma_wait3A_301 : memref<1x128x128xf32, #tpu.memory_space<vmem>> -> memref<128x128xf32, #tpu.memory_space<vmem>>
        %dma_wait3A_303 = arith.constant 0 : i32
        %dma_wait3A_304 = tpu.memref_slice %arg10[%run_scoped3A_287, %dma_wait3A_303] : memref<8x128xi32, #tpu.memory_space<vmem>> -> memref<1x128xi32, #tpu.memory_space<vmem>>
        %dma_wait3A_305 = tpu.memref_squeeze %dma_wait3A_304 : memref<1x128xi32, #tpu.memory_space<vmem>> -> memref<128xi32, #tpu.memory_space<vmem>>
        %dma_wait3A_306 = arith.constant 0 : i32
        %dma_wait3A_307 = arith.constant 0 : i32
        %dma_wait3A_308 = tpu.memref_slice %arg12[%dma_wait3A_306, %dma_wait3A_307] : memref<10112x128xf32, #tpu.memory_space<vmem_shared>> -> memref<10112x128xf32, #tpu.memory_space<vmem_shared>>
        tpu.wait_indirect_dma semaphore(%run_scoped3A_288 : memref<!tpu.dma_semaphore, #tpu.memory_space<semaphore_mem>>) src(%dma_wait3A_302 : memref<128x128xf32, #tpu.memory_space<vmem>>) dst(%dma_wait3A_308 : memref<10112x128xf32, #tpu.memory_space<vmem_shared>>)
        tpu.yield
      }) : () -> ()
    }
    %scan3A_212 = arith.constant 10 : i32
    %barrier3A_213 = arith.constant 0 : index
    tpu.barrier barrier_id(%barrier3A_213)
    %add3A_214 = arith.constant 0 : i32
    %add3A_215 = arith.addi %mul3A_2, %add3A_214 : i32
    %add3A_216 = arith.constant 0 : i32
    %add3A_217 = arith.addi %add3A_5, %add3A_216 : i32
    %dma_start3A_218 = arith.constant 0 : i32
    %dma_start3A_219 = tpu.memref_slice %arg8[%add3A_217, %dma_start3A_218] : memref<20224x128xf32, #tpu.memory_space<hbm>> -> memref<128x128xf32, #tpu.memory_space<hbm>>
    %dma_start3A_220 = arith.constant 0 : i32
    %dma_start3A_221 = tpu.memref_slice %arg12[%add3A_215, %dma_start3A_220] : memref<10112x128xf32, #tpu.memory_space<vmem_shared>> -> memref<128x128xf32, #tpu.memory_space<vmem_shared>>
    tpu.enqueue_dma source(%dma_start3A_221 : memref<128x128xf32, #tpu.memory_space<vmem_shared>>) target(%dma_start3A_219 : memref<128x128xf32, #tpu.memory_space<hbm>>) target_semaphore(%arg13 : memref<!tpu.dma_semaphore, #tpu.memory_space<semaphore_mem>>)
    %add3A_222 = arith.constant 128 : i32
    %add3A_223 = arith.addi %mul3A_2, %add3A_222 : i32
    %add3A_224 = arith.constant 128 : i32
    %add3A_225 = arith.addi %add3A_5, %add3A_224 : i32
    %dma_start3A_226 = arith.constant 0 : i32
    %dma_start3A_227 = tpu.memref_slice %arg8[%add3A_225, %dma_start3A_226] : memref<20224x128xf32, #tpu.memory_space<hbm>> -> memref<128x128xf32, #tpu.memory_space<hbm>>
    %dma_start3A_228 = arith.constant 0 : i32
    %dma_start3A_229 = tpu.memref_slice %arg12[%add3A_223, %dma_start3A_228] : memref<10112x128xf32, #tpu.memory_space<vmem_shared>> -> memref<128x128xf32, #tpu.memory_space<vmem_shared>>
    tpu.enqueue_dma source(%dma_start3A_229 : memref<128x128xf32, #tpu.memory_space<vmem_shared>>) target(%dma_start3A_227 : memref<128x128xf32, #tpu.memory_space<hbm>>) target_semaphore(%arg13 : memref<!tpu.dma_semaphore, #tpu.memory_space<semaphore_mem>>)
    %add3A_230 = arith.constant 256 : i32
    %add3A_231 = arith.addi %mul3A_2, %add3A_230 : i32
    %add3A_232 = arith.constant 256 : i32
    %add3A_233 = arith.addi %add3A_5, %add3A_232 : i32
    %dma_start3A_234 = arith.constant 0 : i32
    %dma_start3A_235 = tpu.memref_slice %arg8[%add3A_233, %dma_start3A_234] : memref<20224x128xf32, #tpu.memory_space<hbm>> -> memref<128x128xf32, #tpu.memory_space<hbm>>
    %dma_start3A_236 = arith.constant 0 : i32
    %dma_start3A_237 = tpu.memref_slice %arg12[%add3A_231, %dma_start3A_236] : memref<10112x128xf32, #tpu.memory_space<vmem_shared>> -> memref<128x128xf32, #tpu.memory_space<vmem_shared>>
    tpu.enqueue_dma source(%dma_start3A_237 : memref<128x128xf32, #tpu.memory_space<vmem_shared>>) target(%dma_start3A_235 : memref<128x128xf32, #tpu.memory_space<hbm>>) target_semaphore(%arg13 : memref<!tpu.dma_semaphore, #tpu.memory_space<semaphore_mem>>)
    %add3A_238 = arith.constant 384 : i32
    %add3A_239 = arith.addi %mul3A_2, %add3A_238 : i32
    %add3A_240 = arith.constant 384 : i32
    %add3A_241 = arith.addi %add3A_5, %add3A_240 : i32
    %dma_start3A_242 = arith.constant 0 : i32
    %dma_start3A_243 = tpu.memref_slice %arg8[%add3A_241, %dma_start3A_242] : memref<20224x128xf32, #tpu.memory_space<hbm>> -> memref<128x128xf32, #tpu.memory_space<hbm>>
    %dma_start3A_244 = arith.constant 0 : i32
    %dma_start3A_245 = tpu.memref_slice %arg12[%add3A_239, %dma_start3A_244] : memref<10112x128xf32, #tpu.memory_space<vmem_shared>> -> memref<128x128xf32, #tpu.memory_space<vmem_shared>>
    tpu.enqueue_dma source(%dma_start3A_245 : memref<128x128xf32, #tpu.memory_space<vmem_shared>>) target(%dma_start3A_243 : memref<128x128xf32, #tpu.memory_space<hbm>>) target_semaphore(%arg13 : memref<!tpu.dma_semaphore, #tpu.memory_space<semaphore_mem>>)
    %add3A_246 = arith.constant 512 : i32
    %add3A_247 = arith.addi %mul3A_2, %add3A_246 : i32
    %add3A_248 = arith.constant 512 : i32
    %add3A_249 = arith.addi %add3A_5, %add3A_248 : i32
    %dma_start3A_250 = arith.constant 0 : i32
    %dma_start3A_251 = tpu.memref_slice %arg8[%add3A_249, %dma_start3A_250] : memref<20224x128xf32, #tpu.memory_space<hbm>> -> memref<120x128xf32, #tpu.memory_space<hbm>>
    %dma_start3A_252 = arith.constant 0 : i32
    %dma_start3A_253 = tpu.memref_slice %arg12[%add3A_247, %dma_start3A_252] : memref<10112x128xf32, #tpu.memory_space<vmem_shared>> -> memref<120x128xf32, #tpu.memory_space<vmem_shared>>
    tpu.enqueue_dma source(%dma_start3A_253 : memref<120x128xf32, #tpu.memory_space<vmem_shared>>) target(%dma_start3A_251 : memref<120x128xf32, #tpu.memory_space<hbm>>) target_semaphore(%arg13 : memref<!tpu.dma_semaphore, #tpu.memory_space<semaphore_mem>>)
    %dma_wait3A_254 = arith.constant 0 : i32
    %dma_wait3A_255 = tpu.memref_slice %arg8[%add3A_217, %dma_wait3A_254] : memref<20224x128xf32, #tpu.memory_space<hbm>> -> memref<128x128xf32, #tpu.memory_space<hbm>>
    %dma_wait3A_256 = arith.constant 0 : i32
    %dma_wait3A_257 = tpu.memref_slice %arg12[%add3A_215, %dma_wait3A_256] : memref<10112x128xf32, #tpu.memory_space<vmem_shared>> -> memref<128x128xf32, #tpu.memory_space<vmem_shared>>
    tpu.wait_dma2 semaphore(%arg13 : memref<!tpu.dma_semaphore, #tpu.memory_space<semaphore_mem>>) src(%dma_wait3A_257 : memref<128x128xf32, #tpu.memory_space<vmem_shared>>) dst(%dma_wait3A_255 : memref<128x128xf32, #tpu.memory_space<hbm>>)
    %dma_wait3A_258 = arith.constant 0 : i32
    %dma_wait3A_259 = tpu.memref_slice %arg8[%add3A_225, %dma_wait3A_258] : memref<20224x128xf32, #tpu.memory_space<hbm>> -> memref<128x128xf32, #tpu.memory_space<hbm>>
    %dma_wait3A_260 = arith.constant 0 : i32
    %dma_wait3A_261 = tpu.memref_slice %arg12[%add3A_223, %dma_wait3A_260] : memref<10112x128xf32, #tpu.memory_space<vmem_shared>> -> memref<128x128xf32, #tpu.memory_space<vmem_shared>>
    tpu.wait_dma2 semaphore(%arg13 : memref<!tpu.dma_semaphore, #tpu.memory_space<semaphore_mem>>) src(%dma_wait3A_261 : memref<128x128xf32, #tpu.memory_space<vmem_shared>>) dst(%dma_wait3A_259 : memref<128x128xf32, #tpu.memory_space<hbm>>)
    %dma_wait3A_262 = arith.constant 0 : i32
    %dma_wait3A_263 = tpu.memref_slice %arg8[%add3A_233, %dma_wait3A_262] : memref<20224x128xf32, #tpu.memory_space<hbm>> -> memref<128x128xf32, #tpu.memory_space<hbm>>
    %dma_wait3A_264 = arith.constant 0 : i32
    %dma_wait3A_265 = tpu.memref_slice %arg12[%add3A_231, %dma_wait3A_264] : memref<10112x128xf32, #tpu.memory_space<vmem_shared>> -> memref<128x128xf32, #tpu.memory_space<vmem_shared>>
    tpu.wait_dma2 semaphore(%arg13 : memref<!tpu.dma_semaphore, #tpu.memory_space<semaphore_mem>>) src(%dma_wait3A_265 : memref<128x128xf32, #tpu.memory_space<vmem_shared>>) dst(%dma_wait3A_263 : memref<128x128xf32, #tpu.memory_space<hbm>>)
    %dma_wait3A_266 = arith.constant 0 : i32
    %dma_wait3A_267 = tpu.memref_slice %arg8[%add3A_241, %dma_wait3A_266] : memref<20224x128xf32, #tpu.memory_space<hbm>> -> memref<128x128xf32, #tpu.memory_space<hbm>>
    %dma_wait3A_268 = arith.constant 0 : i32
    %dma_wait3A_269 = tpu.memref_slice %arg12[%add3A_239, %dma_wait3A_268] : memref<10112x128xf32, #tpu.memory_space<vmem_shared>> -> memref<128x128xf32, #tpu.memory_space<vmem_shared>>
    tpu.wait_dma2 semaphore(%arg13 : memref<!tpu.dma_semaphore, #tpu.memory_space<semaphore_mem>>) src(%dma_wait3A_269 : memref<128x128xf32, #tpu.memory_space<vmem_shared>>) dst(%dma_wait3A_267 : memref<128x128xf32, #tpu.memory_space<hbm>>)
    %dma_wait3A_270 = arith.constant 0 : i32
    %dma_wait3A_271 = tpu.memref_slice %arg8[%add3A_249, %dma_wait3A_270] : memref<20224x128xf32, #tpu.memory_space<hbm>> -> memref<120x128xf32, #tpu.memory_space<hbm>>
    %dma_wait3A_272 = arith.constant 0 : i32
    %dma_wait3A_273 = tpu.memref_slice %arg12[%add3A_247, %dma_wait3A_272] : memref<10112x128xf32, #tpu.memory_space<vmem_shared>> -> memref<120x128xf32, #tpu.memory_space<vmem_shared>>
    tpu.wait_dma2 semaphore(%arg13 : memref<!tpu.dma_semaphore, #tpu.memory_space<semaphore_mem>>) src(%dma_wait3A_273 : memref<120x128xf32, #tpu.memory_space<vmem_shared>>) dst(%dma_wait3A_271 : memref<120x128xf32, #tpu.memory_space<hbm>>)
    return
  }
}

module attributes {stable_mosaic.version = 14 : i64} {
  func.func @_layer_body(%arg0: i32, %arg1: memref<1000x128xf32, #tpu.memory_space<vmem>>, %arg2: memref<1000x128xf32, #tpu.memory_space<vmem>>, %arg3: memref<1000x128xf32, #tpu.memory_space<vmem>>, %arg4: memref<1000x1xf32, #tpu.memory_space<vmem>>, %arg5: memref<1000x1xf32, #tpu.memory_space<vmem>>, %arg6: memref<128x128xf32, #tpu.memory_space<vmem>>, %arg7: memref<1x128xf32, #tpu.memory_space<vmem>>, %arg8: memref<1x128xf32, #tpu.memory_space<vmem>>, %arg9: memref<1x128xf32, #tpu.memory_space<vmem>>, %arg10: memref<128x128xf32, #tpu.memory_space<vmem>>, %arg11: memref<1000x128xf32, #tpu.memory_space<vmem>>) attributes {dimension_semantics = [#tpu.dimension_semantics<arbitrary>], iteration_bounds = array<i64: 10>, scalar_prefetch = 0 : i64, scratch_operands = 0 : i64, tpu.core_type = #tpu.core_type<tc>, window_params = [{transform_indices = @transform_0, window_bounds = array<i64: 1000, 128>}, {transform_indices = @transform_1, window_bounds = array<i64: 1000, 128>}, {transform_indices = @transform_2, window_bounds = array<i64: 1000, 128>}, {transform_indices = @transform_3, window_bounds = array<i64: 1000, 1>}, {transform_indices = @transform_4, window_bounds = array<i64: 1000, 1>}, {pipeline_mode = #tpu.pipeline_mode<synchronous>, transform_indices = @transform_5, window_bounds = array<i64: 128, 128>}, {pipeline_mode = #tpu.pipeline_mode<synchronous>, transform_indices = @transform_6, window_bounds = array<i64: 1, 128>}, {pipeline_mode = #tpu.pipeline_mode<synchronous>, transform_indices = @transform_7, window_bounds = array<i64: 1, 128>}, {pipeline_mode = #tpu.pipeline_mode<synchronous>, transform_indices = @transform_8, window_bounds = array<i64: 1, 128>}, {pipeline_mode = #tpu.pipeline_mode<synchronous>, transform_indices = @transform_9, window_bounds = array<i64: 128, 128>}, {transform_indices = @transform_10, window_bounds = array<i64: 1000, 128>}]} {
    %get3A = arith.constant 0 : index
    %get3A_0 = arith.constant 0 : index
    %get3A_1 = vector.load %arg1[%get3A, %get3A_0] : memref<1000x128xf32, #tpu.memory_space<vmem>>, vector<1000x128xf32>
    %get3A_2 = arith.constant 0 : index
    %get3A_3 = arith.constant 0 : index
    %get3A_4 = vector.load %arg2[%get3A_2, %get3A_3] : memref<1000x128xf32, #tpu.memory_space<vmem>>, vector<1000x128xf32>
    %add3A = arith.addf %get3A_1, %get3A_4 : vector<1000x128xf32>
    %get3A_5 = arith.constant 0 : index
    %get3A_6 = arith.constant 0 : index
    %get3A_7 = vector.load %arg4[%get3A_5, %get3A_6] : memref<1000x1xf32, #tpu.memory_space<vmem>>, vector<1000x1xf32>
    %get3A_8 = arith.constant 0 : index
    %get3A_9 = arith.constant 0 : index
    %get3A_10 = vector.load %arg5[%get3A_8, %get3A_9] : memref<1000x1xf32, #tpu.memory_space<vmem>>, vector<1000x1xf32>
    %add3A_11 = arith.addf %get3A_7, %get3A_10 : vector<1000x1xf32>
    %get3A_12 = arith.constant 0 : index
    %get3A_13 = arith.constant 0 : index
    %get3A_14 = vector.load %arg3[%get3A_12, %get3A_13] : memref<1000x128xf32, #tpu.memory_space<vmem>>, vector<1000x128xf32>
    %add3A_15 = arith.addf %add3A, %get3A_14 : vector<1000x128xf32>
    %add3A_16 = arith.constant 1.000000e+00 : f32
    %add3A_17 = vector.broadcast %add3A_16 : f32 to vector<1000x1xf32>
    %add3A_18 = arith.addf %add3A_11, %add3A_17 : vector<1000x1xf32>
    %div3A = vector.broadcast %add3A_18 : vector<1000x1xf32> to vector<1000x128xf32>
    %div3A_19 = arith.divf %add3A_15, %div3A : vector<1000x128xf32>
    %get3A_20 = arith.constant 0 : index
    %get3A_21 = arith.constant 0 : index
    %get3A_22 = vector.load %arg6[%get3A_20, %get3A_21] : memref<128x128xf32, #tpu.memory_space<vmem>>, vector<128x128xf32>
    %dot_general3A = arith.constant dense<0.000000e+00> : vector<1000x128xf32>
    %dot_general3A_23 = tpu.matmul %div3A_19, %get3A_22, %dot_general3A {dimension_numbers = #tpu.dot_dimension_numbers<[1], [1], [0], [0], [0, 0, 1, 0], [], []>, transpose_lhs_hint = false} : vector<1000x128xf32>, vector<128x128xf32>, vector<1000x128xf32> -> vector<1000x128xf32>
    %get3A_24 = arith.constant 0 : index
    %get3A_25 = arith.constant 0 : index
    %get3A_26 = vector.load %arg7[%get3A_24, %get3A_25] : memref<1x128xf32, #tpu.memory_space<vmem>>, vector<1x128xf32>
    %add3A_27 = vector.broadcast %get3A_26 : vector<1x128xf32> to vector<1000x128xf32>
    %add3A_28 = arith.addf %dot_general3A_23, %add3A_27 : vector<1000x128xf32>
    %reduce_sum3A = arith.constant dense<0.000000e+00> : vector<1000xf32>
    %reduce_sum3A_29 = vector.multi_reduction <add>, %add3A_28, %reduce_sum3A [1] : vector<1000x128xf32> to vector<1000xf32>
    %broadcast_in_dim3A = vector.shape_cast %reduce_sum3A_29 : vector<1000xf32> to vector<1000x1xf32>
    %div3A_30 = arith.constant 1.280000e+02 : f32
    %div3A_31 = vector.broadcast %div3A_30 : f32 to vector<1000x1xf32>
    %div3A_32 = arith.divf %broadcast_in_dim3A, %div3A_31 : vector<1000x1xf32>
    %sub3A = vector.broadcast %div3A_32 : vector<1000x1xf32> to vector<1000x128xf32>
    %sub3A_33 = arith.subf %add3A_28, %sub3A : vector<1000x128xf32>
    %integer_pow3A = arith.mulf %sub3A_33, %sub3A_33 : vector<1000x128xf32>
    %reduce_sum3A_34 = arith.constant dense<0.000000e+00> : vector<1000xf32>
    %reduce_sum3A_35 = vector.multi_reduction <add>, %integer_pow3A, %reduce_sum3A_34 [1] : vector<1000x128xf32> to vector<1000xf32>
    %broadcast_in_dim3A_36 = vector.shape_cast %reduce_sum3A_35 : vector<1000xf32> to vector<1000x1xf32>
    %div3A_37 = arith.constant 1.280000e+02 : f32
    %div3A_38 = vector.broadcast %div3A_37 : f32 to vector<1000x1xf32>
    %div3A_39 = arith.divf %broadcast_in_dim3A_36, %div3A_38 : vector<1000x1xf32>
    %sub3A_40 = vector.broadcast %div3A_32 : vector<1000x1xf32> to vector<1000x128xf32>
    %sub3A_41 = arith.subf %add3A_28, %sub3A_40 : vector<1000x128xf32>
    %add3A_42 = arith.constant 9.99999974E-6 : f32
    %add3A_43 = vector.broadcast %add3A_42 : f32 to vector<1000x1xf32>
    %add3A_44 = arith.addf %div3A_39, %add3A_43 : vector<1000x1xf32>
    %rsqrt3A = math.rsqrt %add3A_44 : vector<1000x1xf32>
    %mul3A = vector.broadcast %rsqrt3A : vector<1000x1xf32> to vector<1000x128xf32>
    %mul3A_45 = arith.mulf %sub3A_41, %mul3A : vector<1000x128xf32>
    %get3A_46 = arith.constant 0 : index
    %get3A_47 = arith.constant 0 : index
    %get3A_48 = vector.load %arg8[%get3A_46, %get3A_47] : memref<1x128xf32, #tpu.memory_space<vmem>>, vector<1x128xf32>
    %mul3A_49 = vector.broadcast %get3A_48 : vector<1x128xf32> to vector<1000x128xf32>
    %mul3A_50 = arith.mulf %mul3A_45, %mul3A_49 : vector<1000x128xf32>
    %get3A_51 = arith.constant 0 : index
    %get3A_52 = arith.constant 0 : index
    %get3A_53 = vector.load %arg9[%get3A_51, %get3A_52] : memref<1x128xf32, #tpu.memory_space<vmem>>, vector<1x128xf32>
    %add3A_54 = vector.broadcast %get3A_53 : vector<1x128xf32> to vector<1000x128xf32>
    %add3A_55 = arith.addf %mul3A_50, %add3A_54 : vector<1000x128xf32>
    %gt3A = arith.constant 0.000000e+00 : f32
    %gt3A_56 = vector.broadcast %gt3A : f32 to vector<1000x128xf32>
    %gt3A_57 = arith.cmpf ogt, %add3A_55, %gt3A_56 : vector<1000x128xf32>
    %min3A = arith.constant 0.000000e+00 : f32
    %min3A_58 = vector.broadcast %min3A : f32 to vector<1000x128xf32>
    %min3A_59 = arith.minimumf %add3A_55, %min3A_58 : vector<1000x128xf32>
    %exp3A = math.exp %min3A_59 : vector<1000x128xf32>
    %sub3A_60 = arith.constant 1.000000e+00 : f32
    %sub3A_61 = vector.broadcast %sub3A_60 : f32 to vector<1000x128xf32>
    %sub3A_62 = arith.subf %exp3A, %sub3A_61 : vector<1000x128xf32>
    %select_n3A = arith.select %gt3A_57, %add3A_55, %sub3A_62 : vector<1000x128xi1>, vector<1000x128xf32>
    %get3A_63 = arith.constant 0 : index
    %get3A_64 = arith.constant 0 : index
    %get3A_65 = vector.load %arg10[%get3A_63, %get3A_64] : memref<128x128xf32, #tpu.memory_space<vmem>>, vector<128x128xf32>
    %dot_general3A_66 = arith.constant dense<0.000000e+00> : vector<1000x128xf32>
    %dot_general3A_67 = tpu.matmul %select_n3A, %get3A_65, %dot_general3A_66 {dimension_numbers = #tpu.dot_dimension_numbers<[1], [1], [0], [0], [0, 0, 1, 0], [], []>, transpose_lhs_hint = false} : vector<1000x128xf32>, vector<128x128xf32>, vector<1000x128xf32> -> vector<1000x128xf32>
    %swap3A = arith.constant 0 : index
    %swap3A_68 = arith.constant 0 : index
    %swap3A_69 = vector.load %arg11[%swap3A, %swap3A_68] : memref<1000x128xf32, #tpu.memory_space<vmem>>, vector<1000x128xf32>
    tpu.vector_store %arg11[%swap3A, %swap3A_68], %dot_general3A_67 {strides = array<i32>} : memref<1000x128xf32, #tpu.memory_space<vmem>>, vector<1000x128xf32>,
    return
  }
  func.func @transform_0(%arg0: i32) -> (i32, i32) {
    %c0_i32 = arith.constant 0 : i32
    %c0_i32_0 = arith.constant 0 : i32
    return %arg0, %c0_i32 : i32, i32
  }
  func.func @transform_1(%arg0: i32) -> (i32, i32) {
    %c0_i32 = arith.constant 0 : i32
    %c0_i32_0 = arith.constant 0 : i32
    return %arg0, %c0_i32 : i32, i32
  }
  func.func @transform_2(%arg0: i32) -> (i32, i32) {
    %c0_i32 = arith.constant 0 : i32
    %c0_i32_0 = arith.constant 0 : i32
    return %arg0, %c0_i32 : i32, i32
  }
  func.func @transform_3(%arg0: i32) -> (i32, i32) {
    %c0_i32 = arith.constant 0 : i32
    %c0_i32_0 = arith.constant 0 : i32
    return %arg0, %c0_i32 : i32, i32
  }
  func.func @transform_4(%arg0: i32) -> (i32, i32) {
    %c0_i32 = arith.constant 0 : i32
    %c0_i32_0 = arith.constant 0 : i32
    return %arg0, %c0_i32 : i32, i32
  }
  func.func @transform_5(%arg0: i32) -> (i32, i32) {
    %c0_i32 = arith.constant 0 : i32
    %c0_i32_0 = arith.constant 0 : i32
    %c0_i32_1 = arith.constant 0 : i32
    return %c0_i32, %c0_i32_0 : i32, i32
  }
  func.func @transform_6(%arg0: i32) -> (i32, i32) {
    %c0_i32 = arith.constant 0 : i32
    %c0_i32_0 = arith.constant 0 : i32
    %c0_i32_1 = arith.constant 0 : i32
    return %c0_i32, %c0_i32_0 : i32, i32
  }
  func.func @transform_7(%arg0: i32) -> (i32, i32) {
    %c0_i32 = arith.constant 0 : i32
    %c0_i32_0 = arith.constant 0 : i32
    %c0_i32_1 = arith.constant 0 : i32
    return %c0_i32, %c0_i32_0 : i32, i32
  }
  func.func @transform_8(%arg0: i32) -> (i32, i32) {
    %c0_i32 = arith.constant 0 : i32
    %c0_i32_0 = arith.constant 0 : i32
    %c0_i32_1 = arith.constant 0 : i32
    return %c0_i32, %c0_i32_0 : i32, i32
  }
  func.func @transform_9(%arg0: i32) -> (i32, i32) {
    %c0_i32 = arith.constant 0 : i32
    %c0_i32_0 = arith.constant 0 : i32
    %c0_i32_1 = arith.constant 0 : i32
    return %c0_i32, %c0_i32_0 : i32, i32
  }
  func.func @transform_10(%arg0: i32) -> (i32, i32) {
    %c0_i32 = arith.constant 0 : i32
    %c0_i32_0 = arith.constant 0 : i32
    return %arg0, %c0_i32 : i32, i32
  }
}

module attributes {stable_mosaic.version = 14 : i64} {
  func.func @_layer_body(%arg0: i32, %arg1: memref<1000x128xf32, #tpu.memory_space<vmem>>, %arg2: memref<1000x128xf32, #tpu.memory_space<vmem>>, %arg3: memref<1000x128xf32, #tpu.memory_space<vmem>>, %arg4: memref<1000x1xf32, #tpu.memory_space<vmem>>, %arg5: memref<1000x1xf32, #tpu.memory_space<vmem>>, %arg6: memref<128x128xf32, #tpu.memory_space<vmem>>, %arg7: memref<1x128xf32, #tpu.memory_space<vmem>>, %arg8: memref<1x128xf32, #tpu.memory_space<vmem>>, %arg9: memref<1x128xf32, #tpu.memory_space<vmem>>, %arg10: memref<128x128xf32, #tpu.memory_space<vmem>>, %arg11: memref<1000x128xf32, #tpu.memory_space<vmem>>) attributes {dimension_semantics = [#tpu.dimension_semantics<arbitrary>], iteration_bounds = array<i64: 10>, scalar_prefetch = 0 : i64, scratch_operands = 0 : i64, tpu.core_type = #tpu.core_type<tc>, window_params = [{transform_indices = @transform_0, window_bounds = array<i64: 1000, 128>}, {transform_indices = @transform_1, window_bounds = array<i64: 1000, 128>}, {transform_indices = @transform_2, window_bounds = array<i64: 1000, 128>}, {transform_indices = @transform_3, window_bounds = array<i64: 1000, 1>}, {transform_indices = @transform_4, window_bounds = array<i64: 1000, 1>}, {pipeline_mode = #tpu.pipeline_mode<synchronous>, transform_indices = @transform_5, window_bounds = array<i64: 128, 128>}, {pipeline_mode = #tpu.pipeline_mode<synchronous>, transform_indices = @transform_6, window_bounds = array<i64: 1, 128>}, {pipeline_mode = #tpu.pipeline_mode<synchronous>, transform_indices = @transform_7, window_bounds = array<i64: 1, 128>}, {pipeline_mode = #tpu.pipeline_mode<synchronous>, transform_indices = @transform_8, window_bounds = array<i64: 1, 128>}, {pipeline_mode = #tpu.pipeline_mode<synchronous>, transform_indices = @transform_9, window_bounds = array<i64: 128, 128>}, {transform_indices = @transform_10, window_bounds = array<i64: 1000, 128>}]} {
    %get3A = arith.constant 0 : index
    %get3A_0 = arith.constant 0 : index
    %get3A_1 = vector.load %arg1[%get3A, %get3A_0] : memref<1000x128xf32, #tpu.memory_space<vmem>>, vector<1000x128xf32>
    %get3A_2 = arith.constant 0 : index
    %get3A_3 = arith.constant 0 : index
    %get3A_4 = vector.load %arg2[%get3A_2, %get3A_3] : memref<1000x128xf32, #tpu.memory_space<vmem>>, vector<1000x128xf32>
    %add3A = arith.addf %get3A_1, %get3A_4 : vector<1000x128xf32>
    %get3A_5 = arith.constant 0 : index
    %get3A_6 = arith.constant 0 : index
    %get3A_7 = vector.load %arg4[%get3A_5, %get3A_6] : memref<1000x1xf32, #tpu.memory_space<vmem>>, vector<1000x1xf32>
    %get3A_8 = arith.constant 0 : index
    %get3A_9 = arith.constant 0 : index
    %get3A_10 = vector.load %arg5[%get3A_8, %get3A_9] : memref<1000x1xf32, #tpu.memory_space<vmem>>, vector<1000x1xf32>
    %add3A_11 = arith.addf %get3A_7, %get3A_10 : vector<1000x1xf32>
    %get3A_12 = arith.constant 0 : index
    %get3A_13 = arith.constant 0 : index
    %get3A_14 = vector.load %arg3[%get3A_12, %get3A_13] : memref<1000x128xf32, #tpu.memory_space<vmem>>, vector<1000x128xf32>
    %add3A_15 = arith.addf %add3A, %get3A_14 : vector<1000x128xf32>
    %add3A_16 = arith.constant 1.000000e+00 : f32
    %add3A_17 = vector.broadcast %add3A_16 : f32 to vector<1000x1xf32>
    %add3A_18 = arith.addf %add3A_11, %add3A_17 : vector<1000x1xf32>
    %div3A = vector.broadcast %add3A_18 : vector<1000x1xf32> to vector<1000x128xf32>
    %div3A_19 = arith.divf %add3A_15, %div3A : vector<1000x128xf32>
    %get3A_20 = arith.constant 0 : index
    %get3A_21 = arith.constant 0 : index
    %get3A_22 = vector.load %arg7[%get3A_20, %get3A_21] : memref<1x128xf32, #tpu.memory_space<vmem>>, vector<1x128xf32>
    %add3A_23 = vector.broadcast %get3A_22 : vector<1x128xf32> to vector<1000x128xf32>
    %add3A_24 = arith.addf %div3A_19, %add3A_23 : vector<1000x128xf32>
    %reduce_sum3A = arith.constant dense<0.000000e+00> : vector<1000xf32>
    %reduce_sum3A_25 = vector.multi_reduction <add>, %add3A_24, %reduce_sum3A [1] : vector<1000x128xf32> to vector<1000xf32>
    %broadcast_in_dim3A = vector.shape_cast %reduce_sum3A_25 : vector<1000xf32> to vector<1000x1xf32>
    %div3A_26 = arith.constant 1.280000e+02 : f32
    %div3A_27 = vector.broadcast %div3A_26 : f32 to vector<1000x1xf32>
    %div3A_28 = arith.divf %broadcast_in_dim3A, %div3A_27 : vector<1000x1xf32>
    %sub3A = vector.broadcast %div3A_28 : vector<1000x1xf32> to vector<1000x128xf32>
    %sub3A_29 = arith.subf %add3A_24, %sub3A : vector<1000x128xf32>
    %integer_pow3A = arith.mulf %sub3A_29, %sub3A_29 : vector<1000x128xf32>
    %reduce_sum3A_30 = arith.constant dense<0.000000e+00> : vector<1000xf32>
    %reduce_sum3A_31 = vector.multi_reduction <add>, %integer_pow3A, %reduce_sum3A_30 [1] : vector<1000x128xf32> to vector<1000xf32>
    %broadcast_in_dim3A_32 = vector.shape_cast %reduce_sum3A_31 : vector<1000xf32> to vector<1000x1xf32>
    %div3A_33 = arith.constant 1.280000e+02 : f32
    %div3A_34 = vector.broadcast %div3A_33 : f32 to vector<1000x1xf32>
    %div3A_35 = arith.divf %broadcast_in_dim3A_32, %div3A_34 : vector<1000x1xf32>
    %sub3A_36 = vector.broadcast %div3A_28 : vector<1000x1xf32> to vector<1000x128xf32>
    %sub3A_37 = arith.subf %add3A_24, %sub3A_36 : vector<1000x128xf32>
    %add3A_38 = arith.constant 9.99999974E-6 : f32
    %add3A_39 = vector.broadcast %add3A_38 : f32 to vector<1000x1xf32>
    %add3A_40 = arith.addf %div3A_35, %add3A_39 : vector<1000x1xf32>
    %rsqrt3A = math.rsqrt %add3A_40 : vector<1000x1xf32>
    %mul3A = vector.broadcast %rsqrt3A : vector<1000x1xf32> to vector<1000x128xf32>
    %mul3A_41 = arith.mulf %sub3A_37, %mul3A : vector<1000x128xf32>
    %get3A_42 = arith.constant 0 : index
    %get3A_43 = arith.constant 0 : index
    %get3A_44 = vector.load %arg8[%get3A_42, %get3A_43] : memref<1x128xf32, #tpu.memory_space<vmem>>, vector<1x128xf32>
    %mul3A_45 = vector.broadcast %get3A_44 : vector<1x128xf32> to vector<1000x128xf32>
    %mul3A_46 = arith.mulf %mul3A_41, %mul3A_45 : vector<1000x128xf32>
    %get3A_47 = arith.constant 0 : index
    %get3A_48 = arith.constant 0 : index
    %get3A_49 = vector.load %arg9[%get3A_47, %get3A_48] : memref<1x128xf32, #tpu.memory_space<vmem>>, vector<1x128xf32>
    %add3A_50 = vector.broadcast %get3A_49 : vector<1x128xf32> to vector<1000x128xf32>
    %add3A_51 = arith.addf %mul3A_46, %add3A_50 : vector<1000x128xf32>
    %gt3A = arith.constant 0.000000e+00 : f32
    %gt3A_52 = vector.broadcast %gt3A : f32 to vector<1000x128xf32>
    %gt3A_53 = arith.cmpf ogt, %add3A_51, %gt3A_52 : vector<1000x128xf32>
    %min3A = arith.constant 0.000000e+00 : f32
    %min3A_54 = vector.broadcast %min3A : f32 to vector<1000x128xf32>
    %min3A_55 = arith.minimumf %add3A_51, %min3A_54 : vector<1000x128xf32>
    %exp3A = math.exp %min3A_55 : vector<1000x128xf32>
    %sub3A_56 = arith.constant 1.000000e+00 : f32
    %sub3A_57 = vector.broadcast %sub3A_56 : f32 to vector<1000x128xf32>
    %sub3A_58 = arith.subf %exp3A, %sub3A_57 : vector<1000x128xf32>
    %select_n3A = arith.select %gt3A_53, %add3A_51, %sub3A_58 : vector<1000x128xi1>, vector<1000x128xf32>
    %swap3A = arith.constant 0 : index
    %swap3A_59 = arith.constant 0 : index
    %swap3A_60 = vector.load %arg11[%swap3A, %swap3A_59] : memref<1000x128xf32, #tpu.memory_space<vmem>>, vector<1000x128xf32>
    tpu.vector_store %arg11[%swap3A, %swap3A_59], %select_n3A {strides = array<i32>} : memref<1000x128xf32, #tpu.memory_space<vmem>>, vector<1000x128xf32>,
    return
  }
  func.func @transform_0(%arg0: i32) -> (i32, i32) {
    %c0_i32 = arith.constant 0 : i32
    %c0_i32_0 = arith.constant 0 : i32
    return %arg0, %c0_i32 : i32, i32
  }
  func.func @transform_1(%arg0: i32) -> (i32, i32) {
    %c0_i32 = arith.constant 0 : i32
    %c0_i32_0 = arith.constant 0 : i32
    return %arg0, %c0_i32 : i32, i32
  }
  func.func @transform_2(%arg0: i32) -> (i32, i32) {
    %c0_i32 = arith.constant 0 : i32
    %c0_i32_0 = arith.constant 0 : i32
    return %arg0, %c0_i32 : i32, i32
  }
  func.func @transform_3(%arg0: i32) -> (i32, i32) {
    %c0_i32 = arith.constant 0 : i32
    %c0_i32_0 = arith.constant 0 : i32
    return %arg0, %c0_i32 : i32, i32
  }
  func.func @transform_4(%arg0: i32) -> (i32, i32) {
    %c0_i32 = arith.constant 0 : i32
    %c0_i32_0 = arith.constant 0 : i32
    return %arg0, %c0_i32 : i32, i32
  }
  func.func @transform_5(%arg0: i32) -> (i32, i32) {
    %c0_i32 = arith.constant 0 : i32
    %c0_i32_0 = arith.constant 0 : i32
    %c0_i32_1 = arith.constant 0 : i32
    return %c0_i32, %c0_i32_0 : i32, i32
  }
  func.func @transform_6(%arg0: i32) -> (i32, i32) {
    %c0_i32 = arith.constant 0 : i32
    %c0_i32_0 = arith.constant 0 : i32
    %c0_i32_1 = arith.constant 0 : i32
    return %c0_i32, %c0_i32_0 : i32, i32
  }
  func.func @transform_7(%arg0: i32) -> (i32, i32) {
    %c0_i32 = arith.constant 0 : i32
    %c0_i32_0 = arith.constant 0 : i32
    %c0_i32_1 = arith.constant 0 : i32
    return %c0_i32, %c0_i32_0 : i32, i32
  }
  func.func @transform_8(%arg0: i32) -> (i32, i32) {
    %c0_i32 = arith.constant 0 : i32
    %c0_i32_0 = arith.constant 0 : i32
    %c0_i32_1 = arith.constant 0 : i32
    return %c0_i32, %c0_i32_0 : i32, i32
  }
  func.func @transform_9(%arg0: i32) -> (i32, i32) {
    %c0_i32 = arith.constant 0 : i32
    %c0_i32_0 = arith.constant 0 : i32
    %c0_i32_1 = arith.constant 0 : i32
    return %c0_i32, %c0_i32_0 : i32, i32
  }
  func.func @transform_10(%arg0: i32) -> (i32, i32) {
    %c0_i32 = arith.constant 0 : i32
    %c0_i32_0 = arith.constant 0 : i32
    return %arg0, %c0_i32 : i32, i32
  }
}

</mosaic_0001>

<sc_bundles>
// kernel: kernel.6.cloned.1.call-start
scs
__scs_entry_jumppad:
0x0: {  	(pc) =	sbr.rel $0x88, $3  }
0x1: {  	(tag) =	ssettag $0x0;
	lr =	simm.s32 $0x1  }
0x2: {  	[smem:$0x3F97] =	sst lr;
	_ =	strace $0xD0000000  }
0x3: {  	_ = 	snop  }
0x4: {  	_ = 	snop  }
0x5: {  	_ = 	snop  }
0x6: {  	_ = 	snop  }
0x7: {  	_ = 	snop  }
__scs_overlays_trampoline_lowered:
0x8: {  	[smem:$0x3FA6] =	sst s0  }
0x9: {  	[smem:$0x3FA7] =	sst s1  }
0xa: {  	[smem:$0x3FA8] =	sst s2  }
0xb: {  	[smem:$0x3FA9] =	sst s3  }
0xc: {  	[smem:$0x3FAA] =	sst s4  }
0xd: {  	[smem:$0x3FAB] =	sst s5  }
0xe: {  	[smem:$0x3FAC] =	sst s6  }
0xf: {  	[smem:$0x3FAD] =	sst s7  }
0x10: {  	[smem:$0x3FAE] =	sst s8  }
0x11: {  	[smem:$0x3FAF] =	sst s9;
	s0 =	simm.s32 @!p0 $0x0  }
0x12: {  	s1 =	sld [smem:$0x3F95];
	s0 =	simm.s32 @p0 $0x1  }
0x13: {  	[smem:$0x3FB0] =	sst s0;
	s0 =	simm.s32 @!p1 $0x0  }
0x14: {  	s2 =	sld [smem:$0x3F94];
	s0 =	simm.s32 @p1 $0x1  }
0x15: {  	[smem:$0x3FB1] =	sst s0;
	s0 =	simm.s32 @!p2 $0x0  }
0x16: {  	s3 =	sld [smem:$0x3FDB];
	s0 =	simm.s32 @p2 $0x1  }
0x17: {  	s4 =	simm.s32 $0x1BF5;
	[smem:$0x3FB3] =	sst s0  }
0x18: {  	s0 =	sld [smem:$0x3F96];
	_ =	swait.ge [sflag:s4], $0x0  }
0x19: {  	s7 =	sld [smem:$0x3F97]  }
0x1a: {  	s8 =	sadd.s32 $0xFFFFE003, lr  }
0x1b: {  	s9 =	sadd.s32 $0xFFFFFEF7, lr;
	s5 =	simm.s32 $0xFFFFFFFF;
	p2 =	slt.u32 s8, $0xFFFFF086  }
0x1c: {  	p1 =	slt.u32 s9, $0xF7A;
	s5 =	simm.s32 @!p2 $0x0  }
0x1d: {  	s5 =	simm.s32 @p1 $0x1;
	p0 =	seq.s32 s7, s2  }
0x1e: {  	s7 =	smul.u32 @!p0 $0xF7A, s2;
	p2 =	seq.s32 @!p0 s5, $0x0  }
0x1f: {  	s9 =	smul.u32 $0xF7A, s1;
	s8 =	simm.s32 @!p0 $0x1BF5;
	p2 =	por !p2, p0  }
0x20: {  	[sflag:s8] =	ssyncset.s32 @!p0 $0xFFFFF086;
	s6 =	sadd.s32 @!p0 s3, s7;
	s7 =	simm.s32 @!p0 $0x108  }
0x21: {  	s3 =	sadd.s32 s3, s9;
	s6 =	sadd.s32 @!p0 $0x88, s6;
	s7 =	simm.s32 @p2 $0x1082  }
0x22: {  	[simem:s7], [sflag:s8] =	dma.local @!p0 [hbm:s6], $0xF7A  }
0x23: {  	s9 =	sor.u32 $0xD0000000, s2;
	s6 =	simm.s32 $0x108;
	_ =	swait.ge @!p0 [sflag:s8], $0x0  }
0x24: {  	s3 =	sadd.s32 $0x88, s3;
	s6 =	simm.s32 @!p1 $0x1082;
	[sflag:s4] =	ssyncset.s32 $0xFFFFF086  }
0x25: {  	[simem:s6], [sflag:s4] =	dma.local [hbm:s3], $0xF7A  }
0x26: {  	[smem:$0x3F97] =	sst s1;
	(tag) =	ssettag s2;
	_ =	strace s9  }
0x27: {  	s1 =	sld [smem:$0x3FA7]  }
0x28: {  	s2 =	sld [smem:$0x3FA8]  }
0x29: {  	s4 =	sld [smem:$0x3FAA]  }
0x2a: {  	p0 =	seq.s32 s5, $0x0;
	s5 =	sld [smem:$0x3FAB]  }
0x2b: {  	s6 =	sld [smem:$0x3FAC]  }
0x2c: {  	s7 =	sld [smem:$0x3FAD]  }
0x2d: {  	s3 =	simm.s32 $0x108;
	s8 =	sld [smem:$0x3FAE]  }
0x2e: {  	s3 =	simm.s32 @!p0 $0x1082;
	s9 =	sld [smem:$0x3FAF]  }
0x2f: {  	lr =	sadd.s32 s0, s3;
	s0 =	sld [smem:$0x3FA6]  }
0x30: {  	s3 =	sld [smem:$0x3FA9]  }
0x31: {  	[smem:$0x3FB2] =	sst s10  }
0x32: {  	s10 =	sld [smem:$0x3FB0];
	_ =	sdelay $0x3  }
0x33: {  	p0 =	seq.s32 s10, $0x1;
	s10 =	sld [smem:$0x3FB2];
	_ =	sdelay $0x3  }
0x34: {  	[smem:$0x3FB2] =	sst s10  }
0x35: {  	s10 =	sld [smem:$0x3FB1];
	_ =	sdelay $0x3  }
0x36: {  	p1 =	seq.s32 s10, $0x1;
	s10 =	sld [smem:$0x3FB2];
	_ =	sdelay $0x3  }
0x37: {  	[smem:$0x3FB2] =	sst s10  }
0x38: {  	s10 =	sld [smem:$0x3FB3]  }
0x39: {  	_ = 	snop;
	(pc) =	sbr.ind lr, $3  }
0x3a: {  	_ = 	snop  }
0x3b: {  	_ = 	snop  }
0x3c: {  	p2 =	seq.s32 s10, $0x1;
	s10 =	sld [smem:$0x3FB2]  }
0x3d: {  	_ =	shalt  }
0x3e: {  	_ =	shalt  }
0x3f: {  	_ =	shalt  }
0x40: {  	_ =	shalt  }
0x41: {  	_ =	shalt  }
0x42: {  	_ =	shalt  }
0x43: {  	_ =	shalt  }
0x44: {  	_ =	shalt  }
0x45: {  	_ =	shalt  }
0x46: {  	_ =	shalt  }
0x47: {  	_ =	shalt  }
0x48: {  	_ =	shalt  }
0x49: {  	_ =	shalt  }
0x4a: {  	_ =	shalt  }
0x4b: {  	_ =	shalt  }
0x4c: {  	_ =	shalt  }
0x4d: {  	_ =	shalt  }
0x4e: {  	_ =	shalt  }
0x4f: {  	_ =	shalt  }
0x50: {  	_ =	shalt  }
0x51: {  	_ =	shalt  }
0x52: {  	_ =	shalt  }
0x53: {  	_ =	shalt  }
0x54: {  	_ =	shalt  }
0x55: {  	_ =	shalt  }
0x56: {  	_ =	shalt  }
0x57: {  	_ =	shalt  }
0x58: {  	_ =	shalt  }
0x59: {  	_ =	shalt  }
0x5a: {  	_ =	shalt  }
0x5b: {  	_ =	shalt  }
0x5c: {  	_ =	shalt  }
0x5d: {  	_ =	shalt  }
0x5e: {  	_ =	shalt  }
0x5f: {  	_ =	shalt  }
0x60: {  	_ =	shalt  }
0x61: {  	_ =	shalt  }
0x62: {  	_ =	shalt  }
0x63: {  	_ =	shalt  }
0x64: {  	_ =	shalt  }
0x65: {  	_ =	shalt  }
0x66: {  	_ =	shalt  }
0x67: {  	_ =	shalt  }
0x68: {  	_ =	shalt  }
0x69: {  	_ =	shalt  }
0x6a: {  	_ =	shalt  }
0x6b: {  	_ =	shalt  }
0x6c: {  	_ =	shalt  }
0x6d: {  	_ =	shalt  }
0x6e: {  	_ =	shalt  }
0x6f: {  	_ =	shalt  }
0x70: {  	_ =	shalt  }
0x71: {  	_ =	shalt  }
0x72: {  	_ =	shalt  }
0x73: {  	_ =	shalt  }
0x74: {  	_ =	shalt  }
0x75: {  	_ =	shalt  }
0x76: {  	_ =	shalt  }
0x77: {  	_ =	shalt  }
0x78: {  	_ =	shalt  }
0x79: {  	_ =	shalt  }
0x7a: {  	_ =	shalt  }
0x7b: {  	_ =	shalt  }
0x7c: {  	_ =	shalt  }
0x7d: {  	_ =	shalt  }
0x7e: {  	_ =	shalt  }
0x7f: {  	_ =	shalt  }
0x80: {  	_ =	shalt  }
0x81: {  	_ =	shalt  }
0x82: {  	_ =	shalt  }
0x83: {  	_ =	shalt  }
0x84: {  	_ =	shalt  }
0x85: {  	_ =	shalt  }
0x86: {  	_ =	shalt  }
0x87: {  	_ =	shalt  }
.Lfunc_end0:
.L_simem_size_0:
called_computation_lowered:
.L_overlay_start_0:
0x88: {  	s2 =	sld [smem:$0x3FD9]  }
0x89: {  	s3 =	sld [smem:$0x3FFE];
	_ =	sdelay $0x1  }
0x8a: {  	s1 =	srdreg.scid  }
0x8b: {  	s0 =	sand.u32 $0x1, s1  }
0x8c: {  	s17 =	sshll.u32 s0, $0xA;
	s2 =	sadd.s32 s3, s2  }
0x8d: {  	s2 =	sadd.s32 s2, s17  }
0x8e: {  	[smem:$0x3FBE] =	sst s2  }
0x8f: {  	_ = 	snop  }
0x90: {  	s2 =	sld [smem:$0x3FC9];
	(tm) =	ssettm $0x1  }
0x91: {  	s18 =	sld [smem:$0x3FFB];
	_ =	sdelay $0x3  }
0x92: {  	_ =	strace s18  }
0x93: {  	s3 =	sld [smem:$0x3FFC];
	_ =	sdelay $0x3  }
0x94: {  	_ =	strace s3  }
0x95: {  	s3 =	sld [smem:$0x3FFD];
	_ =	sdelay $0x3  }
0x96: {  	_ =	strace s3  }
0x97: {  	_ =	strace $0x8FFFFFFF  }
0x98: {  	s19 =	sld [smem:$0x3FDB];
	_ =	sdelay $0x1  }
0x99: {  	s4 =	simm.s32 $_scs_section_size  }
0x9a: {  	s5 =	simm.s32 $_size__tile_overlayer_lowered;
	s6 =	simm.s32 $_tile_overlayer_lowered  }
0x9b: {  	s22 =	simm.s32 $0x1BFF;
	s21 =	sshll.u32 s6, $0x1;
	s3 =	sadd.s32 s4, s19  }
0x9c: {  	s7 =	simm.s32 $0x0;
	s20 =	sshll.u32 s5, $0x1;
	s5 =	sadd.s32 s21, s3  }
0x9d: {  	[timem:s7], [sflag:s22] =	dma.local [hbm:s5], s20  }
0x9e: {  	_ =	swait.ge [sflag:s22], s20  }
0x9f: {  	s4 =	ssub.s32 $0x0, s20;
	[sflag:s22] =	ssyncset.done $0x0  }
0xa0: {  	[sflag:s22] =	ssyncadd.s32 s4;
	_ =	sdelay $0x1  }
0xa1: {  	s23 =	simm.s32 $0x1B8B  }
0xa2: {  	_ =	swait.ge [sflag:s23], $0x1  }
0xa3: {  	[sflag:s23] =	ssyncset.done $0x0  }
0xa4: {  	s25 =	simm.s32 $0x1B8E;
	s24 =	sld [smem:$0x3FFE];
	[sflag:s23] =	ssyncadd.s32 $0xFFFFFFFF  }
0xa5: {  	s26 =	simm.s32 $execute0_lowered;
	[smem:$0x3FD2] =	sst s25  }
0xa6: {  	s5 =	sshll.u32 s26, $0x1;
	_ =	strace $0x80000046;
	[dreg:$0x1] =	wrdreg $0xFFFFFFFF  }
0xa7: {  	s28 =	simm.s32 $_size_execute0_lowered;
	s3 =	sadd.s32 s3, s5;
	[dreg:$0x0] =	wrdreg $0x0  }
0xa8: {  	s5 =	sshll.u32 s28, $0x1;
	[dreg:$0x2] =	wrdreg s3  }
0xa9: {  	[dreg:$0x3] =	wrdreg s5  }
0xaa: {  	[dreg:$0x4] =	wrdreg $0xC0  }
0xab: {  	_ =	task [dreg:s7], $0x5FFFF  }
0xac: {  	[dreg:$0x1] =	wrdreg $0xFFFFFFFF  }
0xad: {  	[dreg:$0x0] =	wrdreg $0x60  }
0xae: {  	[dreg:$0x2] =	wrdreg s2  }
0xaf: {  	[dreg:$0x3] =	wrdreg s24  }
0xb0: {  	[dreg:$0x4] =	wrdreg $0x88000  }
0xb1: {  	[dreg:$0x5] =	wrdreg $0x9  }
0xb2: {  	_ =	task.clear_ibuf [dreg:s7], $0x6FFFF;
	_ =	strace $0x90000046  }
0xb3: {  	s29 =	simm.s32 $0x9;
	_ =	strace $0x80000048  }
0xb4: {  	_ =	swait.ge [sflag:s29], $0x1  }
0xb5: {  	[sflag:s29] =	ssyncadd.s32 $0xFFFFFFFF  }
0xb6: {  	_ =	strace $0x90000048  }
0xb7: {  	_ =	sfence  }
0xb8: {  	s30 =	sld [smem:$0x0];
	_ =	sdelay $0x2  }
0xb9: {  	s31 =	sshll.u32 s1, $0xD;
	s1 =	sshrl.u32 s1, $0x2  }
0xba: {  	s3 =	sand.u32 $0x4000, s31;
	s1 =	sadd.s32 s1, s30  }
0xbb: {  	s0 =	sor.u32 s3, s0;
	s1 =	sshll.u32 s1, $0x11  }
0xbc: {  	s0 =	sor.u32 s1, s0  }
0xbd: {  	s0 =	sadd.s32 $0x8F2B, s0  }
0xbe: {  	[sflag:s0] =	ssyncadd.remote.s32 $0x1  }
0xbf: {  	_ =	sfence.sel $0xFFFF  }
0xc0: {  	[dreg:$0x0] =	wrdreg $0xFFFFFFFF;
	(pc) =	sbr.abs _section_cstart, $3  }
0xc1: {  	[dreg:$0x1] =	wrdreg $0xFFFFFFFF  }
0xc2: {  	_ =	task.clear_ibuf [dreg:s7], $0x2FFFF;
	_ =	strace $0x9FFFFFFF  }
0xc3: {  	(tm) =	ssettm $0x7FFFFFFF  }
tec
execute0_lowered:
.L_overlay_start_1:
0x0: {  	(tag) =	ssettag $0x1  }
0x1: {  	s1 =	rddreg [dreg:$0x0]  }
0x2: {  	s0 =	rddreg [dreg:$0x1];
	s2 =	srdreg.scid  }
0x3: {  	s18 =	stileid.u32;
	s3 =	rddreg [dreg:$0x2];
	s28 =	simm.s32 $0x300  }
0x4: {  	s29 =	simm.s32 $0x680;
	s2 =	sand.u32 $0x1, s2;
	s5 =	smul.u32 $0x98, s18  }
0x5: {  	s4 =	sshll.u32 s18, $0x3;
	s22 =	smul.u32 $0x278, s18;
	s9 =	sadd.s32 $0x3200, s0  }
0x6: {  	s21 =	sadd.s32 $0x17A00, s0;
	s10 =	sadd.s32 $0x1A200, s0;
	s23 =	smul.u32 $0x4F000, s18  }
0x7: {  	s12 =	sadd.s32 $0x69200, s0;
	p0 =	seq.s32 s2, $0x0;
	s6 =	sor.u32 $0x980, s4  }
0x8: {  	s4 =	simm.s32 $0x0;
	s8 =	smul.u32 $0x2780, s2;
	s11 =	ssub.s32 $0x2, s2  }
0x9: {  	s6 =	smov.u32 @p0 s5;
	[smem:$0x7FF] =	sst s4;
	s13 =	sshrl.u32 s11, $0x1  }
0xa: {  	s5 =	sshll.u32 s6, $0x4;
	_ =	strace $0x80000047;
	s6 =	sadd.s32 s22, s8  }
0xb: {  	s11 =	ssub.s32 s11, s13;
	s8 =	sshrl.u32 s23, $0x2;
	s13 =	sadd.s32 $0x17200, s0  }
0xc: {  	[dreg:$0x4] =	wrdreg s21;
	s7 =	sadd.s32 s5, s0;
	s6 =	sshll.u32 s6, $0x4  }
0xd: {  	s5 =	sadd.s32 s5, s9;
	[dreg:$0x10] =	wrdreg s13;
	s8 =	sadd.s32 s8, s3  }
0xe: {  	s24 =	sadd.s32 $0x800, s6;
	s15 =	sadd.s32 s10, s6;
	[dreg:$0xf] =	wrdreg s5  }
0xf: {  	s26 =	sadd.s32 $0x1000, s6;
	s16 =	sadd.s32 $0x1800, s6;
	[dreg:$0x11] =	wrdreg s8  }
0x10: {  	s17 =	sadd.s32 $0x2000, s6;
	s6 =	sadd.s32 s12, s6;
	[dreg:$0x5] =	wrdreg s15  }
0x11: {  	s30 =	simm.s32 $0x380;
	s25 =	sadd.s32 s10, s24;
	[dreg:$0xa] =	wrdreg s6  }
0x12: {  	s31 =	simm.s32 $0x780;
	s19 =	sadd.s32 s10, s26;
	[dreg:$0x6] =	wrdreg s25  }
0x13: {  	s14 =	sshll.u32 s18, $0x6;
	s20 =	sadd.s32 s10, s16;
	[dreg:$0x7] =	wrdreg s19  }
0x14: {  	p0 =	sne.s32 s2, $0x0;
	s10 =	sadd.s32 s10, s17;
	[dreg:$0x8] =	wrdreg s20  }
0x15: {  	s23 =	smul.u32 $0x5000, s2;
	s22 =	sadd.s32 s12, s24;
	[dreg:$0x9] =	wrdreg s10  }
0x16: {  	s2 =	simm.s32 $0x1;
	s24 =	sadd.s32 s12, s26;
	[dreg:$0xb] =	wrdreg s22  }
0x17: {  	s13 =	simm.s32 $0x180;
	s26 =	sadd.s32 s12, s17;
	[dreg:$0xc] =	wrdreg s24  }
0x18: {  	s15 =	sadd.s32 $0x18200, s0;
	s17 =	sadd.s32 $0x19200, s0;
	[dreg:$0xe] =	wrdreg s26  }
0x19: {  	s6 =	simm.s32 $0x400;
	s25 =	sadd.s32 s12, s16;
	[dreg:$0x12] =	wrdreg s15  }
0x1a: {  	s10 =	sadd.s32 s23, s9;
	s12 =	smul.u32 $0x500, s18;
	[dreg:$0x14] =	wrdreg s17  }
0x1b: {  	s19 =	sor.u32 $0x1C01, s14;
	s16 =	sadd.s32 $0x18A00, s0;
	[dreg:$0xd] =	wrdreg s25  }
0x1c: {  	s0 =	sadd.s32 $0x19A00, s0;
	s18 =	smax.u32 s11, $0x1;
	[dreg:$0x13] =	wrdreg s16  }
0x1d: {  	s22 =	sadd.s32 $0xD200, s7;
	s23 =	sadd.s32 $0x4000, s8;
	[dreg:$0x15] =	wrdreg s0  }
0x1e: {  	s24 =	sadd.s32 $0x8000, s8;
	s26 =	sadd.s32 $0x10000, s8;
	[dreg:$0x16] =	wrdreg s18  }
0x1f: {  	s7 =	simm.s32 $0x80;
	s9 =	simm.s32 $0x4800;
	[dreg:$0x17] =	wrdreg s22  }
0x20: {  	s11 =	simm.s32 $0x2;
	s14 =	simm.s32 $0x500;
	[dreg:$0x18] =	wrdreg s23  }
0x21: {  	s15 =	simm.s32 $0x200;
	s17 =	simm.s32 $0x580;
	[dreg:$0x19] =	wrdreg s24  }
0x22: {  	s25 =	sadd.s32 $0xC000, s8;
	[dreg:$0x1b] =	wrdreg s26;
	s0 =	simm.s32 $0x3  }
0x23: {  	s8 =	simm.s32 $0x800;
	s16 =	simm.s32 $0x280;
	s26 =	simm.s32 $0x700  }
0x24: {  	s18 =	simm.s32 $0x0;
	s20 =	sadd.s32 s12, s10;
	[dreg:$0x1a] =	wrdreg s25  }
0x25: {  	s10 =	simm.s32 $0x100;
	s12 =	simm.s32 $0x480;
	s25 =	simm.s32 $0x600  }
.LBB2_1:
0x26: {  	s5 =	rddreg [dreg:$0x11]  }
0x27: {  	[dreg:$0x1f] =	wrdreg s18;
	s5 =	sshrl.u32 s5, $0x3  }
0x28: {  	[dreg:$0x1c] =	wrdreg s5  }
0x29: {  	[spmem:s5], [sflag:s19] =	dma.local [hbm:s21], $0x800  }
0x2a: {  	s5 =	rddreg [dreg:$0x18]  }
0x2b: {  	s24 =	rddreg [dreg:$0x12];
	s23 =	sshrl.u32 s5, $0x3  }
0x2c: {  	[dreg:$0x1d] =	wrdreg s23  }
0x2d: {  	[spmem:s23], [sflag:s19] =	dma.local [hbm:s24], $0x800  }
0x2e: {  	s5 =	rddreg [dreg:$0x19]  }
0x2f: {  	s18 =	rddreg [dreg:$0x13];
	s5 =	sshrl.u32 s5, $0x3  }
0x30: {  	[dreg:$0x1e] =	wrdreg s5  }
0x31: {  	[spmem:s5], [sflag:s19] =	dma.local [hbm:s18], $0x800  }
0x32: {  	s5 =	rddreg [dreg:$0x1a]  }
0x33: {  	s22 =	rddreg [dreg:$0x14];
	s21 =	sshrl.u32 s5, $0x3  }
0x34: {  	[smem:$0x7FC] =	sst s21  }
0x35: {  	[spmem:s21], [sflag:s19] =	dma.local [hbm:s22], $0x800  }
0x36: {  	s5 =	rddreg [dreg:$0x1b]  }
0x37: {  	s24 =	rddreg [dreg:$0x15];
	s23 =	sshrl.u32 s5, $0x3  }
0x38: {  	[smem:$0x7FD] =	sst s23  }
0x39: {  	[spmem:s23], [sflag:s19] =	dma.local [hbm:s24], $0x780  }
0x3a: {  	_ =	swait.ge [sflag:s2], $0x800  }
0x3b: {  	[sflag:s2] =	ssyncset.done $0x0  }
0x3c: {  	[sflag:s2] =	ssyncadd.s32 $0xFFFFF800  }
0x3d: {  	_ =	swait.ge [sflag:s2], $0x800  }
0x3e: {  	[sflag:s2] =	ssyncset.done $0x0  }
0x3f: {  	[sflag:s2] =	ssyncadd.s32 $0xFFFFF800  }
0x40: {  	_ =	swait.ge [sflag:s2], $0x800  }
0x41: {  	[sflag:s2] =	ssyncset.done $0x0  }
0x42: {  	[sflag:s2] =	ssyncadd.s32 $0xFFFFF800  }
0x43: {  	_ =	swait.ge [sflag:s2], $0x800  }
0x44: {  	[sflag:s2] =	ssyncset.done $0x0  }
0x45: {  	[sflag:s2] =	ssyncadd.s32 $0xFFFFF800  }
0x46: {  	_ =	swait.ge [sflag:s2], $0x780  }
0x47: {  	[sflag:s2] =	ssyncset.done $0x0  }
0x48: {  	[sflag:s2] =	ssyncadd.s32 $0xFFFFF880  }
0x49: {  	[bflag:$0x0] =	sbarrier.arrive $0xFFFF  }
0x4a: {  	s5 =	rddreg [dreg:$0x17]  }
0x4b: {  	s22 =	simm.s32 $0x0;
	s21 =	rddreg [dreg:$0xf]  }
.LBB2_2:
0x4c: {  	[tilespmem:s4], [sflag:$0x3] =	stream.linear.gather [hbm4b:s5+s4], $0x400, $0x38;
	[tilespmem:$0x1C400] =	vst v63  }
0x4d: {  	_ =	swait.ge [sflag:s0], $0x400  }
0x4e: {  	[sflag:s0] =	ssyncset.done $0x0  }
0x4f: {  	[sflag:s0] =	ssyncadd.s32 $0xFFFFFC00  }
0x50: {  	[tilespmem:s6], [sflag:$0x3] =	stream.linear.gather [hbm4b:s21+s4], $0x400, $0x38;
	[tilespmem:$0x1C400] =	vst v63  }
0x51: {  	_ =	swait.ge [sflag:s0], $0x400  }
0x52: {  	[sflag:s0] =	ssyncset.done $0x0  }
0x53: {  	[sflag:s0] =	ssyncadd.s32 $0xFFFFFC00  }
0x54: {  	[tilespmem:s8], [sflag:$0x1] =	stream.indirect.gather [hbm4b:s1+s7], $0x80, s4, s7, $0xb8;
	[tilespmem:$0x1C400] =	vst v63  }
0x55: {  	_ = 	snop  }
0x56: {  	[tilespmem:s9], [sflag:$0x2] =	stream.indirect.gather [hbm4b:s1+s7], $0x80, s7, s7, $0xb8;
	[tilespmem:$0x1C400] =	vst v63  }
0x57: {  	_ =	swait.ge [sflag:s2], $0x4000  }
0x58: {  	[sflag:s2] =	ssyncset.done $0x0  }
0x59: {  	[sflag:s2] =	ssyncadd.s32 $0xFFFFC000  }
0x5a: {  	[spmem:s3] =	stream.indirect.scatter.add.f32 [tilespmem:s8], [sflag:$0x3], $0x80, s6, s7, $0xb8;
	[tilespmem:$0x1C400] =	vst v63  }
0x5b: {  	_ =	swait.ge [sflag:s0], $0x4000  }
0x5c: {  	[sflag:s0] =	ssyncset.done $0x0  }
0x5d: {  	[sflag:s0] =	ssyncadd.s32 $0xFFFFC000  }
0x5e: {  	[tilespmem:s8], [sflag:$0x1] =	stream.indirect.gather [hbm4b:s1+s7], $0x80, s10, s7, $0xb8;
	[tilespmem:$0x1C400] =	vst v63  }
0x5f: {  	_ =	swait.ge [sflag:s11], $0x4000  }
0x60: {  	[sflag:s11] =	ssyncset.done $0x0  }
0x61: {  	[sflag:s11] =	ssyncadd.s32 $0xFFFFC000  }
0x62: {  	[spmem:s3] =	stream.indirect.scatter.add.f32 [tilespmem:s9], [sflag:$0x3], $0x80, s12, s7, $0xb8;
	[tilespmem:$0x1C400] =	vst v63  }
0x63: {  	_ =	swait.ge [sflag:s0], $0x4000  }
0x64: {  	[sflag:s0] =	ssyncset.done $0x0  }
0x65: {  	[sflag:s0] =	ssyncadd.s32 $0xFFFFC000  }
0x66: {  	[tilespmem:s9], [sflag:$0x2] =	stream.indirect.gather [hbm4b:s1+s7], $0x80, s13, s7, $0xb8;
	[tilespmem:$0x1C400] =	vst v63  }
0x67: {  	_ =	swait.ge [sflag:s2], $0x4000  }
0x68: {  	[sflag:s2] =	ssyncset.done $0x0  }
0x69: {  	[sflag:s2] =	ssyncadd.s32 $0xFFFFC000  }
0x6a: {  	[spmem:s3] =	stream.indirect.scatter.add.f32 [tilespmem:s8], [sflag:$0x3], $0x80, s14, s7, $0xb8;
	[tilespmem:$0x1C400] =	vst v63  }
0x6b: {  	_ =	swait.ge [sflag:s0], $0x4000  }
0x6c: {  	[sflag:s0] =	ssyncset.done $0x0  }
0x6d: {  	[sflag:s0] =	ssyncadd.s32 $0xFFFFC000  }
0x6e: {  	[tilespmem:s8], [sflag:$0x1] =	stream.indirect.gather [hbm4b:s1+s7], $0x80, s15, s7, $0xb8;
	[tilespmem:$0x1C400] =	vst v63  }
0x6f: {  	_ =	swait.ge [sflag:s11], $0x4000  }
0x70: {  	[sflag:s11] =	ssyncset.done $0x0  }
0x71: {  	[sflag:s11] =	ssyncadd.s32 $0xFFFFC000  }
0x72: {  	[spmem:s3] =	stream.indirect.scatter.add.f32 [tilespmem:s9], [sflag:$0x3], $0x80, s17, s7, $0xb8;
	[tilespmem:$0x1C400] =	vst v63  }
0x73: {  	_ =	swait.ge [sflag:s0], $0x4000  }
0x74: {  	[sflag:s0] =	ssyncset.done $0x0  }
0x75: {  	[sflag:s0] =	ssyncadd.s32 $0xFFFFC000  }
0x76: {  	[tilespmem:s9], [sflag:$0x2] =	stream.indirect.gather [hbm4b:s1+s7], $0x80, s16, s7, $0xb8;
	[tilespmem:$0x1C400] =	vst v63  }
0x77: {  	_ =	swait.ge [sflag:s2], $0x4000  }
0x78: {  	[sflag:s2] =	ssyncset.done $0x0  }
0x79: {  	[sflag:s2] =	ssyncadd.s32 $0xFFFFC000  }
0x7a: {  	[spmem:s3] =	stream.indirect.scatter.add.f32 [tilespmem:s8], [sflag:$0x3], $0x80, s25, s7, $0xb8;
	[tilespmem:$0x1C400] =	vst v63  }
0x7b: {  	_ =	swait.ge [sflag:s0], $0x4000  }
0x7c: {  	[sflag:s0] =	ssyncset.done $0x0  }
0x7d: {  	[sflag:s0] =	ssyncadd.s32 $0xFFFFC000  }
0x7e: {  	[tilespmem:s8], [sflag:$0x1] =	stream.indirect.gather [hbm4b:s1+s7], $0x80, s28, s7, $0xb8;
	[tilespmem:$0x1C400] =	vst v63  }
0x7f: {  	_ =	swait.ge [sflag:s11], $0x4000  }
0x80: {  	[sflag:s11] =	ssyncset.done $0x0  }
0x81: {  	[sflag:s11] =	ssyncadd.s32 $0xFFFFC000  }
0x82: {  	[spmem:s3] =	stream.indirect.scatter.add.f32 [tilespmem:s9], [sflag:$0x3], $0x80, s29, s7, $0xb8;
	[tilespmem:$0x1C400] =	vst v63  }
0x83: {  	_ =	swait.ge [sflag:s0], $0x4000  }
0x84: {  	[sflag:s0] =	ssyncset.done $0x0  }
0x85: {  	[sflag:s0] =	ssyncadd.s32 $0xFFFFC000  }
0x86: {  	[tilespmem:s9], [sflag:$0x2] =	stream.indirect.gather [hbm4b:s1+s7], $0x80, s30, s7, $0xb8;
	[tilespmem:$0x1C400] =	vst v63  }
0x87: {  	_ =	swait.ge [sflag:s2], $0x4000  }
0x88: {  	[sflag:s2] =	ssyncset.done $0x0  }
0x89: {  	[sflag:s2] =	ssyncadd.s32 $0xFFFFC000  }
0x8a: {  	[spmem:s3] =	stream.indirect.scatter.add.f32 [tilespmem:s8], [sflag:$0x3], $0x80, s26, s7, $0xb8;
	[tilespmem:$0x1C400] =	vst v63  }
0x8b: {  	_ =	swait.ge [sflag:s0], $0x4000  }
0x8c: {  	[sflag:s0] =	ssyncset.done $0x0  }
0x8d: {  	[sflag:s0] =	ssyncadd.s32 $0xFFFFC000  }
0x8e: {  	p1 =	slt.u32 @!p0 s22, $0x12;
	_ =	swait.ge [sflag:s11], $0x4000  }
0x8f: {  	p1 =	por p0, !p1;
	[sflag:s11] =	ssyncset.done $0x0  }
.Ltmp0:
0x90: {  	[sflag:s11] =	ssyncadd.s32 $0xFFFFC000;
	(pc) =	sbr.rel @!p1 .LBB2_2-.Ltmp0, $4  }
0x91: {  	[spmem:s3] =	stream.indirect.scatter.add.f32 [tilespmem:s9], [sflag:$0x3], $0x80, s31, s7, $0xb8;
	[tilespmem:$0x1C400] =	vst v63  }
0x92: {  	_ =	swait.ge [sflag:s0], $0x4000  }
0x93: {  	s22 =	sadd.s32 $0x1, s22;
	[sflag:s0] =	ssyncset.done $0x0  }
0x94: {  	s5 =	sadd.s32 $0x80, s5;
	s21 =	sadd.s32 $0x80, s21;
	[sflag:s0] =	ssyncadd.s32 $0xFFFFC000  }
0x95: {  	[bflag:$0x0] =	sbarrier.arrive $0xFFFF  }
0x96: {  	s5 =	rddreg [dreg:$0x5]  }
0x97: {  	s22 =	rddreg [dreg:$0x1c]  }
0x98: {  	[hbm:s5], [sflag:s19] =	dma.local [spmem:s22], $0x800  }
0x99: {  	s5 =	rddreg [dreg:$0x6]  }
0x9a: {  	s24 =	rddreg [dreg:$0x1d]  }
0x9b: {  	[hbm:s5], [sflag:s19] =	dma.local [spmem:s24], $0x800  }
0x9c: {  	s5 =	rddreg [dreg:$0x7]  }
0x9d: {  	s18 =	rddreg [dreg:$0x1e]  }
0x9e: {  	[hbm:s5], [sflag:s19] =	dma.local [spmem:s18], $0x800  }
0x9f: {  	s23 =	sld [smem:$0x7FC];
	_ =	sdelay $0x1  }
0xa0: {  	s5 =	rddreg [dreg:$0x8]  }
0xa1: {  	[hbm:s5], [sflag:s19] =	dma.local [spmem:s23], $0x800  }
0xa2: {  	s21 =	sld [smem:$0x7FD];
	_ =	sdelay $0x1  }
0xa3: {  	s5 =	rddreg [dreg:$0x9]  }
0xa4: {  	[hbm:s5], [sflag:s19] =	dma.local [spmem:s21], $0x780  }
0xa5: {  	_ =	swait.ge [sflag:s2], $0x800  }
0xa6: {  	[sflag:s2] =	ssyncset.done $0x0  }
0xa7: {  	[sflag:s2] =	ssyncadd.s32 $0xFFFFF800  }
0xa8: {  	_ =	swait.ge [sflag:s2], $0x800  }
0xa9: {  	[sflag:s2] =	ssyncset.done $0x0  }
0xaa: {  	[sflag:s2] =	ssyncadd.s32 $0xFFFFF800  }
0xab: {  	_ =	swait.ge [sflag:s2], $0x800  }
0xac: {  	[sflag:s2] =	ssyncset.done $0x0  }
0xad: {  	[sflag:s2] =	ssyncadd.s32 $0xFFFFF800  }
0xae: {  	_ =	swait.ge [sflag:s2], $0x800  }
0xaf: {  	[sflag:s2] =	ssyncset.done $0x0  }
0xb0: {  	[sflag:s2] =	ssyncadd.s32 $0xFFFFF800  }
0xb1: {  	_ =	swait.ge [sflag:s2], $0x780  }
0xb2: {  	[sflag:s2] =	ssyncset.done $0x0  }
0xb3: {  	[sflag:s2] =	ssyncadd.s32 $0xFFFFF880  }
0xb4: {  	[bflag:$0x0] =	sbarrier.arrive $0xFFFF  }
0xb5: {  	s5 =	simm.s32 $0x0;
	s21 =	rddreg [dreg:$0x10]  }
0xb6: {  	[tilespmem:s8], [sflag:$0x3] =	stream.linear.gather [hbm4b:s21+s5], $0x4000, $0x38;
	[tilespmem:$0x1C400] =	vst v63  }
0xb7: {  	_ =	swait.ge [sflag:s0], $0x4000  }
0xb8: {  	[sflag:s0] =	ssyncset.done $0x0  }
0xb9: {  	s21 =	rddreg [dreg:$0x4];
	[sflag:s0] =	ssyncadd.s32 $0xFFFFC000  }
0xba: {  	[spmem:s22], [sflag:s19] =	dma.local [hbm:s21], $0x800  }
0xbb: {  	s5 =	rddreg [dreg:$0x12]  }
0xbc: {  	[spmem:s24], [sflag:s19] =	dma.local [hbm:s5], $0x800  }
0xbd: {  	s5 =	rddreg [dreg:$0x13]  }
0xbe: {  	[spmem:s18], [sflag:s19] =	dma.local [hbm:s5], $0x800  }
0xbf: {  	s5 =	rddreg [dreg:$0x14]  }
0xc0: {  	[spmem:s23], [sflag:s19] =	dma.local [hbm:s5], $0x800  }
0xc1: {  	s23 =	sld [smem:$0x7FD];
	_ =	sdelay $0x1  }
0xc2: {  	s5 =	rddreg [dreg:$0x15]  }
0xc3: {  	[spmem:s23], [sflag:s19] =	dma.local [hbm:s5], $0x780  }
0xc4: {  	_ =	swait.ge [sflag:s2], $0x800  }
0xc5: {  	[sflag:s2] =	ssyncset.done $0x0  }
0xc6: {  	[sflag:s2] =	ssyncadd.s32 $0xFFFFF800  }
0xc7: {  	_ =	swait.ge [sflag:s2], $0x800  }
0xc8: {  	[sflag:s2] =	ssyncset.done $0x0  }
0xc9: {  	[sflag:s2] =	ssyncadd.s32 $0xFFFFF800  }
0xca: {  	_ =	swait.ge [sflag:s2], $0x800  }
0xcb: {  	[sflag:s2] =	ssyncset.done $0x0  }
0xcc: {  	[sflag:s2] =	ssyncadd.s32 $0xFFFFF800  }
0xcd: {  	_ =	swait.ge [sflag:s2], $0x800  }
0xce: {  	[sflag:s2] =	ssyncset.done $0x0  }
0xcf: {  	[sflag:s2] =	ssyncadd.s32 $0xFFFFF800  }
0xd0: {  	_ =	swait.ge [sflag:s2], $0x780  }
0xd1: {  	[sflag:s2] =	ssyncset.done $0x0  }
0xd2: {  	[sflag:s2] =	ssyncadd.s32 $0xFFFFF880  }
0xd3: {  	s24 =	sadd.s32 $0x0, s20;
	[bflag:$0x0] =	sbarrier.arrive $0xFFFF  }
0xd4: {  	[tilespmem:s6], [sflag:$0x3] =	stream.linear.gather [hbm4b:s24+s4], $0x400, $0x38;
	[tilespmem:$0x1C400] =	vst v63  }
0xd5: {  	_ =	swait.ge [sflag:s0], $0x400  }
0xd6: {  	[sflag:s0] =	ssyncset.done $0x0  }
0xd7: {  	[sflag:s0] =	ssyncadd.s32 $0xFFFFFC00  }
0xd8: {  	[spmem:s3] =	stream.indirect.scatter.add.f32 [tilespmem:s8], [sflag:$0x3], $0x80, s6, s7, $0xb8;
	[tilespmem:$0x1C400] =	vst v63  }
0xd9: {  	_ =	swait.ge [sflag:s0], $0x4000  }
0xda: {  	[sflag:s0] =	ssyncset.done $0x0  }
0xdb: {  	[sflag:s0] =	ssyncadd.s32 $0xFFFFC000  }
0xdc: {  	[spmem:s3] =	stream.indirect.scatter.add.f32 [tilespmem:s8], [sflag:$0x3], $0x80, s12, s7, $0xb8;
	[tilespmem:$0x1C400] =	vst v63  }
0xdd: {  	_ =	swait.ge [sflag:s0], $0x4000  }
0xde: {  	[sflag:s0] =	ssyncset.done $0x0  }
0xdf: {  	[sflag:s0] =	ssyncadd.s32 $0xFFFFC000  }
0xe0: {  	[spmem:s3] =	stream.indirect.scatter.add.f32 [tilespmem:s8], [sflag:$0x3], $0x80, s14, s7, $0xb8;
	[tilespmem:$0x1C400] =	vst v63  }
0xe1: {  	_ =	swait.ge [sflag:s0], $0x4000  }
0xe2: {  	[sflag:s0] =	ssyncset.done $0x0  }
0xe3: {  	[sflag:s0] =	ssyncadd.s32 $0xFFFFC000  }
0xe4: {  	[spmem:s3] =	stream.indirect.scatter.add.f32 [tilespmem:s8], [sflag:$0x3], $0x80, s17, s7, $0xb8;
	[tilespmem:$0x1C400] =	vst v63  }
0xe5: {  	_ =	swait.ge [sflag:s0], $0x4000  }
0xe6: {  	[sflag:s0] =	ssyncset.done $0x0  }
0xe7: {  	[sflag:s0] =	ssyncadd.s32 $0xFFFFC000  }
0xe8: {  	[spmem:s3] =	stream.indirect.scatter.add.f32 [tilespmem:s8], [sflag:$0x3], $0x80, s25, s7, $0xb8;
	[tilespmem:$0x1C400] =	vst v63  }
0xe9: {  	_ =	swait.ge [sflag:s0], $0x4000  }
0xea: {  	[sflag:s0] =	ssyncset.done $0x0  }
0xeb: {  	[sflag:s0] =	ssyncadd.s32 $0xFFFFC000  }
0xec: {  	[spmem:s3] =	stream.indirect.scatter.add.f32 [tilespmem:s8], [sflag:$0x3], $0x80, s29, s7, $0xb8;
	[tilespmem:$0x1C400] =	vst v63  }
0xed: {  	_ =	swait.ge [sflag:s0], $0x4000  }
0xee: {  	[sflag:s0] =	ssyncset.done $0x0  }
0xef: {  	[sflag:s0] =	ssyncadd.s32 $0xFFFFC000  }
0xf0: {  	[spmem:s3] =	stream.indirect.scatter.add.f32 [tilespmem:s8], [sflag:$0x3], $0x80, s26, s7, $0xb8;
	[tilespmem:$0x1C400] =	vst v63  }
0xf1: {  	_ =	swait.ge [sflag:s0], $0x4000  }
0xf2: {  	[sflag:s0] =	ssyncset.done $0x0  }
0xf3: {  	[sflag:s0] =	ssyncadd.s32 $0xFFFFC000  }
0xf4: {  	[spmem:s3] =	stream.indirect.scatter.add.f32 [tilespmem:s8], [sflag:$0x3], $0x80, s31, s7, $0xb8;
	[tilespmem:$0x1C400] =	vst v63  }
0xf5: {  	_ =	swait.ge [sflag:s0], $0x4000  }
0xf6: {  	s22 =	simm.s32 $0x100;
	s5 =	simm.s32 $0x80;
	[sflag:s0] =	ssyncset.done $0x0  }
.LBB2_4:
0xf7: {  	s23 =	sadd.s32 s5, s20  }
0xf8: {  	[sflag:s0] =	ssyncadd.s32 $0xFFFFC000;
	s5 =	smov.u32 s22;
	s21 =	sadd.s32 $0x80, s22  }
0xf9: {  	[tilespmem:s6], [sflag:$0x3] =	stream.linear.gather [hbm4b:s23+s4], $0x400, $0x38;
	[tilespmem:$0x1C400] =	vst v63  }
0xfa: {  	p1 =	sne.s32 s22, $0x480;
	_ =	swait.ge [sflag:s0], $0x400  }
0xfb: {  	[sflag:s0] =	ssyncset.done $0x0  }
0xfc: {  	[sflag:s0] =	ssyncadd.s32 $0xFFFFFC00  }
0xfd: {  	[spmem:s3] =	stream.indirect.scatter.add.f32 [tilespmem:s8], [sflag:$0x3], $0x80, s6, s7, $0xb8;
	[tilespmem:$0x1C400] =	vst v63  }
0xfe: {  	_ =	swait.ge [sflag:s0], $0x4000  }
0xff: {  	[sflag:s0] =	ssyncset.done $0x0  }
0x100: {  	[sflag:s0] =	ssyncadd.s32 $0xFFFFC000  }
0x101: {  	[spmem:s3] =	stream.indirect.scatter.add.f32 [tilespmem:s8], [sflag:$0x3], $0x80, s12, s7, $0xb8;
	[tilespmem:$0x1C400] =	vst v63  }
0x102: {  	_ =	swait.ge [sflag:s0], $0x4000  }
0x103: {  	[sflag:s0] =	ssyncset.done $0x0  }
0x104: {  	[sflag:s0] =	ssyncadd.s32 $0xFFFFC000  }
0x105: {  	[spmem:s3] =	stream.indirect.scatter.add.f32 [tilespmem:s8], [sflag:$0x3], $0x80, s14, s7, $0xb8;
	[tilespmem:$0x1C400] =	vst v63  }
0x106: {  	_ =	swait.ge [sflag:s0], $0x4000  }
0x107: {  	[sflag:s0] =	ssyncset.done $0x0  }
0x108: {  	[sflag:s0] =	ssyncadd.s32 $0xFFFFC000  }
0x109: {  	[spmem:s3] =	stream.indirect.scatter.add.f32 [tilespmem:s8], [sflag:$0x3], $0x80, s17, s7, $0xb8;
	[tilespmem:$0x1C400] =	vst v63  }
0x10a: {  	_ =	swait.ge [sflag:s0], $0x4000  }
0x10b: {  	[sflag:s0] =	ssyncset.done $0x0  }
0x10c: {  	[sflag:s0] =	ssyncadd.s32 $0xFFFFC000  }
0x10d: {  	[spmem:s3] =	stream.indirect.scatter.add.f32 [tilespmem:s8], [sflag:$0x3], $0x80, s25, s7, $0xb8;
	[tilespmem:$0x1C400] =	vst v63  }
0x10e: {  	_ =	swait.ge [sflag:s0], $0x4000  }
0x10f: {  	[sflag:s0] =	ssyncset.done $0x0  }
0x110: {  	[sflag:s0] =	ssyncadd.s32 $0xFFFFC000  }
0x111: {  	[spmem:s3] =	stream.indirect.scatter.add.f32 [tilespmem:s8], [sflag:$0x3], $0x80, s29, s7, $0xb8;
	[tilespmem:$0x1C400] =	vst v63  }
0x112: {  	_ =	swait.ge [sflag:s0], $0x4000  }
0x113: {  	[sflag:s0] =	ssyncset.done $0x0  }
0x114: {  	[sflag:s0] =	ssyncadd.s32 $0xFFFFC000  }
0x115: {  	[spmem:s3] =	stream.indirect.scatter.add.f32 [tilespmem:s8], [sflag:$0x3], $0x80, s26, s7, $0xb8;
	[tilespmem:$0x1C400] =	vst v63  }
0x116: {  	_ =	swait.ge [sflag:s0], $0x4000  }
.Ltmp1:
0x117: {  	[sflag:s0] =	ssyncset.done $0x0;
	(pc) =	sbr.rel @p1 .LBB2_4-.Ltmp1, $4  }
0x118: {  	[sflag:s0] =	ssyncadd.s32 $0xFFFFC000  }
0x119: {  	[spmem:s3] =	stream.indirect.scatter.add.f32 [tilespmem:s8], [sflag:$0x3], $0x80, s31, s7, $0xb8;
	[tilespmem:$0x1C400] =	vst v63  }
0x11a: {  	_ =	swait.ge [sflag:s0], $0x4000  }
0x11b: {  	s22 =	smov.u32 s21;
	[sflag:s0] =	ssyncset.done $0x0  }
0x11c: {  	s5 =	sadd.s32 s5, s20;
	[sflag:s0] =	ssyncadd.s32 $0xFFFFC000  }
0x11d: {  	[tilespmem:s6], [sflag:$0x3] =	stream.linear.gather [hbm4b:s5+s4], $0x400, $0x38;
	[tilespmem:$0x1C400] =	vst v63  }
0x11e: {  	_ =	swait.ge [sflag:s0], $0x400  }
0x11f: {  	[sflag:s0] =	ssyncset.done $0x0  }
0x120: {  	[sflag:s0] =	ssyncadd.s32 $0xFFFFFC00  }
0x121: {  	[spmem:s3] =	stream.indirect.scatter.add.f32 [tilespmem:s8], [sflag:$0x3], $0x80, s6, s7, $0xb8;
	[tilespmem:$0x1C400] =	vst v63  }
0x122: {  	_ =	swait.ge [sflag:s0], $0x4000  }
0x123: {  	[sflag:s0] =	ssyncset.done $0x0  }
0x124: {  	[sflag:s0] =	ssyncadd.s32 $0xFFFFC000  }
0x125: {  	[spmem:s3] =	stream.indirect.scatter.add.f32 [tilespmem:s8], [sflag:$0x3], $0x80, s12, s7, $0xb8;
	[tilespmem:$0x1C400] =	vst v63  }
0x126: {  	_ =	swait.ge [sflag:s0], $0x4000  }
0x127: {  	[sflag:s0] =	ssyncset.done $0x0  }
0x128: {  	[sflag:s0] =	ssyncadd.s32 $0xFFFFC000  }
0x129: {  	[spmem:s3] =	stream.indirect.scatter.add.f32 [tilespmem:s8], [sflag:$0x3], $0x80, s14, s7, $0xb8;
	[tilespmem:$0x1C400] =	vst v63  }
0x12a: {  	_ =	swait.ge [sflag:s0], $0x4000  }
0x12b: {  	[sflag:s0] =	ssyncset.done $0x0  }
0x12c: {  	[sflag:s0] =	ssyncadd.s32 $0xFFFFC000  }
0x12d: {  	[spmem:s3] =	stream.indirect.scatter.add.f32 [tilespmem:s8], [sflag:$0x3], $0x80, s17, s7, $0xb8;
	[tilespmem:$0x1C400] =	vst v63  }
0x12e: {  	_ =	swait.ge [sflag:s0], $0x4000  }
0x12f: {  	[sflag:s0] =	ssyncset.done $0x0  }
0x130: {  	[sflag:s0] =	ssyncadd.s32 $0xFFFFC000  }
0x131: {  	[spmem:s3] =	stream.indirect.scatter.add.f32 [tilespmem:s8], [sflag:$0x3], $0x80, s25, s7, $0xb8;
	[tilespmem:$0x1C400] =	vst v63  }
0x132: {  	_ =	swait.ge [sflag:s0], $0x4000  }
0x133: {  	[sflag:s0] =	ssyncset.done $0x0  }
0x134: {  	[sflag:s0] =	ssyncadd.s32 $0xFFFFC000  }
0x135: {  	[spmem:s3] =	stream.indirect.scatter.add.f32 [tilespmem:s8], [sflag:$0x3], $0x80, s29, s7, $0xb8;
	[tilespmem:$0x1C400] =	vst v63  }
0x136: {  	_ =	swait.ge [sflag:s0], $0x4000  }
0x137: {  	[sflag:s0] =	ssyncset.done $0x0  }
0x138: {  	[sflag:s0] =	ssyncadd.s32 $0xFFFFC000  }
0x139: {  	[spmem:s3] =	stream.indirect.scatter.add.f32 [tilespmem:s8], [sflag:$0x3], $0x80, s26, s7, $0xb8;
	[tilespmem:$0x1C400] =	vst v63  }
0x13a: {  	_ =	swait.ge [sflag:s0], $0x4000  }
0x13b: {  	[sflag:s0] =	ssyncset.done $0x0  }
0x13c: {  	[sflag:s0] =	ssyncadd.s32 $0xFFFFC000  }
0x13d: {  	[spmem:s3] =	stream.indirect.scatter.add.f32 [tilespmem:s8], [sflag:$0x3], $0x80, s31, s7, $0xb8;
	[tilespmem:$0x1C400] =	vst v63  }
0x13e: {  	_ =	swait.ge [sflag:s0], $0x4000  }
0x13f: {  	[sflag:s0] =	ssyncset.done $0x0  }
0x140: {  	[sflag:s0] =	ssyncadd.s32 $0xFFFFC000  }
0x141: {  	[bflag:$0x0] =	sbarrier.arrive $0xFFFF  }
0x142: {  	s22 =	rddreg [dreg:$0xa]  }
0x143: {  	s21 =	rddreg [dreg:$0x1c]  }
0x144: {  	[hbm:s22], [sflag:s19] =	dma.local [spmem:s21], $0x800  }
0x145: {  	s5 =	rddreg [dreg:$0xb]  }
0x146: {  	s21 =	rddreg [dreg:$0x1d]  }
0x147: {  	[hbm:s5], [sflag:s19] =	dma.local [spmem:s21], $0x800  }
0x148: {  	s5 =	rddreg [dreg:$0xc]  }
0x149: {  	s21 =	rddreg [dreg:$0x1e]  }
0x14a: {  	[hbm:s5], [sflag:s19] =	dma.local [spmem:s21], $0x800  }
0x14b: {  	s18 =	sld [smem:$0x7FC];
	_ =	sdelay $0x1  }
0x14c: {  	s5 =	rddreg [dreg:$0xd]  }
0x14d: {  	[hbm:s5], [sflag:s19] =	dma.local [spmem:s18], $0x800  }
0x14e: {  	s18 =	sld [smem:$0x7FD];
	_ =	sdelay $0x1  }
0x14f: {  	s5 =	rddreg [dreg:$0xe]  }
0x150: {  	[hbm:s5], [sflag:s19] =	dma.local [spmem:s18], $0x780  }
0x151: {  	_ =	swait.ge [sflag:s2], $0x800  }
0x152: {  	[sflag:s2] =	ssyncset.done $0x0  }
0x153: {  	[sflag:s2] =	ssyncadd.s32 $0xFFFFF800  }
0x154: {  	_ =	swait.ge [sflag:s2], $0x800  }
0x155: {  	[sflag:s2] =	ssyncset.done $0x0  }
0x156: {  	[sflag:s2] =	ssyncadd.s32 $0xFFFFF800  }
0x157: {  	_ =	swait.ge [sflag:s2], $0x800  }
0x158: {  	[sflag:s2] =	ssyncset.done $0x0  }
0x159: {  	[sflag:s2] =	ssyncadd.s32 $0xFFFFF800  }
0x15a: {  	_ =	swait.ge [sflag:s2], $0x800  }
0x15b: {  	[sflag:s2] =	ssyncset.done $0x0  }
0x15c: {  	[sflag:s2] =	ssyncadd.s32 $0xFFFFF800  }
0x15d: {  	_ =	swait.ge [sflag:s2], $0x780  }
0x15e: {  	s23 =	rddreg [dreg:$0x1f]  }
0x15f: {  	s24 =	rddreg [dreg:$0x16];
	s18 =	sadd.s32 $0x1, s23  }
0x160: {  	p1 =	sne.s32 s18, s24  }
.Ltmp2:
0x161: {  	_ = 	snop;
	(pc) =	sbr.rel @p1 .LBB2_1-.Ltmp2, $3  }
0x162: {  	_ =	sdelay $0x1  }
0x163: {  	[sflag:s2] =	ssyncset.done $0x0  }
0x164: {  	s21 =	rddreg [dreg:$0x4];
	[sflag:s2] =	ssyncadd.s32 $0xFFFFF880  }
0x165: {  	_ =	sfence.sel $0x180000  }
0x166: {  	[bflag:$0x0] =	sbarrier.arrive $0xFFFF  }
0x167: {  	_ =	strace $0x90000047  }
0x168: {  	s0 =	stileid.u32;
	[bflag:$0x2] =	sbarrier.arrive $0xFFFF  }
0x169: {  	p0 =	sne.s32 s0, $0x0;
	s0 =	rddreg [dreg:$0x3]  }
0x16a: {  	s0 =	sadd.s32 @!p0 $0x100000, s0  }
0x16b: {  	[sflag:s0] =	ssyncadd.tile.s32 @!p0 $0x1;
	_ =	shalt  }
.Lfunc_end2:
_tile_overlayer_lowered:
.L_overlay_start_2:
0x16c: {  	(tag) =	ssettag $0x2  }
0x16d: {  	s0 =	rddreg [dreg:$0x0];
	s2 =	stileid.u32  }
0x16e: {  	s1 =	rddreg [dreg:$0x1];
	p0 =	sne.s32 s2, $0x0  }
0x16f: {  	s3 =	rddreg [dreg:$0x2];
	[bflag:$0x3] =	sbarrier.arrive $0xFFFF;
	s2 =	simm.s32 @!p0 $0x1C03  }
0x170: {  	[timem:s3], [sflag:s2] =	dma.local @!p0 [hbm:s0], s1  }
0x171: {  	s0 =	simm.s32 @!p0 $0x3  }
0x172: {  	_ =	swait.ge @!p0 [sflag:s0], s1  }
0x173: {  	s1 =	ssub.s32 @!p0 $0x0, s1;
	[sflag:s0] =	ssyncset.done @!p0 $0x0  }
0x174: {  	[sflag:s0] =	ssyncadd.s32 @!p0 s1  }
0x175: {  	[bflag:$0x3] =	sbarrier.arrive $0xFFFF  }
0x176: {  	_ =	shalt  }

// kernel: kernel.9.cloned.1.call-start
scs
__scs_entry_jumppad:
0x0: {  	(pc) =	sbr.rel $0x88, $3  }
0x1: {  	(tag) =	ssettag $0x0;
	lr =	simm.s32 $0x1  }
0x2: {  	[smem:$0x3F97] =	sst lr;
	_ =	strace $0xD0000000  }
0x3: {  	_ = 	snop  }
0x4: {  	_ = 	snop  }
0x5: {  	_ = 	snop  }
0x6: {  	_ = 	snop  }
0x7: {  	_ = 	snop  }
__scs_overlays_trampoline_lowered:
0x8: {  	[smem:$0x3FA6] =	sst s0  }
0x9: {  	[smem:$0x3FA7] =	sst s1  }
0xa: {  	[smem:$0x3FA8] =	sst s2  }
0xb: {  	[smem:$0x3FA9] =	sst s3  }
0xc: {  	[smem:$0x3FAA] =	sst s4  }
0xd: {  	[smem:$0x3FAB] =	sst s5  }
0xe: {  	[smem:$0x3FAC] =	sst s6  }
0xf: {  	[smem:$0x3FAD] =	sst s7  }
0x10: {  	[smem:$0x3FAE] =	sst s8  }
0x11: {  	[smem:$0x3FAF] =	sst s9;
	s0 =	simm.s32 @!p0 $0x0  }
0x12: {  	s1 =	sld [smem:$0x3F95];
	s0 =	simm.s32 @p0 $0x1  }
0x13: {  	[smem:$0x3FB0] =	sst s0;
	s0 =	simm.s32 @!p1 $0x0  }
0x14: {  	s2 =	sld [smem:$0x3F94];
	s0 =	simm.s32 @p1 $0x1  }
0x15: {  	[smem:$0x3FB1] =	sst s0;
	s0 =	simm.s32 @!p2 $0x0  }
0x16: {  	s3 =	sld [smem:$0x3FDB];
	s0 =	simm.s32 @p2 $0x1  }
0x17: {  	s4 =	simm.s32 $0x1BF5;
	[smem:$0x3FB3] =	sst s0  }
0x18: {  	s0 =	sld [smem:$0x3F96];
	_ =	swait.ge [sflag:s4], $0x0  }
0x19: {  	s7 =	sld [smem:$0x3F97]  }
0x1a: {  	s8 =	sadd.s32 $0xFFFFE003, lr  }
0x1b: {  	s9 =	sadd.s32 $0xFFFFFEF7, lr;
	s5 =	simm.s32 $0xFFFFFFFF;
	p2 =	slt.u32 s8, $0xFFFFF086  }
0x1c: {  	p1 =	slt.u32 s9, $0xF7A;
	s5 =	simm.s32 @!p2 $0x0  }
0x1d: {  	s5 =	simm.s32 @p1 $0x1;
	p0 =	seq.s32 s7, s2  }
0x1e: {  	s7 =	smul.u32 @!p0 $0xF7A, s2;
	p2 =	seq.s32 @!p0 s5, $0x0  }
0x1f: {  	s9 =	smul.u32 $0xF7A, s1;
	s8 =	simm.s32 @!p0 $0x1BF5;
	p2 =	por !p2, p0  }
0x20: {  	[sflag:s8] =	ssyncset.s32 @!p0 $0xFFFFF086;
	s6 =	sadd.s32 @!p0 s3, s7;
	s7 =	simm.s32 @!p0 $0x108  }
0x21: {  	s3 =	sadd.s32 s3, s9;
	s6 =	sadd.s32 @!p0 $0x88, s6;
	s7 =	simm.s32 @p2 $0x1082  }
0x22: {  	[simem:s7], [sflag:s8] =	dma.local @!p0 [hbm:s6], $0xF7A  }
0x23: {  	s9 =	sor.u32 $0xD0000000, s2;
	s6 =	simm.s32 $0x108;
	_ =	swait.ge @!p0 [sflag:s8], $0x0  }
0x24: {  	s3 =	sadd.s32 $0x88, s3;
	s6 =	simm.s32 @!p1 $0x1082;
	[sflag:s4] =	ssyncset.s32 $0xFFFFF086  }
0x25: {  	[simem:s6], [sflag:s4] =	dma.local [hbm:s3], $0xF7A  }
0x26: {  	[smem:$0x3F97] =	sst s1;
	(tag) =	ssettag s2;
	_ =	strace s9  }
0x27: {  	s1 =	sld [smem:$0x3FA7]  }
0x28: {  	s2 =	sld [smem:$0x3FA8]  }
0x29: {  	s4 =	sld [smem:$0x3FAA]  }
0x2a: {  	p0 =	seq.s32 s5, $0x0;
	s5 =	sld [smem:$0x3FAB]  }
0x2b: {  	s6 =	sld [smem:$0x3FAC]  }
0x2c: {  	s7 =	sld [smem:$0x3FAD]  }
0x2d: {  	s3 =	simm.s32 $0x108;
	s8 =	sld [smem:$0x3FAE]  }
0x2e: {  	s3 =	simm.s32 @!p0 $0x1082;
	s9 =	sld [smem:$0x3FAF]  }
0x2f: {  	lr =	sadd.s32 s0, s3;
	s0 =	sld [smem:$0x3FA6]  }
0x30: {  	s3 =	sld [smem:$0x3FA9]  }
0x31: {  	[smem:$0x3FB2] =	sst s10  }
0x32: {  	s10 =	sld [smem:$0x3FB0];
	_ =	sdelay $0x3  }
0x33: {  	p0 =	seq.s32 s10, $0x1;
	s10 =	sld [smem:$0x3FB2];
	_ =	sdelay $0x3  }
0x34: {  	[smem:$0x3FB2] =	sst s10  }
0x35: {  	s10 =	sld [smem:$0x3FB1];
	_ =	sdelay $0x3  }
0x36: {  	p1 =	seq.s32 s10, $0x1;
	s10 =	sld [smem:$0x3FB2];
	_ =	sdelay $0x3  }
0x37: {  	[smem:$0x3FB2] =	sst s10  }
0x38: {  	s10 =	sld [smem:$0x3FB3]  }
0x39: {  	_ = 	snop;
	(pc) =	sbr.ind lr, $3  }
0x3a: {  	_ = 	snop  }
0x3b: {  	_ = 	snop  }
0x3c: {  	p2 =	seq.s32 s10, $0x1;
	s10 =	sld [smem:$0x3FB2]  }
0x3d: {  	_ =	shalt  }
0x3e: {  	_ =	shalt  }
0x3f: {  	_ =	shalt  }
0x40: {  	_ =	shalt  }
0x41: {  	_ =	shalt  }
0x42: {  	_ =	shalt  }
0x43: {  	_ =	shalt  }
0x44: {  	_ =	shalt  }
0x45: {  	_ =	shalt  }
0x46: {  	_ =	shalt  }
0x47: {  	_ =	shalt  }
0x48: {  	_ =	shalt  }
0x49: {  	_ =	shalt  }
0x4a: {  	_ =	shalt  }
0x4b: {  	_ =	shalt  }
0x4c: {  	_ =	shalt  }
0x4d: {  	_ =	shalt  }
0x4e: {  	_ =	shalt  }
0x4f: {  	_ =	shalt  }
0x50: {  	_ =	shalt  }
0x51: {  	_ =	shalt  }
0x52: {  	_ =	shalt  }
0x53: {  	_ =	shalt  }
0x54: {  	_ =	shalt  }
0x55: {  	_ =	shalt  }
0x56: {  	_ =	shalt  }
0x57: {  	_ =	shalt  }
0x58: {  	_ =	shalt  }
0x59: {  	_ =	shalt  }
0x5a: {  	_ =	shalt  }
0x5b: {  	_ =	shalt  }
0x5c: {  	_ =	shalt  }
0x5d: {  	_ =	shalt  }
0x5e: {  	_ =	shalt  }
0x5f: {  	_ =	shalt  }
0x60: {  	_ =	shalt  }
0x61: {  	_ =	shalt  }
0x62: {  	_ =	shalt  }
0x63: {  	_ =	shalt  }
0x64: {  	_ =	shalt  }
0x65: {  	_ =	shalt  }
0x66: {  	_ =	shalt  }
0x67: {  	_ =	shalt  }
0x68: {  	_ =	shalt  }
0x69: {  	_ =	shalt  }
0x6a: {  	_ =	shalt  }
0x6b: {  	_ =	shalt  }
0x6c: {  	_ =	shalt  }
0x6d: {  	_ =	shalt  }
0x6e: {  	_ =	shalt  }
0x6f: {  	_ =	shalt  }
0x70: {  	_ =	shalt  }
0x71: {  	_ =	shalt  }
0x72: {  	_ =	shalt  }
0x73: {  	_ =	shalt  }
0x74: {  	_ =	shalt  }
0x75: {  	_ =	shalt  }
0x76: {  	_ =	shalt  }
0x77: {  	_ =	shalt  }
0x78: {  	_ =	shalt  }
0x79: {  	_ =	shalt  }
0x7a: {  	_ =	shalt  }
0x7b: {  	_ =	shalt  }
0x7c: {  	_ =	shalt  }
0x7d: {  	_ =	shalt  }
0x7e: {  	_ =	shalt  }
0x7f: {  	_ =	shalt  }
0x80: {  	_ =	shalt  }
0x81: {  	_ =	shalt  }
0x82: {  	_ =	shalt  }
0x83: {  	_ =	shalt  }
0x84: {  	_ =	shalt  }
0x85: {  	_ =	shalt  }
0x86: {  	_ =	shalt  }
0x87: {  	_ =	shalt  }
.Lfunc_end0:
.L_simem_size_0:
called_computation.1_lowered:
.L_overlay_start_0:
0x88: {  	s2 =	sld [smem:$0x3FD9]  }
0x89: {  	s3 =	sld [smem:$0x3FFE];
	_ =	sdelay $0x1  }
0x8a: {  	s1 =	srdreg.scid  }
0x8b: {  	s0 =	sand.u32 $0x1, s1  }
0x8c: {  	s16 =	sshll.u32 s0, $0xA;
	s2 =	sadd.s32 s3, s2  }
0x8d: {  	s2 =	sadd.s32 s2, s16  }
0x8e: {  	[smem:$0x3FBE] =	sst s2  }
0x8f: {  	_ = 	snop  }
0x90: {  	(tm) =	ssettm $0x1  }
0x91: {  	s17 =	sld [smem:$0x3FFB];
	_ =	sdelay $0x3  }
0x92: {  	_ =	strace s17  }
0x93: {  	s2 =	sld [smem:$0x3FFC];
	_ =	sdelay $0x3  }
0x94: {  	_ =	strace s2  }
0x95: {  	s2 =	sld [smem:$0x3FFD];
	_ =	sdelay $0x3  }
0x96: {  	_ =	strace s2  }
0x97: {  	_ =	strace $0x8FFFFFFF  }
0x98: {  	s18 =	sld [smem:$0x3FDB];
	_ =	sdelay $0x1  }
0x99: {  	s19 =	simm.s32 $_scs_section_size  }
0x9a: {  	s4 =	simm.s32 $_size__tile_overlayer_lowered;
	s5 =	simm.s32 $_tile_overlayer_lowered  }
0x9b: {  	s22 =	simm.s32 $0x1BFF;
	s21 =	sshll.u32 s5, $0x1;
	s2 =	sadd.s32 s19, s18  }
0x9c: {  	s6 =	simm.s32 $0x0;
	s20 =	sshll.u32 s4, $0x1;
	s4 =	sadd.s32 s21, s2  }
0x9d: {  	[timem:s6], [sflag:s22] =	dma.local [hbm:s4], s20  }
0x9e: {  	_ =	swait.ge [sflag:s22], s20  }
0x9f: {  	s3 =	ssub.s32 $0x0, s20;
	[sflag:s22] =	ssyncset.done $0x0  }
0xa0: {  	[sflag:s22] =	ssyncadd.s32 s3;
	_ =	sdelay $0x1  }
0xa1: {  	s23 =	simm.s32 $0x1B8B  }
0xa2: {  	_ =	swait.ge [sflag:s23], $0x1  }
0xa3: {  	[sflag:s23] =	ssyncset.done $0x0  }
0xa4: {  	s25 =	simm.s32 $0x1B8E;
	s24 =	sld [smem:$0x3FFE];
	[sflag:s23] =	ssyncadd.s32 $0xFFFFFFFF  }
0xa5: {  	s26 =	simm.s32 $execute0_lowered;
	[smem:$0x3FD2] =	sst s25  }
0xa6: {  	s4 =	sshll.u32 s26, $0x1;
	_ =	strace $0x80000049;
	[dreg:$0x1] =	wrdreg $0xFFFFFFFF  }
0xa7: {  	s28 =	simm.s32 $_size_execute0_lowered;
	s2 =	sadd.s32 s2, s4;
	[dreg:$0x0] =	wrdreg $0x0  }
0xa8: {  	s4 =	sshll.u32 s28, $0x1;
	[dreg:$0x2] =	wrdreg s2  }
0xa9: {  	[dreg:$0x3] =	wrdreg s4  }
0xaa: {  	[dreg:$0x4] =	wrdreg $0xC0  }
0xab: {  	_ =	task [dreg:s6], $0x5FFFF  }
0xac: {  	[dreg:$0x1] =	wrdreg $0xFFFFFFFF  }
0xad: {  	[dreg:$0x0] =	wrdreg $0x60  }
0xae: {  	[dreg:$0x2] =	wrdreg s24  }
0xaf: {  	[dreg:$0x3] =	wrdreg $0x88000  }
0xb0: {  	[dreg:$0x4] =	wrdreg $0x9  }
0xb1: {  	_ =	task.clear_ibuf [dreg:s6], $0x5FFFF;
	_ =	strace $0x90000049  }
0xb2: {  	s29 =	simm.s32 $0x9;
	_ =	strace $0x8000004B  }
0xb3: {  	_ =	swait.ge [sflag:s29], $0x1  }
0xb4: {  	[sflag:s29] =	ssyncadd.s32 $0xFFFFFFFF  }
0xb5: {  	_ =	strace $0x9000004B  }
0xb6: {  	_ =	sfence  }
0xb7: {  	s30 =	sld [smem:$0x0];
	_ =	sdelay $0x2  }
0xb8: {  	s31 =	sshll.u32 s1, $0xD;
	s1 =	sshrl.u32 s1, $0x2  }
0xb9: {  	s3 =	sand.u32 $0x4000, s31;
	s1 =	sadd.s32 s1, s30  }
0xba: {  	s0 =	sor.u32 s3, s0;
	s1 =	sshll.u32 s1, $0x11  }
0xbb: {  	s0 =	sor.u32 s1, s0  }
0xbc: {  	s0 =	sadd.s32 $0x8F2B, s0  }
0xbd: {  	[sflag:s0] =	ssyncadd.remote.s32 $0x1  }
0xbe: {  	_ =	sfence.sel $0xFFFF  }
0xbf: {  	[dreg:$0x0] =	wrdreg $0xFFFFFFFF;
	(pc) =	sbr.abs _section_cstart, $3  }
0xc0: {  	[dreg:$0x1] =	wrdreg $0xFFFFFFFF  }
0xc1: {  	_ =	task.clear_ibuf [dreg:s6], $0x2FFFF;
	_ =	strace $0x9FFFFFFF  }
0xc2: {  	(tm) =	ssettm $0x7FFFFFFF  }
0xc3: {  	_ =	shalt  }
tec
execute0_lowered:
.L_overlay_start_1:
0x0: {  	(tag) =	ssettag $0x1  }
0x1: {  	s0 =	rddreg [dreg:$0x0]  }
0x2: {  	s2 =	rddreg [dreg:$0x1];
	s3 =	simm.s32 $0x0;
	s10 =	stileid.u32  }
0x3: {  	s1 =	srdreg.scid;
	s28 =	simm.s32 $0x80;
	s29 =	simm.s32 $0x800  }
0x4: {  	s30 =	simm.s32 $0x4800;
	s31 =	simm.s32 $0x100;
	s5 =	smul.u32 $0x98, s10  }
0x5: {  	[smem:$0x7FF] =	sst s3;
	s1 =	sand.u32 $0x1, s1;
	s6 =	smul.u32 $0x278, s10  }
0x6: {  	s4 =	sshll.u32 s10, $0x3;
	s24 =	smul.u32 $0x4F000, s10;
	s25 =	sadd.s32 $0x17A00, s0  }
0x7: {  	s10 =	sshll.u32 s10, $0x6;
	s11 =	sadd.s32 $0x18200, s0;
	s15 =	sadd.s32 $0x18A00, s0  }
0x8: {  	s17 =	sadd.s32 $0x19200, s0;
	_ =	strace $0x8000004A;
	[dreg:$0x3] =	wrdreg s25  }
0x9: {  	p0 =	seq.s32 s1, $0x0;
	s7 =	sor.u32 $0x980, s4;
	[dreg:$0x4] =	wrdreg s11  }
0xa: {  	s8 =	smul.u32 $0x2780, s1;
	s4 =	sadd.s32 $0x41400, s0;
	[dreg:$0x6] =	wrdreg s15  }
0xb: {  	s12 =	ssub.s32 $0x2, s1;
	[dreg:$0x8] =	wrdreg s17;
	s11 =	simm.s32 $0x600  }
0xc: {  	s15 =	simm.s32 $0x700;
	s17 =	simm.s32 $0x0;
	s7 =	smov.u32 @p0 s5  }
0xd: {  	s9 =	sshrl.u32 s12, $0x1;
	p0 =	sne.s32 s1, $0x0;
	s1 =	simm.s32 $0x480  }
0xe: {  	s5 =	sshll.u32 s7, $0x4;
	s6 =	sadd.s32 s6, s8;
	s7 =	sshrl.u32 s24, $0x2  }
0xf: {  	s9 =	ssub.s32 s12, s9;
	s8 =	simm.s32 $0x200;
	s12 =	simm.s32 $0x300  }
0x10: {  	s5 =	sadd.s32 s5, s0;
	s7 =	sadd.s32 s7, s2;
	s24 =	smax.u32 s9, $0x1  }
0x11: {  	s6 =	sshll.u32 s6, $0x4;
	s14 =	sadd.s32 $0x8000, s7;
	[dreg:$0x10] =	wrdreg s24  }
0x12: {  	s9 =	simm.s32 $0x580;
	s16 =	sadd.s32 $0xC000, s7;
	[dreg:$0x5] =	wrdreg s14  }
0x13: {  	s26 =	sadd.s32 s6, s0;
	s18 =	sadd.s32 $0x10000, s7;
	[dreg:$0x7] =	wrdreg s16  }
0x14: {  	s6 =	sor.u32 $0x1C01, s10;
	s0 =	sadd.s32 $0x19A00, s0;
	[dreg:$0x9] =	wrdreg s18  }
0x15: {  	s13 =	sadd.s32 $0x4000, s7;
	s25 =	sadd.s32 $0x3200, s5;
	[dreg:$0xa] =	wrdreg s0  }
0x16: {  	s24 =	simm.s32 $0x1;
	s19 =	sadd.s32 $0x68600, s26;
	[dreg:$0x11] =	wrdreg s25  }
0x17: {  	s10 =	simm.s32 $0x280;
	s20 =	sadd.s32 $0x68E00, s26;
	[dreg:$0xb] =	wrdreg s19  }
0x18: {  	s21 =	sadd.s32 $0x69600, s26;
	s22 =	sadd.s32 $0x69E00, s26;
	[dreg:$0xc] =	wrdreg s20  }
0x19: {  	s23 =	sadd.s32 $0x6A600, s26;
	s26 =	sadd.s32 $0xD200, s5;
	[dreg:$0xd] =	wrdreg s21  }
0x1a: {  	s25 =	simm.s32 $0x3;
	s0 =	simm.s32 $0x2;
	[dreg:$0xe] =	wrdreg s22  }
0x1b: {  	s5 =	simm.s32 $0x180;
	s14 =	simm.s32 $0x380;
	[dreg:$0xf] =	wrdreg s23  }
0x1c: {  	s16 =	simm.s32 $0x780;
	[dreg:$0x12] =	wrdreg s26;
	s22 =	sshrl.u32 s7, $0x3  }
0x1d: {  	s23 =	sshrl.u32 s13, $0x3;
	s26 =	simm.s32 $0x400;
	[dreg:$0x13] =	wrdreg s22  }
0x1e: {  	s7 =	simm.s32 $0x500;
	s13 =	simm.s32 $0x680;
	[dreg:$0x14] =	wrdreg s23  }
.LBB2_1:
0x1f: {  	s18 =	rddreg [dreg:$0x3]  }
0x20: {  	[spmem:s22], [sflag:s6] =	dma.local [hbm:s18], $0x800  }
0x21: {  	s18 =	rddreg [dreg:$0x4]  }
0x22: {  	[spmem:s23], [sflag:s6] =	dma.local [hbm:s18], $0x800  }
0x23: {  	s18 =	rddreg [dreg:$0x5]  }
0x24: {  	s19 =	rddreg [dreg:$0x6];
	s18 =	sshrl.u32 s18, $0x3  }
0x25: {  	[spmem:s18], [sflag:s6] =	dma.local [hbm:s19], $0x800  }
0x26: {  	s19 =	rddreg [dreg:$0x7]  }
0x27: {  	s20 =	rddreg [dreg:$0x8];
	s19 =	sshrl.u32 s19, $0x3  }
0x28: {  	[spmem:s19], [sflag:s6] =	dma.local [hbm:s20], $0x800  }
0x29: {  	s20 =	rddreg [dreg:$0x9]  }
0x2a: {  	s21 =	rddreg [dreg:$0xa];
	s20 =	sshrl.u32 s20, $0x3  }
0x2b: {  	[spmem:s20], [sflag:s6] =	dma.local [hbm:s21], $0x780  }
0x2c: {  	_ =	swait.ge [sflag:s24], $0x800  }
0x2d: {  	[sflag:s24] =	ssyncset.done $0x0  }
0x2e: {  	[sflag:s24] =	ssyncadd.s32 $0xFFFFF800  }
0x2f: {  	_ =	swait.ge [sflag:s24], $0x800  }
0x30: {  	[sflag:s24] =	ssyncset.done $0x0  }
0x31: {  	[sflag:s24] =	ssyncadd.s32 $0xFFFFF800  }
0x32: {  	_ =	swait.ge [sflag:s24], $0x800  }
0x33: {  	[sflag:s24] =	ssyncset.done $0x0  }
0x34: {  	[sflag:s24] =	ssyncadd.s32 $0xFFFFF800  }
0x35: {  	_ =	swait.ge [sflag:s24], $0x800  }
0x36: {  	[sflag:s24] =	ssyncset.done $0x0  }
0x37: {  	[sflag:s24] =	ssyncadd.s32 $0xFFFFF800  }
0x38: {  	_ =	swait.ge [sflag:s24], $0x780  }
0x39: {  	[sflag:s24] =	ssyncset.done $0x0  }
0x3a: {  	[sflag:s24] =	ssyncadd.s32 $0xFFFFF880  }
0x3b: {  	[bflag:$0x0] =	sbarrier.arrive $0xFFFF  }
0x3c: {  	s21 =	rddreg [dreg:$0x12]  }
0x3d: {  	s23 =	simm.s32 $0x0;
	s22 =	rddreg [dreg:$0x11]  }
.LBB2_2:
0x3e: {  	[tilespmem:s3], [sflag:$0x3] =	stream.linear.gather [hbm4b:s21+s3], $0x400, $0x38;
	[tilespmem:$0x1C400] =	vst v63  }
0x3f: {  	_ =	swait.ge [sflag:s25], $0x400  }
0x40: {  	[sflag:s25] =	ssyncset.done $0x0  }
0x41: {  	[sflag:s25] =	ssyncadd.s32 $0xFFFFFC00  }
0x42: {  	[tilespmem:s26], [sflag:$0x3] =	stream.linear.gather [hbm4b:s22+s3], $0x400, $0x38;
	[tilespmem:$0x1C400] =	vst v63  }
0x43: {  	_ =	swait.ge [sflag:s25], $0x400  }
0x44: {  	[sflag:s25] =	ssyncset.done $0x0  }
0x45: {  	[sflag:s25] =	ssyncadd.s32 $0xFFFFFC00  }
0x46: {  	[tilespmem:s29], [sflag:$0x1] =	stream.indirect.gather [hbm4b:s4+s28], $0x80, s3, s28, $0xb8;
	[tilespmem:$0x1C400] =	vst v63  }
0x47: {  	_ = 	snop  }
0x48: {  	[tilespmem:s30], [sflag:$0x2] =	stream.indirect.gather [hbm4b:s4+s28], $0x80, s28, s28, $0xb8;
	[tilespmem:$0x1C400] =	vst v63  }
0x49: {  	_ =	swait.ge [sflag:s24], $0x4000  }
0x4a: {  	[sflag:s24] =	ssyncset.done $0x0  }
0x4b: {  	[sflag:s24] =	ssyncadd.s32 $0xFFFFC000  }
0x4c: {  	[spmem:s2] =	stream.indirect.scatter.add.f32 [tilespmem:s29], [sflag:$0x3], $0x80, s26, s28, $0xb8;
	[tilespmem:$0x1C400] =	vst v63  }
0x4d: {  	_ =	swait.ge [sflag:s25], $0x4000  }
0x4e: {  	[sflag:s25] =	ssyncset.done $0x0  }
0x4f: {  	[sflag:s25] =	ssyncadd.s32 $0xFFFFC000  }
0x50: {  	[tilespmem:s29], [sflag:$0x1] =	stream.indirect.gather [hbm4b:s4+s28], $0x80, s31, s28, $0xb8;
	[tilespmem:$0x1C400] =	vst v63  }
0x51: {  	_ =	swait.ge [sflag:s0], $0x4000  }
0x52: {  	[sflag:s0] =	ssyncset.done $0x0  }
0x53: {  	[sflag:s0] =	ssyncadd.s32 $0xFFFFC000  }
0x54: {  	[spmem:s2] =	stream.indirect.scatter.add.f32 [tilespmem:s30], [sflag:$0x3], $0x80, s1, s28, $0xb8;
	[tilespmem:$0x1C400] =	vst v63  }
0x55: {  	_ =	swait.ge [sflag:s25], $0x4000  }
0x56: {  	[sflag:s25] =	ssyncset.done $0x0  }
0x57: {  	[sflag:s25] =	ssyncadd.s32 $0xFFFFC000  }
0x58: {  	[tilespmem:s30], [sflag:$0x2] =	stream.indirect.gather [hbm4b:s4+s28], $0x80, s5, s28, $0xb8;
	[tilespmem:$0x1C400] =	vst v63  }
0x59: {  	_ =	swait.ge [sflag:s24], $0x4000  }
0x5a: {  	[sflag:s24] =	ssyncset.done $0x0  }
0x5b: {  	[sflag:s24] =	ssyncadd.s32 $0xFFFFC000  }
0x5c: {  	[spmem:s2] =	stream.indirect.scatter.add.f32 [tilespmem:s29], [sflag:$0x3], $0x80, s7, s28, $0xb8;
	[tilespmem:$0x1C400] =	vst v63  }
0x5d: {  	_ =	swait.ge [sflag:s25], $0x4000  }
0x5e: {  	[sflag:s25] =	ssyncset.done $0x0  }
0x5f: {  	[sflag:s25] =	ssyncadd.s32 $0xFFFFC000  }
0x60: {  	[tilespmem:s29], [sflag:$0x1] =	stream.indirect.gather [hbm4b:s4+s28], $0x80, s8, s28, $0xb8;
	[tilespmem:$0x1C400] =	vst v63  }
0x61: {  	_ =	swait.ge [sflag:s0], $0x4000  }
0x62: {  	[sflag:s0] =	ssyncset.done $0x0  }
0x63: {  	[sflag:s0] =	ssyncadd.s32 $0xFFFFC000  }
0x64: {  	[spmem:s2] =	stream.indirect.scatter.add.f32 [tilespmem:s30], [sflag:$0x3], $0x80, s9, s28, $0xb8;
	[tilespmem:$0x1C400] =	vst v63  }
0x65: {  	_ =	swait.ge [sflag:s25], $0x4000  }
0x66: {  	[sflag:s25] =	ssyncset.done $0x0  }
0x67: {  	[sflag:s25] =	ssyncadd.s32 $0xFFFFC000  }
0x68: {  	[tilespmem:s30], [sflag:$0x2] =	stream.indirect.gather [hbm4b:s4+s28], $0x80, s10, s28, $0xb8;
	[tilespmem:$0x1C400] =	vst v63  }
0x69: {  	_ =	swait.ge [sflag:s24], $0x4000  }
0x6a: {  	[sflag:s24] =	ssyncset.done $0x0  }
0x6b: {  	[sflag:s24] =	ssyncadd.s32 $0xFFFFC000  }
0x6c: {  	[spmem:s2] =	stream.indirect.scatter.add.f32 [tilespmem:s29], [sflag:$0x3], $0x80, s11, s28, $0xb8;
	[tilespmem:$0x1C400] =	vst v63  }
0x6d: {  	_ =	swait.ge [sflag:s25], $0x4000  }
0x6e: {  	[sflag:s25] =	ssyncset.done $0x0  }
0x6f: {  	[sflag:s25] =	ssyncadd.s32 $0xFFFFC000  }
0x70: {  	[tilespmem:s29], [sflag:$0x1] =	stream.indirect.gather [hbm4b:s4+s28], $0x80, s12, s28, $0xb8;
	[tilespmem:$0x1C400] =	vst v63  }
0x71: {  	_ =	swait.ge [sflag:s0], $0x4000  }
0x72: {  	[sflag:s0] =	ssyncset.done $0x0  }
0x73: {  	[sflag:s0] =	ssyncadd.s32 $0xFFFFC000  }
0x74: {  	[spmem:s2] =	stream.indirect.scatter.add.f32 [tilespmem:s30], [sflag:$0x3], $0x80, s13, s28, $0xb8;
	[tilespmem:$0x1C400] =	vst v63  }
0x75: {  	_ =	swait.ge [sflag:s25], $0x4000  }
0x76: {  	[sflag:s25] =	ssyncset.done $0x0  }
0x77: {  	[sflag:s25] =	ssyncadd.s32 $0xFFFFC000  }
0x78: {  	[tilespmem:s30], [sflag:$0x2] =	stream.indirect.gather [hbm4b:s4+s28], $0x80, s14, s28, $0xb8;
	[tilespmem:$0x1C400] =	vst v63  }
0x79: {  	_ =	swait.ge [sflag:s24], $0x4000  }
0x7a: {  	[sflag:s24] =	ssyncset.done $0x0  }
0x7b: {  	[sflag:s24] =	ssyncadd.s32 $0xFFFFC000  }
0x7c: {  	[spmem:s2] =	stream.indirect.scatter.add.f32 [tilespmem:s29], [sflag:$0x3], $0x80, s15, s28, $0xb8;
	[tilespmem:$0x1C400] =	vst v63  }
0x7d: {  	_ =	swait.ge [sflag:s25], $0x4000  }
0x7e: {  	[sflag:s25] =	ssyncset.done $0x0  }
0x7f: {  	[sflag:s25] =	ssyncadd.s32 $0xFFFFC000  }
0x80: {  	p1 =	slt.u32 @!p0 s23, $0x12;
	_ =	swait.ge [sflag:s0], $0x4000  }
0x81: {  	p1 =	por p0, !p1;
	[sflag:s0] =	ssyncset.done $0x0  }
.Ltmp0:
0x82: {  	[sflag:s0] =	ssyncadd.s32 $0xFFFFC000;
	(pc) =	sbr.rel @!p1 .LBB2_2-.Ltmp0, $4  }
0x83: {  	[spmem:s2] =	stream.indirect.scatter.add.f32 [tilespmem:s30], [sflag:$0x3], $0x80, s16, s28, $0xb8;
	[tilespmem:$0x1C400] =	vst v63  }
0x84: {  	_ =	swait.ge [sflag:s25], $0x4000  }
0x85: {  	s23 =	sadd.s32 $0x1, s23;
	[sflag:s25] =	ssyncset.done $0x0  }
0x86: {  	s21 =	sadd.s32 $0x80, s21;
	s22 =	sadd.s32 $0x80, s22;
	[sflag:s25] =	ssyncadd.s32 $0xFFFFC000  }
0x87: {  	[bflag:$0x0] =	sbarrier.arrive $0xFFFF  }
0x88: {  	s21 =	rddreg [dreg:$0xb]  }
0x89: {  	s22 =	rddreg [dreg:$0x13]  }
0x8a: {  	[hbm:s21], [sflag:s6] =	dma.local [spmem:s22], $0x800  }
0x8b: {  	s21 =	rddreg [dreg:$0xc]  }
0x8c: {  	s23 =	rddreg [dreg:$0x14]  }
0x8d: {  	[hbm:s21], [sflag:s6] =	dma.local [spmem:s23], $0x800  }
0x8e: {  	s21 =	rddreg [dreg:$0xd]  }
0x8f: {  	[hbm:s21], [sflag:s6] =	dma.local [spmem:s18], $0x800  }
0x90: {  	s18 =	rddreg [dreg:$0xe]  }
0x91: {  	[hbm:s18], [sflag:s6] =	dma.local [spmem:s19], $0x800  }
0x92: {  	s18 =	rddreg [dreg:$0xf]  }
0x93: {  	[hbm:s18], [sflag:s6] =	dma.local [spmem:s20], $0x780  }
0x94: {  	_ =	swait.ge [sflag:s24], $0x800  }
0x95: {  	[sflag:s24] =	ssyncset.done $0x0  }
0x96: {  	[sflag:s24] =	ssyncadd.s32 $0xFFFFF800  }
0x97: {  	_ =	swait.ge [sflag:s24], $0x800  }
0x98: {  	[sflag:s24] =	ssyncset.done $0x0  }
0x99: {  	[sflag:s24] =	ssyncadd.s32 $0xFFFFF800  }
0x9a: {  	_ =	swait.ge [sflag:s24], $0x800  }
0x9b: {  	[sflag:s24] =	ssyncset.done $0x0  }
0x9c: {  	[sflag:s24] =	ssyncadd.s32 $0xFFFFF800  }
0x9d: {  	_ =	swait.ge [sflag:s24], $0x800  }
0x9e: {  	[sflag:s24] =	ssyncset.done $0x0  }
0x9f: {  	[sflag:s24] =	ssyncadd.s32 $0xFFFFF800  }
0xa0: {  	_ =	swait.ge [sflag:s24], $0x780  }
0xa1: {  	s17 =	sadd.s32 $0x1, s17;
	s21 =	rddreg [dreg:$0x10]  }
0xa2: {  	p1 =	sne.s32 s17, s21  }
.Ltmp1:
0xa3: {  	_ = 	snop;
	(pc) =	sbr.rel @p1 .LBB2_1-.Ltmp1, $3  }
0xa4: {  	_ =	sdelay $0x1  }
0xa5: {  	[sflag:s24] =	ssyncset.done $0x0  }
0xa6: {  	[sflag:s24] =	ssyncadd.s32 $0xFFFFF880  }
0xa7: {  	_ =	sfence.sel $0x180000  }
0xa8: {  	[bflag:$0x0] =	sbarrier.arrive $0xFFFF  }
0xa9: {  	_ =	strace $0x9000004A  }
0xaa: {  	s0 =	stileid.u32;
	[bflag:$0x2] =	sbarrier.arrive $0xFFFF  }
0xab: {  	p0 =	sne.s32 s0, $0x0;
	s0 =	rddreg [dreg:$0x2]  }
0xac: {  	s0 =	sadd.s32 @!p0 $0x100000, s0  }
0xad: {  	[sflag:s0] =	ssyncadd.tile.s32 @!p0 $0x1;
	_ =	shalt  }
.Lfunc_end2:
_tile_overlayer_lowered:
.L_overlay_start_2:
0xae: {  	(tag) =	ssettag $0x2  }
0xaf: {  	s0 =	rddreg [dreg:$0x0];
	s2 =	stileid.u32  }
0xb0: {  	s1 =	rddreg [dreg:$0x1];
	p0 =	sne.s32 s2, $0x0  }
0xb1: {  	s3 =	rddreg [dreg:$0x2];
	[bflag:$0x3] =	sbarrier.arrive $0xFFFF;
	s2 =	simm.s32 @!p0 $0x1C03  }
0xb2: {  	[timem:s3], [sflag:s2] =	dma.local @!p0 [hbm:s0], s1  }
0xb3: {  	s0 =	simm.s32 @!p0 $0x3  }
0xb4: {  	_ =	swait.ge @!p0 [sflag:s0], s1  }
0xb5: {  	s1 =	ssub.s32 @!p0 $0x0, s1;
	[sflag:s0] =	ssyncset.done @!p0 $0x0  }
0xb6: {  	[sflag:s0] =	ssyncadd.s32 @!p0 s1  }
0xb7: {  	[bflag:$0x3] =	sbarrier.arrive $0xFFFF  }
0xb8: {  	_ =	shalt  }

</sc_bundles>
